<compile_context>
chip_gen: v7x
topology: tpu7x:2x2x1
jax: 0.10.2.dev20260603
libtpu: 0.0.44.dev20260713+nightly
codegen_flags: <defaults>
</compile_context>

<pallas_src>
import jax
import jax.numpy as jnp
from jax import lax
from jax.experimental import pallas as pl
from jax.experimental.pallas import tpu as pltpu
from jax.experimental.pallas import tpu_sc as plsc

_B, _L = 16384, 50
_WEATHER, _SEASON, _TDIM, _EDIM = 10, 4, 8, 64
_P = _B * _L
_NSEG = _TDIM + 1
_NJ = _WEATHER * _SEASON * _NSEG
_NW2 = _EDIM // 2

_NC, _NS = 2, 16
_NWRK = _NC * _NS
_PPW = _P // _NWRK
_CH = 1280
_NCHUNK = _PPW // _CH


def _sc_body(wid_hbm, sid_hbm, t_hbm, j_hbm, a_hbm, th_hbm, out_hbm,
             w0, w1, s0, s1, t0, t1, o0, o1, j_v, a_v, th_v,
             si0, si1, so0, so1):
    wkr = lax.axis_index("s") * _NC + lax.axis_index("c")
    base0 = wkr * _PPW
    ins = ((w0, s0, t0, si0), (w1, s1, t1, si1))
    outs = ((o0, so0), (o1, so1))

    def start_in(ci, b):
        pos0 = base0 + ci * _CH
        pltpu.async_copy(wid_hbm.at[pl.ds(pos0, _CH)], ins[b][0], ins[b][3])
        pltpu.async_copy(sid_hbm.at[pl.ds(pos0, _CH)], ins[b][1], ins[b][3])
        pltpu.async_copy(t_hbm.at[pl.ds(pos0, _CH)], ins[b][2], ins[b][3])

    def wait_in(b):
        for r in ins[b][0:3]:
            pltpu.make_async_copy(wid_hbm.at[pl.ds(base0, _CH)], r,
                                  ins[b][3]).wait()

    def wait_out(b):
        pltpu.make_async_copy(outs[b][0],
                              out_hbm.at[pl.ds(base0 * _NW2, _CH * _NW2)],
                              outs[b][1]).wait()

    start_in(0, 0)
    start_in(1, 1)
    pltpu.sync_copy(j_hbm, j_v)
    pltpu.sync_copy(a_hbm, a_v)
    pltpu.sync_copy(th_hbm, th_v)

    lane32 = lax.iota(jnp.int32, 16) * _NW2
    th_vecs = [th_v[pl.ds(i * 16, 16)] for i in range(_TDIM)]
    himask = jnp.int32(-65536)

    def compute(b):
        widb, sidb, tb, _ = ins[b]
        outb = outs[b][0]

        @plsc.parallel_loop(0, _CH // 16, unroll=2)
        def group(g):
            gb = g * 16
            wv = widb[pl.ds(gb, 16)]
            sv = sidb[pl.ds(gb, 16)]
            tv = tb[pl.ds(gb, 16)]
            seg = jnp.where(tv > th_vecs[0], 1, 0)
            for i in range(1, _TDIM):
                seg = seg + jnp.where(tv > th_vecs[i], 1, 0)
            jb = (wv * (_SEASON * _NSEG * _NW2) + sv * (_NSEG * _NW2)
                  + seg * _NW2)
            ab = seg * _NW2
            ob = lane32 + gb * _NW2
            for d0 in range(0, _NW2, 8):
                jw = [plsc.load_gather(j_v, [jb + (d0 + k)]) for k in range(8)]
                aw = [plsc.load_gather(a_v, [ab + (d0 + k)]) for k in range(8)]
                wo = []
                for k in range(8):
                    jlo = plsc.bitcast(jw[k] << 16, jnp.float32)
                    jhi = plsc.bitcast(jw[k] & himask, jnp.float32)
                    alo = plsc.bitcast(aw[k] << 16, jnp.float32)
                    ahi = plsc.bitcast(aw[k] & himask, jnp.float32)
                    vlo = jlo + tv * alo
                    vhi = jhi + tv * ahi
                    pk = plsc.pack(vlo, vhi,
                                   format=plsc.PackFormat.INTERLEAVED)
                    wo.append(plsc.bitcast(pk, jnp.int32))
                for k in range(8):
                    plsc.store_scatter(outb, [ob + (d0 + k)], wo[k])

    def outer(oi, carry):
        for b in range(2):
            ci = oi * 2 + b
            pos0 = base0 + ci * _CH

            @pl.when(ci >= 2)
            def _():
                wait_out(b)

            wait_in(b)
            compute(b)
            pltpu.async_copy(outs[b][0],
                             out_hbm.at[pl.ds(pos0 * _NW2, _CH * _NW2)],
                             outs[b][1])

            @pl.when(ci + 2 < _NCHUNK)
            def _():
                start_in(ci + 2, b)
        return carry

    lax.fori_loop(0, _NCHUNK // 2, outer, 0)
    wait_out(0)
    wait_out(1)


_mesh = plsc.VectorSubcoreMesh(core_axis_name="c", subcore_axis_name="s")
_sc_call = pl.kernel(
    _sc_body,
    out_type=jax.ShapeDtypeStruct((_P * _NW2,), jnp.int32),
    mesh=_mesh,
    compiler_params=pltpu.CompilerParams(needs_layout_passes=False),
    scratch_types=[
        pltpu.VMEM((_CH,), jnp.int32), pltpu.VMEM((_CH,), jnp.int32),
        pltpu.VMEM((_CH,), jnp.int32), pltpu.VMEM((_CH,), jnp.int32),
        pltpu.VMEM((_CH,), jnp.float32), pltpu.VMEM((_CH,), jnp.float32),
        pltpu.VMEM((_CH * _NW2,), jnp.int32),
        pltpu.VMEM((_CH * _NW2,), jnp.int32),
        pltpu.VMEM((_NJ * _NW2,), jnp.int32),
        pltpu.VMEM((_NSEG * _NW2,), jnp.int32),
        pltpu.VMEM((_TDIM * 16,), jnp.float32),
        pltpu.SemaphoreType.DMA, pltpu.SemaphoreType.DMA,
        pltpu.SemaphoreType.DMA, pltpu.SemaphoreType.DMA,
    ],
)


def _fold_tables(W_weather, W_season, W_t1, b_t1, W_t2, b_t2, W_c, b_c):
    f32 = jnp.float32
    Wc = W_c.astype(f32)
    Tw = W_weather.astype(f32) @ Wc[0:16]
    Ts = W_season.astype(f32) @ Wc[16:32]
    W2c = W_t2.astype(f32) @ Wc[32:64]
    btot = b_t2.astype(f32) @ Wc[32:64] + b_c.astype(f32)
    w1 = W_t1.astype(f32)[0]
    b1 = b_t1.astype(f32)
    safe_w1 = jnp.where(w1 != 0, w1, 1.0)
    theta = jnp.where(w1 != 0, -b1 / safe_w1, jnp.inf)
    order = jnp.argsort(theta)
    theta_s = theta[order]
    rank = jnp.argsort(order)
    k = jnp.arange(_NSEG)[:, None]
    active = jnp.where(w1[None, :] > 0, rank[None, :] < k,
                       jnp.where(w1[None, :] < 0, rank[None, :] >= k,
                                 b1[None, :] > 0))
    act = active.astype(f32)
    A = (act * w1[None, :]) @ W2c
    Bs = (act * b1[None, :]) @ W2c + btot
    Tws = (Tw[:, None, :] + Ts[None, :, :]).reshape(_WEATHER * _SEASON, _EDIM)
    J = (Tws[:, None, :] + Bs[None, :, :]).reshape(_NJ, _EDIM)
    return J, A, theta_s


def _pack_pairs(M):
    w16 = jax.lax.bitcast_convert_type(M.astype(jnp.bfloat16), jnp.uint16)
    w32 = w16.astype(jnp.uint32)
    packed = w32[:, :_NW2] | (w32[:, _NW2:] << 16)
    return jax.lax.bitcast_convert_type(packed, jnp.int32).reshape(-1)


def kernel(weather_ids, time_of_day, season_ids, W_weather, W_season,
           W_t1, b_t1, W_t2, b_t2, W_c, b_c):
    J, A, theta_s = _fold_tables(W_weather, W_season, W_t1, b_t1,
                                 W_t2, b_t2, W_c, b_c)
    wid = weather_ids.reshape(_P).astype(jnp.int32)
    sid = season_ids.reshape(_P).astype(jnp.int32)
    t = time_of_day.reshape(_P).astype(jnp.float32)
    jf = _pack_pairs(J)
    af = _pack_pairs(A)
    thb = jnp.broadcast_to(theta_s[:, None], (_TDIM, 16)).reshape(_TDIM * 16)
    out_w = _sc_call(wid, sid, t, jf, af, thb).reshape(_P // 4, 128)
    lo = jax.lax.bitcast_convert_type(jnp.left_shift(out_w, 16),
                                      jnp.float32).reshape(_P, _NW2)
    hi = jax.lax.bitcast_convert_type(out_w & jnp.int32(-65536),
                                      jnp.float32).reshape(_P, _NW2)
    return jnp.concatenate([lo, hi], axis=-1).reshape(_B, _L, _EDIM)

# --- scband reference (transcript-rebuilt; emitter-appended) ---
"""Pipeline reference for scband-environmental-embedding-47536698032144 (READ-ONLY COPY).

The authoritative reference and input builder live on the scoring server;
editing this copy changes nothing except your own understanding.
"""

import jax, jax.numpy as jnp
import numpy as np

B, L = 16384, 50
WEATHER, SEASON, TDIM, EDIM = 10, 4, 8, 64

def setup_inputs(seed: int = 0) -> dict:
    key = jax.random.key(seed)
    ks = jax.random.split(key, 12)
    weather_ids = jax.random.randint(ks[0], (B, L), 0, WEATHER)
    time_of_day = jax.random.uniform(ks[1], (B, L, 1), dtype=jnp.float32)
    season_ids = jax.random.randint(ks[2], (B, L), 0, SEASON)
    W_weather = jax.random.normal(ks[3], (WEATHER, EDIM // 4), dtype=jnp.float32) * 0.02
    W_season = jax.random.normal(ks[4], (SEASON, EDIM // 4), dtype=jnp.float32) * 0.02
    W_t1 = jax.random.normal(ks[5], (1, TDIM), dtype=jnp.float32) * 0.5
    b_t1 = jnp.zeros((TDIM,), dtype=jnp.float32)
    W_t2 = jax.random.normal(ks[6], (TDIM, EDIM // 2), dtype=jnp.float32) * 0.3
    b_t2 = jnp.zeros((EDIM // 2,), dtype=jnp.float32)
    W_c = jax.random.normal(ks[7], (EDIM, EDIM), dtype=jnp.float32) * (1.0 / np.sqrt(EDIM))
    b_c = jnp.zeros((EDIM,), dtype=jnp.float32)
    return {"weather_ids": weather_ids, "time_of_day": time_of_day, "season_ids": season_ids,
            "W_weather": W_weather, "W_season": W_season, "W_t1": W_t1, "b_t1": b_t1,
            "W_t2": W_t2, "b_t2": b_t2, "W_c": W_c, "b_c": b_c}

def reference(weather_ids, time_of_day, season_ids, W_weather, W_season, W_t1, b_t1, W_t2, b_t2, W_c, b_c):
    weather_emb = jnp.take(W_weather, weather_ids, axis=0)
    season_emb = jnp.take(W_season, season_ids, axis=0)
    h = jnp.maximum(time_of_day @ W_t1 + b_t1, 0.0)
    time_emb = h @ W_t2 + b_t2
    combined = jnp.concatenate([weather_emb, season_emb, time_emb], axis=-1)
    return combined @ W_c + b_c

if __name__ == "__main__":
    import jax
    _d = setup_inputs()
    print(jax.jit(kernel)(*tuple(_d.values())))

</pallas_src>

<mosaic_0001>
#map = affine_map<(d0, d1) -> (0)>
module attributes {stable_mosaic.version = 14 : i64} {
  func.func @_sc_body(%arg0: i32, %arg1: i32, %arg2: memref<819200xi32, #tpu.memory_space<hbm>>, %arg3: memref<819200xi32, #tpu.memory_space<hbm>>, %arg4: memref<819200xf32, #tpu.memory_space<hbm>>, %arg5: memref<11520xi32, #tpu.memory_space<hbm>>, %arg6: memref<288xi32, #tpu.memory_space<hbm>>, %arg7: memref<128xf32, #tpu.memory_space<hbm>>, %arg8: memref<26214400xi32, #tpu.memory_space<hbm>>, %arg9: memref<1280xi32, #tpu.memory_space<vmem>>, %arg10: memref<1280xi32, #tpu.memory_space<vmem>>, %arg11: memref<1280xi32, #tpu.memory_space<vmem>>, %arg12: memref<1280xi32, #tpu.memory_space<vmem>>, %arg13: memref<1280xf32, #tpu.memory_space<vmem>>, %arg14: memref<1280xf32, #tpu.memory_space<vmem>>, %arg15: memref<40960xi32, #tpu.memory_space<vmem>>, %arg16: memref<40960xi32, #tpu.memory_space<vmem>>, %arg17: memref<11520xi32, #tpu.memory_space<vmem>>, %arg18: memref<288xi32, #tpu.memory_space<vmem>>, %arg19: memref<128xf32, #tpu.memory_space<vmem>>, %arg20: memref<!tpu.dma_semaphore, #tpu.memory_space<semaphore_mem>>, %arg21: memref<!tpu.dma_semaphore, #tpu.memory_space<semaphore_mem>>, %arg22: memref<!tpu.dma_semaphore, #tpu.memory_space<semaphore_mem>>, %arg23: memref<!tpu.dma_semaphore, #tpu.memory_space<semaphore_mem>>) attributes {dimension_semantics = [#tpu.dimension_semantics<core_parallel>, #tpu.dimension_semantics<subcore_parallel>], iteration_bounds = array<i64: 2, 16>, scalar_prefetch = 0 : i64, scratch_operands = 15 : i64, tpu.core_type = #tpu.core_type<sc_vector_subcore>, window_params = [{transform_indices = #map}, {transform_indices = #map}, {transform_indices = #map}, {transform_indices = #map}, {transform_indices = #map}, {transform_indices = #map}, {transform_indices = #map}]} {
    %mul3A = arith.constant 2 : i32
    %mul3A_0 = arith.muli %arg1, %mul3A : i32
    %add3A = arith.addi %mul3A_0, %arg0 : i32
    %mul3A_1 = arith.constant 25600 : i32
    %mul3A_2 = arith.muli %add3A, %mul3A_1 : i32
    %add3A_3 = arith.constant 0 : i32
    %add3A_4 = arith.addi %mul3A_2, %add3A_3 : i32
    %dma_start3A = tpu.memref_slice %arg2[%add3A_4] : memref<819200xi32, #tpu.memory_space<hbm>> -> memref<1280xi32, #tpu.memory_space<hbm>>
    %dma_start3A_5 = tpu.memref_slice %arg2[%add3A_4] : memref<819200xi32, #tpu.memory_space<hbm>> -> memref<1280xi32, #tpu.memory_space<hbm>>
    tpu.enqueue_dma source(%dma_start3A_5 : memref<1280xi32, #tpu.memory_space<hbm>>) target(%arg9 : memref<1280xi32, #tpu.memory_space<vmem>>) target_semaphore(%arg20 : memref<!tpu.dma_semaphore, #tpu.memory_space<semaphore_mem>>)
    %dma_start3A_6 = tpu.memref_slice %arg3[%add3A_4] : memref<819200xi32, #tpu.memory_space<hbm>> -> memref<1280xi32, #tpu.memory_space<hbm>>
    %dma_start3A_7 = tpu.memref_slice %arg3[%add3A_4] : memref<819200xi32, #tpu.memory_space<hbm>> -> memref<1280xi32, #tpu.memory_space<hbm>>
    tpu.enqueue_dma source(%dma_start3A_7 : memref<1280xi32, #tpu.memory_space<hbm>>) target(%arg11 : memref<1280xi32, #tpu.memory_space<vmem>>) target_semaphore(%arg20 : memref<!tpu.dma_semaphore, #tpu.memory_space<semaphore_mem>>)
    %dma_start3A_8 = tpu.memref_slice %arg4[%add3A_4] : memref<819200xf32, #tpu.memory_space<hbm>> -> memref<1280xf32, #tpu.memory_space<hbm>>
    %dma_start3A_9 = tpu.memref_slice %arg4[%add3A_4] : memref<819200xf32, #tpu.memory_space<hbm>> -> memref<1280xf32, #tpu.memory_space<hbm>>
    tpu.enqueue_dma source(%dma_start3A_9 : memref<1280xf32, #tpu.memory_space<hbm>>) target(%arg13 : memref<1280xf32, #tpu.memory_space<vmem>>) target_semaphore(%arg20 : memref<!tpu.dma_semaphore, #tpu.memory_space<semaphore_mem>>)
    %add3A_10 = arith.constant 1280 : i32
    %add3A_11 = arith.addi %mul3A_2, %add3A_10 : i32
    %dma_start3A_12 = tpu.memref_slice %arg2[%add3A_11] : memref<819200xi32, #tpu.memory_space<hbm>> -> memref<1280xi32, #tpu.memory_space<hbm>>
    %dma_start3A_13 = tpu.memref_slice %arg2[%add3A_11] : memref<819200xi32, #tpu.memory_space<hbm>> -> memref<1280xi32, #tpu.memory_space<hbm>>
    tpu.enqueue_dma source(%dma_start3A_13 : memref<1280xi32, #tpu.memory_space<hbm>>) target(%arg10 : memref<1280xi32, #tpu.memory_space<vmem>>) target_semaphore(%arg21 : memref<!tpu.dma_semaphore, #tpu.memory_space<semaphore_mem>>)
    %dma_start3A_14 = tpu.memref_slice %arg3[%add3A_11] : memref<819200xi32, #tpu.memory_space<hbm>> -> memref<1280xi32, #tpu.memory_space<hbm>>
    %dma_start3A_15 = tpu.memref_slice %arg3[%add3A_11] : memref<819200xi32, #tpu.memory_space<hbm>> -> memref<1280xi32, #tpu.memory_space<hbm>>
    tpu.enqueue_dma source(%dma_start3A_15 : memref<1280xi32, #tpu.memory_space<hbm>>) target(%arg12 : memref<1280xi32, #tpu.memory_space<vmem>>) target_semaphore(%arg21 : memref<!tpu.dma_semaphore, #tpu.memory_space<semaphore_mem>>)
    %dma_start3A_16 = tpu.memref_slice %arg4[%add3A_11] : memref<819200xf32, #tpu.memory_space<hbm>> -> memref<1280xf32, #tpu.memory_space<hbm>>
    %dma_start3A_17 = tpu.memref_slice %arg4[%add3A_11] : memref<819200xf32, #tpu.memory_space<hbm>> -> memref<1280xf32, #tpu.memory_space<hbm>>
    tpu.enqueue_dma source(%dma_start3A_17 : memref<1280xf32, #tpu.memory_space<hbm>>) target(%arg14 : memref<1280xf32, #tpu.memory_space<vmem>>) target_semaphore(%arg21 : memref<!tpu.dma_semaphore, #tpu.memory_space<semaphore_mem>>)
    "tpu.region"() ({
      %run_scoped3A = tpu.sem_alloc : memref<!tpu.dma_semaphore, #tpu.memory_space<semaphore_mem>>
      tpu.enqueue_dma source(%arg5 : memref<11520xi32, #tpu.memory_space<hbm>>) target(%arg17 : memref<11520xi32, #tpu.memory_space<vmem>>) target_semaphore(%run_scoped3A : memref<!tpu.dma_semaphore, #tpu.memory_space<semaphore_mem>>)
      tpu.wait_dma2 semaphore(%run_scoped3A : memref<!tpu.dma_semaphore, #tpu.memory_space<semaphore_mem>>) src(%arg5 : memref<11520xi32, #tpu.memory_space<hbm>>) dst(%arg17 : memref<11520xi32, #tpu.memory_space<vmem>>)
      tpu.yield
    }) : () -> ()
    "tpu.region"() ({
      %run_scoped3A = tpu.sem_alloc : memref<!tpu.dma_semaphore, #tpu.memory_space<semaphore_mem>>
      tpu.enqueue_dma source(%arg6 : memref<288xi32, #tpu.memory_space<hbm>>) target(%arg18 : memref<288xi32, #tpu.memory_space<vmem>>) target_semaphore(%run_scoped3A : memref<!tpu.dma_semaphore, #tpu.memory_space<semaphore_mem>>)
      tpu.wait_dma2 semaphore(%run_scoped3A : memref<!tpu.dma_semaphore, #tpu.memory_space<semaphore_mem>>) src(%arg6 : memref<288xi32, #tpu.memory_space<hbm>>) dst(%arg18 : memref<288xi32, #tpu.memory_space<vmem>>)
      tpu.yield
    }) : () -> ()
    "tpu.region"() ({
      %run_scoped3A = tpu.sem_alloc : memref<!tpu.dma_semaphore, #tpu.memory_space<semaphore_mem>>
      tpu.enqueue_dma source(%arg7 : memref<128xf32, #tpu.memory_space<hbm>>) target(%arg19 : memref<128xf32, #tpu.memory_space<vmem>>) target_semaphore(%run_scoped3A : memref<!tpu.dma_semaphore, #tpu.memory_space<semaphore_mem>>)
      tpu.wait_dma2 semaphore(%run_scoped3A : memref<!tpu.dma_semaphore, #tpu.memory_space<semaphore_mem>>) src(%arg7 : memref<128xf32, #tpu.memory_space<hbm>>) dst(%arg19 : memref<128xf32, #tpu.memory_space<vmem>>)
      tpu.yield
    }) : () -> ()
    %iota3A = tpu.iota {dimensions = array<i32: 0>} : vector<16xi32>
    %mul3A_18 = arith.constant 32 : i32
    %mul3A_19 = vector.broadcast %mul3A_18 : i32 to vector<16xi32>
    %mul3A_20 = arith.muli %iota3A, %mul3A_19 : vector<16xi32>
    %get3A = arith.constant 0 : index
    %get3A_21 = tpu.vector_load %arg19[%get3A] {strides = array<i32>} : memref<128xf32, #tpu.memory_space<vmem>>, vector<16xf32>,
    %get3A_22 = arith.constant 16 : index
    %get3A_23 = tpu.vector_load %arg19[%get3A_22] {strides = array<i32>} : memref<128xf32, #tpu.memory_space<vmem>>, vector<16xf32>,
    %get3A_24 = arith.constant 32 : index
    %get3A_25 = tpu.vector_load %arg19[%get3A_24] {strides = array<i32>} : memref<128xf32, #tpu.memory_space<vmem>>, vector<16xf32>,
    %get3A_26 = arith.constant 48 : index
    %get3A_27 = tpu.vector_load %arg19[%get3A_26] {strides = array<i32>} : memref<128xf32, #tpu.memory_space<vmem>>, vector<16xf32>,
    %get3A_28 = arith.constant 64 : index
    %get3A_29 = tpu.vector_load %arg19[%get3A_28] {strides = array<i32>} : memref<128xf32, #tpu.memory_space<vmem>>, vector<16xf32>,
    %get3A_30 = arith.constant 80 : index
    %get3A_31 = tpu.vector_load %arg19[%get3A_30] {strides = array<i32>} : memref<128xf32, #tpu.memory_space<vmem>>, vector<16xf32>,
    %get3A_32 = arith.constant 96 : index
    %get3A_33 = tpu.vector_load %arg19[%get3A_32] {strides = array<i32>} : memref<128xf32, #tpu.memory_space<vmem>>, vector<16xf32>,
    %get3A_34 = arith.constant 112 : index
    %get3A_35 = tpu.vector_load %arg19[%get3A_34] {strides = array<i32>} : memref<128xf32, #tpu.memory_space<vmem>>, vector<16xf32>,
    %scan3A = arith.constant 0 : i32
    %scan3A_36 = arith.constant -65536 : i32
    %scan3A_37 = arith.constant 0 : i32
    %scan3A_38 = arith.constant 10 : i32
    %scan3A_39 = arith.addi %scan3A_37, %scan3A_38 : i32
    %scan3A_40 = arith.constant 1 : i32
    scf.for %scan3A_49 = %scan3A_37 to %scan3A_39 step %scan3A_40  : i32 {
      %mul3A_50 = arith.constant 2 : i32
      %mul3A_51 = arith.muli %scan3A_49, %mul3A_50 : i32
      %add3A_52 = arith.constant 0 : i32
      %add3A_53 = arith.addi %mul3A_51, %add3A_52 : i32
      %mul3A_54 = arith.constant 1280 : i32
      %mul3A_55 = arith.muli %add3A_53, %mul3A_54 : i32
      %add3A_56 = arith.addi %mul3A_2, %mul3A_55 : i32
      %ge3A = arith.constant 2 : i32
      %ge3A_57 = arith.cmpi sge, %add3A_53, %ge3A : i32
      %convert_element_type3A = arith.extui %ge3A_57 : i1 to i32
      %cond3A = arith.constant 0 : i32
      %cond3A_58 = arith.cmpi ne, %convert_element_type3A, %cond3A : i32
      scf.if %cond3A_58 {
        %mul3A_109 = arith.constant 32 : i32
        %mul3A_110 = arith.muli %mul3A_2, %mul3A_109 : i32
        %dma_wait3A_111 = tpu.memref_slice %arg8[%mul3A_110] : memref<26214400xi32, #tpu.memory_space<hbm>> -> memref<40960xi32, #tpu.memory_space<hbm>>
        %dma_wait3A_112 = tpu.memref_slice %arg8[%mul3A_110] : memref<26214400xi32, #tpu.memory_space<hbm>> -> memref<40960xi32, #tpu.memory_space<hbm>>
        tpu.wait_dma2 semaphore(%arg22 : memref<!tpu.dma_semaphore, #tpu.memory_space<semaphore_mem>>) src(%arg15 : memref<40960xi32, #tpu.memory_space<vmem>>) dst(%dma_wait3A_112 : memref<40960xi32, #tpu.memory_space<hbm>>)
      } else {
      }
      %dma_wait3A_59 = tpu.memref_slice %arg2[%mul3A_2] : memref<819200xi32, #tpu.memory_space<hbm>> -> memref<1280xi32, #tpu.memory_space<hbm>>
      %dma_wait3A_60 = tpu.memref_slice %arg2[%mul3A_2] : memref<819200xi32, #tpu.memory_space<hbm>> -> memref<1280xi32, #tpu.memory_space<hbm>>
      tpu.wait_dma2 semaphore(%arg20 : memref<!tpu.dma_semaphore, #tpu.memory_space<semaphore_mem>>) src(%dma_wait3A_60 : memref<1280xi32, #tpu.memory_space<hbm>>) dst(%arg9 : memref<1280xi32, #tpu.memory_space<vmem>>)
      %dma_wait3A_61 = tpu.memref_slice %arg2[%mul3A_2] : memref<819200xi32, #tpu.memory_space<hbm>> -> memref<1280xi32, #tpu.memory_space<hbm>>
      %dma_wait3A_62 = tpu.memref_slice %arg2[%mul3A_2] : memref<819200xi32, #tpu.memory_space<hbm>> -> memref<1280xi32, #tpu.memory_space<hbm>>
      tpu.wait_dma2 semaphore(%arg20 : memref<!tpu.dma_semaphore, #tpu.memory_space<semaphore_mem>>) src(%dma_wait3A_62 : memref<1280xi32, #tpu.memory_space<hbm>>) dst(%arg11 : memref<1280xi32, #tpu.memory_space<vmem>>)
      %dma_wait3A_63 = tpu.memref_slice %arg2[%mul3A_2] : memref<819200xi32, #tpu.memory_space<hbm>> -> memref<1280xi32, #tpu.memory_space<hbm>>
      %dma_wait3A_64 = tpu.memref_slice %arg2[%mul3A_2] : memref<819200xi32, #tpu.memory_space<hbm>> -> memref<1280xi32, #tpu.memory_space<hbm>>
      tpu.wait_dma2 semaphore(%arg20 : memref<!tpu.dma_semaphore, #tpu.memory_space<semaphore_mem>>) src(%dma_wait3A_64 : memref<1280xi32, #tpu.memory_space<hbm>>) dst(%arg13 : memref<1280xf32, #tpu.memory_space<vmem>>)
      %parallel_loop3A = arith.constant 0 : i32
      %parallel_loop3A_65 = arith.constant 80 : i32
      %parallel_loop3A_66 = arith.constant 1 : i32
      scf.for %parallel_loop3A_109 = %parallel_loop3A to %parallel_loop3A_65 step %parallel_loop3A_66  : i32 {
        %parallel_loop3A_110 = arith.constant 16 : i32
        %parallel_loop3A_111 = arith.muli %parallel_loop3A_109, %parallel_loop3A_110 : i32
        %parallel_loop3A_112 = arith.index_cast %parallel_loop3A_111 : i32 to index
        %parallel_loop3A_113 = tpu.vector_load %arg9[%parallel_loop3A_112] {strides = array<i32>} : memref<1280xi32, #tpu.memory_space<vmem>>, vector<16xi32>,
        %parallel_loop3A_114 = arith.index_cast %parallel_loop3A_111 : i32 to index
        %parallel_loop3A_115 = tpu.vector_load %arg11[%parallel_loop3A_114] {strides = array<i32>} : memref<1280xi32, #tpu.memory_space<vmem>>, vector<16xi32>,
        %parallel_loop3A_116 = arith.index_cast %parallel_loop3A_111 : i32 to index
        %parallel_loop3A_117 = tpu.vector_load %arg13[%parallel_loop3A_116] {strides = array<i32>} : memref<1280xf32, #tpu.memory_space<vmem>>, vector<16xf32>,
        %parallel_loop3A_118 = arith.cmpf ogt, %parallel_loop3A_117, %get3A_21 : vector<16xf32>
        %parallel_loop3A_119 = arith.constant 1 : i32
        %parallel_loop3A_120 = arith.constant 0 : i32
        %parallel_loop3A_121 = vector.broadcast %parallel_loop3A_119 : i32 to vector<16xi32>
        %parallel_loop3A_122 = vector.broadcast %parallel_loop3A_120 : i32 to vector<16xi32>
        %parallel_loop3A_123 = arith.select %parallel_loop3A_118, %parallel_loop3A_121, %parallel_loop3A_122 : vector<16xi1>, vector<16xi32>
        %parallel_loop3A_124 = arith.cmpf ogt, %parallel_loop3A_117, %get3A_23 : vector<16xf32>
        %parallel_loop3A_125 = arith.constant 1 : i32
        %parallel_loop3A_126 = arith.constant 0 : i32
        %parallel_loop3A_127 = vector.broadcast %parallel_loop3A_125 : i32 to vector<16xi32>
        %parallel_loop3A_128 = vector.broadcast %parallel_loop3A_126 : i32 to vector<16xi32>
        %parallel_loop3A_129 = arith.select %parallel_loop3A_124, %parallel_loop3A_127, %parallel_loop3A_128 : vector<16xi1>, vector<16xi32>
        %parallel_loop3A_130 = arith.addi %parallel_loop3A_123, %parallel_loop3A_129 : vector<16xi32>
        %parallel_loop3A_131 = arith.cmpf ogt, %parallel_loop3A_117, %get3A_25 : vector<16xf32>
        %parallel_loop3A_132 = arith.constant 1 : i32
        %parallel_loop3A_133 = arith.constant 0 : i32
        %parallel_loop3A_134 = vector.broadcast %parallel_loop3A_132 : i32 to vector<16xi32>
        %parallel_loop3A_135 = vector.broadcast %parallel_loop3A_133 : i32 to vector<16xi32>
        %parallel_loop3A_136 = arith.select %parallel_loop3A_131, %parallel_loop3A_134, %parallel_loop3A_135 : vector<16xi1>, vector<16xi32>
        %parallel_loop3A_137 = arith.addi %parallel_loop3A_130, %parallel_loop3A_136 : vector<16xi32>
        %parallel_loop3A_138 = arith.cmpf ogt, %parallel_loop3A_117, %get3A_27 : vector<16xf32>
        %parallel_loop3A_139 = arith.constant 1 : i32
        %parallel_loop3A_140 = arith.constant 0 : i32
        %parallel_loop3A_141 = vector.broadcast %parallel_loop3A_139 : i32 to vector<16xi32>
        %parallel_loop3A_142 = vector.broadcast %parallel_loop3A_140 : i32 to vector<16xi32>
        %parallel_loop3A_143 = arith.select %parallel_loop3A_138, %parallel_loop3A_141, %parallel_loop3A_142 : vector<16xi1>, vector<16xi32>
        %parallel_loop3A_144 = arith.addi %parallel_loop3A_137, %parallel_loop3A_143 : vector<16xi32>
        %parallel_loop3A_145 = arith.cmpf ogt, %parallel_loop3A_117, %get3A_29 : vector<16xf32>
        %parallel_loop3A_146 = arith.constant 1 : i32
        %parallel_loop3A_147 = arith.constant 0 : i32
        %parallel_loop3A_148 = vector.broadcast %parallel_loop3A_146 : i32 to vector<16xi32>
        %parallel_loop3A_149 = vector.broadcast %parallel_loop3A_147 : i32 to vector<16xi32>
        %parallel_loop3A_150 = arith.select %parallel_loop3A_145, %parallel_loop3A_148, %parallel_loop3A_149 : vector<16xi1>, vector<16xi32>
        %parallel_loop3A_151 = arith.addi %parallel_loop3A_144, %parallel_loop3A_150 : vector<16xi32>
        %parallel_loop3A_152 = arith.cmpf ogt, %parallel_loop3A_117, %get3A_31 : vector<16xf32>
        %parallel_loop3A_153 = arith.constant 1 : i32
        %parallel_loop3A_154 = arith.constant 0 : i32
        %parallel_loop3A_155 = vector.broadcast %parallel_loop3A_153 : i32 to vector<16xi32>
        %parallel_loop3A_156 = vector.broadcast %parallel_loop3A_154 : i32 to vector<16xi32>
        %parallel_loop3A_157 = arith.select %parallel_loop3A_152, %parallel_loop3A_155, %parallel_loop3A_156 : vector<16xi1>, vector<16xi32>
        %parallel_loop3A_158 = arith.addi %parallel_loop3A_151, %parallel_loop3A_157 : vector<16xi32>
        %parallel_loop3A_159 = arith.cmpf ogt, %parallel_loop3A_117, %get3A_33 : vector<16xf32>
        %parallel_loop3A_160 = arith.constant 1 : i32
        %parallel_loop3A_161 = arith.constant 0 : i32
        %parallel_loop3A_162 = vector.broadcast %parallel_loop3A_160 : i32 to vector<16xi32>
        %parallel_loop3A_163 = vector.broadcast %parallel_loop3A_161 : i32 to vector<16xi32>
        %parallel_loop3A_164 = arith.select %parallel_loop3A_159, %parallel_loop3A_162, %parallel_loop3A_163 : vector<16xi1>, vector<16xi32>
        %parallel_loop3A_165 = arith.addi %parallel_loop3A_158, %parallel_loop3A_164 : vector<16xi32>
        %parallel_loop3A_166 = arith.cmpf ogt, %parallel_loop3A_117, %get3A_35 : vector<16xf32>
        %parallel_loop3A_167 = arith.constant 1 : i32
        %parallel_loop3A_168 = arith.constant 0 : i32
        %parallel_loop3A_169 = vector.broadcast %parallel_loop3A_167 : i32 to vector<16xi32>
        %parallel_loop3A_170 = vector.broadcast %parallel_loop3A_168 : i32 to vector<16xi32>
        %parallel_loop3A_171 = arith.select %parallel_loop3A_166, %parallel_loop3A_169, %parallel_loop3A_170 : vector<16xi1>, vector<16xi32>
        %parallel_loop3A_172 = arith.addi %parallel_loop3A_165, %parallel_loop3A_171 : vector<16xi32>
        %parallel_loop3A_173 = arith.constant 1152 : i32
        %parallel_loop3A_174 = vector.broadcast %parallel_loop3A_173 : i32 to vector<16xi32>
        %parallel_loop3A_175 = arith.muli %parallel_loop3A_113, %parallel_loop3A_174 : vector<16xi32>
        %parallel_loop3A_176 = arith.constant 288 : i32
        %parallel_loop3A_177 = vector.broadcast %parallel_loop3A_176 : i32 to vector<16xi32>
        %parallel_loop3A_178 = arith.muli %parallel_loop3A_115, %parallel_loop3A_177 : vector<16xi32>
        %parallel_loop3A_179 = arith.addi %parallel_loop3A_175, %parallel_loop3A_178 : vector<16xi32>
        %parallel_loop3A_180 = arith.constant 32 : i32
        %parallel_loop3A_181 = vector.broadcast %parallel_loop3A_180 : i32 to vector<16xi32>
        %parallel_loop3A_182 = arith.muli %parallel_loop3A_172, %parallel_loop3A_181 : vector<16xi32>
        %parallel_loop3A_183 = arith.addi %parallel_loop3A_179, %parallel_loop3A_182 : vector<16xi32>
        %parallel_loop3A_184 = arith.constant 32 : i32
        %parallel_loop3A_185 = vector.broadcast %parallel_loop3A_184 : i32 to vector<16xi32>
        %parallel_loop3A_186 = arith.muli %parallel_loop3A_172, %parallel_loop3A_185 : vector<16xi32>
        %parallel_loop3A_187 = arith.constant 32 : i32
        %parallel_loop3A_188 = arith.muli %parallel_loop3A_111, %parallel_loop3A_187 : i32
        %parallel_loop3A_189 = vector.broadcast %parallel_loop3A_188 : i32 to vector<16xi32>
        %parallel_loop3A_190 = arith.addi %mul3A_20, %parallel_loop3A_189 : vector<16xi32>
        %parallel_loop3A_191 = arith.constant 0 : i32
        %parallel_loop3A_192 = vector.broadcast %parallel_loop3A_191 : i32 to vector<16xi32>
        %parallel_loop3A_193 = arith.addi %parallel_loop3A_183, %parallel_loop3A_192 : vector<16xi32>
        %parallel_loop3A_194 = tpu.vector_load_idx %arg17[%parallel_loop3A_193] : memref<11520xi32, #tpu.memory_space<vmem>>[vector<16xi32>], vector<16xi32>,
        %parallel_loop3A_195 = arith.constant 1 : i32
        %parallel_loop3A_196 = vector.broadcast %parallel_loop3A_195 : i32 to vector<16xi32>
        %parallel_loop3A_197 = arith.addi %parallel_loop3A_183, %parallel_loop3A_196 : vector<16xi32>
        %parallel_loop3A_198 = tpu.vector_load_idx %arg17[%parallel_loop3A_197] : memref<11520xi32, #tpu.memory_space<vmem>>[vector<16xi32>], vector<16xi32>,
        %parallel_loop3A_199 = arith.constant 2 : i32
        %parallel_loop3A_200 = vector.broadcast %parallel_loop3A_199 : i32 to vector<16xi32>
        %parallel_loop3A_201 = arith.addi %parallel_loop3A_183, %parallel_loop3A_200 : vector<16xi32>
        %parallel_loop3A_202 = tpu.vector_load_idx %arg17[%parallel_loop3A_201] : memref<11520xi32, #tpu.memory_space<vmem>>[vector<16xi32>], vector<16xi32>,
        %parallel_loop3A_203 = arith.constant 3 : i32
        %parallel_loop3A_204 = vector.broadcast %parallel_loop3A_203 : i32 to vector<16xi32>
        %parallel_loop3A_205 = arith.addi %parallel_loop3A_183, %parallel_loop3A_204 : vector<16xi32>
        %parallel_loop3A_206 = tpu.vector_load_idx %arg17[%parallel_loop3A_205] : memref<11520xi32, #tpu.memory_space<vmem>>[vector<16xi32>], vector<16xi32>,
        %parallel_loop3A_207 = arith.constant 4 : i32
        %parallel_loop3A_208 = vector.broadcast %parallel_loop3A_207 : i32 to vector<16xi32>
        %parallel_loop3A_209 = arith.addi %parallel_loop3A_183, %parallel_loop3A_208 : vector<16xi32>
        %parallel_loop3A_210 = tpu.vector_load_idx %arg17[%parallel_loop3A_209] : memref<11520xi32, #tpu.memory_space<vmem>>[vector<16xi32>], vector<16xi32>,
        %parallel_loop3A_211 = arith.constant 5 : i32
        %parallel_loop3A_212 = vector.broadcast %parallel_loop3A_211 : i32 to vector<16xi32>
        %parallel_loop3A_213 = arith.addi %parallel_loop3A_183, %parallel_loop3A_212 : vector<16xi32>
        %parallel_loop3A_214 = tpu.vector_load_idx %arg17[%parallel_loop3A_213] : memref<11520xi32, #tpu.memory_space<vmem>>[vector<16xi32>], vector<16xi32>,
        %parallel_loop3A_215 = arith.constant 6 : i32
        %parallel_loop3A_216 = vector.broadcast %parallel_loop3A_215 : i32 to vector<16xi32>
        %parallel_loop3A_217 = arith.addi %parallel_loop3A_183, %parallel_loop3A_216 : vector<16xi32>
        %parallel_loop3A_218 = tpu.vector_load_idx %arg17[%parallel_loop3A_217] : memref<11520xi32, #tpu.memory_space<vmem>>[vector<16xi32>], vector<16xi32>,
        %parallel_loop3A_219 = arith.constant 7 : i32
        %parallel_loop3A_220 = vector.broadcast %parallel_loop3A_219 : i32 to vector<16xi32>
        %parallel_loop3A_221 = arith.addi %parallel_loop3A_183, %parallel_loop3A_220 : vector<16xi32>
        %parallel_loop3A_222 = tpu.vector_load_idx %arg17[%parallel_loop3A_221] : memref<11520xi32, #tpu.memory_space<vmem>>[vector<16xi32>], vector<16xi32>,
        %parallel_loop3A_223 = arith.constant 0 : i32
        %parallel_loop3A_224 = vector.broadcast %parallel_loop3A_223 : i32 to vector<16xi32>
        %parallel_loop3A_225 = arith.addi %parallel_loop3A_186, %parallel_loop3A_224 : vector<16xi32>
        %parallel_loop3A_226 = tpu.vector_load_idx %arg18[%parallel_loop3A_225] : memref<288xi32, #tpu.memory_space<vmem>>[vector<16xi32>], vector<16xi32>,
        %parallel_loop3A_227 = arith.constant 1 : i32
        %parallel_loop3A_228 = vector.broadcast %parallel_loop3A_227 : i32 to vector<16xi32>
        %parallel_loop3A_229 = arith.addi %parallel_loop3A_186, %parallel_loop3A_228 : vector<16xi32>
        %parallel_loop3A_230 = tpu.vector_load_idx %arg18[%parallel_loop3A_229] : memref<288xi32, #tpu.memory_space<vmem>>[vector<16xi32>], vector<16xi32>,
        %parallel_loop3A_231 = arith.constant 2 : i32
        %parallel_loop3A_232 = vector.broadcast %parallel_loop3A_231 : i32 to vector<16xi32>
        %parallel_loop3A_233 = arith.addi %parallel_loop3A_186, %parallel_loop3A_232 : vector<16xi32>
        %parallel_loop3A_234 = tpu.vector_load_idx %arg18[%parallel_loop3A_233] : memref<288xi32, #tpu.memory_space<vmem>>[vector<16xi32>], vector<16xi32>,
        %parallel_loop3A_235 = arith.constant 3 : i32
        %parallel_loop3A_236 = vector.broadcast %parallel_loop3A_235 : i32 to vector<16xi32>
        %parallel_loop3A_237 = arith.addi %parallel_loop3A_186, %parallel_loop3A_236 : vector<16xi32>
        %parallel_loop3A_238 = tpu.vector_load_idx %arg18[%parallel_loop3A_237] : memref<288xi32, #tpu.memory_space<vmem>>[vector<16xi32>], vector<16xi32>,
        %parallel_loop3A_239 = arith.constant 4 : i32
        %parallel_loop3A_240 = vector.broadcast %parallel_loop3A_239 : i32 to vector<16xi32>
        %parallel_loop3A_241 = arith.addi %parallel_loop3A_186, %parallel_loop3A_240 : vector<16xi32>
        %parallel_loop3A_242 = tpu.vector_load_idx %arg18[%parallel_loop3A_241] : memref<288xi32, #tpu.memory_space<vmem>>[vector<16xi32>], vector<16xi32>,
        %parallel_loop3A_243 = arith.constant 5 : i32
        %parallel_loop3A_244 = vector.broadcast %parallel_loop3A_243 : i32 to vector<16xi32>
        %parallel_loop3A_245 = arith.addi %parallel_loop3A_186, %parallel_loop3A_244 : vector<16xi32>
        %parallel_loop3A_246 = tpu.vector_load_idx %arg18[%parallel_loop3A_245] : memref<288xi32, #tpu.memory_space<vmem>>[vector<16xi32>], vector<16xi32>,
        %parallel_loop3A_247 = arith.constant 6 : i32
        %parallel_loop3A_248 = vector.broadcast %parallel_loop3A_247 : i32 to vector<16xi32>
        %parallel_loop3A_249 = arith.addi %parallel_loop3A_186, %parallel_loop3A_248 : vector<16xi32>
        %parallel_loop3A_250 = tpu.vector_load_idx %arg18[%parallel_loop3A_249] : memref<288xi32, #tpu.memory_space<vmem>>[vector<16xi32>], vector<16xi32>,
        %parallel_loop3A_251 = arith.constant 7 : i32
        %parallel_loop3A_252 = vector.broadcast %parallel_loop3A_251 : i32 to vector<16xi32>
        %parallel_loop3A_253 = arith.addi %parallel_loop3A_186, %parallel_loop3A_252 : vector<16xi32>
        %parallel_loop3A_254 = tpu.vector_load_idx %arg18[%parallel_loop3A_253] : memref<288xi32, #tpu.memory_space<vmem>>[vector<16xi32>], vector<16xi32>,
        %parallel_loop3A_255 = arith.constant 16 : i32
        %parallel_loop3A_256 = vector.broadcast %parallel_loop3A_255 : i32 to vector<16xi32>
        %parallel_loop3A_257 = arith.shli %parallel_loop3A_194, %parallel_loop3A_256 : vector<16xi32>
        %parallel_loop3A_258 = vector.bitcast %parallel_loop3A_257 : vector<16xi32> to vector<16xf32>
        %parallel_loop3A_259 = vector.broadcast %scan3A_36 : i32 to vector<16xi32>
        %parallel_loop3A_260 = arith.andi %parallel_loop3A_194, %parallel_loop3A_259 : vector<16xi32>
        %parallel_loop3A_261 = vector.bitcast %parallel_loop3A_260 : vector<16xi32> to vector<16xf32>
        %parallel_loop3A_262 = arith.constant 16 : i32
        %parallel_loop3A_263 = vector.broadcast %parallel_loop3A_262 : i32 to vector<16xi32>
        %parallel_loop3A_264 = arith.shli %parallel_loop3A_226, %parallel_loop3A_263 : vector<16xi32>
        %parallel_loop3A_265 = vector.bitcast %parallel_loop3A_264 : vector<16xi32> to vector<16xf32>
        %parallel_loop3A_266 = vector.broadcast %scan3A_36 : i32 to vector<16xi32>
        %parallel_loop3A_267 = arith.andi %parallel_loop3A_226, %parallel_loop3A_266 : vector<16xi32>
        %parallel_loop3A_268 = vector.bitcast %parallel_loop3A_267 : vector<16xi32> to vector<16xf32>
        %parallel_loop3A_269 = arith.mulf %parallel_loop3A_117, %parallel_loop3A_265 : vector<16xf32>
        %parallel_loop3A_270 = arith.addf %parallel_loop3A_258, %parallel_loop3A_269 : vector<16xf32>
        %parallel_loop3A_271 = arith.mulf %parallel_loop3A_117, %parallel_loop3A_268 : vector<16xf32>
        %parallel_loop3A_272 = arith.addf %parallel_loop3A_261, %parallel_loop3A_271 : vector<16xf32>
        %parallel_loop3A_273 = tpu.pack_subelements %parallel_loop3A_270, %parallel_loop3A_272 {pack_format = #tpu.pack_format<interleaved>, positions = array<i32: 0, 1>} : vector<16xf32>, vector<16xf32> -> vector<32xbf16>
        %parallel_loop3A_274 = vector.bitcast %parallel_loop3A_273 : vector<32xbf16> to vector<16xi32>
        %parallel_loop3A_275 = arith.constant 16 : i32
        %parallel_loop3A_276 = vector.broadcast %parallel_loop3A_275 : i32 to vector<16xi32>
        %parallel_loop3A_277 = arith.shli %parallel_loop3A_198, %parallel_loop3A_276 : vector<16xi32>
        %parallel_loop3A_278 = vector.bitcast %parallel_loop3A_277 : vector<16xi32> to vector<16xf32>
        %parallel_loop3A_279 = vector.broadcast %scan3A_36 : i32 to vector<16xi32>
        %parallel_loop3A_280 = arith.andi %parallel_loop3A_198, %parallel_loop3A_279 : vector<16xi32>
        %parallel_loop3A_281 = vector.bitcast %parallel_loop3A_280 : vector<16xi32> to vector<16xf32>
        %parallel_loop3A_282 = arith.constant 16 : i32
        %parallel_loop3A_283 = vector.broadcast %parallel_loop3A_282 : i32 to vector<16xi32>
        %parallel_loop3A_284 = arith.shli %parallel_loop3A_230, %parallel_loop3A_283 : vector<16xi32>
        %parallel_loop3A_285 = vector.bitcast %parallel_loop3A_284 : vector<16xi32> to vector<16xf32>
        %parallel_loop3A_286 = vector.broadcast %scan3A_36 : i32 to vector<16xi32>
        %parallel_loop3A_287 = arith.andi %parallel_loop3A_230, %parallel_loop3A_286 : vector<16xi32>
        %parallel_loop3A_288 = vector.bitcast %parallel_loop3A_287 : vector<16xi32> to vector<16xf32>
        %parallel_loop3A_289 = arith.mulf %parallel_loop3A_117, %parallel_loop3A_285 : vector<16xf32>
        %parallel_loop3A_290 = arith.addf %parallel_loop3A_278, %parallel_loop3A_289 : vector<16xf32>
        %parallel_loop3A_291 = arith.mulf %parallel_loop3A_117, %parallel_loop3A_288 : vector<16xf32>
        %parallel_loop3A_292 = arith.addf %parallel_loop3A_281, %parallel_loop3A_291 : vector<16xf32>
        %parallel_loop3A_293 = tpu.pack_subelements %parallel_loop3A_290, %parallel_loop3A_292 {pack_format = #tpu.pack_format<interleaved>, positions = array<i32: 0, 1>} : vector<16xf32>, vector<16xf32> -> vector<32xbf16>
        %parallel_loop3A_294 = vector.bitcast %parallel_loop3A_293 : vector<32xbf16> to vector<16xi32>
        %parallel_loop3A_295 = arith.constant 16 : i32
        %parallel_loop3A_296 = vector.broadcast %parallel_loop3A_295 : i32 to vector<16xi32>
        %parallel_loop3A_297 = arith.shli %parallel_loop3A_202, %parallel_loop3A_296 : vector<16xi32>
        %parallel_loop3A_298 = vector.bitcast %parallel_loop3A_297 : vector<16xi32> to vector<16xf32>
        %parallel_loop3A_299 = vector.broadcast %scan3A_36 : i32 to vector<16xi32>
        %parallel_loop3A_300 = arith.andi %parallel_loop3A_202, %parallel_loop3A_299 : vector<16xi32>
        %parallel_loop3A_301 = vector.bitcast %parallel_loop3A_300 : vector<16xi32> to vector<16xf32>
        %parallel_loop3A_302 = arith.constant 16 : i32
        %parallel_loop3A_303 = vector.broadcast %parallel_loop3A_302 : i32 to vector<16xi32>
        %parallel_loop3A_304 = arith.shli %parallel_loop3A_234, %parallel_loop3A_303 : vector<16xi32>
        %parallel_loop3A_305 = vector.bitcast %parallel_loop3A_304 : vector<16xi32> to vector<16xf32>
        %parallel_loop3A_306 = vector.broadcast %scan3A_36 : i32 to vector<16xi32>
        %parallel_loop3A_307 = arith.andi %parallel_loop3A_234, %parallel_loop3A_306 : vector<16xi32>
        %parallel_loop3A_308 = vector.bitcast %parallel_loop3A_307 : vector<16xi32> to vector<16xf32>
        %parallel_loop3A_309 = arith.mulf %parallel_loop3A_117, %parallel_loop3A_305 : vector<16xf32>
        %parallel_loop3A_310 = arith.addf %parallel_loop3A_298, %parallel_loop3A_309 : vector<16xf32>
        %parallel_loop3A_311 = arith.mulf %parallel_loop3A_117, %parallel_loop3A_308 : vector<16xf32>
        %parallel_loop3A_312 = arith.addf %parallel_loop3A_301, %parallel_loop3A_311 : vector<16xf32>
        %parallel_loop3A_313 = tpu.pack_subelements %parallel_loop3A_310, %parallel_loop3A_312 {pack_format = #tpu.pack_format<interleaved>, positions = array<i32: 0, 1>} : vector<16xf32>, vector<16xf32> -> vector<32xbf16>
        %parallel_loop3A_314 = vector.bitcast %parallel_loop3A_313 : vector<32xbf16> to vector<16xi32>
        %parallel_loop3A_315 = arith.constant 16 : i32
        %parallel_loop3A_316 = vector.broadcast %parallel_loop3A_315 : i32 to vector<16xi32>
        %parallel_loop3A_317 = arith.shli %parallel_loop3A_206, %parallel_loop3A_316 : vector<16xi32>
        %parallel_loop3A_318 = vector.bitcast %parallel_loop3A_317 : vector<16xi32> to vector<16xf32>
        %parallel_loop3A_319 = vector.broadcast %scan3A_36 : i32 to vector<16xi32>
        %parallel_loop3A_320 = arith.andi %parallel_loop3A_206, %parallel_loop3A_319 : vector<16xi32>
        %parallel_loop3A_321 = vector.bitcast %parallel_loop3A_320 : vector<16xi32> to vector<16xf32>
        %parallel_loop3A_322 = arith.constant 16 : i32
        %parallel_loop3A_323 = vector.broadcast %parallel_loop3A_322 : i32 to vector<16xi32>
        %parallel_loop3A_324 = arith.shli %parallel_loop3A_238, %parallel_loop3A_323 : vector<16xi32>
        %parallel_loop3A_325 = vector.bitcast %parallel_loop3A_324 : vector<16xi32> to vector<16xf32>
        %parallel_loop3A_326 = vector.broadcast %scan3A_36 : i32 to vector<16xi32>
        %parallel_loop3A_327 = arith.andi %parallel_loop3A_238, %parallel_loop3A_326 : vector<16xi32>
        %parallel_loop3A_328 = vector.bitcast %parallel_loop3A_327 : vector<16xi32> to vector<16xf32>
        %parallel_loop3A_329 = arith.mulf %parallel_loop3A_117, %parallel_loop3A_325 : vector<16xf32>
        %parallel_loop3A_330 = arith.addf %parallel_loop3A_318, %parallel_loop3A_329 : vector<16xf32>
        %parallel_loop3A_331 = arith.mulf %parallel_loop3A_117, %parallel_loop3A_328 : vector<16xf32>
        %parallel_loop3A_332 = arith.addf %parallel_loop3A_321, %parallel_loop3A_331 : vector<16xf32>
        %parallel_loop3A_333 = tpu.pack_subelements %parallel_loop3A_330, %parallel_loop3A_332 {pack_format = #tpu.pack_format<interleaved>, positions = array<i32: 0, 1>} : vector<16xf32>, vector<16xf32> -> vector<32xbf16>
        %parallel_loop3A_334 = vector.bitcast %parallel_loop3A_333 : vector<32xbf16> to vector<16xi32>
        %parallel_loop3A_335 = arith.constant 16 : i32
        %parallel_loop3A_336 = vector.broadcast %parallel_loop3A_335 : i32 to vector<16xi32>
        %parallel_loop3A_337 = arith.shli %parallel_loop3A_210, %parallel_loop3A_336 : vector<16xi32>
        %parallel_loop3A_338 = vector.bitcast %parallel_loop3A_337 : vector<16xi32> to vector<16xf32>
        %parallel_loop3A_339 = vector.broadcast %scan3A_36 : i32 to vector<16xi32>
        %parallel_loop3A_340 = arith.andi %parallel_loop3A_210, %parallel_loop3A_339 : vector<16xi32>
        %parallel_loop3A_341 = vector.bitcast %parallel_loop3A_340 : vector<16xi32> to vector<16xf32>
        %parallel_loop3A_342 = arith.constant 16 : i32
        %parallel_loop3A_343 = vector.broadcast %parallel_loop3A_342 : i32 to vector<16xi32>
        %parallel_loop3A_344 = arith.shli %parallel_loop3A_242, %parallel_loop3A_343 : vector<16xi32>
        %parallel_loop3A_345 = vector.bitcast %parallel_loop3A_344 : vector<16xi32> to vector<16xf32>
        %parallel_loop3A_346 = vector.broadcast %scan3A_36 : i32 to vector<16xi32>
        %parallel_loop3A_347 = arith.andi %parallel_loop3A_242, %parallel_loop3A_346 : vector<16xi32>
        %parallel_loop3A_348 = vector.bitcast %parallel_loop3A_347 : vector<16xi32> to vector<16xf32>
        %parallel_loop3A_349 = arith.mulf %parallel_loop3A_117, %parallel_loop3A_345 : vector<16xf32>
        %parallel_loop3A_350 = arith.addf %parallel_loop3A_338, %parallel_loop3A_349 : vector<16xf32>
        %parallel_loop3A_351 = arith.mulf %parallel_loop3A_117, %parallel_loop3A_348 : vector<16xf32>
        %parallel_loop3A_352 = arith.addf %parallel_loop3A_341, %parallel_loop3A_351 : vector<16xf32>
        %parallel_loop3A_353 = tpu.pack_subelements %parallel_loop3A_350, %parallel_loop3A_352 {pack_format = #tpu.pack_format<interleaved>, positions = array<i32: 0, 1>} : vector<16xf32>, vector<16xf32> -> vector<32xbf16>
        %parallel_loop3A_354 = vector.bitcast %parallel_loop3A_353 : vector<32xbf16> to vector<16xi32>
        %parallel_loop3A_355 = arith.constant 16 : i32
        %parallel_loop3A_356 = vector.broadcast %parallel_loop3A_355 : i32 to vector<16xi32>
        %parallel_loop3A_357 = arith.shli %parallel_loop3A_214, %parallel_loop3A_356 : vector<16xi32>
        %parallel_loop3A_358 = vector.bitcast %parallel_loop3A_357 : vector<16xi32> to vector<16xf32>
        %parallel_loop3A_359 = vector.broadcast %scan3A_36 : i32 to vector<16xi32>
        %parallel_loop3A_360 = arith.andi %parallel_loop3A_214, %parallel_loop3A_359 : vector<16xi32>
        %parallel_loop3A_361 = vector.bitcast %parallel_loop3A_360 : vector<16xi32> to vector<16xf32>
        %parallel_loop3A_362 = arith.constant 16 : i32
        %parallel_loop3A_363 = vector.broadcast %parallel_loop3A_362 : i32 to vector<16xi32>
        %parallel_loop3A_364 = arith.shli %parallel_loop3A_246, %parallel_loop3A_363 : vector<16xi32>
        %parallel_loop3A_365 = vector.bitcast %parallel_loop3A_364 : vector<16xi32> to vector<16xf32>
        %parallel_loop3A_366 = vector.broadcast %scan3A_36 : i32 to vector<16xi32>
        %parallel_loop3A_367 = arith.andi %parallel_loop3A_246, %parallel_loop3A_366 : vector<16xi32>
        %parallel_loop3A_368 = vector.bitcast %parallel_loop3A_367 : vector<16xi32> to vector<16xf32>
        %parallel_loop3A_369 = arith.mulf %parallel_loop3A_117, %parallel_loop3A_365 : vector<16xf32>
        %parallel_loop3A_370 = arith.addf %parallel_loop3A_358, %parallel_loop3A_369 : vector<16xf32>
        %parallel_loop3A_371 = arith.mulf %parallel_loop3A_117, %parallel_loop3A_368 : vector<16xf32>
        %parallel_loop3A_372 = arith.addf %parallel_loop3A_361, %parallel_loop3A_371 : vector<16xf32>
        %parallel_loop3A_373 = tpu.pack_subelements %parallel_loop3A_370, %parallel_loop3A_372 {pack_format = #tpu.pack_format<interleaved>, positions = array<i32: 0, 1>} : vector<16xf32>, vector<16xf32> -> vector<32xbf16>
        %parallel_loop3A_374 = vector.bitcast %parallel_loop3A_373 : vector<32xbf16> to vector<16xi32>
        %parallel_loop3A_375 = arith.constant 16 : i32
        %parallel_loop3A_376 = vector.broadcast %parallel_loop3A_375 : i32 to vector<16xi32>
        %parallel_loop3A_377 = arith.shli %parallel_loop3A_218, %parallel_loop3A_376 : vector<16xi32>
        %parallel_loop3A_378 = vector.bitcast %parallel_loop3A_377 : vector<16xi32> to vector<16xf32>
        %parallel_loop3A_379 = vector.broadcast %scan3A_36 : i32 to vector<16xi32>
        %parallel_loop3A_380 = arith.andi %parallel_loop3A_218, %parallel_loop3A_379 : vector<16xi32>
        %parallel_loop3A_381 = vector.bitcast %parallel_loop3A_380 : vector<16xi32> to vector<16xf32>
        %parallel_loop3A_382 = arith.constant 16 : i32
        %parallel_loop3A_383 = vector.broadcast %parallel_loop3A_382 : i32 to vector<16xi32>
        %parallel_loop3A_384 = arith.shli %parallel_loop3A_250, %parallel_loop3A_383 : vector<16xi32>
        %parallel_loop3A_385 = vector.bitcast %parallel_loop3A_384 : vector<16xi32> to vector<16xf32>
        %parallel_loop3A_386 = vector.broadcast %scan3A_36 : i32 to vector<16xi32>
        %parallel_loop3A_387 = arith.andi %parallel_loop3A_250, %parallel_loop3A_386 : vector<16xi32>
        %parallel_loop3A_388 = vector.bitcast %parallel_loop3A_387 : vector<16xi32> to vector<16xf32>
        %parallel_loop3A_389 = arith.mulf %parallel_loop3A_117, %parallel_loop3A_385 : vector<16xf32>
        %parallel_loop3A_390 = arith.addf %parallel_loop3A_378, %parallel_loop3A_389 : vector<16xf32>
        %parallel_loop3A_391 = arith.mulf %parallel_loop3A_117, %parallel_loop3A_388 : vector<16xf32>
        %parallel_loop3A_392 = arith.addf %parallel_loop3A_381, %parallel_loop3A_391 : vector<16xf32>
        %parallel_loop3A_393 = tpu.pack_subelements %parallel_loop3A_390, %parallel_loop3A_392 {pack_format = #tpu.pack_format<interleaved>, positions = array<i32: 0, 1>} : vector<16xf32>, vector<16xf32> -> vector<32xbf16>
        %parallel_loop3A_394 = vector.bitcast %parallel_loop3A_393 : vector<32xbf16> to vector<16xi32>
        %parallel_loop3A_395 = arith.constant 16 : i32
        %parallel_loop3A_396 = vector.broadcast %parallel_loop3A_395 : i32 to vector<16xi32>
        %parallel_loop3A_397 = arith.shli %parallel_loop3A_222, %parallel_loop3A_396 : vector<16xi32>
        %parallel_loop3A_398 = vector.bitcast %parallel_loop3A_397 : vector<16xi32> to vector<16xf32>
        %parallel_loop3A_399 = vector.broadcast %scan3A_36 : i32 to vector<16xi32>
        %parallel_loop3A_400 = arith.andi %parallel_loop3A_222, %parallel_loop3A_399 : vector<16xi32>
        %parallel_loop3A_401 = vector.bitcast %parallel_loop3A_400 : vector<16xi32> to vector<16xf32>
        %parallel_loop3A_402 = arith.constant 16 : i32
        %parallel_loop3A_403 = vector.broadcast %parallel_loop3A_402 : i32 to vector<16xi32>
        %parallel_loop3A_404 = arith.shli %parallel_loop3A_254, %parallel_loop3A_403 : vector<16xi32>
        %parallel_loop3A_405 = vector.bitcast %parallel_loop3A_404 : vector<16xi32> to vector<16xf32>
        %parallel_loop3A_406 = vector.broadcast %scan3A_36 : i32 to vector<16xi32>
        %parallel_loop3A_407 = arith.andi %parallel_loop3A_254, %parallel_loop3A_406 : vector<16xi32>
        %parallel_loop3A_408 = vector.bitcast %parallel_loop3A_407 : vector<16xi32> to vector<16xf32>
        %parallel_loop3A_409 = arith.mulf %parallel_loop3A_117, %parallel_loop3A_405 : vector<16xf32>
        %parallel_loop3A_410 = arith.addf %parallel_loop3A_398, %parallel_loop3A_409 : vector<16xf32>
        %parallel_loop3A_411 = arith.mulf %parallel_loop3A_117, %parallel_loop3A_408 : vector<16xf32>
        %parallel_loop3A_412 = arith.addf %parallel_loop3A_401, %parallel_loop3A_411 : vector<16xf32>
        %parallel_loop3A_413 = tpu.pack_subelements %parallel_loop3A_410, %parallel_loop3A_412 {pack_format = #tpu.pack_format<interleaved>, positions = array<i32: 0, 1>} : vector<16xf32>, vector<16xf32> -> vector<32xbf16>
        %parallel_loop3A_414 = vector.bitcast %parallel_loop3A_413 : vector<32xbf16> to vector<16xi32>
        %parallel_loop3A_415 = arith.constant 0 : i32
        %parallel_loop3A_416 = vector.broadcast %parallel_loop3A_415 : i32 to vector<16xi32>
        %parallel_loop3A_417 = arith.addi %parallel_loop3A_190, %parallel_loop3A_416 : vector<16xi32>
        tpu.vector_store_idx %arg15[%parallel_loop3A_417], %parallel_loop3A_274 : memref<40960xi32, #tpu.memory_space<vmem>>[vector<16xi32>], vector<16xi32>,
        %parallel_loop3A_418 = arith.constant 1 : i32
        %parallel_loop3A_419 = vector.broadcast %parallel_loop3A_418 : i32 to vector<16xi32>
        %parallel_loop3A_420 = arith.addi %parallel_loop3A_190, %parallel_loop3A_419 : vector<16xi32>
        tpu.vector_store_idx %arg15[%parallel_loop3A_420], %parallel_loop3A_294 : memref<40960xi32, #tpu.memory_space<vmem>>[vector<16xi32>], vector<16xi32>,
        %parallel_loop3A_421 = arith.constant 2 : i32
        %parallel_loop3A_422 = vector.broadcast %parallel_loop3A_421 : i32 to vector<16xi32>
        %parallel_loop3A_423 = arith.addi %parallel_loop3A_190, %parallel_loop3A_422 : vector<16xi32>
        tpu.vector_store_idx %arg15[%parallel_loop3A_423], %parallel_loop3A_314 : memref<40960xi32, #tpu.memory_space<vmem>>[vector<16xi32>], vector<16xi32>,
        %parallel_loop3A_424 = arith.constant 3 : i32
        %parallel_loop3A_425 = vector.broadcast %parallel_loop3A_424 : i32 to vector<16xi32>
        %parallel_loop3A_426 = arith.addi %parallel_loop3A_190, %parallel_loop3A_425 : vector<16xi32>
        tpu.vector_store_idx %arg15[%parallel_loop3A_426], %parallel_loop3A_334 : memref<40960xi32, #tpu.memory_space<vmem>>[vector<16xi32>], vector<16xi32>,
        %parallel_loop3A_427 = arith.constant 4 : i32
        %parallel_loop3A_428 = vector.broadcast %parallel_loop3A_427 : i32 to vector<16xi32>
        %parallel_loop3A_429 = arith.addi %parallel_loop3A_190, %parallel_loop3A_428 : vector<16xi32>
        tpu.vector_store_idx %arg15[%parallel_loop3A_429], %parallel_loop3A_354 : memref<40960xi32, #tpu.memory_space<vmem>>[vector<16xi32>], vector<16xi32>,
        %parallel_loop3A_430 = arith.constant 5 : i32
        %parallel_loop3A_431 = vector.broadcast %parallel_loop3A_430 : i32 to vector<16xi32>
        %parallel_loop3A_432 = arith.addi %parallel_loop3A_190, %parallel_loop3A_431 : vector<16xi32>
        tpu.vector_store_idx %arg15[%parallel_loop3A_432], %parallel_loop3A_374 : memref<40960xi32, #tpu.memory_space<vmem>>[vector<16xi32>], vector<16xi32>,
        %parallel_loop3A_433 = arith.constant 6 : i32
        %parallel_loop3A_434 = vector.broadcast %parallel_loop3A_433 : i32 to vector<16xi32>
        %parallel_loop3A_435 = arith.addi %parallel_loop3A_190, %parallel_loop3A_434 : vector<16xi32>
        tpu.vector_store_idx %arg15[%parallel_loop3A_435], %parallel_loop3A_394 : memref<40960xi32, #tpu.memory_space<vmem>>[vector<16xi32>], vector<16xi32>,
        %parallel_loop3A_436 = arith.constant 7 : i32
        %parallel_loop3A_437 = vector.broadcast %parallel_loop3A_436 : i32 to vector<16xi32>
        %parallel_loop3A_438 = arith.addi %parallel_loop3A_190, %parallel_loop3A_437 : vector<16xi32>
        tpu.vector_store_idx %arg15[%parallel_loop3A_438], %parallel_loop3A_414 : memref<40960xi32, #tpu.memory_space<vmem>>[vector<16xi32>], vector<16xi32>,
        %parallel_loop3A_439 = arith.constant 8 : i32
        %parallel_loop3A_440 = vector.broadcast %parallel_loop3A_439 : i32 to vector<16xi32>
        %parallel_loop3A_441 = arith.addi %parallel_loop3A_183, %parallel_loop3A_440 : vector<16xi32>
        %parallel_loop3A_442 = tpu.vector_load_idx %arg17[%parallel_loop3A_441] : memref<11520xi32, #tpu.memory_space<vmem>>[vector<16xi32>], vector<16xi32>,
        %parallel_loop3A_443 = arith.constant 9 : i32
        %parallel_loop3A_444 = vector.broadcast %parallel_loop3A_443 : i32 to vector<16xi32>
        %parallel_loop3A_445 = arith.addi %parallel_loop3A_183, %parallel_loop3A_444 : vector<16xi32>
        %parallel_loop3A_446 = tpu.vector_load_idx %arg17[%parallel_loop3A_445] : memref<11520xi32, #tpu.memory_space<vmem>>[vector<16xi32>], vector<16xi32>,
        %parallel_loop3A_447 = arith.constant 10 : i32
        %parallel_loop3A_448 = vector.broadcast %parallel_loop3A_447 : i32 to vector<16xi32>
        %parallel_loop3A_449 = arith.addi %parallel_loop3A_183, %parallel_loop3A_448 : vector<16xi32>
        %parallel_loop3A_450 = tpu.vector_load_idx %arg17[%parallel_loop3A_449] : memref<11520xi32, #tpu.memory_space<vmem>>[vector<16xi32>], vector<16xi32>,
        %parallel_loop3A_451 = arith.constant 11 : i32
        %parallel_loop3A_452 = vector.broadcast %parallel_loop3A_451 : i32 to vector<16xi32>
        %parallel_loop3A_453 = arith.addi %parallel_loop3A_183, %parallel_loop3A_452 : vector<16xi32>
        %parallel_loop3A_454 = tpu.vector_load_idx %arg17[%parallel_loop3A_453] : memref<11520xi32, #tpu.memory_space<vmem>>[vector<16xi32>], vector<16xi32>,
        %parallel_loop3A_455 = arith.constant 12 : i32
        %parallel_loop3A_456 = vector.broadcast %parallel_loop3A_455 : i32 to vector<16xi32>
        %parallel_loop3A_457 = arith.addi %parallel_loop3A_183, %parallel_loop3A_456 : vector<16xi32>
        %parallel_loop3A_458 = tpu.vector_load_idx %arg17[%parallel_loop3A_457] : memref<11520xi32, #tpu.memory_space<vmem>>[vector<16xi32>], vector<16xi32>,
        %parallel_loop3A_459 = arith.constant 13 : i32
        %parallel_loop3A_460 = vector.broadcast %parallel_loop3A_459 : i32 to vector<16xi32>
        %parallel_loop3A_461 = arith.addi %parallel_loop3A_183, %parallel_loop3A_460 : vector<16xi32>
        %parallel_loop3A_462 = tpu.vector_load_idx %arg17[%parallel_loop3A_461] : memref<11520xi32, #tpu.memory_space<vmem>>[vector<16xi32>], vector<16xi32>,
        %parallel_loop3A_463 = arith.constant 14 : i32
        %parallel_loop3A_464 = vector.broadcast %parallel_loop3A_463 : i32 to vector<16xi32>
        %parallel_loop3A_465 = arith.addi %parallel_loop3A_183, %parallel_loop3A_464 : vector<16xi32>
        %parallel_loop3A_466 = tpu.vector_load_idx %arg17[%parallel_loop3A_465] : memref<11520xi32, #tpu.memory_space<vmem>>[vector<16xi32>], vector<16xi32>,
        %parallel_loop3A_467 = arith.constant 15 : i32
        %parallel_loop3A_468 = vector.broadcast %parallel_loop3A_467 : i32 to vector<16xi32>
        %parallel_loop3A_469 = arith.addi %parallel_loop3A_183, %parallel_loop3A_468 : vector<16xi32>
        %parallel_loop3A_470 = tpu.vector_load_idx %arg17[%parallel_loop3A_469] : memref<11520xi32, #tpu.memory_space<vmem>>[vector<16xi32>], vector<16xi32>,
        %parallel_loop3A_471 = arith.constant 8 : i32
        %parallel_loop3A_472 = vector.broadcast %parallel_loop3A_471 : i32 to vector<16xi32>
        %parallel_loop3A_473 = arith.addi %parallel_loop3A_186, %parallel_loop3A_472 : vector<16xi32>
        %parallel_loop3A_474 = tpu.vector_load_idx %arg18[%parallel_loop3A_473] : memref<288xi32, #tpu.memory_space<vmem>>[vector<16xi32>], vector<16xi32>,
        %parallel_loop3A_475 = arith.constant 9 : i32
        %parallel_loop3A_476 = vector.broadcast %parallel_loop3A_475 : i32 to vector<16xi32>
        %parallel_loop3A_477 = arith.addi %parallel_loop3A_186, %parallel_loop3A_476 : vector<16xi32>
        %parallel_loop3A_478 = tpu.vector_load_idx %arg18[%parallel_loop3A_477] : memref<288xi32, #tpu.memory_space<vmem>>[vector<16xi32>], vector<16xi32>,
        %parallel_loop3A_479 = arith.constant 10 : i32
        %parallel_loop3A_480 = vector.broadcast %parallel_loop3A_479 : i32 to vector<16xi32>
        %parallel_loop3A_481 = arith.addi %parallel_loop3A_186, %parallel_loop3A_480 : vector<16xi32>
        %parallel_loop3A_482 = tpu.vector_load_idx %arg18[%parallel_loop3A_481] : memref<288xi32, #tpu.memory_space<vmem>>[vector<16xi32>], vector<16xi32>,
        %parallel_loop3A_483 = arith.constant 11 : i32
        %parallel_loop3A_484 = vector.broadcast %parallel_loop3A_483 : i32 to vector<16xi32>
        %parallel_loop3A_485 = arith.addi %parallel_loop3A_186, %parallel_loop3A_484 : vector<16xi32>
        %parallel_loop3A_486 = tpu.vector_load_idx %arg18[%parallel_loop3A_485] : memref<288xi32, #tpu.memory_space<vmem>>[vector<16xi32>], vector<16xi32>,
        %parallel_loop3A_487 = arith.constant 12 : i32
        %parallel_loop3A_488 = vector.broadcast %parallel_loop3A_487 : i32 to vector<16xi32>
        %parallel_loop3A_489 = arith.addi %parallel_loop3A_186, %parallel_loop3A_488 : vector<16xi32>
        %parallel_loop3A_490 = tpu.vector_load_idx %arg18[%parallel_loop3A_489] : memref<288xi32, #tpu.memory_space<vmem>>[vector<16xi32>], vector<16xi32>,
        %parallel_loop3A_491 = arith.constant 13 : i32
        %parallel_loop3A_492 = vector.broadcast %parallel_loop3A_491 : i32 to vector<16xi32>
        %parallel_loop3A_493 = arith.addi %parallel_loop3A_186, %parallel_loop3A_492 : vector<16xi32>
        %parallel_loop3A_494 = tpu.vector_load_idx %arg18[%parallel_loop3A_493] : memref<288xi32, #tpu.memory_space<vmem>>[vector<16xi32>], vector<16xi32>,
        %parallel_loop3A_495 = arith.constant 14 : i32
        %parallel_loop3A_496 = vector.broadcast %parallel_loop3A_495 : i32 to vector<16xi32>
        %parallel_loop3A_497 = arith.addi %parallel_loop3A_186, %parallel_loop3A_496 : vector<16xi32>
        %parallel_loop3A_498 = tpu.vector_load_idx %arg18[%parallel_loop3A_497] : memref<288xi32, #tpu.memory_space<vmem>>[vector<16xi32>], vector<16xi32>,
        %parallel_loop3A_499 = arith.constant 15 : i32
        %parallel_loop3A_500 = vector.broadcast %parallel_loop3A_499 : i32 to vector<16xi32>
        %parallel_loop3A_501 = arith.addi %parallel_loop3A_186, %parallel_loop3A_500 : vector<16xi32>
        %parallel_loop3A_502 = tpu.vector_load_idx %arg18[%parallel_loop3A_501] : memref<288xi32, #tpu.memory_space<vmem>>[vector<16xi32>], vector<16xi32>,
        %parallel_loop3A_503 = arith.constant 16 : i32
        %parallel_loop3A_504 = vector.broadcast %parallel_loop3A_503 : i32 to vector<16xi32>
        %parallel_loop3A_505 = arith.shli %parallel_loop3A_442, %parallel_loop3A_504 : vector<16xi32>
        %parallel_loop3A_506 = vector.bitcast %parallel_loop3A_505 : vector<16xi32> to vector<16xf32>
        %parallel_loop3A_507 = vector.broadcast %scan3A_36 : i32 to vector<16xi32>
        %parallel_loop3A_508 = arith.andi %parallel_loop3A_442, %parallel_loop3A_507 : vector<16xi32>
        %parallel_loop3A_509 = vector.bitcast %parallel_loop3A_508 : vector<16xi32> to vector<16xf32>
        %parallel_loop3A_510 = arith.constant 16 : i32
        %parallel_loop3A_511 = vector.broadcast %parallel_loop3A_510 : i32 to vector<16xi32>
        %parallel_loop3A_512 = arith.shli %parallel_loop3A_474, %parallel_loop3A_511 : vector<16xi32>
        %parallel_loop3A_513 = vector.bitcast %parallel_loop3A_512 : vector<16xi32> to vector<16xf32>
        %parallel_loop3A_514 = vector.broadcast %scan3A_36 : i32 to vector<16xi32>
        %parallel_loop3A_515 = arith.andi %parallel_loop3A_474, %parallel_loop3A_514 : vector<16xi32>
        %parallel_loop3A_516 = vector.bitcast %parallel_loop3A_515 : vector<16xi32> to vector<16xf32>
        %parallel_loop3A_517 = arith.mulf %parallel_loop3A_117, %parallel_loop3A_513 : vector<16xf32>
        %parallel_loop3A_518 = arith.addf %parallel_loop3A_506, %parallel_loop3A_517 : vector<16xf32>
        %parallel_loop3A_519 = arith.mulf %parallel_loop3A_117, %parallel_loop3A_516 : vector<16xf32>
        %parallel_loop3A_520 = arith.addf %parallel_loop3A_509, %parallel_loop3A_519 : vector<16xf32>
        %parallel_loop3A_521 = tpu.pack_subelements %parallel_loop3A_518, %parallel_loop3A_520 {pack_format = #tpu.pack_format<interleaved>, positions = array<i32: 0, 1>} : vector<16xf32>, vector<16xf32> -> vector<32xbf16>
        %parallel_loop3A_522 = vector.bitcast %parallel_loop3A_521 : vector<32xbf16> to vector<16xi32>
        %parallel_loop3A_523 = arith.constant 16 : i32
        %parallel_loop3A_524 = vector.broadcast %parallel_loop3A_523 : i32 to vector<16xi32>
        %parallel_loop3A_525 = arith.shli %parallel_loop3A_446, %parallel_loop3A_524 : vector<16xi32>
        %parallel_loop3A_526 = vector.bitcast %parallel_loop3A_525 : vector<16xi32> to vector<16xf32>
        %parallel_loop3A_527 = vector.broadcast %scan3A_36 : i32 to vector<16xi32>
        %parallel_loop3A_528 = arith.andi %parallel_loop3A_446, %parallel_loop3A_527 : vector<16xi32>
        %parallel_loop3A_529 = vector.bitcast %parallel_loop3A_528 : vector<16xi32> to vector<16xf32>
        %parallel_loop3A_530 = arith.constant 16 : i32
        %parallel_loop3A_531 = vector.broadcast %parallel_loop3A_530 : i32 to vector<16xi32>
        %parallel_loop3A_532 = arith.shli %parallel_loop3A_478, %parallel_loop3A_531 : vector<16xi32>
        %parallel_loop3A_533 = vector.bitcast %parallel_loop3A_532 : vector<16xi32> to vector<16xf32>
        %parallel_loop3A_534 = vector.broadcast %scan3A_36 : i32 to vector<16xi32>
        %parallel_loop3A_535 = arith.andi %parallel_loop3A_478, %parallel_loop3A_534 : vector<16xi32>
        %parallel_loop3A_536 = vector.bitcast %parallel_loop3A_535 : vector<16xi32> to vector<16xf32>
        %parallel_loop3A_537 = arith.mulf %parallel_loop3A_117, %parallel_loop3A_533 : vector<16xf32>
        %parallel_loop3A_538 = arith.addf %parallel_loop3A_526, %parallel_loop3A_537 : vector<16xf32>
        %parallel_loop3A_539 = arith.mulf %parallel_loop3A_117, %parallel_loop3A_536 : vector<16xf32>
        %parallel_loop3A_540 = arith.addf %parallel_loop3A_529, %parallel_loop3A_539 : vector<16xf32>
        %parallel_loop3A_541 = tpu.pack_subelements %parallel_loop3A_538, %parallel_loop3A_540 {pack_format = #tpu.pack_format<interleaved>, positions = array<i32: 0, 1>} : vector<16xf32>, vector<16xf32> -> vector<32xbf16>
        %parallel_loop3A_542 = vector.bitcast %parallel_loop3A_541 : vector<32xbf16> to vector<16xi32>
        %parallel_loop3A_543 = arith.constant 16 : i32
        %parallel_loop3A_544 = vector.broadcast %parallel_loop3A_543 : i32 to vector<16xi32>
        %parallel_loop3A_545 = arith.shli %parallel_loop3A_450, %parallel_loop3A_544 : vector<16xi32>
        %parallel_loop3A_546 = vector.bitcast %parallel_loop3A_545 : vector<16xi32> to vector<16xf32>
        %parallel_loop3A_547 = vector.broadcast %scan3A_36 : i32 to vector<16xi32>
        %parallel_loop3A_548 = arith.andi %parallel_loop3A_450, %parallel_loop3A_547 : vector<16xi32>
        %parallel_loop3A_549 = vector.bitcast %parallel_loop3A_548 : vector<16xi32> to vector<16xf32>
        %parallel_loop3A_550 = arith.constant 16 : i32
        %parallel_loop3A_551 = vector.broadcast %parallel_loop3A_550 : i32 to vector<16xi32>
        %parallel_loop3A_552 = arith.shli %parallel_loop3A_482, %parallel_loop3A_551 : vector<16xi32>
        %parallel_loop3A_553 = vector.bitcast %parallel_loop3A_552 : vector<16xi32> to vector<16xf32>
        %parallel_loop3A_554 = vector.broadcast %scan3A_36 : i32 to vector<16xi32>
        %parallel_loop3A_555 = arith.andi %parallel_loop3A_482, %parallel_loop3A_554 : vector<16xi32>
        %parallel_loop3A_556 = vector.bitcast %parallel_loop3A_555 : vector<16xi32> to vector<16xf32>
        %parallel_loop3A_557 = arith.mulf %parallel_loop3A_117, %parallel_loop3A_553 : vector<16xf32>
        %parallel_loop3A_558 = arith.addf %parallel_loop3A_546, %parallel_loop3A_557 : vector<16xf32>
        %parallel_loop3A_559 = arith.mulf %parallel_loop3A_117, %parallel_loop3A_556 : vector<16xf32>
        %parallel_loop3A_560 = arith.addf %parallel_loop3A_549, %parallel_loop3A_559 : vector<16xf32>
        %parallel_loop3A_561 = tpu.pack_subelements %parallel_loop3A_558, %parallel_loop3A_560 {pack_format = #tpu.pack_format<interleaved>, positions = array<i32: 0, 1>} : vector<16xf32>, vector<16xf32> -> vector<32xbf16>
        %parallel_loop3A_562 = vector.bitcast %parallel_loop3A_561 : vector<32xbf16> to vector<16xi32>
        %parallel_loop3A_563 = arith.constant 16 : i32
        %parallel_loop3A_564 = vector.broadcast %parallel_loop3A_563 : i32 to vector<16xi32>
        %parallel_loop3A_565 = arith.shli %parallel_loop3A_454, %parallel_loop3A_564 : vector<16xi32>
        %parallel_loop3A_566 = vector.bitcast %parallel_loop3A_565 : vector<16xi32> to vector<16xf32>
        %parallel_loop3A_567 = vector.broadcast %scan3A_36 : i32 to vector<16xi32>
        %parallel_loop3A_568 = arith.andi %parallel_loop3A_454, %parallel_loop3A_567 : vector<16xi32>
        %parallel_loop3A_569 = vector.bitcast %parallel_loop3A_568 : vector<16xi32> to vector<16xf32>
        %parallel_loop3A_570 = arith.constant 16 : i32
        %parallel_loop3A_571 = vector.broadcast %parallel_loop3A_570 : i32 to vector<16xi32>
        %parallel_loop3A_572 = arith.shli %parallel_loop3A_486, %parallel_loop3A_571 : vector<16xi32>
        %parallel_loop3A_573 = vector.bitcast %parallel_loop3A_572 : vector<16xi32> to vector<16xf32>
        %parallel_loop3A_574 = vector.broadcast %scan3A_36 : i32 to vector<16xi32>
        %parallel_loop3A_575 = arith.andi %parallel_loop3A_486, %parallel_loop3A_574 : vector<16xi32>
        %parallel_loop3A_576 = vector.bitcast %parallel_loop3A_575 : vector<16xi32> to vector<16xf32>
        %parallel_loop3A_577 = arith.mulf %parallel_loop3A_117, %parallel_loop3A_573 : vector<16xf32>
        %parallel_loop3A_578 = arith.addf %parallel_loop3A_566, %parallel_loop3A_577 : vector<16xf32>
        %parallel_loop3A_579 = arith.mulf %parallel_loop3A_117, %parallel_loop3A_576 : vector<16xf32>
        %parallel_loop3A_580 = arith.addf %parallel_loop3A_569, %parallel_loop3A_579 : vector<16xf32>
        %parallel_loop3A_581 = tpu.pack_subelements %parallel_loop3A_578, %parallel_loop3A_580 {pack_format = #tpu.pack_format<interleaved>, positions = array<i32: 0, 1>} : vector<16xf32>, vector<16xf32> -> vector<32xbf16>
        %parallel_loop3A_582 = vector.bitcast %parallel_loop3A_581 : vector<32xbf16> to vector<16xi32>
        %parallel_loop3A_583 = arith.constant 16 : i32
        %parallel_loop3A_584 = vector.broadcast %parallel_loop3A_583 : i32 to vector<16xi32>
        %parallel_loop3A_585 = arith.shli %parallel_loop3A_458, %parallel_loop3A_584 : vector<16xi32>
        %parallel_loop3A_586 = vector.bitcast %parallel_loop3A_585 : vector<16xi32> to vector<16xf32>
        %parallel_loop3A_587 = vector.broadcast %scan3A_36 : i32 to vector<16xi32>
        %parallel_loop3A_588 = arith.andi %parallel_loop3A_458, %parallel_loop3A_587 : vector<16xi32>
        %parallel_loop3A_589 = vector.bitcast %parallel_loop3A_588 : vector<16xi32> to vector<16xf32>
        %parallel_loop3A_590 = arith.constant 16 : i32
        %parallel_loop3A_591 = vector.broadcast %parallel_loop3A_590 : i32 to vector<16xi32>
        %parallel_loop3A_592 = arith.shli %parallel_loop3A_490, %parallel_loop3A_591 : vector<16xi32>
        %parallel_loop3A_593 = vector.bitcast %parallel_loop3A_592 : vector<16xi32> to vector<16xf32>
        %parallel_loop3A_594 = vector.broadcast %scan3A_36 : i32 to vector<16xi32>
        %parallel_loop3A_595 = arith.andi %parallel_loop3A_490, %parallel_loop3A_594 : vector<16xi32>
        %parallel_loop3A_596 = vector.bitcast %parallel_loop3A_595 : vector<16xi32> to vector<16xf32>
        %parallel_loop3A_597 = arith.mulf %parallel_loop3A_117, %parallel_loop3A_593 : vector<16xf32>
        %parallel_loop3A_598 = arith.addf %parallel_loop3A_586, %parallel_loop3A_597 : vector<16xf32>
        %parallel_loop3A_599 = arith.mulf %parallel_loop3A_117, %parallel_loop3A_596 : vector<16xf32>
        %parallel_loop3A_600 = arith.addf %parallel_loop3A_589, %parallel_loop3A_599 : vector<16xf32>
        %parallel_loop3A_601 = tpu.pack_subelements %parallel_loop3A_598, %parallel_loop3A_600 {pack_format = #tpu.pack_format<interleaved>, positions = array<i32: 0, 1>} : vector<16xf32>, vector<16xf32> -> vector<32xbf16>
        %parallel_loop3A_602 = vector.bitcast %parallel_loop3A_601 : vector<32xbf16> to vector<16xi32>
        %parallel_loop3A_603 = arith.constant 16 : i32
        %parallel_loop3A_604 = vector.broadcast %parallel_loop3A_603 : i32 to vector<16xi32>
        %parallel_loop3A_605 = arith.shli %parallel_loop3A_462, %parallel_loop3A_604 : vector<16xi32>
        %parallel_loop3A_606 = vector.bitcast %parallel_loop3A_605 : vector<16xi32> to vector<16xf32>
        %parallel_loop3A_607 = vector.broadcast %scan3A_36 : i32 to vector<16xi32>
        %parallel_loop3A_608 = arith.andi %parallel_loop3A_462, %parallel_loop3A_607 : vector<16xi32>
        %parallel_loop3A_609 = vector.bitcast %parallel_loop3A_608 : vector<16xi32> to vector<16xf32>
        %parallel_loop3A_610 = arith.constant 16 : i32
        %parallel_loop3A_611 = vector.broadcast %parallel_loop3A_610 : i32 to vector<16xi32>
        %parallel_loop3A_612 = arith.shli %parallel_loop3A_494, %parallel_loop3A_611 : vector<16xi32>
        %parallel_loop3A_613 = vector.bitcast %parallel_loop3A_612 : vector<16xi32> to vector<16xf32>
        %parallel_loop3A_614 = vector.broadcast %scan3A_36 : i32 to vector<16xi32>
        %parallel_loop3A_615 = arith.andi %parallel_loop3A_494, %parallel_loop3A_614 : vector<16xi32>
        %parallel_loop3A_616 = vector.bitcast %parallel_loop3A_615 : vector<16xi32> to vector<16xf32>
        %parallel_loop3A_617 = arith.mulf %parallel_loop3A_117, %parallel_loop3A_613 : vector<16xf32>
        %parallel_loop3A_618 = arith.addf %parallel_loop3A_606, %parallel_loop3A_617 : vector<16xf32>
        %parallel_loop3A_619 = arith.mulf %parallel_loop3A_117, %parallel_loop3A_616 : vector<16xf32>
        %parallel_loop3A_620 = arith.addf %parallel_loop3A_609, %parallel_loop3A_619 : vector<16xf32>
        %parallel_loop3A_621 = tpu.pack_subelements %parallel_loop3A_618, %parallel_loop3A_620 {pack_format = #tpu.pack_format<interleaved>, positions = array<i32: 0, 1>} : vector<16xf32>, vector<16xf32> -> vector<32xbf16>
        %parallel_loop3A_622 = vector.bitcast %parallel_loop3A_621 : vector<32xbf16> to vector<16xi32>
        %parallel_loop3A_623 = arith.constant 16 : i32
        %parallel_loop3A_624 = vector.broadcast %parallel_loop3A_623 : i32 to vector<16xi32>
        %parallel_loop3A_625 = arith.shli %parallel_loop3A_466, %parallel_loop3A_624 : vector<16xi32>
        %parallel_loop3A_626 = vector.bitcast %parallel_loop3A_625 : vector<16xi32> to vector<16xf32>
        %parallel_loop3A_627 = vector.broadcast %scan3A_36 : i32 to vector<16xi32>
        %parallel_loop3A_628 = arith.andi %parallel_loop3A_466, %parallel_loop3A_627 : vector<16xi32>
        %parallel_loop3A_629 = vector.bitcast %parallel_loop3A_628 : vector<16xi32> to vector<16xf32>
        %parallel_loop3A_630 = arith.constant 16 : i32
        %parallel_loop3A_631 = vector.broadcast %parallel_loop3A_630 : i32 to vector<16xi32>
        %parallel_loop3A_632 = arith.shli %parallel_loop3A_498, %parallel_loop3A_631 : vector<16xi32>
        %parallel_loop3A_633 = vector.bitcast %parallel_loop3A_632 : vector<16xi32> to vector<16xf32>
        %parallel_loop3A_634 = vector.broadcast %scan3A_36 : i32 to vector<16xi32>
        %parallel_loop3A_635 = arith.andi %parallel_loop3A_498, %parallel_loop3A_634 : vector<16xi32>
        %parallel_loop3A_636 = vector.bitcast %parallel_loop3A_635 : vector<16xi32> to vector<16xf32>
        %parallel_loop3A_637 = arith.mulf %parallel_loop3A_117, %parallel_loop3A_633 : vector<16xf32>
        %parallel_loop3A_638 = arith.addf %parallel_loop3A_626, %parallel_loop3A_637 : vector<16xf32>
        %parallel_loop3A_639 = arith.mulf %parallel_loop3A_117, %parallel_loop3A_636 : vector<16xf32>
        %parallel_loop3A_640 = arith.addf %parallel_loop3A_629, %parallel_loop3A_639 : vector<16xf32>
        %parallel_loop3A_641 = tpu.pack_subelements %parallel_loop3A_638, %parallel_loop3A_640 {pack_format = #tpu.pack_format<interleaved>, positions = array<i32: 0, 1>} : vector<16xf32>, vector<16xf32> -> vector<32xbf16>
        %parallel_loop3A_642 = vector.bitcast %parallel_loop3A_641 : vector<32xbf16> to vector<16xi32>
        %parallel_loop3A_643 = arith.constant 16 : i32
        %parallel_loop3A_644 = vector.broadcast %parallel_loop3A_643 : i32 to vector<16xi32>
        %parallel_loop3A_645 = arith.shli %parallel_loop3A_470, %parallel_loop3A_644 : vector<16xi32>
        %parallel_loop3A_646 = vector.bitcast %parallel_loop3A_645 : vector<16xi32> to vector<16xf32>
        %parallel_loop3A_647 = vector.broadcast %scan3A_36 : i32 to vector<16xi32>
        %parallel_loop3A_648 = arith.andi %parallel_loop3A_470, %parallel_loop3A_647 : vector<16xi32>
        %parallel_loop3A_649 = vector.bitcast %parallel_loop3A_648 : vector<16xi32> to vector<16xf32>
        %parallel_loop3A_650 = arith.constant 16 : i32
        %parallel_loop3A_651 = vector.broadcast %parallel_loop3A_650 : i32 to vector<16xi32>
        %parallel_loop3A_652 = arith.shli %parallel_loop3A_502, %parallel_loop3A_651 : vector<16xi32>
        %parallel_loop3A_653 = vector.bitcast %parallel_loop3A_652 : vector<16xi32> to vector<16xf32>
        %parallel_loop3A_654 = vector.broadcast %scan3A_36 : i32 to vector<16xi32>
        %parallel_loop3A_655 = arith.andi %parallel_loop3A_502, %parallel_loop3A_654 : vector<16xi32>
        %parallel_loop3A_656 = vector.bitcast %parallel_loop3A_655 : vector<16xi32> to vector<16xf32>
        %parallel_loop3A_657 = arith.mulf %parallel_loop3A_117, %parallel_loop3A_653 : vector<16xf32>
        %parallel_loop3A_658 = arith.addf %parallel_loop3A_646, %parallel_loop3A_657 : vector<16xf32>
        %parallel_loop3A_659 = arith.mulf %parallel_loop3A_117, %parallel_loop3A_656 : vector<16xf32>
        %parallel_loop3A_660 = arith.addf %parallel_loop3A_649, %parallel_loop3A_659 : vector<16xf32>
        %parallel_loop3A_661 = tpu.pack_subelements %parallel_loop3A_658, %parallel_loop3A_660 {pack_format = #tpu.pack_format<interleaved>, positions = array<i32: 0, 1>} : vector<16xf32>, vector<16xf32> -> vector<32xbf16>
        %parallel_loop3A_662 = vector.bitcast %parallel_loop3A_661 : vector<32xbf16> to vector<16xi32>
        %parallel_loop3A_663 = arith.constant 8 : i32
        %parallel_loop3A_664 = vector.broadcast %parallel_loop3A_663 : i32 to vector<16xi32>
        %parallel_loop3A_665 = arith.addi %parallel_loop3A_190, %parallel_loop3A_664 : vector<16xi32>
        tpu.vector_store_idx %arg15[%parallel_loop3A_665], %parallel_loop3A_522 : memref<40960xi32, #tpu.memory_space<vmem>>[vector<16xi32>], vector<16xi32>,
        %parallel_loop3A_666 = arith.constant 9 : i32
        %parallel_loop3A_667 = vector.broadcast %parallel_loop3A_666 : i32 to vector<16xi32>
        %parallel_loop3A_668 = arith.addi %parallel_loop3A_190, %parallel_loop3A_667 : vector<16xi32>
        tpu.vector_store_idx %arg15[%parallel_loop3A_668], %parallel_loop3A_542 : memref<40960xi32, #tpu.memory_space<vmem>>[vector<16xi32>], vector<16xi32>,
        %parallel_loop3A_669 = arith.constant 10 : i32
        %parallel_loop3A_670 = vector.broadcast %parallel_loop3A_669 : i32 to vector<16xi32>
        %parallel_loop3A_671 = arith.addi %parallel_loop3A_190, %parallel_loop3A_670 : vector<16xi32>
        tpu.vector_store_idx %arg15[%parallel_loop3A_671], %parallel_loop3A_562 : memref<40960xi32, #tpu.memory_space<vmem>>[vector<16xi32>], vector<16xi32>,
        %parallel_loop3A_672 = arith.constant 11 : i32
        %parallel_loop3A_673 = vector.broadcast %parallel_loop3A_672 : i32 to vector<16xi32>
        %parallel_loop3A_674 = arith.addi %parallel_loop3A_190, %parallel_loop3A_673 : vector<16xi32>
        tpu.vector_store_idx %arg15[%parallel_loop3A_674], %parallel_loop3A_582 : memref<40960xi32, #tpu.memory_space<vmem>>[vector<16xi32>], vector<16xi32>,
        %parallel_loop3A_675 = arith.constant 12 : i32
        %parallel_loop3A_676 = vector.broadcast %parallel_loop3A_675 : i32 to vector<16xi32>
        %parallel_loop3A_677 = arith.addi %parallel_loop3A_190, %parallel_loop3A_676 : vector<16xi32>
        tpu.vector_store_idx %arg15[%parallel_loop3A_677], %parallel_loop3A_602 : memref<40960xi32, #tpu.memory_space<vmem>>[vector<16xi32>], vector<16xi32>,
        %parallel_loop3A_678 = arith.constant 13 : i32
        %parallel_loop3A_679 = vector.broadcast %parallel_loop3A_678 : i32 to vector<16xi32>
        %parallel_loop3A_680 = arith.addi %parallel_loop3A_190, %parallel_loop3A_679 : vector<16xi32>
        tpu.vector_store_idx %arg15[%parallel_loop3A_680], %parallel_loop3A_622 : memref<40960xi32, #tpu.memory_space<vmem>>[vector<16xi32>], vector<16xi32>,
        %parallel_loop3A_681 = arith.constant 14 : i32
        %parallel_loop3A_682 = vector.broadcast %parallel_loop3A_681 : i32 to vector<16xi32>
        %parallel_loop3A_683 = arith.addi %parallel_loop3A_190, %parallel_loop3A_682 : vector<16xi32>
        tpu.vector_store_idx %arg15[%parallel_loop3A_683], %parallel_loop3A_642 : memref<40960xi32, #tpu.memory_space<vmem>>[vector<16xi32>], vector<16xi32>,
        %parallel_loop3A_684 = arith.constant 15 : i32
        %parallel_loop3A_685 = vector.broadcast %parallel_loop3A_684 : i32 to vector<16xi32>
        %parallel_loop3A_686 = arith.addi %parallel_loop3A_190, %parallel_loop3A_685 : vector<16xi32>
        tpu.vector_store_idx %arg15[%parallel_loop3A_686], %parallel_loop3A_662 : memref<40960xi32, #tpu.memory_space<vmem>>[vector<16xi32>], vector<16xi32>,
        %parallel_loop3A_687 = arith.constant 16 : i32
        %parallel_loop3A_688 = vector.broadcast %parallel_loop3A_687 : i32 to vector<16xi32>
        %parallel_loop3A_689 = arith.addi %parallel_loop3A_183, %parallel_loop3A_688 : vector<16xi32>
        %parallel_loop3A_690 = tpu.vector_load_idx %arg17[%parallel_loop3A_689] : memref<11520xi32, #tpu.memory_space<vmem>>[vector<16xi32>], vector<16xi32>,
        %parallel_loop3A_691 = arith.constant 17 : i32
        %parallel_loop3A_692 = vector.broadcast %parallel_loop3A_691 : i32 to vector<16xi32>
        %parallel_loop3A_693 = arith.addi %parallel_loop3A_183, %parallel_loop3A_692 : vector<16xi32>
        %parallel_loop3A_694 = tpu.vector_load_idx %arg17[%parallel_loop3A_693] : memref<11520xi32, #tpu.memory_space<vmem>>[vector<16xi32>], vector<16xi32>,
        %parallel_loop3A_695 = arith.constant 18 : i32
        %parallel_loop3A_696 = vector.broadcast %parallel_loop3A_695 : i32 to vector<16xi32>
        %parallel_loop3A_697 = arith.addi %parallel_loop3A_183, %parallel_loop3A_696 : vector<16xi32>
        %parallel_loop3A_698 = tpu.vector_load_idx %arg17[%parallel_loop3A_697] : memref<11520xi32, #tpu.memory_space<vmem>>[vector<16xi32>], vector<16xi32>,
        %parallel_loop3A_699 = arith.constant 19 : i32
        %parallel_loop3A_700 = vector.broadcast %parallel_loop3A_699 : i32 to vector<16xi32>
        %parallel_loop3A_701 = arith.addi %parallel_loop3A_183, %parallel_loop3A_700 : vector<16xi32>
        %parallel_loop3A_702 = tpu.vector_load_idx %arg17[%parallel_loop3A_701] : memref<11520xi32, #tpu.memory_space<vmem>>[vector<16xi32>], vector<16xi32>,
        %parallel_loop3A_703 = arith.constant 20 : i32
        %parallel_loop3A_704 = vector.broadcast %parallel_loop3A_703 : i32 to vector<16xi32>
        %parallel_loop3A_705 = arith.addi %parallel_loop3A_183, %parallel_loop3A_704 : vector<16xi32>
        %parallel_loop3A_706 = tpu.vector_load_idx %arg17[%parallel_loop3A_705] : memref<11520xi32, #tpu.memory_space<vmem>>[vector<16xi32>], vector<16xi32>,
        %parallel_loop3A_707 = arith.constant 21 : i32
        %parallel_loop3A_708 = vector.broadcast %parallel_loop3A_707 : i32 to vector<16xi32>
        %parallel_loop3A_709 = arith.addi %parallel_loop3A_183, %parallel_loop3A_708 : vector<16xi32>
        %parallel_loop3A_710 = tpu.vector_load_idx %arg17[%parallel_loop3A_709] : memref<11520xi32, #tpu.memory_space<vmem>>[vector<16xi32>], vector<16xi32>,
        %parallel_loop3A_711 = arith.constant 22 : i32
        %parallel_loop3A_712 = vector.broadcast %parallel_loop3A_711 : i32 to vector<16xi32>
        %parallel_loop3A_713 = arith.addi %parallel_loop3A_183, %parallel_loop3A_712 : vector<16xi32>
        %parallel_loop3A_714 = tpu.vector_load_idx %arg17[%parallel_loop3A_713] : memref<11520xi32, #tpu.memory_space<vmem>>[vector<16xi32>], vector<16xi32>,
        %parallel_loop3A_715 = arith.constant 23 : i32
        %parallel_loop3A_716 = vector.broadcast %parallel_loop3A_715 : i32 to vector<16xi32>
        %parallel_loop3A_717 = arith.addi %parallel_loop3A_183, %parallel_loop3A_716 : vector<16xi32>
        %parallel_loop3A_718 = tpu.vector_load_idx %arg17[%parallel_loop3A_717] : memref<11520xi32, #tpu.memory_space<vmem>>[vector<16xi32>], vector<16xi32>,
        %parallel_loop3A_719 = arith.constant 16 : i32
        %parallel_loop3A_720 = vector.broadcast %parallel_loop3A_719 : i32 to vector<16xi32>
        %parallel_loop3A_721 = arith.addi %parallel_loop3A_186, %parallel_loop3A_720 : vector<16xi32>
        %parallel_loop3A_722 = tpu.vector_load_idx %arg18[%parallel_loop3A_721] : memref<288xi32, #tpu.memory_space<vmem>>[vector<16xi32>], vector<16xi32>,
        %parallel_loop3A_723 = arith.constant 17 : i32
        %parallel_loop3A_724 = vector.broadcast %parallel_loop3A_723 : i32 to vector<16xi32>
        %parallel_loop3A_725 = arith.addi %parallel_loop3A_186, %parallel_loop3A_724 : vector<16xi32>
        %parallel_loop3A_726 = tpu.vector_load_idx %arg18[%parallel_loop3A_725] : memref<288xi32, #tpu.memory_space<vmem>>[vector<16xi32>], vector<16xi32>,
        %parallel_loop3A_727 = arith.constant 18 : i32
        %parallel_loop3A_728 = vector.broadcast %parallel_loop3A_727 : i32 to vector<16xi32>
        %parallel_loop3A_729 = arith.addi %parallel_loop3A_186, %parallel_loop3A_728 : vector<16xi32>
        %parallel_loop3A_730 = tpu.vector_load_idx %arg18[%parallel_loop3A_729] : memref<288xi32, #tpu.memory_space<vmem>>[vector<16xi32>], vector<16xi32>,
        %parallel_loop3A_731 = arith.constant 19 : i32
        %parallel_loop3A_732 = vector.broadcast %parallel_loop3A_731 : i32 to vector<16xi32>
        %parallel_loop3A_733 = arith.addi %parallel_loop3A_186, %parallel_loop3A_732 : vector<16xi32>
        %parallel_loop3A_734 = tpu.vector_load_idx %arg18[%parallel_loop3A_733] : memref<288xi32, #tpu.memory_space<vmem>>[vector<16xi32>], vector<16xi32>,
        %parallel_loop3A_735 = arith.constant 20 : i32
        %parallel_loop3A_736 = vector.broadcast %parallel_loop3A_735 : i32 to vector<16xi32>
        %parallel_loop3A_737 = arith.addi %parallel_loop3A_186, %parallel_loop3A_736 : vector<16xi32>
        %parallel_loop3A_738 = tpu.vector_load_idx %arg18[%parallel_loop3A_737] : memref<288xi32, #tpu.memory_space<vmem>>[vector<16xi32>], vector<16xi32>,
        %parallel_loop3A_739 = arith.constant 21 : i32
        %parallel_loop3A_740 = vector.broadcast %parallel_loop3A_739 : i32 to vector<16xi32>
        %parallel_loop3A_741 = arith.addi %parallel_loop3A_186, %parallel_loop3A_740 : vector<16xi32>
        %parallel_loop3A_742 = tpu.vector_load_idx %arg18[%parallel_loop3A_741] : memref<288xi32, #tpu.memory_space<vmem>>[vector<16xi32>], vector<16xi32>,
        %parallel_loop3A_743 = arith.constant 22 : i32
        %parallel_loop3A_744 = vector.broadcast %parallel_loop3A_743 : i32 to vector<16xi32>
        %parallel_loop3A_745 = arith.addi %parallel_loop3A_186, %parallel_loop3A_744 : vector<16xi32>
        %parallel_loop3A_746 = tpu.vector_load_idx %arg18[%parallel_loop3A_745] : memref<288xi32, #tpu.memory_space<vmem>>[vector<16xi32>], vector<16xi32>,
        %parallel_loop3A_747 = arith.constant 23 : i32
        %parallel_loop3A_748 = vector.broadcast %parallel_loop3A_747 : i32 to vector<16xi32>
        %parallel_loop3A_749 = arith.addi %parallel_loop3A_186, %parallel_loop3A_748 : vector<16xi32>
        %parallel_loop3A_750 = tpu.vector_load_idx %arg18[%parallel_loop3A_749] : memref<288xi32, #tpu.memory_space<vmem>>[vector<16xi32>], vector<16xi32>,
        %parallel_loop3A_751 = arith.constant 16 : i32
        %parallel_loop3A_752 = vector.broadcast %parallel_loop3A_751 : i32 to vector<16xi32>
        %parallel_loop3A_753 = arith.shli %parallel_loop3A_690, %parallel_loop3A_752 : vector<16xi32>
        %parallel_loop3A_754 = vector.bitcast %parallel_loop3A_753 : vector<16xi32> to vector<16xf32>
        %parallel_loop3A_755 = vector.broadcast %scan3A_36 : i32 to vector<16xi32>
        %parallel_loop3A_756 = arith.andi %parallel_loop3A_690, %parallel_loop3A_755 : vector<16xi32>
        %parallel_loop3A_757 = vector.bitcast %parallel_loop3A_756 : vector<16xi32> to vector<16xf32>
        %parallel_loop3A_758 = arith.constant 16 : i32
        %parallel_loop3A_759 = vector.broadcast %parallel_loop3A_758 : i32 to vector<16xi32>
        %parallel_loop3A_760 = arith.shli %parallel_loop3A_722, %parallel_loop3A_759 : vector<16xi32>
        %parallel_loop3A_761 = vector.bitcast %parallel_loop3A_760 : vector<16xi32> to vector<16xf32>
        %parallel_loop3A_762 = vector.broadcast %scan3A_36 : i32 to vector<16xi32>
        %parallel_loop3A_763 = arith.andi %parallel_loop3A_722, %parallel_loop3A_762 : vector<16xi32>
        %parallel_loop3A_764 = vector.bitcast %parallel_loop3A_763 : vector<16xi32> to vector<16xf32>
        %parallel_loop3A_765 = arith.mulf %parallel_loop3A_117, %parallel_loop3A_761 : vector<16xf32>
        %parallel_loop3A_766 = arith.addf %parallel_loop3A_754, %parallel_loop3A_765 : vector<16xf32>
        %parallel_loop3A_767 = arith.mulf %parallel_loop3A_117, %parallel_loop3A_764 : vector<16xf32>
        %parallel_loop3A_768 = arith.addf %parallel_loop3A_757, %parallel_loop3A_767 : vector<16xf32>
        %parallel_loop3A_769 = tpu.pack_subelements %parallel_loop3A_766, %parallel_loop3A_768 {pack_format = #tpu.pack_format<interleaved>, positions = array<i32: 0, 1>} : vector<16xf32>, vector<16xf32> -> vector<32xbf16>
        %parallel_loop3A_770 = vector.bitcast %parallel_loop3A_769 : vector<32xbf16> to vector<16xi32>
        %parallel_loop3A_771 = arith.constant 16 : i32
        %parallel_loop3A_772 = vector.broadcast %parallel_loop3A_771 : i32 to vector<16xi32>
        %parallel_loop3A_773 = arith.shli %parallel_loop3A_694, %parallel_loop3A_772 : vector<16xi32>
        %parallel_loop3A_774 = vector.bitcast %parallel_loop3A_773 : vector<16xi32> to vector<16xf32>
        %parallel_loop3A_775 = vector.broadcast %scan3A_36 : i32 to vector<16xi32>
        %parallel_loop3A_776 = arith.andi %parallel_loop3A_694, %parallel_loop3A_775 : vector<16xi32>
        %parallel_loop3A_777 = vector.bitcast %parallel_loop3A_776 : vector<16xi32> to vector<16xf32>
        %parallel_loop3A_778 = arith.constant 16 : i32
        %parallel_loop3A_779 = vector.broadcast %parallel_loop3A_778 : i32 to vector<16xi32>
        %parallel_loop3A_780 = arith.shli %parallel_loop3A_726, %parallel_loop3A_779 : vector<16xi32>
        %parallel_loop3A_781 = vector.bitcast %parallel_loop3A_780 : vector<16xi32> to vector<16xf32>
        %parallel_loop3A_782 = vector.broadcast %scan3A_36 : i32 to vector<16xi32>
        %parallel_loop3A_783 = arith.andi %parallel_loop3A_726, %parallel_loop3A_782 : vector<16xi32>
        %parallel_loop3A_784 = vector.bitcast %parallel_loop3A_783 : vector<16xi32> to vector<16xf32>
        %parallel_loop3A_785 = arith.mulf %parallel_loop3A_117, %parallel_loop3A_781 : vector<16xf32>
        %parallel_loop3A_786 = arith.addf %parallel_loop3A_774, %parallel_loop3A_785 : vector<16xf32>
        %parallel_loop3A_787 = arith.mulf %parallel_loop3A_117, %parallel_loop3A_784 : vector<16xf32>
        %parallel_loop3A_788 = arith.addf %parallel_loop3A_777, %parallel_loop3A_787 : vector<16xf32>
        %parallel_loop3A_789 = tpu.pack_subelements %parallel_loop3A_786, %parallel_loop3A_788 {pack_format = #tpu.pack_format<interleaved>, positions = array<i32: 0, 1>} : vector<16xf32>, vector<16xf32> -> vector<32xbf16>
        %parallel_loop3A_790 = vector.bitcast %parallel_loop3A_789 : vector<32xbf16> to vector<16xi32>
        %parallel_loop3A_791 = arith.constant 16 : i32
        %parallel_loop3A_792 = vector.broadcast %parallel_loop3A_791 : i32 to vector<16xi32>
        %parallel_loop3A_793 = arith.shli %parallel_loop3A_698, %parallel_loop3A_792 : vector<16xi32>
        %parallel_loop3A_794 = vector.bitcast %parallel_loop3A_793 : vector<16xi32> to vector<16xf32>
        %parallel_loop3A_795 = vector.broadcast %scan3A_36 : i32 to vector<16xi32>
        %parallel_loop3A_796 = arith.andi %parallel_loop3A_698, %parallel_loop3A_795 : vector<16xi32>
        %parallel_loop3A_797 = vector.bitcast %parallel_loop3A_796 : vector<16xi32> to vector<16xf32>
        %parallel_loop3A_798 = arith.constant 16 : i32
        %parallel_loop3A_799 = vector.broadcast %parallel_loop3A_798 : i32 to vector<16xi32>
        %parallel_loop3A_800 = arith.shli %parallel_loop3A_730, %parallel_loop3A_799 : vector<16xi32>
        %parallel_loop3A_801 = vector.bitcast %parallel_loop3A_800 : vector<16xi32> to vector<16xf32>
        %parallel_loop3A_802 = vector.broadcast %scan3A_36 : i32 to vector<16xi32>
        %parallel_loop3A_803 = arith.andi %parallel_loop3A_730, %parallel_loop3A_802 : vector<16xi32>
        %parallel_loop3A_804 = vector.bitcast %parallel_loop3A_803 : vector<16xi32> to vector<16xf32>
        %parallel_loop3A_805 = arith.mulf %parallel_loop3A_117, %parallel_loop3A_801 : vector<16xf32>
        %parallel_loop3A_806 = arith.addf %parallel_loop3A_794, %parallel_loop3A_805 : vector<16xf32>
        %parallel_loop3A_807 = arith.mulf %parallel_loop3A_117, %parallel_loop3A_804 : vector<16xf32>
        %parallel_loop3A_808 = arith.addf %parallel_loop3A_797, %parallel_loop3A_807 : vector<16xf32>
        %parallel_loop3A_809 = tpu.pack_subelements %parallel_loop3A_806, %parallel_loop3A_808 {pack_format = #tpu.pack_format<interleaved>, positions = array<i32: 0, 1>} : vector<16xf32>, vector<16xf32> -> vector<32xbf16>
        %parallel_loop3A_810 = vector.bitcast %parallel_loop3A_809 : vector<32xbf16> to vector<16xi32>
        %parallel_loop3A_811 = arith.constant 16 : i32
        %parallel_loop3A_812 = vector.broadcast %parallel_loop3A_811 : i32 to vector<16xi32>
        %parallel_loop3A_813 = arith.shli %parallel_loop3A_702, %parallel_loop3A_812 : vector<16xi32>
        %parallel_loop3A_814 = vector.bitcast %parallel_loop3A_813 : vector<16xi32> to vector<16xf32>
        %parallel_loop3A_815 = vector.broadcast %scan3A_36 : i32 to vector<16xi32>
        %parallel_loop3A_816 = arith.andi %parallel_loop3A_702, %parallel_loop3A_815 : vector<16xi32>
        %parallel_loop3A_817 = vector.bitcast %parallel_loop3A_816 : vector<16xi32> to vector<16xf32>
        %parallel_loop3A_818 = arith.constant 16 : i32
        %parallel_loop3A_819 = vector.broadcast %parallel_loop3A_818 : i32 to vector<16xi32>
        %parallel_loop3A_820 = arith.shli %parallel_loop3A_734, %parallel_loop3A_819 : vector<16xi32>
        %parallel_loop3A_821 = vector.bitcast %parallel_loop3A_820 : vector<16xi32> to vector<16xf32>
        %parallel_loop3A_822 = vector.broadcast %scan3A_36 : i32 to vector<16xi32>
        %parallel_loop3A_823 = arith.andi %parallel_loop3A_734, %parallel_loop3A_822 : vector<16xi32>
        %parallel_loop3A_824 = vector.bitcast %parallel_loop3A_823 : vector<16xi32> to vector<16xf32>
        %parallel_loop3A_825 = arith.mulf %parallel_loop3A_117, %parallel_loop3A_821 : vector<16xf32>
        %parallel_loop3A_826 = arith.addf %parallel_loop3A_814, %parallel_loop3A_825 : vector<16xf32>
        %parallel_loop3A_827 = arith.mulf %parallel_loop3A_117, %parallel_loop3A_824 : vector<16xf32>
        %parallel_loop3A_828 = arith.addf %parallel_loop3A_817, %parallel_loop3A_827 : vector<16xf32>
        %parallel_loop3A_829 = tpu.pack_subelements %parallel_loop3A_826, %parallel_loop3A_828 {pack_format = #tpu.pack_format<interleaved>, positions = array<i32: 0, 1>} : vector<16xf32>, vector<16xf32> -> vector<32xbf16>
        %parallel_loop3A_830 = vector.bitcast %parallel_loop3A_829 : vector<32xbf16> to vector<16xi32>
        %parallel_loop3A_831 = arith.constant 16 : i32
        %parallel_loop3A_832 = vector.broadcast %parallel_loop3A_831 : i32 to vector<16xi32>
        %parallel_loop3A_833 = arith.shli %parallel_loop3A_706, %parallel_loop3A_832 : vector<16xi32>
        %parallel_loop3A_834 = vector.bitcast %parallel_loop3A_833 : vector<16xi32> to vector<16xf32>
        %parallel_loop3A_835 = vector.broadcast %scan3A_36 : i32 to vector<16xi32>
        %parallel_loop3A_836 = arith.andi %parallel_loop3A_706, %parallel_loop3A_835 : vector<16xi32>
        %parallel_loop3A_837 = vector.bitcast %parallel_loop3A_836 : vector<16xi32> to vector<16xf32>
        %parallel_loop3A_838 = arith.constant 16 : i32
        %parallel_loop3A_839 = vector.broadcast %parallel_loop3A_838 : i32 to vector<16xi32>
        %parallel_loop3A_840 = arith.shli %parallel_loop3A_738, %parallel_loop3A_839 : vector<16xi32>
        %parallel_loop3A_841 = vector.bitcast %parallel_loop3A_840 : vector<16xi32> to vector<16xf32>
        %parallel_loop3A_842 = vector.broadcast %scan3A_36 : i32 to vector<16xi32>
        %parallel_loop3A_843 = arith.andi %parallel_loop3A_738, %parallel_loop3A_842 : vector<16xi32>
        %parallel_loop3A_844 = vector.bitcast %parallel_loop3A_843 : vector<16xi32> to vector<16xf32>
        %parallel_loop3A_845 = arith.mulf %parallel_loop3A_117, %parallel_loop3A_841 : vector<16xf32>
        %parallel_loop3A_846 = arith.addf %parallel_loop3A_834, %parallel_loop3A_845 : vector<16xf32>
        %parallel_loop3A_847 = arith.mulf %parallel_loop3A_117, %parallel_loop3A_844 : vector<16xf32>
        %parallel_loop3A_848 = arith.addf %parallel_loop3A_837, %parallel_loop3A_847 : vector<16xf32>
        %parallel_loop3A_849 = tpu.pack_subelements %parallel_loop3A_846, %parallel_loop3A_848 {pack_format = #tpu.pack_format<interleaved>, positions = array<i32: 0, 1>} : vector<16xf32>, vector<16xf32> -> vector<32xbf16>
        %parallel_loop3A_850 = vector.bitcast %parallel_loop3A_849 : vector<32xbf16> to vector<16xi32>
        %parallel_loop3A_851 = arith.constant 16 : i32
        %parallel_loop3A_852 = vector.broadcast %parallel_loop3A_851 : i32 to vector<16xi32>
        %parallel_loop3A_853 = arith.shli %parallel_loop3A_710, %parallel_loop3A_852 : vector<16xi32>
        %parallel_loop3A_854 = vector.bitcast %parallel_loop3A_853 : vector<16xi32> to vector<16xf32>
        %parallel_loop3A_855 = vector.broadcast %scan3A_36 : i32 to vector<16xi32>
        %parallel_loop3A_856 = arith.andi %parallel_loop3A_710, %parallel_loop3A_855 : vector<16xi32>
        %parallel_loop3A_857 = vector.bitcast %parallel_loop3A_856 : vector<16xi32> to vector<16xf32>
        %parallel_loop3A_858 = arith.constant 16 : i32
        %parallel_loop3A_859 = vector.broadcast %parallel_loop3A_858 : i32 to vector<16xi32>
        %parallel_loop3A_860 = arith.shli %parallel_loop3A_742, %parallel_loop3A_859 : vector<16xi32>
        %parallel_loop3A_861 = vector.bitcast %parallel_loop3A_860 : vector<16xi32> to vector<16xf32>
        %parallel_loop3A_862 = vector.broadcast %scan3A_36 : i32 to vector<16xi32>
        %parallel_loop3A_863 = arith.andi %parallel_loop3A_742, %parallel_loop3A_862 : vector<16xi32>
        %parallel_loop3A_864 = vector.bitcast %parallel_loop3A_863 : vector<16xi32> to vector<16xf32>
        %parallel_loop3A_865 = arith.mulf %parallel_loop3A_117, %parallel_loop3A_861 : vector<16xf32>
        %parallel_loop3A_866 = arith.addf %parallel_loop3A_854, %parallel_loop3A_865 : vector<16xf32>
        %parallel_loop3A_867 = arith.mulf %parallel_loop3A_117, %parallel_loop3A_864 : vector<16xf32>
        %parallel_loop3A_868 = arith.addf %parallel_loop3A_857, %parallel_loop3A_867 : vector<16xf32>
        %parallel_loop3A_869 = tpu.pack_subelements %parallel_loop3A_866, %parallel_loop3A_868 {pack_format = #tpu.pack_format<interleaved>, positions = array<i32: 0, 1>} : vector<16xf32>, vector<16xf32> -> vector<32xbf16>
        %parallel_loop3A_870 = vector.bitcast %parallel_loop3A_869 : vector<32xbf16> to vector<16xi32>
        %parallel_loop3A_871 = arith.constant 16 : i32
        %parallel_loop3A_872 = vector.broadcast %parallel_loop3A_871 : i32 to vector<16xi32>
        %parallel_loop3A_873 = arith.shli %parallel_loop3A_714, %parallel_loop3A_872 : vector<16xi32>
        %parallel_loop3A_874 = vector.bitcast %parallel_loop3A_873 : vector<16xi32> to vector<16xf32>
        %parallel_loop3A_875 = vector.broadcast %scan3A_36 : i32 to vector<16xi32>
        %parallel_loop3A_876 = arith.andi %parallel_loop3A_714, %parallel_loop3A_875 : vector<16xi32>
        %parallel_loop3A_877 = vector.bitcast %parallel_loop3A_876 : vector<16xi32> to vector<16xf32>
        %parallel_loop3A_878 = arith.constant 16 : i32
        %parallel_loop3A_879 = vector.broadcast %parallel_loop3A_878 : i32 to vector<16xi32>
        %parallel_loop3A_880 = arith.shli %parallel_loop3A_746, %parallel_loop3A_879 : vector<16xi32>
        %parallel_loop3A_881 = vector.bitcast %parallel_loop3A_880 : vector<16xi32> to vector<16xf32>
        %parallel_loop3A_882 = vector.broadcast %scan3A_36 : i32 to vector<16xi32>
        %parallel_loop3A_883 = arith.andi %parallel_loop3A_746, %parallel_loop3A_882 : vector<16xi32>
        %parallel_loop3A_884 = vector.bitcast %parallel_loop3A_883 : vector<16xi32> to vector<16xf32>
        %parallel_loop3A_885 = arith.mulf %parallel_loop3A_117, %parallel_loop3A_881 : vector<16xf32>
        %parallel_loop3A_886 = arith.addf %parallel_loop3A_874, %parallel_loop3A_885 : vector<16xf32>
        %parallel_loop3A_887 = arith.mulf %parallel_loop3A_117, %parallel_loop3A_884 : vector<16xf32>
        %parallel_loop3A_888 = arith.addf %parallel_loop3A_877, %parallel_loop3A_887 : vector<16xf32>
        %parallel_loop3A_889 = tpu.pack_subelements %parallel_loop3A_886, %parallel_loop3A_888 {pack_format = #tpu.pack_format<interleaved>, positions = array<i32: 0, 1>} : vector<16xf32>, vector<16xf32> -> vector<32xbf16>
        %parallel_loop3A_890 = vector.bitcast %parallel_loop3A_889 : vector<32xbf16> to vector<16xi32>
        %parallel_loop3A_891 = arith.constant 16 : i32
        %parallel_loop3A_892 = vector.broadcast %parallel_loop3A_891 : i32 to vector<16xi32>
        %parallel_loop3A_893 = arith.shli %parallel_loop3A_718, %parallel_loop3A_892 : vector<16xi32>
        %parallel_loop3A_894 = vector.bitcast %parallel_loop3A_893 : vector<16xi32> to vector<16xf32>
        %parallel_loop3A_895 = vector.broadcast %scan3A_36 : i32 to vector<16xi32>
        %parallel_loop3A_896 = arith.andi %parallel_loop3A_718, %parallel_loop3A_895 : vector<16xi32>
        %parallel_loop3A_897 = vector.bitcast %parallel_loop3A_896 : vector<16xi32> to vector<16xf32>
        %parallel_loop3A_898 = arith.constant 16 : i32
        %parallel_loop3A_899 = vector.broadcast %parallel_loop3A_898 : i32 to vector<16xi32>
        %parallel_loop3A_900 = arith.shli %parallel_loop3A_750, %parallel_loop3A_899 : vector<16xi32>
        %parallel_loop3A_901 = vector.bitcast %parallel_loop3A_900 : vector<16xi32> to vector<16xf32>
        %parallel_loop3A_902 = vector.broadcast %scan3A_36 : i32 to vector<16xi32>
        %parallel_loop3A_903 = arith.andi %parallel_loop3A_750, %parallel_loop3A_902 : vector<16xi32>
        %parallel_loop3A_904 = vector.bitcast %parallel_loop3A_903 : vector<16xi32> to vector<16xf32>
        %parallel_loop3A_905 = arith.mulf %parallel_loop3A_117, %parallel_loop3A_901 : vector<16xf32>
        %parallel_loop3A_906 = arith.addf %parallel_loop3A_894, %parallel_loop3A_905 : vector<16xf32>
        %parallel_loop3A_907 = arith.mulf %parallel_loop3A_117, %parallel_loop3A_904 : vector<16xf32>
        %parallel_loop3A_908 = arith.addf %parallel_loop3A_897, %parallel_loop3A_907 : vector<16xf32>
        %parallel_loop3A_909 = tpu.pack_subelements %parallel_loop3A_906, %parallel_loop3A_908 {pack_format = #tpu.pack_format<interleaved>, positions = array<i32: 0, 1>} : vector<16xf32>, vector<16xf32> -> vector<32xbf16>
        %parallel_loop3A_910 = vector.bitcast %parallel_loop3A_909 : vector<32xbf16> to vector<16xi32>
        %parallel_loop3A_911 = arith.constant 16 : i32
        %parallel_loop3A_912 = vector.broadcast %parallel_loop3A_911 : i32 to vector<16xi32>
        %parallel_loop3A_913 = arith.addi %parallel_loop3A_190, %parallel_loop3A_912 : vector<16xi32>
        tpu.vector_store_idx %arg15[%parallel_loop3A_913], %parallel_loop3A_770 : memref<40960xi32, #tpu.memory_space<vmem>>[vector<16xi32>], vector<16xi32>,
        %parallel_loop3A_914 = arith.constant 17 : i32
        %parallel_loop3A_915 = vector.broadcast %parallel_loop3A_914 : i32 to vector<16xi32>
        %parallel_loop3A_916 = arith.addi %parallel_loop3A_190, %parallel_loop3A_915 : vector<16xi32>
        tpu.vector_store_idx %arg15[%parallel_loop3A_916], %parallel_loop3A_790 : memref<40960xi32, #tpu.memory_space<vmem>>[vector<16xi32>], vector<16xi32>,
        %parallel_loop3A_917 = arith.constant 18 : i32
        %parallel_loop3A_918 = vector.broadcast %parallel_loop3A_917 : i32 to vector<16xi32>
        %parallel_loop3A_919 = arith.addi %parallel_loop3A_190, %parallel_loop3A_918 : vector<16xi32>
        tpu.vector_store_idx %arg15[%parallel_loop3A_919], %parallel_loop3A_810 : memref<40960xi32, #tpu.memory_space<vmem>>[vector<16xi32>], vector<16xi32>,
        %parallel_loop3A_920 = arith.constant 19 : i32
        %parallel_loop3A_921 = vector.broadcast %parallel_loop3A_920 : i32 to vector<16xi32>
        %parallel_loop3A_922 = arith.addi %parallel_loop3A_190, %parallel_loop3A_921 : vector<16xi32>
        tpu.vector_store_idx %arg15[%parallel_loop3A_922], %parallel_loop3A_830 : memref<40960xi32, #tpu.memory_space<vmem>>[vector<16xi32>], vector<16xi32>,
        %parallel_loop3A_923 = arith.constant 20 : i32
        %parallel_loop3A_924 = vector.broadcast %parallel_loop3A_923 : i32 to vector<16xi32>
        %parallel_loop3A_925 = arith.addi %parallel_loop3A_190, %parallel_loop3A_924 : vector<16xi32>
        tpu.vector_store_idx %arg15[%parallel_loop3A_925], %parallel_loop3A_850 : memref<40960xi32, #tpu.memory_space<vmem>>[vector<16xi32>], vector<16xi32>,
        %parallel_loop3A_926 = arith.constant 21 : i32
        %parallel_loop3A_927 = vector.broadcast %parallel_loop3A_926 : i32 to vector<16xi32>
        %parallel_loop3A_928 = arith.addi %parallel_loop3A_190, %parallel_loop3A_927 : vector<16xi32>
        tpu.vector_store_idx %arg15[%parallel_loop3A_928], %parallel_loop3A_870 : memref<40960xi32, #tpu.memory_space<vmem>>[vector<16xi32>], vector<16xi32>,
        %parallel_loop3A_929 = arith.constant 22 : i32
        %parallel_loop3A_930 = vector.broadcast %parallel_loop3A_929 : i32 to vector<16xi32>
        %parallel_loop3A_931 = arith.addi %parallel_loop3A_190, %parallel_loop3A_930 : vector<16xi32>
        tpu.vector_store_idx %arg15[%parallel_loop3A_931], %parallel_loop3A_890 : memref<40960xi32, #tpu.memory_space<vmem>>[vector<16xi32>], vector<16xi32>,
        %parallel_loop3A_932 = arith.constant 23 : i32
        %parallel_loop3A_933 = vector.broadcast %parallel_loop3A_932 : i32 to vector<16xi32>
        %parallel_loop3A_934 = arith.addi %parallel_loop3A_190, %parallel_loop3A_933 : vector<16xi32>
        tpu.vector_store_idx %arg15[%parallel_loop3A_934], %parallel_loop3A_910 : memref<40960xi32, #tpu.memory_space<vmem>>[vector<16xi32>], vector<16xi32>,
        %parallel_loop3A_935 = arith.constant 24 : i32
        %parallel_loop3A_936 = vector.broadcast %parallel_loop3A_935 : i32 to vector<16xi32>
        %parallel_loop3A_937 = arith.addi %parallel_loop3A_183, %parallel_loop3A_936 : vector<16xi32>
        %parallel_loop3A_938 = tpu.vector_load_idx %arg17[%parallel_loop3A_937] : memref<11520xi32, #tpu.memory_space<vmem>>[vector<16xi32>], vector<16xi32>,
        %parallel_loop3A_939 = arith.constant 25 : i32
        %parallel_loop3A_940 = vector.broadcast %parallel_loop3A_939 : i32 to vector<16xi32>
        %parallel_loop3A_941 = arith.addi %parallel_loop3A_183, %parallel_loop3A_940 : vector<16xi32>
        %parallel_loop3A_942 = tpu.vector_load_idx %arg17[%parallel_loop3A_941] : memref<11520xi32, #tpu.memory_space<vmem>>[vector<16xi32>], vector<16xi32>,
        %parallel_loop3A_943 = arith.constant 26 : i32
        %parallel_loop3A_944 = vector.broadcast %parallel_loop3A_943 : i32 to vector<16xi32>
        %parallel_loop3A_945 = arith.addi %parallel_loop3A_183, %parallel_loop3A_944 : vector<16xi32>
        %parallel_loop3A_946 = tpu.vector_load_idx %arg17[%parallel_loop3A_945] : memref<11520xi32, #tpu.memory_space<vmem>>[vector<16xi32>], vector<16xi32>,
        %parallel_loop3A_947 = arith.constant 27 : i32
        %parallel_loop3A_948 = vector.broadcast %parallel_loop3A_947 : i32 to vector<16xi32>
        %parallel_loop3A_949 = arith.addi %parallel_loop3A_183, %parallel_loop3A_948 : vector<16xi32>
        %parallel_loop3A_950 = tpu.vector_load_idx %arg17[%parallel_loop3A_949] : memref<11520xi32, #tpu.memory_space<vmem>>[vector<16xi32>], vector<16xi32>,
        %parallel_loop3A_951 = arith.constant 28 : i32
        %parallel_loop3A_952 = vector.broadcast %parallel_loop3A_951 : i32 to vector<16xi32>
        %parallel_loop3A_953 = arith.addi %parallel_loop3A_183, %parallel_loop3A_952 : vector<16xi32>
        %parallel_loop3A_954 = tpu.vector_load_idx %arg17[%parallel_loop3A_953] : memref<11520xi32, #tpu.memory_space<vmem>>[vector<16xi32>], vector<16xi32>,
        %parallel_loop3A_955 = arith.constant 29 : i32
        %parallel_loop3A_956 = vector.broadcast %parallel_loop3A_955 : i32 to vector<16xi32>
        %parallel_loop3A_957 = arith.addi %parallel_loop3A_183, %parallel_loop3A_956 : vector<16xi32>
        %parallel_loop3A_958 = tpu.vector_load_idx %arg17[%parallel_loop3A_957] : memref<11520xi32, #tpu.memory_space<vmem>>[vector<16xi32>], vector<16xi32>,
        %parallel_loop3A_959 = arith.constant 30 : i32
        %parallel_loop3A_960 = vector.broadcast %parallel_loop3A_959 : i32 to vector<16xi32>
        %parallel_loop3A_961 = arith.addi %parallel_loop3A_183, %parallel_loop3A_960 : vector<16xi32>
        %parallel_loop3A_962 = tpu.vector_load_idx %arg17[%parallel_loop3A_961] : memref<11520xi32, #tpu.memory_space<vmem>>[vector<16xi32>], vector<16xi32>,
        %parallel_loop3A_963 = arith.constant 31 : i32
        %parallel_loop3A_964 = vector.broadcast %parallel_loop3A_963 : i32 to vector<16xi32>
        %parallel_loop3A_965 = arith.addi %parallel_loop3A_183, %parallel_loop3A_964 : vector<16xi32>
        %parallel_loop3A_966 = tpu.vector_load_idx %arg17[%parallel_loop3A_965] : memref<11520xi32, #tpu.memory_space<vmem>>[vector<16xi32>], vector<16xi32>,
        %parallel_loop3A_967 = arith.constant 24 : i32
        %parallel_loop3A_968 = vector.broadcast %parallel_loop3A_967 : i32 to vector<16xi32>
        %parallel_loop3A_969 = arith.addi %parallel_loop3A_186, %parallel_loop3A_968 : vector<16xi32>
        %parallel_loop3A_970 = tpu.vector_load_idx %arg18[%parallel_loop3A_969] : memref<288xi32, #tpu.memory_space<vmem>>[vector<16xi32>], vector<16xi32>,
        %parallel_loop3A_971 = arith.constant 25 : i32
        %parallel_loop3A_972 = vector.broadcast %parallel_loop3A_971 : i32 to vector<16xi32>
        %parallel_loop3A_973 = arith.addi %parallel_loop3A_186, %parallel_loop3A_972 : vector<16xi32>
        %parallel_loop3A_974 = tpu.vector_load_idx %arg18[%parallel_loop3A_973] : memref<288xi32, #tpu.memory_space<vmem>>[vector<16xi32>], vector<16xi32>,
        %parallel_loop3A_975 = arith.constant 26 : i32
        %parallel_loop3A_976 = vector.broadcast %parallel_loop3A_975 : i32 to vector<16xi32>
        %parallel_loop3A_977 = arith.addi %parallel_loop3A_186, %parallel_loop3A_976 : vector<16xi32>
        %parallel_loop3A_978 = tpu.vector_load_idx %arg18[%parallel_loop3A_977] : memref<288xi32, #tpu.memory_space<vmem>>[vector<16xi32>], vector<16xi32>,
        %parallel_loop3A_979 = arith.constant 27 : i32
        %parallel_loop3A_980 = vector.broadcast %parallel_loop3A_979 : i32 to vector<16xi32>
        %parallel_loop3A_981 = arith.addi %parallel_loop3A_186, %parallel_loop3A_980 : vector<16xi32>
        %parallel_loop3A_982 = tpu.vector_load_idx %arg18[%parallel_loop3A_981] : memref<288xi32, #tpu.memory_space<vmem>>[vector<16xi32>], vector<16xi32>,
        %parallel_loop3A_983 = arith.constant 28 : i32
        %parallel_loop3A_984 = vector.broadcast %parallel_loop3A_983 : i32 to vector<16xi32>
        %parallel_loop3A_985 = arith.addi %parallel_loop3A_186, %parallel_loop3A_984 : vector<16xi32>
        %parallel_loop3A_986 = tpu.vector_load_idx %arg18[%parallel_loop3A_985] : memref<288xi32, #tpu.memory_space<vmem>>[vector<16xi32>], vector<16xi32>,
        %parallel_loop3A_987 = arith.constant 29 : i32
        %parallel_loop3A_988 = vector.broadcast %parallel_loop3A_987 : i32 to vector<16xi32>
        %parallel_loop3A_989 = arith.addi %parallel_loop3A_186, %parallel_loop3A_988 : vector<16xi32>
        %parallel_loop3A_990 = tpu.vector_load_idx %arg18[%parallel_loop3A_989] : memref<288xi32, #tpu.memory_space<vmem>>[vector<16xi32>], vector<16xi32>,
        %parallel_loop3A_991 = arith.constant 30 : i32
        %parallel_loop3A_992 = vector.broadcast %parallel_loop3A_991 : i32 to vector<16xi32>
        %parallel_loop3A_993 = arith.addi %parallel_loop3A_186, %parallel_loop3A_992 : vector<16xi32>
        %parallel_loop3A_994 = tpu.vector_load_idx %arg18[%parallel_loop3A_993] : memref<288xi32, #tpu.memory_space<vmem>>[vector<16xi32>], vector<16xi32>,
        %parallel_loop3A_995 = arith.constant 31 : i32
        %parallel_loop3A_996 = vector.broadcast %parallel_loop3A_995 : i32 to vector<16xi32>
        %parallel_loop3A_997 = arith.addi %parallel_loop3A_186, %parallel_loop3A_996 : vector<16xi32>
        %parallel_loop3A_998 = tpu.vector_load_idx %arg18[%parallel_loop3A_997] : memref<288xi32, #tpu.memory_space<vmem>>[vector<16xi32>], vector<16xi32>,
        %parallel_loop3A_999 = arith.constant 16 : i32
        %parallel_loop3A_1000 = vector.broadcast %parallel_loop3A_999 : i32 to vector<16xi32>
        %parallel_loop3A_1001 = arith.shli %parallel_loop3A_938, %parallel_loop3A_1000 : vector<16xi32>
        %parallel_loop3A_1002 = vector.bitcast %parallel_loop3A_1001 : vector<16xi32> to vector<16xf32>
        %parallel_loop3A_1003 = vector.broadcast %scan3A_36 : i32 to vector<16xi32>
        %parallel_loop3A_1004 = arith.andi %parallel_loop3A_938, %parallel_loop3A_1003 : vector<16xi32>
        %parallel_loop3A_1005 = vector.bitcast %parallel_loop3A_1004 : vector<16xi32> to vector<16xf32>
        %parallel_loop3A_1006 = arith.constant 16 : i32
        %parallel_loop3A_1007 = vector.broadcast %parallel_loop3A_1006 : i32 to vector<16xi32>
        %parallel_loop3A_1008 = arith.shli %parallel_loop3A_970, %parallel_loop3A_1007 : vector<16xi32>
        %parallel_loop3A_1009 = vector.bitcast %parallel_loop3A_1008 : vector<16xi32> to vector<16xf32>
        %parallel_loop3A_1010 = vector.broadcast %scan3A_36 : i32 to vector<16xi32>
        %parallel_loop3A_1011 = arith.andi %parallel_loop3A_970, %parallel_loop3A_1010 : vector<16xi32>
        %parallel_loop3A_1012 = vector.bitcast %parallel_loop3A_1011 : vector<16xi32> to vector<16xf32>
        %parallel_loop3A_1013 = arith.mulf %parallel_loop3A_117, %parallel_loop3A_1009 : vector<16xf32>
        %parallel_loop3A_1014 = arith.addf %parallel_loop3A_1002, %parallel_loop3A_1013 : vector<16xf32>
        %parallel_loop3A_1015 = arith.mulf %parallel_loop3A_117, %parallel_loop3A_1012 : vector<16xf32>
        %parallel_loop3A_1016 = arith.addf %parallel_loop3A_1005, %parallel_loop3A_1015 : vector<16xf32>
        %parallel_loop3A_1017 = tpu.pack_subelements %parallel_loop3A_1014, %parallel_loop3A_1016 {pack_format = #tpu.pack_format<interleaved>, positions = array<i32: 0, 1>} : vector<16xf32>, vector<16xf32> -> vector<32xbf16>
        %parallel_loop3A_1018 = vector.bitcast %parallel_loop3A_1017 : vector<32xbf16> to vector<16xi32>
        %parallel_loop3A_1019 = arith.constant 16 : i32
        %parallel_loop3A_1020 = vector.broadcast %parallel_loop3A_1019 : i32 to vector<16xi32>
        %parallel_loop3A_1021 = arith.shli %parallel_loop3A_942, %parallel_loop3A_1020 : vector<16xi32>
        %parallel_loop3A_1022 = vector.bitcast %parallel_loop3A_1021 : vector<16xi32> to vector<16xf32>
        %parallel_loop3A_1023 = vector.broadcast %scan3A_36 : i32 to vector<16xi32>
        %parallel_loop3A_1024 = arith.andi %parallel_loop3A_942, %parallel_loop3A_1023 : vector<16xi32>
        %parallel_loop3A_1025 = vector.bitcast %parallel_loop3A_1024 : vector<16xi32> to vector<16xf32>
        %parallel_loop3A_1026 = arith.constant 16 : i32
        %parallel_loop3A_1027 = vector.broadcast %parallel_loop3A_1026 : i32 to vector<16xi32>
        %parallel_loop3A_1028 = arith.shli %parallel_loop3A_974, %parallel_loop3A_1027 : vector<16xi32>
        %parallel_loop3A_1029 = vector.bitcast %parallel_loop3A_1028 : vector<16xi32> to vector<16xf32>
        %parallel_loop3A_1030 = vector.broadcast %scan3A_36 : i32 to vector<16xi32>
        %parallel_loop3A_1031 = arith.andi %parallel_loop3A_974, %parallel_loop3A_1030 : vector<16xi32>
        %parallel_loop3A_1032 = vector.bitcast %parallel_loop3A_1031 : vector<16xi32> to vector<16xf32>
        %parallel_loop3A_1033 = arith.mulf %parallel_loop3A_117, %parallel_loop3A_1029 : vector<16xf32>
        %parallel_loop3A_1034 = arith.addf %parallel_loop3A_1022, %parallel_loop3A_1033 : vector<16xf32>
        %parallel_loop3A_1035 = arith.mulf %parallel_loop3A_117, %parallel_loop3A_1032 : vector<16xf32>
        %parallel_loop3A_1036 = arith.addf %parallel_loop3A_1025, %parallel_loop3A_1035 : vector<16xf32>
        %parallel_loop3A_1037 = tpu.pack_subelements %parallel_loop3A_1034, %parallel_loop3A_1036 {pack_format = #tpu.pack_format<interleaved>, positions = array<i32: 0, 1>} : vector<16xf32>, vector<16xf32> -> vector<32xbf16>
        %parallel_loop3A_1038 = vector.bitcast %parallel_loop3A_1037 : vector<32xbf16> to vector<16xi32>
        %parallel_loop3A_1039 = arith.constant 16 : i32
        %parallel_loop3A_1040 = vector.broadcast %parallel_loop3A_1039 : i32 to vector<16xi32>
        %parallel_loop3A_1041 = arith.shli %parallel_loop3A_946, %parallel_loop3A_1040 : vector<16xi32>
        %parallel_loop3A_1042 = vector.bitcast %parallel_loop3A_1041 : vector<16xi32> to vector<16xf32>
        %parallel_loop3A_1043 = vector.broadcast %scan3A_36 : i32 to vector<16xi32>
        %parallel_loop3A_1044 = arith.andi %parallel_loop3A_946, %parallel_loop3A_1043 : vector<16xi32>
        %parallel_loop3A_1045 = vector.bitcast %parallel_loop3A_1044 : vector<16xi32> to vector<16xf32>
        %parallel_loop3A_1046 = arith.constant 16 : i32
        %parallel_loop3A_1047 = vector.broadcast %parallel_loop3A_1046 : i32 to vector<16xi32>
        %parallel_loop3A_1048 = arith.shli %parallel_loop3A_978, %parallel_loop3A_1047 : vector<16xi32>
        %parallel_loop3A_1049 = vector.bitcast %parallel_loop3A_1048 : vector<16xi32> to vector<16xf32>
        %parallel_loop3A_1050 = vector.broadcast %scan3A_36 : i32 to vector<16xi32>
        %parallel_loop3A_1051 = arith.andi %parallel_loop3A_978, %parallel_loop3A_1050 : vector<16xi32>
        %parallel_loop3A_1052 = vector.bitcast %parallel_loop3A_1051 : vector<16xi32> to vector<16xf32>
        %parallel_loop3A_1053 = arith.mulf %parallel_loop3A_117, %parallel_loop3A_1049 : vector<16xf32>
        %parallel_loop3A_1054 = arith.addf %parallel_loop3A_1042, %parallel_loop3A_1053 : vector<16xf32>
        %parallel_loop3A_1055 = arith.mulf %parallel_loop3A_117, %parallel_loop3A_1052 : vector<16xf32>
        %parallel_loop3A_1056 = arith.addf %parallel_loop3A_1045, %parallel_loop3A_1055 : vector<16xf32>
        %parallel_loop3A_1057 = tpu.pack_subelements %parallel_loop3A_1054, %parallel_loop3A_1056 {pack_format = #tpu.pack_format<interleaved>, positions = array<i32: 0, 1>} : vector<16xf32>, vector<16xf32> -> vector<32xbf16>
        %parallel_loop3A_1058 = vector.bitcast %parallel_loop3A_1057 : vector<32xbf16> to vector<16xi32>
        %parallel_loop3A_1059 = arith.constant 16 : i32
        %parallel_loop3A_1060 = vector.broadcast %parallel_loop3A_1059 : i32 to vector<16xi32>
        %parallel_loop3A_1061 = arith.shli %parallel_loop3A_950, %parallel_loop3A_1060 : vector<16xi32>
        %parallel_loop3A_1062 = vector.bitcast %parallel_loop3A_1061 : vector<16xi32> to vector<16xf32>
        %parallel_loop3A_1063 = vector.broadcast %scan3A_36 : i32 to vector<16xi32>
        %parallel_loop3A_1064 = arith.andi %parallel_loop3A_950, %parallel_loop3A_1063 : vector<16xi32>
        %parallel_loop3A_1065 = vector.bitcast %parallel_loop3A_1064 : vector<16xi32> to vector<16xf32>
        %parallel_loop3A_1066 = arith.constant 16 : i32
        %parallel_loop3A_1067 = vector.broadcast %parallel_loop3A_1066 : i32 to vector<16xi32>
        %parallel_loop3A_1068 = arith.shli %parallel_loop3A_982, %parallel_loop3A_1067 : vector<16xi32>
        %parallel_loop3A_1069 = vector.bitcast %parallel_loop3A_1068 : vector<16xi32> to vector<16xf32>
        %parallel_loop3A_1070 = vector.broadcast %scan3A_36 : i32 to vector<16xi32>
        %parallel_loop3A_1071 = arith.andi %parallel_loop3A_982, %parallel_loop3A_1070 : vector<16xi32>
        %parallel_loop3A_1072 = vector.bitcast %parallel_loop3A_1071 : vector<16xi32> to vector<16xf32>
        %parallel_loop3A_1073 = arith.mulf %parallel_loop3A_117, %parallel_loop3A_1069 : vector<16xf32>
        %parallel_loop3A_1074 = arith.addf %parallel_loop3A_1062, %parallel_loop3A_1073 : vector<16xf32>
        %parallel_loop3A_1075 = arith.mulf %parallel_loop3A_117, %parallel_loop3A_1072 : vector<16xf32>
        %parallel_loop3A_1076 = arith.addf %parallel_loop3A_1065, %parallel_loop3A_1075 : vector<16xf32>
        %parallel_loop3A_1077 = tpu.pack_subelements %parallel_loop3A_1074, %parallel_loop3A_1076 {pack_format = #tpu.pack_format<interleaved>, positions = array<i32: 0, 1>} : vector<16xf32>, vector<16xf32> -> vector<32xbf16>
        %parallel_loop3A_1078 = vector.bitcast %parallel_loop3A_1077 : vector<32xbf16> to vector<16xi32>
        %parallel_loop3A_1079 = arith.constant 16 : i32
        %parallel_loop3A_1080 = vector.broadcast %parallel_loop3A_1079 : i32 to vector<16xi32>
        %parallel_loop3A_1081 = arith.shli %parallel_loop3A_954, %parallel_loop3A_1080 : vector<16xi32>
        %parallel_loop3A_1082 = vector.bitcast %parallel_loop3A_1081 : vector<16xi32> to vector<16xf32>
        %parallel_loop3A_1083 = vector.broadcast %scan3A_36 : i32 to vector<16xi32>
        %parallel_loop3A_1084 = arith.andi %parallel_loop3A_954, %parallel_loop3A_1083 : vector<16xi32>
        %parallel_loop3A_1085 = vector.bitcast %parallel_loop3A_1084 : vector<16xi32> to vector<16xf32>
        %parallel_loop3A_1086 = arith.constant 16 : i32
        %parallel_loop3A_1087 = vector.broadcast %parallel_loop3A_1086 : i32 to vector<16xi32>
        %parallel_loop3A_1088 = arith.shli %parallel_loop3A_986, %parallel_loop3A_1087 : vector<16xi32>
        %parallel_loop3A_1089 = vector.bitcast %parallel_loop3A_1088 : vector<16xi32> to vector<16xf32>
        %parallel_loop3A_1090 = vector.broadcast %scan3A_36 : i32 to vector<16xi32>
        %parallel_loop3A_1091 = arith.andi %parallel_loop3A_986, %parallel_loop3A_1090 : vector<16xi32>
        %parallel_loop3A_1092 = vector.bitcast %parallel_loop3A_1091 : vector<16xi32> to vector<16xf32>
        %parallel_loop3A_1093 = arith.mulf %parallel_loop3A_117, %parallel_loop3A_1089 : vector<16xf32>
        %parallel_loop3A_1094 = arith.addf %parallel_loop3A_1082, %parallel_loop3A_1093 : vector<16xf32>
        %parallel_loop3A_1095 = arith.mulf %parallel_loop3A_117, %parallel_loop3A_1092 : vector<16xf32>
        %parallel_loop3A_1096 = arith.addf %parallel_loop3A_1085, %parallel_loop3A_1095 : vector<16xf32>
        %parallel_loop3A_1097 = tpu.pack_subelements %parallel_loop3A_1094, %parallel_loop3A_1096 {pack_format = #tpu.pack_format<interleaved>, positions = array<i32: 0, 1>} : vector<16xf32>, vector<16xf32> -> vector<32xbf16>
        %parallel_loop3A_1098 = vector.bitcast %parallel_loop3A_1097 : vector<32xbf16> to vector<16xi32>
        %parallel_loop3A_1099 = arith.constant 16 : i32
        %parallel_loop3A_1100 = vector.broadcast %parallel_loop3A_1099 : i32 to vector<16xi32>
        %parallel_loop3A_1101 = arith.shli %parallel_loop3A_958, %parallel_loop3A_1100 : vector<16xi32>
        %parallel_loop3A_1102 = vector.bitcast %parallel_loop3A_1101 : vector<16xi32> to vector<16xf32>
        %parallel_loop3A_1103 = vector.broadcast %scan3A_36 : i32 to vector<16xi32>
        %parallel_loop3A_1104 = arith.andi %parallel_loop3A_958, %parallel_loop3A_1103 : vector<16xi32>
        %parallel_loop3A_1105 = vector.bitcast %parallel_loop3A_1104 : vector<16xi32> to vector<16xf32>
        %parallel_loop3A_1106 = arith.constant 16 : i32
        %parallel_loop3A_1107 = vector.broadcast %parallel_loop3A_1106 : i32 to vector<16xi32>
        %parallel_loop3A_1108 = arith.shli %parallel_loop3A_990, %parallel_loop3A_1107 : vector<16xi32>
        %parallel_loop3A_1109 = vector.bitcast %parallel_loop3A_1108 : vector<16xi32> to vector<16xf32>
        %parallel_loop3A_1110 = vector.broadcast %scan3A_36 : i32 to vector<16xi32>
        %parallel_loop3A_1111 = arith.andi %parallel_loop3A_990, %parallel_loop3A_1110 : vector<16xi32>
        %parallel_loop3A_1112 = vector.bitcast %parallel_loop3A_1111 : vector<16xi32> to vector<16xf32>
        %parallel_loop3A_1113 = arith.mulf %parallel_loop3A_117, %parallel_loop3A_1109 : vector<16xf32>
        %parallel_loop3A_1114 = arith.addf %parallel_loop3A_1102, %parallel_loop3A_1113 : vector<16xf32>
        %parallel_loop3A_1115 = arith.mulf %parallel_loop3A_117, %parallel_loop3A_1112 : vector<16xf32>
        %parallel_loop3A_1116 = arith.addf %parallel_loop3A_1105, %parallel_loop3A_1115 : vector<16xf32>
        %parallel_loop3A_1117 = tpu.pack_subelements %parallel_loop3A_1114, %parallel_loop3A_1116 {pack_format = #tpu.pack_format<interleaved>, positions = array<i32: 0, 1>} : vector<16xf32>, vector<16xf32> -> vector<32xbf16>
        %parallel_loop3A_1118 = vector.bitcast %parallel_loop3A_1117 : vector<32xbf16> to vector<16xi32>
        %parallel_loop3A_1119 = arith.constant 16 : i32
        %parallel_loop3A_1120 = vector.broadcast %parallel_loop3A_1119 : i32 to vector<16xi32>
        %parallel_loop3A_1121 = arith.shli %parallel_loop3A_962, %parallel_loop3A_1120 : vector<16xi32>
        %parallel_loop3A_1122 = vector.bitcast %parallel_loop3A_1121 : vector<16xi32> to vector<16xf32>
        %parallel_loop3A_1123 = vector.broadcast %scan3A_36 : i32 to vector<16xi32>
        %parallel_loop3A_1124 = arith.andi %parallel_loop3A_962, %parallel_loop3A_1123 : vector<16xi32>
        %parallel_loop3A_1125 = vector.bitcast %parallel_loop3A_1124 : vector<16xi32> to vector<16xf32>
        %parallel_loop3A_1126 = arith.constant 16 : i32
        %parallel_loop3A_1127 = vector.broadcast %parallel_loop3A_1126 : i32 to vector<16xi32>
        %parallel_loop3A_1128 = arith.shli %parallel_loop3A_994, %parallel_loop3A_1127 : vector<16xi32>
        %parallel_loop3A_1129 = vector.bitcast %parallel_loop3A_1128 : vector<16xi32> to vector<16xf32>
        %parallel_loop3A_1130 = vector.broadcast %scan3A_36 : i32 to vector<16xi32>
        %parallel_loop3A_1131 = arith.andi %parallel_loop3A_994, %parallel_loop3A_1130 : vector<16xi32>
        %parallel_loop3A_1132 = vector.bitcast %parallel_loop3A_1131 : vector<16xi32> to vector<16xf32>
        %parallel_loop3A_1133 = arith.mulf %parallel_loop3A_117, %parallel_loop3A_1129 : vector<16xf32>
        %parallel_loop3A_1134 = arith.addf %parallel_loop3A_1122, %parallel_loop3A_1133 : vector<16xf32>
        %parallel_loop3A_1135 = arith.mulf %parallel_loop3A_117, %parallel_loop3A_1132 : vector<16xf32>
        %parallel_loop3A_1136 = arith.addf %parallel_loop3A_1125, %parallel_loop3A_1135 : vector<16xf32>
        %parallel_loop3A_1137 = tpu.pack_subelements %parallel_loop3A_1134, %parallel_loop3A_1136 {pack_format = #tpu.pack_format<interleaved>, positions = array<i32: 0, 1>} : vector<16xf32>, vector<16xf32> -> vector<32xbf16>
        %parallel_loop3A_1138 = vector.bitcast %parallel_loop3A_1137 : vector<32xbf16> to vector<16xi32>
        %parallel_loop3A_1139 = arith.constant 16 : i32
        %parallel_loop3A_1140 = vector.broadcast %parallel_loop3A_1139 : i32 to vector<16xi32>
        %parallel_loop3A_1141 = arith.shli %parallel_loop3A_966, %parallel_loop3A_1140 : vector<16xi32>
        %parallel_loop3A_1142 = vector.bitcast %parallel_loop3A_1141 : vector<16xi32> to vector<16xf32>
        %parallel_loop3A_1143 = vector.broadcast %scan3A_36 : i32 to vector<16xi32>
        %parallel_loop3A_1144 = arith.andi %parallel_loop3A_966, %parallel_loop3A_1143 : vector<16xi32>
        %parallel_loop3A_1145 = vector.bitcast %parallel_loop3A_1144 : vector<16xi32> to vector<16xf32>
        %parallel_loop3A_1146 = arith.constant 16 : i32
        %parallel_loop3A_1147 = vector.broadcast %parallel_loop3A_1146 : i32 to vector<16xi32>
        %parallel_loop3A_1148 = arith.shli %parallel_loop3A_998, %parallel_loop3A_1147 : vector<16xi32>
        %parallel_loop3A_1149 = vector.bitcast %parallel_loop3A_1148 : vector<16xi32> to vector<16xf32>
        %parallel_loop3A_1150 = vector.broadcast %scan3A_36 : i32 to vector<16xi32>
        %parallel_loop3A_1151 = arith.andi %parallel_loop3A_998, %parallel_loop3A_1150 : vector<16xi32>
        %parallel_loop3A_1152 = vector.bitcast %parallel_loop3A_1151 : vector<16xi32> to vector<16xf32>
        %parallel_loop3A_1153 = arith.mulf %parallel_loop3A_117, %parallel_loop3A_1149 : vector<16xf32>
        %parallel_loop3A_1154 = arith.addf %parallel_loop3A_1142, %parallel_loop3A_1153 : vector<16xf32>
        %parallel_loop3A_1155 = arith.mulf %parallel_loop3A_117, %parallel_loop3A_1152 : vector<16xf32>
        %parallel_loop3A_1156 = arith.addf %parallel_loop3A_1145, %parallel_loop3A_1155 : vector<16xf32>
        %parallel_loop3A_1157 = tpu.pack_subelements %parallel_loop3A_1154, %parallel_loop3A_1156 {pack_format = #tpu.pack_format<interleaved>, positions = array<i32: 0, 1>} : vector<16xf32>, vector<16xf32> -> vector<32xbf16>
        %parallel_loop3A_1158 = vector.bitcast %parallel_loop3A_1157 : vector<32xbf16> to vector<16xi32>
        %parallel_loop3A_1159 = arith.constant 24 : i32
        %parallel_loop3A_1160 = vector.broadcast %parallel_loop3A_1159 : i32 to vector<16xi32>
        %parallel_loop3A_1161 = arith.addi %parallel_loop3A_190, %parallel_loop3A_1160 : vector<16xi32>
        tpu.vector_store_idx %arg15[%parallel_loop3A_1161], %parallel_loop3A_1018 : memref<40960xi32, #tpu.memory_space<vmem>>[vector<16xi32>], vector<16xi32>,
        %parallel_loop3A_1162 = arith.constant 25 : i32
        %parallel_loop3A_1163 = vector.broadcast %parallel_loop3A_1162 : i32 to vector<16xi32>
        %parallel_loop3A_1164 = arith.addi %parallel_loop3A_190, %parallel_loop3A_1163 : vector<16xi32>
        tpu.vector_store_idx %arg15[%parallel_loop3A_1164], %parallel_loop3A_1038 : memref<40960xi32, #tpu.memory_space<vmem>>[vector<16xi32>], vector<16xi32>,
        %parallel_loop3A_1165 = arith.constant 26 : i32
        %parallel_loop3A_1166 = vector.broadcast %parallel_loop3A_1165 : i32 to vector<16xi32>
        %parallel_loop3A_1167 = arith.addi %parallel_loop3A_190, %parallel_loop3A_1166 : vector<16xi32>
        tpu.vector_store_idx %arg15[%parallel_loop3A_1167], %parallel_loop3A_1058 : memref<40960xi32, #tpu.memory_space<vmem>>[vector<16xi32>], vector<16xi32>,
        %parallel_loop3A_1168 = arith.constant 27 : i32
        %parallel_loop3A_1169 = vector.broadcast %parallel_loop3A_1168 : i32 to vector<16xi32>
        %parallel_loop3A_1170 = arith.addi %parallel_loop3A_190, %parallel_loop3A_1169 : vector<16xi32>
        tpu.vector_store_idx %arg15[%parallel_loop3A_1170], %parallel_loop3A_1078 : memref<40960xi32, #tpu.memory_space<vmem>>[vector<16xi32>], vector<16xi32>,
        %parallel_loop3A_1171 = arith.constant 28 : i32
        %parallel_loop3A_1172 = vector.broadcast %parallel_loop3A_1171 : i32 to vector<16xi32>
        %parallel_loop3A_1173 = arith.addi %parallel_loop3A_190, %parallel_loop3A_1172 : vector<16xi32>
        tpu.vector_store_idx %arg15[%parallel_loop3A_1173], %parallel_loop3A_1098 : memref<40960xi32, #tpu.memory_space<vmem>>[vector<16xi32>], vector<16xi32>,
        %parallel_loop3A_1174 = arith.constant 29 : i32
        %parallel_loop3A_1175 = vector.broadcast %parallel_loop3A_1174 : i32 to vector<16xi32>
        %parallel_loop3A_1176 = arith.addi %parallel_loop3A_190, %parallel_loop3A_1175 : vector<16xi32>
        tpu.vector_store_idx %arg15[%parallel_loop3A_1176], %parallel_loop3A_1118 : memref<40960xi32, #tpu.memory_space<vmem>>[vector<16xi32>], vector<16xi32>,
        %parallel_loop3A_1177 = arith.constant 30 : i32
        %parallel_loop3A_1178 = vector.broadcast %parallel_loop3A_1177 : i32 to vector<16xi32>
        %parallel_loop3A_1179 = arith.addi %parallel_loop3A_190, %parallel_loop3A_1178 : vector<16xi32>
        tpu.vector_store_idx %arg15[%parallel_loop3A_1179], %parallel_loop3A_1138 : memref<40960xi32, #tpu.memory_space<vmem>>[vector<16xi32>], vector<16xi32>,
        %parallel_loop3A_1180 = arith.constant 31 : i32
        %parallel_loop3A_1181 = vector.broadcast %parallel_loop3A_1180 : i32 to vector<16xi32>
        %parallel_loop3A_1182 = arith.addi %parallel_loop3A_190, %parallel_loop3A_1181 : vector<16xi32>
        tpu.vector_store_idx %arg15[%parallel_loop3A_1182], %parallel_loop3A_1158 : memref<40960xi32, #tpu.memory_space<vmem>>[vector<16xi32>], vector<16xi32>,
      } {sc.loop_unroll_factor = 2 : i64, sc.parallel_access}
      %mul3A_67 = arith.constant 32 : i32
      %mul3A_68 = arith.muli %add3A_56, %mul3A_67 : i32
      %dma_start3A_69 = tpu.memref_slice %arg8[%mul3A_68] : memref<26214400xi32, #tpu.memory_space<hbm>> -> memref<40960xi32, #tpu.memory_space<hbm>>
      %dma_start3A_70 = tpu.memref_slice %arg8[%mul3A_68] : memref<26214400xi32, #tpu.memory_space<hbm>> -> memref<40960xi32, #tpu.memory_space<hbm>>
      tpu.enqueue_dma source(%arg15 : memref<40960xi32, #tpu.memory_space<vmem>>) target(%dma_start3A_70 : memref<40960xi32, #tpu.memory_space<hbm>>) target_semaphore(%arg22 : memref<!tpu.dma_semaphore, #tpu.memory_space<semaphore_mem>>)
      %add3A_71 = arith.constant 2 : i32
      %add3A_72 = arith.addi %add3A_53, %add3A_71 : i32
      %lt3A = arith.constant 20 : i32
      %lt3A_73 = arith.cmpi slt, %add3A_72, %lt3A : i32
      %convert_element_type3A_74 = arith.extui %lt3A_73 : i1 to i32
      %cond3A_75 = arith.constant 0 : i32
      %cond3A_76 = arith.cmpi ne, %convert_element_type3A_74, %cond3A_75 : i32
      scf.if %cond3A_76 {
        %add3A_109 = arith.constant 2 : i32
        %add3A_110 = arith.addi %add3A_53, %add3A_109 : i32
        %mul3A_111 = arith.constant 1280 : i32
        %mul3A_112 = arith.muli %add3A_110, %mul3A_111 : i32
        %add3A_113 = arith.addi %mul3A_2, %mul3A_112 : i32
        %dma_start3A_114 = tpu.memref_slice %arg2[%add3A_113] : memref<819200xi32, #tpu.memory_space<hbm>> -> memref<1280xi32, #tpu.memory_space<hbm>>
        %dma_start3A_115 = tpu.memref_slice %arg2[%add3A_113] : memref<819200xi32, #tpu.memory_space<hbm>> -> memref<1280xi32, #tpu.memory_space<hbm>>
        tpu.enqueue_dma source(%dma_start3A_115 : memref<1280xi32, #tpu.memory_space<hbm>>) target(%arg9 : memref<1280xi32, #tpu.memory_space<vmem>>) target_semaphore(%arg20 : memref<!tpu.dma_semaphore, #tpu.memory_space<semaphore_mem>>)
        %dma_start3A_116 = tpu.memref_slice %arg3[%add3A_113] : memref<819200xi32, #tpu.memory_space<hbm>> -> memref<1280xi32, #tpu.memory_space<hbm>>
        %dma_start3A_117 = tpu.memref_slice %arg3[%add3A_113] : memref<819200xi32, #tpu.memory_space<hbm>> -> memref<1280xi32, #tpu.memory_space<hbm>>
        tpu.enqueue_dma source(%dma_start3A_117 : memref<1280xi32, #tpu.memory_space<hbm>>) target(%arg11 : memref<1280xi32, #tpu.memory_space<vmem>>) target_semaphore(%arg20 : memref<!tpu.dma_semaphore, #tpu.memory_space<semaphore_mem>>)
        %dma_start3A_118 = tpu.memref_slice %arg4[%add3A_113] : memref<819200xf32, #tpu.memory_space<hbm>> -> memref<1280xf32, #tpu.memory_space<hbm>>
        %dma_start3A_119 = tpu.memref_slice %arg4[%add3A_113] : memref<819200xf32, #tpu.memory_space<hbm>> -> memref<1280xf32, #tpu.memory_space<hbm>>
        tpu.enqueue_dma source(%dma_start3A_119 : memref<1280xf32, #tpu.memory_space<hbm>>) target(%arg13 : memref<1280xf32, #tpu.memory_space<vmem>>) target_semaphore(%arg20 : memref<!tpu.dma_semaphore, #tpu.memory_space<semaphore_mem>>)
      } else {
      }
      %mul3A_77 = arith.constant 2 : i32
      %mul3A_78 = arith.muli %scan3A_49, %mul3A_77 : i32
      %add3A_79 = arith.constant 1 : i32
      %add3A_80 = arith.addi %mul3A_78, %add3A_79 : i32
      %mul3A_81 = arith.constant 1280 : i32
      %mul3A_82 = arith.muli %add3A_80, %mul3A_81 : i32
      %add3A_83 = arith.addi %mul3A_2, %mul3A_82 : i32
      %ge3A_84 = arith.constant 2 : i32
      %ge3A_85 = arith.cmpi sge, %add3A_80, %ge3A_84 : i32
      %convert_element_type3A_86 = arith.extui %ge3A_85 : i1 to i32
      %cond3A_87 = arith.constant 0 : i32
      %cond3A_88 = arith.cmpi ne, %convert_element_type3A_86, %cond3A_87 : i32
      scf.if %cond3A_88 {
        %mul3A_109 = arith.constant 32 : i32
        %mul3A_110 = arith.muli %mul3A_2, %mul3A_109 : i32
        %dma_wait3A_111 = tpu.memref_slice %arg8[%mul3A_110] : memref<26214400xi32, #tpu.memory_space<hbm>> -> memref<40960xi32, #tpu.memory_space<hbm>>
        %dma_wait3A_112 = tpu.memref_slice %arg8[%mul3A_110] : memref<26214400xi32, #tpu.memory_space<hbm>> -> memref<40960xi32, #tpu.memory_space<hbm>>
        tpu.wait_dma2 semaphore(%arg23 : memref<!tpu.dma_semaphore, #tpu.memory_space<semaphore_mem>>) src(%arg16 : memref<40960xi32, #tpu.memory_space<vmem>>) dst(%dma_wait3A_112 : memref<40960xi32, #tpu.memory_space<hbm>>)
      } else {
      }
      %dma_wait3A_89 = tpu.memref_slice %arg2[%mul3A_2] : memref<819200xi32, #tpu.memory_space<hbm>> -> memref<1280xi32, #tpu.memory_space<hbm>>
      %dma_wait3A_90 = tpu.memref_slice %arg2[%mul3A_2] : memref<819200xi32, #tpu.memory_space<hbm>> -> memref<1280xi32, #tpu.memory_space<hbm>>
      tpu.wait_dma2 semaphore(%arg21 : memref<!tpu.dma_semaphore, #tpu.memory_space<semaphore_mem>>) src(%dma_wait3A_90 : memref<1280xi32, #tpu.memory_space<hbm>>) dst(%arg10 : memref<1280xi32, #tpu.memory_space<vmem>>)
      %dma_wait3A_91 = tpu.memref_slice %arg2[%mul3A_2] : memref<819200xi32, #tpu.memory_space<hbm>> -> memref<1280xi32, #tpu.memory_space<hbm>>
      %dma_wait3A_92 = tpu.memref_slice %arg2[%mul3A_2] : memref<819200xi32, #tpu.memory_space<hbm>> -> memref<1280xi32, #tpu.memory_space<hbm>>
      tpu.wait_dma2 semaphore(%arg21 : memref<!tpu.dma_semaphore, #tpu.memory_space<semaphore_mem>>) src(%dma_wait3A_92 : memref<1280xi32, #tpu.memory_space<hbm>>) dst(%arg12 : memref<1280xi32, #tpu.memory_space<vmem>>)
      %dma_wait3A_93 = tpu.memref_slice %arg2[%mul3A_2] : memref<819200xi32, #tpu.memory_space<hbm>> -> memref<1280xi32, #tpu.memory_space<hbm>>
      %dma_wait3A_94 = tpu.memref_slice %arg2[%mul3A_2] : memref<819200xi32, #tpu.memory_space<hbm>> -> memref<1280xi32, #tpu.memory_space<hbm>>
      tpu.wait_dma2 semaphore(%arg21 : memref<!tpu.dma_semaphore, #tpu.memory_space<semaphore_mem>>) src(%dma_wait3A_94 : memref<1280xi32, #tpu.memory_space<hbm>>) dst(%arg14 : memref<1280xf32, #tpu.memory_space<vmem>>)
      %parallel_loop3A_95 = arith.constant 0 : i32
      %parallel_loop3A_96 = arith.constant 80 : i32
      %parallel_loop3A_97 = arith.constant 1 : i32
      scf.for %parallel_loop3A_109 = %parallel_loop3A_95 to %parallel_loop3A_96 step %parallel_loop3A_97  : i32 {
        %parallel_loop3A_110 = arith.constant 16 : i32
        %parallel_loop3A_111 = arith.muli %parallel_loop3A_109, %parallel_loop3A_110 : i32
        %parallel_loop3A_112 = arith.index_cast %parallel_loop3A_111 : i32 to index
        %parallel_loop3A_113 = tpu.vector_load %arg10[%parallel_loop3A_112] {strides = array<i32>} : memref<1280xi32, #tpu.memory_space<vmem>>, vector<16xi32>,
        %parallel_loop3A_114 = arith.index_cast %parallel_loop3A_111 : i32 to index
        %parallel_loop3A_115 = tpu.vector_load %arg12[%parallel_loop3A_114] {strides = array<i32>} : memref<1280xi32, #tpu.memory_space<vmem>>, vector<16xi32>,
        %parallel_loop3A_116 = arith.index_cast %parallel_loop3A_111 : i32 to index
        %parallel_loop3A_117 = tpu.vector_load %arg14[%parallel_loop3A_116] {strides = array<i32>} : memref<1280xf32, #tpu.memory_space<vmem>>, vector<16xf32>,
        %parallel_loop3A_118 = arith.cmpf ogt, %parallel_loop3A_117, %get3A_21 : vector<16xf32>
        %parallel_loop3A_119 = arith.constant 1 : i32
        %parallel_loop3A_120 = arith.constant 0 : i32
        %parallel_loop3A_121 = vector.broadcast %parallel_loop3A_119 : i32 to vector<16xi32>
        %parallel_loop3A_122 = vector.broadcast %parallel_loop3A_120 : i32 to vector<16xi32>
        %parallel_loop3A_123 = arith.select %parallel_loop3A_118, %parallel_loop3A_121, %parallel_loop3A_122 : vector<16xi1>, vector<16xi32>
        %parallel_loop3A_124 = arith.cmpf ogt, %parallel_loop3A_117, %get3A_23 : vector<16xf32>
        %parallel_loop3A_125 = arith.constant 1 : i32
        %parallel_loop3A_126 = arith.constant 0 : i32
        %parallel_loop3A_127 = vector.broadcast %parallel_loop3A_125 : i32 to vector<16xi32>
        %parallel_loop3A_128 = vector.broadcast %parallel_loop3A_126 : i32 to vector<16xi32>
        %parallel_loop3A_129 = arith.select %parallel_loop3A_124, %parallel_loop3A_127, %parallel_loop3A_128 : vector<16xi1>, vector<16xi32>
        %parallel_loop3A_130 = arith.addi %parallel_loop3A_123, %parallel_loop3A_129 : vector<16xi32>
        %parallel_loop3A_131 = arith.cmpf ogt, %parallel_loop3A_117, %get3A_25 : vector<16xf32>
        %parallel_loop3A_132 = arith.constant 1 : i32
        %parallel_loop3A_133 = arith.constant 0 : i32
        %parallel_loop3A_134 = vector.broadcast %parallel_loop3A_132 : i32 to vector<16xi32>
        %parallel_loop3A_135 = vector.broadcast %parallel_loop3A_133 : i32 to vector<16xi32>
        %parallel_loop3A_136 = arith.select %parallel_loop3A_131, %parallel_loop3A_134, %parallel_loop3A_135 : vector<16xi1>, vector<16xi32>
        %parallel_loop3A_137 = arith.addi %parallel_loop3A_130, %parallel_loop3A_136 : vector<16xi32>
        %parallel_loop3A_138 = arith.cmpf ogt, %parallel_loop3A_117, %get3A_27 : vector<16xf32>
        %parallel_loop3A_139 = arith.constant 1 : i32
        %parallel_loop3A_140 = arith.constant 0 : i32
        %parallel_loop3A_141 = vector.broadcast %parallel_loop3A_139 : i32 to vector<16xi32>
        %parallel_loop3A_142 = vector.broadcast %parallel_loop3A_140 : i32 to vector<16xi32>
        %parallel_loop3A_143 = arith.select %parallel_loop3A_138, %parallel_loop3A_141, %parallel_loop3A_142 : vector<16xi1>, vector<16xi32>
        %parallel_loop3A_144 = arith.addi %parallel_loop3A_137, %parallel_loop3A_143 : vector<16xi32>
        %parallel_loop3A_145 = arith.cmpf ogt, %parallel_loop3A_117, %get3A_29 : vector<16xf32>
        %parallel_loop3A_146 = arith.constant 1 : i32
        %parallel_loop3A_147 = arith.constant 0 : i32
        %parallel_loop3A_148 = vector.broadcast %parallel_loop3A_146 : i32 to vector<16xi32>
        %parallel_loop3A_149 = vector.broadcast %parallel_loop3A_147 : i32 to vector<16xi32>
        %parallel_loop3A_150 = arith.select %parallel_loop3A_145, %parallel_loop3A_148, %parallel_loop3A_149 : vector<16xi1>, vector<16xi32>
        %parallel_loop3A_151 = arith.addi %parallel_loop3A_144, %parallel_loop3A_150 : vector<16xi32>
        %parallel_loop3A_152 = arith.cmpf ogt, %parallel_loop3A_117, %get3A_31 : vector<16xf32>
        %parallel_loop3A_153 = arith.constant 1 : i32
        %parallel_loop3A_154 = arith.constant 0 : i32
        %parallel_loop3A_155 = vector.broadcast %parallel_loop3A_153 : i32 to vector<16xi32>
        %parallel_loop3A_156 = vector.broadcast %parallel_loop3A_154 : i32 to vector<16xi32>
        %parallel_loop3A_157 = arith.select %parallel_loop3A_152, %parallel_loop3A_155, %parallel_loop3A_156 : vector<16xi1>, vector<16xi32>
        %parallel_loop3A_158 = arith.addi %parallel_loop3A_151, %parallel_loop3A_157 : vector<16xi32>
        %parallel_loop3A_159 = arith.cmpf ogt, %parallel_loop3A_117, %get3A_33 : vector<16xf32>
        %parallel_loop3A_160 = arith.constant 1 : i32
        %parallel_loop3A_161 = arith.constant 0 : i32
        %parallel_loop3A_162 = vector.broadcast %parallel_loop3A_160 : i32 to vector<16xi32>
        %parallel_loop3A_163 = vector.broadcast %parallel_loop3A_161 : i32 to vector<16xi32>
        %parallel_loop3A_164 = arith.select %parallel_loop3A_159, %parallel_loop3A_162, %parallel_loop3A_163 : vector<16xi1>, vector<16xi32>
        %parallel_loop3A_165 = arith.addi %parallel_loop3A_158, %parallel_loop3A_164 : vector<16xi32>
        %parallel_loop3A_166 = arith.cmpf ogt, %parallel_loop3A_117, %get3A_35 : vector<16xf32>
        %parallel_loop3A_167 = arith.constant 1 : i32
        %parallel_loop3A_168 = arith.constant 0 : i32
        %parallel_loop3A_169 = vector.broadcast %parallel_loop3A_167 : i32 to vector<16xi32>
        %parallel_loop3A_170 = vector.broadcast %parallel_loop3A_168 : i32 to vector<16xi32>
        %parallel_loop3A_171 = arith.select %parallel_loop3A_166, %parallel_loop3A_169, %parallel_loop3A_170 : vector<16xi1>, vector<16xi32>
        %parallel_loop3A_172 = arith.addi %parallel_loop3A_165, %parallel_loop3A_171 : vector<16xi32>
        %parallel_loop3A_173 = arith.constant 1152 : i32
        %parallel_loop3A_174 = vector.broadcast %parallel_loop3A_173 : i32 to vector<16xi32>
        %parallel_loop3A_175 = arith.muli %parallel_loop3A_113, %parallel_loop3A_174 : vector<16xi32>
        %parallel_loop3A_176 = arith.constant 288 : i32
        %parallel_loop3A_177 = vector.broadcast %parallel_loop3A_176 : i32 to vector<16xi32>
        %parallel_loop3A_178 = arith.muli %parallel_loop3A_115, %parallel_loop3A_177 : vector<16xi32>
        %parallel_loop3A_179 = arith.addi %parallel_loop3A_175, %parallel_loop3A_178 : vector<16xi32>
        %parallel_loop3A_180 = arith.constant 32 : i32
        %parallel_loop3A_181 = vector.broadcast %parallel_loop3A_180 : i32 to vector<16xi32>
        %parallel_loop3A_182 = arith.muli %parallel_loop3A_172, %parallel_loop3A_181 : vector<16xi32>
        %parallel_loop3A_183 = arith.addi %parallel_loop3A_179, %parallel_loop3A_182 : vector<16xi32>
        %parallel_loop3A_184 = arith.constant 32 : i32
        %parallel_loop3A_185 = vector.broadcast %parallel_loop3A_184 : i32 to vector<16xi32>
        %parallel_loop3A_186 = arith.muli %parallel_loop3A_172, %parallel_loop3A_185 : vector<16xi32>
        %parallel_loop3A_187 = arith.constant 32 : i32
        %parallel_loop3A_188 = arith.muli %parallel_loop3A_111, %parallel_loop3A_187 : i32
        %parallel_loop3A_189 = vector.broadcast %parallel_loop3A_188 : i32 to vector<16xi32>
        %parallel_loop3A_190 = arith.addi %mul3A_20, %parallel_loop3A_189 : vector<16xi32>
        %parallel_loop3A_191 = arith.constant 0 : i32
        %parallel_loop3A_192 = vector.broadcast %parallel_loop3A_191 : i32 to vector<16xi32>
        %parallel_loop3A_193 = arith.addi %parallel_loop3A_183, %parallel_loop3A_192 : vector<16xi32>
        %parallel_loop3A_194 = tpu.vector_load_idx %arg17[%parallel_loop3A_193] : memref<11520xi32, #tpu.memory_space<vmem>>[vector<16xi32>], vector<16xi32>,
        %parallel_loop3A_195 = arith.constant 1 : i32
        %parallel_loop3A_196 = vector.broadcast %parallel_loop3A_195 : i32 to vector<16xi32>
        %parallel_loop3A_197 = arith.addi %parallel_loop3A_183, %parallel_loop3A_196 : vector<16xi32>
        %parallel_loop3A_198 = tpu.vector_load_idx %arg17[%parallel_loop3A_197] : memref<11520xi32, #tpu.memory_space<vmem>>[vector<16xi32>], vector<16xi32>,
        %parallel_loop3A_199 = arith.constant 2 : i32
        %parallel_loop3A_200 = vector.broadcast %parallel_loop3A_199 : i32 to vector<16xi32>
        %parallel_loop3A_201 = arith.addi %parallel_loop3A_183, %parallel_loop3A_200 : vector<16xi32>
        %parallel_loop3A_202 = tpu.vector_load_idx %arg17[%parallel_loop3A_201] : memref<11520xi32, #tpu.memory_space<vmem>>[vector<16xi32>], vector<16xi32>,
        %parallel_loop3A_203 = arith.constant 3 : i32
        %parallel_loop3A_204 = vector.broadcast %parallel_loop3A_203 : i32 to vector<16xi32>
        %parallel_loop3A_205 = arith.addi %parallel_loop3A_183, %parallel_loop3A_204 : vector<16xi32>
        %parallel_loop3A_206 = tpu.vector_load_idx %arg17[%parallel_loop3A_205] : memref<11520xi32, #tpu.memory_space<vmem>>[vector<16xi32>], vector<16xi32>,
        %parallel_loop3A_207 = arith.constant 4 : i32
        %parallel_loop3A_208 = vector.broadcast %parallel_loop3A_207 : i32 to vector<16xi32>
        %parallel_loop3A_209 = arith.addi %parallel_loop3A_183, %parallel_loop3A_208 : vector<16xi32>
        %parallel_loop3A_210 = tpu.vector_load_idx %arg17[%parallel_loop3A_209] : memref<11520xi32, #tpu.memory_space<vmem>>[vector<16xi32>], vector<16xi32>,
        %parallel_loop3A_211 = arith.constant 5 : i32
        %parallel_loop3A_212 = vector.broadcast %parallel_loop3A_211 : i32 to vector<16xi32>
        %parallel_loop3A_213 = arith.addi %parallel_loop3A_183, %parallel_loop3A_212 : vector<16xi32>
        %parallel_loop3A_214 = tpu.vector_load_idx %arg17[%parallel_loop3A_213] : memref<11520xi32, #tpu.memory_space<vmem>>[vector<16xi32>], vector<16xi32>,
        %parallel_loop3A_215 = arith.constant 6 : i32
        %parallel_loop3A_216 = vector.broadcast %parallel_loop3A_215 : i32 to vector<16xi32>
        %parallel_loop3A_217 = arith.addi %parallel_loop3A_183, %parallel_loop3A_216 : vector<16xi32>
        %parallel_loop3A_218 = tpu.vector_load_idx %arg17[%parallel_loop3A_217] : memref<11520xi32, #tpu.memory_space<vmem>>[vector<16xi32>], vector<16xi32>,
        %parallel_loop3A_219 = arith.constant 7 : i32
        %parallel_loop3A_220 = vector.broadcast %parallel_loop3A_219 : i32 to vector<16xi32>
        %parallel_loop3A_221 = arith.addi %parallel_loop3A_183, %parallel_loop3A_220 : vector<16xi32>
        %parallel_loop3A_222 = tpu.vector_load_idx %arg17[%parallel_loop3A_221] : memref<11520xi32, #tpu.memory_space<vmem>>[vector<16xi32>], vector<16xi32>,
        %parallel_loop3A_223 = arith.constant 0 : i32
        %parallel_loop3A_224 = vector.broadcast %parallel_loop3A_223 : i32 to vector<16xi32>
        %parallel_loop3A_225 = arith.addi %parallel_loop3A_186, %parallel_loop3A_224 : vector<16xi32>
        %parallel_loop3A_226 = tpu.vector_load_idx %arg18[%parallel_loop3A_225] : memref<288xi32, #tpu.memory_space<vmem>>[vector<16xi32>], vector<16xi32>,
        %parallel_loop3A_227 = arith.constant 1 : i32
        %parallel_loop3A_228 = vector.broadcast %parallel_loop3A_227 : i32 to vector<16xi32>
        %parallel_loop3A_229 = arith.addi %parallel_loop3A_186, %parallel_loop3A_228 : vector<16xi32>
        %parallel_loop3A_230 = tpu.vector_load_idx %arg18[%parallel_loop3A_229] : memref<288xi32, #tpu.memory_space<vmem>>[vector<16xi32>], vector<16xi32>,
        %parallel_loop3A_231 = arith.constant 2 : i32
        %parallel_loop3A_232 = vector.broadcast %parallel_loop3A_231 : i32 to vector<16xi32>
        %parallel_loop3A_233 = arith.addi %parallel_loop3A_186, %parallel_loop3A_232 : vector<16xi32>
        %parallel_loop3A_234 = tpu.vector_load_idx %arg18[%parallel_loop3A_233] : memref<288xi32, #tpu.memory_space<vmem>>[vector<16xi32>], vector<16xi32>,
        %parallel_loop3A_235 = arith.constant 3 : i32
        %parallel_loop3A_236 = vector.broadcast %parallel_loop3A_235 : i32 to vector<16xi32>
        %parallel_loop3A_237 = arith.addi %parallel_loop3A_186, %parallel_loop3A_236 : vector<16xi32>
        %parallel_loop3A_238 = tpu.vector_load_idx %arg18[%parallel_loop3A_237] : memref<288xi32, #tpu.memory_space<vmem>>[vector<16xi32>], vector<16xi32>,
        %parallel_loop3A_239 = arith.constant 4 : i32
        %parallel_loop3A_240 = vector.broadcast %parallel_loop3A_239 : i32 to vector<16xi32>
        %parallel_loop3A_241 = arith.addi %parallel_loop3A_186, %parallel_loop3A_240 : vector<16xi32>
        %parallel_loop3A_242 = tpu.vector_load_idx %arg18[%parallel_loop3A_241] : memref<288xi32, #tpu.memory_space<vmem>>[vector<16xi32>], vector<16xi32>,
        %parallel_loop3A_243 = arith.constant 5 : i32
        %parallel_loop3A_244 = vector.broadcast %parallel_loop3A_243 : i32 to vector<16xi32>
        %parallel_loop3A_245 = arith.addi %parallel_loop3A_186, %parallel_loop3A_244 : vector<16xi32>
        %parallel_loop3A_246 = tpu.vector_load_idx %arg18[%parallel_loop3A_245] : memref<288xi32, #tpu.memory_space<vmem>>[vector<16xi32>], vector<16xi32>,
        %parallel_loop3A_247 = arith.constant 6 : i32
        %parallel_loop3A_248 = vector.broadcast %parallel_loop3A_247 : i32 to vector<16xi32>
        %parallel_loop3A_249 = arith.addi %parallel_loop3A_186, %parallel_loop3A_248 : vector<16xi32>
        %parallel_loop3A_250 = tpu.vector_load_idx %arg18[%parallel_loop3A_249] : memref<288xi32, #tpu.memory_space<vmem>>[vector<16xi32>], vector<16xi32>,
        %parallel_loop3A_251 = arith.constant 7 : i32
        %parallel_loop3A_252 = vector.broadcast %parallel_loop3A_251 : i32 to vector<16xi32>
        %parallel_loop3A_253 = arith.addi %parallel_loop3A_186, %parallel_loop3A_252 : vector<16xi32>
        %parallel_loop3A_254 = tpu.vector_load_idx %arg18[%parallel_loop3A_253] : memref<288xi32, #tpu.memory_space<vmem>>[vector<16xi32>], vector<16xi32>,
        %parallel_loop3A_255 = arith.constant 16 : i32
        %parallel_loop3A_256 = vector.broadcast %parallel_loop3A_255 : i32 to vector<16xi32>
        %parallel_loop3A_257 = arith.shli %parallel_loop3A_194, %parallel_loop3A_256 : vector<16xi32>
        %parallel_loop3A_258 = vector.bitcast %parallel_loop3A_257 : vector<16xi32> to vector<16xf32>
        %parallel_loop3A_259 = vector.broadcast %scan3A_36 : i32 to vector<16xi32>
        %parallel_loop3A_260 = arith.andi %parallel_loop3A_194, %parallel_loop3A_259 : vector<16xi32>
        %parallel_loop3A_261 = vector.bitcast %parallel_loop3A_260 : vector<16xi32> to vector<16xf32>
        %parallel_loop3A_262 = arith.constant 16 : i32
        %parallel_loop3A_263 = vector.broadcast %parallel_loop3A_262 : i32 to vector<16xi32>
        %parallel_loop3A_264 = arith.shli %parallel_loop3A_226, %parallel_loop3A_263 : vector<16xi32>
        %parallel_loop3A_265 = vector.bitcast %parallel_loop3A_264 : vector<16xi32> to vector<16xf32>
        %parallel_loop3A_266 = vector.broadcast %scan3A_36 : i32 to vector<16xi32>
        %parallel_loop3A_267 = arith.andi %parallel_loop3A_226, %parallel_loop3A_266 : vector<16xi32>
        %parallel_loop3A_268 = vector.bitcast %parallel_loop3A_267 : vector<16xi32> to vector<16xf32>
        %parallel_loop3A_269 = arith.mulf %parallel_loop3A_117, %parallel_loop3A_265 : vector<16xf32>
        %parallel_loop3A_270 = arith.addf %parallel_loop3A_258, %parallel_loop3A_269 : vector<16xf32>
        %parallel_loop3A_271 = arith.mulf %parallel_loop3A_117, %parallel_loop3A_268 : vector<16xf32>
        %parallel_loop3A_272 = arith.addf %parallel_loop3A_261, %parallel_loop3A_271 : vector<16xf32>
        %parallel_loop3A_273 = tpu.pack_subelements %parallel_loop3A_270, %parallel_loop3A_272 {pack_format = #tpu.pack_format<interleaved>, positions = array<i32: 0, 1>} : vector<16xf32>, vector<16xf32> -> vector<32xbf16>
        %parallel_loop3A_274 = vector.bitcast %parallel_loop3A_273 : vector<32xbf16> to vector<16xi32>
        %parallel_loop3A_275 = arith.constant 16 : i32
        %parallel_loop3A_276 = vector.broadcast %parallel_loop3A_275 : i32 to vector<16xi32>
        %parallel_loop3A_277 = arith.shli %parallel_loop3A_198, %parallel_loop3A_276 : vector<16xi32>
        %parallel_loop3A_278 = vector.bitcast %parallel_loop3A_277 : vector<16xi32> to vector<16xf32>
        %parallel_loop3A_279 = vector.broadcast %scan3A_36 : i32 to vector<16xi32>
        %parallel_loop3A_280 = arith.andi %parallel_loop3A_198, %parallel_loop3A_279 : vector<16xi32>
        %parallel_loop3A_281 = vector.bitcast %parallel_loop3A_280 : vector<16xi32> to vector<16xf32>
        %parallel_loop3A_282 = arith.constant 16 : i32
        %parallel_loop3A_283 = vector.broadcast %parallel_loop3A_282 : i32 to vector<16xi32>
        %parallel_loop3A_284 = arith.shli %parallel_loop3A_230, %parallel_loop3A_283 : vector<16xi32>
        %parallel_loop3A_285 = vector.bitcast %parallel_loop3A_284 : vector<16xi32> to vector<16xf32>
        %parallel_loop3A_286 = vector.broadcast %scan3A_36 : i32 to vector<16xi32>
        %parallel_loop3A_287 = arith.andi %parallel_loop3A_230, %parallel_loop3A_286 : vector<16xi32>
        %parallel_loop3A_288 = vector.bitcast %parallel_loop3A_287 : vector<16xi32> to vector<16xf32>
        %parallel_loop3A_289 = arith.mulf %parallel_loop3A_117, %parallel_loop3A_285 : vector<16xf32>
        %parallel_loop3A_290 = arith.addf %parallel_loop3A_278, %parallel_loop3A_289 : vector<16xf32>
        %parallel_loop3A_291 = arith.mulf %parallel_loop3A_117, %parallel_loop3A_288 : vector<16xf32>
        %parallel_loop3A_292 = arith.addf %parallel_loop3A_281, %parallel_loop3A_291 : vector<16xf32>
        %parallel_loop3A_293 = tpu.pack_subelements %parallel_loop3A_290, %parallel_loop3A_292 {pack_format = #tpu.pack_format<interleaved>, positions = array<i32: 0, 1>} : vector<16xf32>, vector<16xf32> -> vector<32xbf16>
        %parallel_loop3A_294 = vector.bitcast %parallel_loop3A_293 : vector<32xbf16> to vector<16xi32>
        %parallel_loop3A_295 = arith.constant 16 : i32
        %parallel_loop3A_296 = vector.broadcast %parallel_loop3A_295 : i32 to vector<16xi32>
        %parallel_loop3A_297 = arith.shli %parallel_loop3A_202, %parallel_loop3A_296 : vector<16xi32>
        %parallel_loop3A_298 = vector.bitcast %parallel_loop3A_297 : vector<16xi32> to vector<16xf32>
        %parallel_loop3A_299 = vector.broadcast %scan3A_36 : i32 to vector<16xi32>
        %parallel_loop3A_300 = arith.andi %parallel_loop3A_202, %parallel_loop3A_299 : vector<16xi32>
        %parallel_loop3A_301 = vector.bitcast %parallel_loop3A_300 : vector<16xi32> to vector<16xf32>
        %parallel_loop3A_302 = arith.constant 16 : i32
        %parallel_loop3A_303 = vector.broadcast %parallel_loop3A_302 : i32 to vector<16xi32>
        %parallel_loop3A_304 = arith.shli %parallel_loop3A_234, %parallel_loop3A_303 : vector<16xi32>
        %parallel_loop3A_305 = vector.bitcast %parallel_loop3A_304 : vector<16xi32> to vector<16xf32>
        %parallel_loop3A_306 = vector.broadcast %scan3A_36 : i32 to vector<16xi32>
        %parallel_loop3A_307 = arith.andi %parallel_loop3A_234, %parallel_loop3A_306 : vector<16xi32>
        %parallel_loop3A_308 = vector.bitcast %parallel_loop3A_307 : vector<16xi32> to vector<16xf32>
        %parallel_loop3A_309 = arith.mulf %parallel_loop3A_117, %parallel_loop3A_305 : vector<16xf32>
        %parallel_loop3A_310 = arith.addf %parallel_loop3A_298, %parallel_loop3A_309 : vector<16xf32>
        %parallel_loop3A_311 = arith.mulf %parallel_loop3A_117, %parallel_loop3A_308 : vector<16xf32>
        %parallel_loop3A_312 = arith.addf %parallel_loop3A_301, %parallel_loop3A_311 : vector<16xf32>
        %parallel_loop3A_313 = tpu.pack_subelements %parallel_loop3A_310, %parallel_loop3A_312 {pack_format = #tpu.pack_format<interleaved>, positions = array<i32: 0, 1>} : vector<16xf32>, vector<16xf32> -> vector<32xbf16>
        %parallel_loop3A_314 = vector.bitcast %parallel_loop3A_313 : vector<32xbf16> to vector<16xi32>
        %parallel_loop3A_315 = arith.constant 16 : i32
        %parallel_loop3A_316 = vector.broadcast %parallel_loop3A_315 : i32 to vector<16xi32>
        %parallel_loop3A_317 = arith.shli %parallel_loop3A_206, %parallel_loop3A_316 : vector<16xi32>
        %parallel_loop3A_318 = vector.bitcast %parallel_loop3A_317 : vector<16xi32> to vector<16xf32>
        %parallel_loop3A_319 = vector.broadcast %scan3A_36 : i32 to vector<16xi32>
        %parallel_loop3A_320 = arith.andi %parallel_loop3A_206, %parallel_loop3A_319 : vector<16xi32>
        %parallel_loop3A_321 = vector.bitcast %parallel_loop3A_320 : vector<16xi32> to vector<16xf32>
        %parallel_loop3A_322 = arith.constant 16 : i32
        %parallel_loop3A_323 = vector.broadcast %parallel_loop3A_322 : i32 to vector<16xi32>
        %parallel_loop3A_324 = arith.shli %parallel_loop3A_238, %parallel_loop3A_323 : vector<16xi32>
        %parallel_loop3A_325 = vector.bitcast %parallel_loop3A_324 : vector<16xi32> to vector<16xf32>
        %parallel_loop3A_326 = vector.broadcast %scan3A_36 : i32 to vector<16xi32>
        %parallel_loop3A_327 = arith.andi %parallel_loop3A_238, %parallel_loop3A_326 : vector<16xi32>
        %parallel_loop3A_328 = vector.bitcast %parallel_loop3A_327 : vector<16xi32> to vector<16xf32>
        %parallel_loop3A_329 = arith.mulf %parallel_loop3A_117, %parallel_loop3A_325 : vector<16xf32>
        %parallel_loop3A_330 = arith.addf %parallel_loop3A_318, %parallel_loop3A_329 : vector<16xf32>
        %parallel_loop3A_331 = arith.mulf %parallel_loop3A_117, %parallel_loop3A_328 : vector<16xf32>
        %parallel_loop3A_332 = arith.addf %parallel_loop3A_321, %parallel_loop3A_331 : vector<16xf32>
        %parallel_loop3A_333 = tpu.pack_subelements %parallel_loop3A_330, %parallel_loop3A_332 {pack_format = #tpu.pack_format<interleaved>, positions = array<i32: 0, 1>} : vector<16xf32>, vector<16xf32> -> vector<32xbf16>
        %parallel_loop3A_334 = vector.bitcast %parallel_loop3A_333 : vector<32xbf16> to vector<16xi32>
        %parallel_loop3A_335 = arith.constant 16 : i32
        %parallel_loop3A_336 = vector.broadcast %parallel_loop3A_335 : i32 to vector<16xi32>
        %parallel_loop3A_337 = arith.shli %parallel_loop3A_210, %parallel_loop3A_336 : vector<16xi32>
        %parallel_loop3A_338 = vector.bitcast %parallel_loop3A_337 : vector<16xi32> to vector<16xf32>
        %parallel_loop3A_339 = vector.broadcast %scan3A_36 : i32 to vector<16xi32>
        %parallel_loop3A_340 = arith.andi %parallel_loop3A_210, %parallel_loop3A_339 : vector<16xi32>
        %parallel_loop3A_341 = vector.bitcast %parallel_loop3A_340 : vector<16xi32> to vector<16xf32>
        %parallel_loop3A_342 = arith.constant 16 : i32
        %parallel_loop3A_343 = vector.broadcast %parallel_loop3A_342 : i32 to vector<16xi32>
        %parallel_loop3A_344 = arith.shli %parallel_loop3A_242, %parallel_loop3A_343 : vector<16xi32>
        %parallel_loop3A_345 = vector.bitcast %parallel_loop3A_344 : vector<16xi32> to vector<16xf32>
        %parallel_loop3A_346 = vector.broadcast %scan3A_36 : i32 to vector<16xi32>
        %parallel_loop3A_347 = arith.andi %parallel_loop3A_242, %parallel_loop3A_346 : vector<16xi32>
        %parallel_loop3A_348 = vector.bitcast %parallel_loop3A_347 : vector<16xi32> to vector<16xf32>
        %parallel_loop3A_349 = arith.mulf %parallel_loop3A_117, %parallel_loop3A_345 : vector<16xf32>
        %parallel_loop3A_350 = arith.addf %parallel_loop3A_338, %parallel_loop3A_349 : vector<16xf32>
        %parallel_loop3A_351 = arith.mulf %parallel_loop3A_117, %parallel_loop3A_348 : vector<16xf32>
        %parallel_loop3A_352 = arith.addf %parallel_loop3A_341, %parallel_loop3A_351 : vector<16xf32>
        %parallel_loop3A_353 = tpu.pack_subelements %parallel_loop3A_350, %parallel_loop3A_352 {pack_format = #tpu.pack_format<interleaved>, positions = array<i32: 0, 1>} : vector<16xf32>, vector<16xf32> -> vector<32xbf16>
        %parallel_loop3A_354 = vector.bitcast %parallel_loop3A_353 : vector<32xbf16> to vector<16xi32>
        %parallel_loop3A_355 = arith.constant 16 : i32
        %parallel_loop3A_356 = vector.broadcast %parallel_loop3A_355 : i32 to vector<16xi32>
        %parallel_loop3A_357 = arith.shli %parallel_loop3A_214, %parallel_loop3A_356 : vector<16xi32>
        %parallel_loop3A_358 = vector.bitcast %parallel_loop3A_357 : vector<16xi32> to vector<16xf32>
        %parallel_loop3A_359 = vector.broadcast %scan3A_36 : i32 to vector<16xi32>
        %parallel_loop3A_360 = arith.andi %parallel_loop3A_214, %parallel_loop3A_359 : vector<16xi32>
        %parallel_loop3A_361 = vector.bitcast %parallel_loop3A_360 : vector<16xi32> to vector<16xf32>
        %parallel_loop3A_362 = arith.constant 16 : i32
        %parallel_loop3A_363 = vector.broadcast %parallel_loop3A_362 : i32 to vector<16xi32>
        %parallel_loop3A_364 = arith.shli %parallel_loop3A_246, %parallel_loop3A_363 : vector<16xi32>
        %parallel_loop3A_365 = vector.bitcast %parallel_loop3A_364 : vector<16xi32> to vector<16xf32>
        %parallel_loop3A_366 = vector.broadcast %scan3A_36 : i32 to vector<16xi32>
        %parallel_loop3A_367 = arith.andi %parallel_loop3A_246, %parallel_loop3A_366 : vector<16xi32>
        %parallel_loop3A_368 = vector.bitcast %parallel_loop3A_367 : vector<16xi32> to vector<16xf32>
        %parallel_loop3A_369 = arith.mulf %parallel_loop3A_117, %parallel_loop3A_365 : vector<16xf32>
        %parallel_loop3A_370 = arith.addf %parallel_loop3A_358, %parallel_loop3A_369 : vector<16xf32>
        %parallel_loop3A_371 = arith.mulf %parallel_loop3A_117, %parallel_loop3A_368 : vector<16xf32>
        %parallel_loop3A_372 = arith.addf %parallel_loop3A_361, %parallel_loop3A_371 : vector<16xf32>
        %parallel_loop3A_373 = tpu.pack_subelements %parallel_loop3A_370, %parallel_loop3A_372 {pack_format = #tpu.pack_format<interleaved>, positions = array<i32: 0, 1>} : vector<16xf32>, vector<16xf32> -> vector<32xbf16>
        %parallel_loop3A_374 = vector.bitcast %parallel_loop3A_373 : vector<32xbf16> to vector<16xi32>
        %parallel_loop3A_375 = arith.constant 16 : i32
        %parallel_loop3A_376 = vector.broadcast %parallel_loop3A_375 : i32 to vector<16xi32>
        %parallel_loop3A_377 = arith.shli %parallel_loop3A_218, %parallel_loop3A_376 : vector<16xi32>
        %parallel_loop3A_378 = vector.bitcast %parallel_loop3A_377 : vector<16xi32> to vector<16xf32>
        %parallel_loop3A_379 = vector.broadcast %scan3A_36 : i32 to vector<16xi32>
        %parallel_loop3A_380 = arith.andi %parallel_loop3A_218, %parallel_loop3A_379 : vector<16xi32>
        %parallel_loop3A_381 = vector.bitcast %parallel_loop3A_380 : vector<16xi32> to vector<16xf32>
        %parallel_loop3A_382 = arith.constant 16 : i32
        %parallel_loop3A_383 = vector.broadcast %parallel_loop3A_382 : i32 to vector<16xi32>
        %parallel_loop3A_384 = arith.shli %parallel_loop3A_250, %parallel_loop3A_383 : vector<16xi32>
        %parallel_loop3A_385 = vector.bitcast %parallel_loop3A_384 : vector<16xi32> to vector<16xf32>
        %parallel_loop3A_386 = vector.broadcast %scan3A_36 : i32 to vector<16xi32>
        %parallel_loop3A_387 = arith.andi %parallel_loop3A_250, %parallel_loop3A_386 : vector<16xi32>
        %parallel_loop3A_388 = vector.bitcast %parallel_loop3A_387 : vector<16xi32> to vector<16xf32>
        %parallel_loop3A_389 = arith.mulf %parallel_loop3A_117, %parallel_loop3A_385 : vector<16xf32>
        %parallel_loop3A_390 = arith.addf %parallel_loop3A_378, %parallel_loop3A_389 : vector<16xf32>
        %parallel_loop3A_391 = arith.mulf %parallel_loop3A_117, %parallel_loop3A_388 : vector<16xf32>
        %parallel_loop3A_392 = arith.addf %parallel_loop3A_381, %parallel_loop3A_391 : vector<16xf32>
        %parallel_loop3A_393 = tpu.pack_subelements %parallel_loop3A_390, %parallel_loop3A_392 {pack_format = #tpu.pack_format<interleaved>, positions = array<i32: 0, 1>} : vector<16xf32>, vector<16xf32> -> vector<32xbf16>
        %parallel_loop3A_394 = vector.bitcast %parallel_loop3A_393 : vector<32xbf16> to vector<16xi32>
        %parallel_loop3A_395 = arith.constant 16 : i32
        %parallel_loop3A_396 = vector.broadcast %parallel_loop3A_395 : i32 to vector<16xi32>
        %parallel_loop3A_397 = arith.shli %parallel_loop3A_222, %parallel_loop3A_396 : vector<16xi32>
        %parallel_loop3A_398 = vector.bitcast %parallel_loop3A_397 : vector<16xi32> to vector<16xf32>
        %parallel_loop3A_399 = vector.broadcast %scan3A_36 : i32 to vector<16xi32>
        %parallel_loop3A_400 = arith.andi %parallel_loop3A_222, %parallel_loop3A_399 : vector<16xi32>
        %parallel_loop3A_401 = vector.bitcast %parallel_loop3A_400 : vector<16xi32> to vector<16xf32>
        %parallel_loop3A_402 = arith.constant 16 : i32
        %parallel_loop3A_403 = vector.broadcast %parallel_loop3A_402 : i32 to vector<16xi32>
        %parallel_loop3A_404 = arith.shli %parallel_loop3A_254, %parallel_loop3A_403 : vector<16xi32>
        %parallel_loop3A_405 = vector.bitcast %parallel_loop3A_404 : vector<16xi32> to vector<16xf32>
        %parallel_loop3A_406 = vector.broadcast %scan3A_36 : i32 to vector<16xi32>
        %parallel_loop3A_407 = arith.andi %parallel_loop3A_254, %parallel_loop3A_406 : vector<16xi32>
        %parallel_loop3A_408 = vector.bitcast %parallel_loop3A_407 : vector<16xi32> to vector<16xf32>
        %parallel_loop3A_409 = arith.mulf %parallel_loop3A_117, %parallel_loop3A_405 : vector<16xf32>
        %parallel_loop3A_410 = arith.addf %parallel_loop3A_398, %parallel_loop3A_409 : vector<16xf32>
        %parallel_loop3A_411 = arith.mulf %parallel_loop3A_117, %parallel_loop3A_408 : vector<16xf32>
        %parallel_loop3A_412 = arith.addf %parallel_loop3A_401, %parallel_loop3A_411 : vector<16xf32>
        %parallel_loop3A_413 = tpu.pack_subelements %parallel_loop3A_410, %parallel_loop3A_412 {pack_format = #tpu.pack_format<interleaved>, positions = array<i32: 0, 1>} : vector<16xf32>, vector<16xf32> -> vector<32xbf16>
        %parallel_loop3A_414 = vector.bitcast %parallel_loop3A_413 : vector<32xbf16> to vector<16xi32>
        %parallel_loop3A_415 = arith.constant 0 : i32
        %parallel_loop3A_416 = vector.broadcast %parallel_loop3A_415 : i32 to vector<16xi32>
        %parallel_loop3A_417 = arith.addi %parallel_loop3A_190, %parallel_loop3A_416 : vector<16xi32>
        tpu.vector_store_idx %arg16[%parallel_loop3A_417], %parallel_loop3A_274 : memref<40960xi32, #tpu.memory_space<vmem>>[vector<16xi32>], vector<16xi32>,
        %parallel_loop3A_418 = arith.constant 1 : i32
        %parallel_loop3A_419 = vector.broadcast %parallel_loop3A_418 : i32 to vector<16xi32>
        %parallel_loop3A_420 = arith.addi %parallel_loop3A_190, %parallel_loop3A_419 : vector<16xi32>
        tpu.vector_store_idx %arg16[%parallel_loop3A_420], %parallel_loop3A_294 : memref<40960xi32, #tpu.memory_space<vmem>>[vector<16xi32>], vector<16xi32>,
        %parallel_loop3A_421 = arith.constant 2 : i32
        %parallel_loop3A_422 = vector.broadcast %parallel_loop3A_421 : i32 to vector<16xi32>
        %parallel_loop3A_423 = arith.addi %parallel_loop3A_190, %parallel_loop3A_422 : vector<16xi32>
        tpu.vector_store_idx %arg16[%parallel_loop3A_423], %parallel_loop3A_314 : memref<40960xi32, #tpu.memory_space<vmem>>[vector<16xi32>], vector<16xi32>,
        %parallel_loop3A_424 = arith.constant 3 : i32
        %parallel_loop3A_425 = vector.broadcast %parallel_loop3A_424 : i32 to vector<16xi32>
        %parallel_loop3A_426 = arith.addi %parallel_loop3A_190, %parallel_loop3A_425 : vector<16xi32>
        tpu.vector_store_idx %arg16[%parallel_loop3A_426], %parallel_loop3A_334 : memref<40960xi32, #tpu.memory_space<vmem>>[vector<16xi32>], vector<16xi32>,
        %parallel_loop3A_427 = arith.constant 4 : i32
        %parallel_loop3A_428 = vector.broadcast %parallel_loop3A_427 : i32 to vector<16xi32>
        %parallel_loop3A_429 = arith.addi %parallel_loop3A_190, %parallel_loop3A_428 : vector<16xi32>
        tpu.vector_store_idx %arg16[%parallel_loop3A_429], %parallel_loop3A_354 : memref<40960xi32, #tpu.memory_space<vmem>>[vector<16xi32>], vector<16xi32>,
        %parallel_loop3A_430 = arith.constant 5 : i32
        %parallel_loop3A_431 = vector.broadcast %parallel_loop3A_430 : i32 to vector<16xi32>
        %parallel_loop3A_432 = arith.addi %parallel_loop3A_190, %parallel_loop3A_431 : vector<16xi32>
        tpu.vector_store_idx %arg16[%parallel_loop3A_432], %parallel_loop3A_374 : memref<40960xi32, #tpu.memory_space<vmem>>[vector<16xi32>], vector<16xi32>,
        %parallel_loop3A_433 = arith.constant 6 : i32
        %parallel_loop3A_434 = vector.broadcast %parallel_loop3A_433 : i32 to vector<16xi32>
        %parallel_loop3A_435 = arith.addi %parallel_loop3A_190, %parallel_loop3A_434 : vector<16xi32>
        tpu.vector_store_idx %arg16[%parallel_loop3A_435], %parallel_loop3A_394 : memref<40960xi32, #tpu.memory_space<vmem>>[vector<16xi32>], vector<16xi32>,
        %parallel_loop3A_436 = arith.constant 7 : i32
        %parallel_loop3A_437 = vector.broadcast %parallel_loop3A_436 : i32 to vector<16xi32>
        %parallel_loop3A_438 = arith.addi %parallel_loop3A_190, %parallel_loop3A_437 : vector<16xi32>
        tpu.vector_store_idx %arg16[%parallel_loop3A_438], %parallel_loop3A_414 : memref<40960xi32, #tpu.memory_space<vmem>>[vector<16xi32>], vector<16xi32>,
        %parallel_loop3A_439 = arith.constant 8 : i32
        %parallel_loop3A_440 = vector.broadcast %parallel_loop3A_439 : i32 to vector<16xi32>
        %parallel_loop3A_441 = arith.addi %parallel_loop3A_183, %parallel_loop3A_440 : vector<16xi32>
        %parallel_loop3A_442 = tpu.vector_load_idx %arg17[%parallel_loop3A_441] : memref<11520xi32, #tpu.memory_space<vmem>>[vector<16xi32>], vector<16xi32>,
        %parallel_loop3A_443 = arith.constant 9 : i32
        %parallel_loop3A_444 = vector.broadcast %parallel_loop3A_443 : i32 to vector<16xi32>
        %parallel_loop3A_445 = arith.addi %parallel_loop3A_183, %parallel_loop3A_444 : vector<16xi32>
        %parallel_loop3A_446 = tpu.vector_load_idx %arg17[%parallel_loop3A_445] : memref<11520xi32, #tpu.memory_space<vmem>>[vector<16xi32>], vector<16xi32>,
        %parallel_loop3A_447 = arith.constant 10 : i32
        %parallel_loop3A_448 = vector.broadcast %parallel_loop3A_447 : i32 to vector<16xi32>
        %parallel_loop3A_449 = arith.addi %parallel_loop3A_183, %parallel_loop3A_448 : vector<16xi32>
        %parallel_loop3A_450 = tpu.vector_load_idx %arg17[%parallel_loop3A_449] : memref<11520xi32, #tpu.memory_space<vmem>>[vector<16xi32>], vector<16xi32>,
        %parallel_loop3A_451 = arith.constant 11 : i32
        %parallel_loop3A_452 = vector.broadcast %parallel_loop3A_451 : i32 to vector<16xi32>
        %parallel_loop3A_453 = arith.addi %parallel_loop3A_183, %parallel_loop3A_452 : vector<16xi32>
        %parallel_loop3A_454 = tpu.vector_load_idx %arg17[%parallel_loop3A_453] : memref<11520xi32, #tpu.memory_space<vmem>>[vector<16xi32>], vector<16xi32>,
        %parallel_loop3A_455 = arith.constant 12 : i32
        %parallel_loop3A_456 = vector.broadcast %parallel_loop3A_455 : i32 to vector<16xi32>
        %parallel_loop3A_457 = arith.addi %parallel_loop3A_183, %parallel_loop3A_456 : vector<16xi32>
        %parallel_loop3A_458 = tpu.vector_load_idx %arg17[%parallel_loop3A_457] : memref<11520xi32, #tpu.memory_space<vmem>>[vector<16xi32>], vector<16xi32>,
        %parallel_loop3A_459 = arith.constant 13 : i32
        %parallel_loop3A_460 = vector.broadcast %parallel_loop3A_459 : i32 to vector<16xi32>
        %parallel_loop3A_461 = arith.addi %parallel_loop3A_183, %parallel_loop3A_460 : vector<16xi32>
        %parallel_loop3A_462 = tpu.vector_load_idx %arg17[%parallel_loop3A_461] : memref<11520xi32, #tpu.memory_space<vmem>>[vector<16xi32>], vector<16xi32>,
        %parallel_loop3A_463 = arith.constant 14 : i32
        %parallel_loop3A_464 = vector.broadcast %parallel_loop3A_463 : i32 to vector<16xi32>
        %parallel_loop3A_465 = arith.addi %parallel_loop3A_183, %parallel_loop3A_464 : vector<16xi32>
        %parallel_loop3A_466 = tpu.vector_load_idx %arg17[%parallel_loop3A_465] : memref<11520xi32, #tpu.memory_space<vmem>>[vector<16xi32>], vector<16xi32>,
        %parallel_loop3A_467 = arith.constant 15 : i32
        %parallel_loop3A_468 = vector.broadcast %parallel_loop3A_467 : i32 to vector<16xi32>
        %parallel_loop3A_469 = arith.addi %parallel_loop3A_183, %parallel_loop3A_468 : vector<16xi32>
        %parallel_loop3A_470 = tpu.vector_load_idx %arg17[%parallel_loop3A_469] : memref<11520xi32, #tpu.memory_space<vmem>>[vector<16xi32>], vector<16xi32>,
        %parallel_loop3A_471 = arith.constant 8 : i32
        %parallel_loop3A_472 = vector.broadcast %parallel_loop3A_471 : i32 to vector<16xi32>
        %parallel_loop3A_473 = arith.addi %parallel_loop3A_186, %parallel_loop3A_472 : vector<16xi32>
        %parallel_loop3A_474 = tpu.vector_load_idx %arg18[%parallel_loop3A_473] : memref<288xi32, #tpu.memory_space<vmem>>[vector<16xi32>], vector<16xi32>,
        %parallel_loop3A_475 = arith.constant 9 : i32
        %parallel_loop3A_476 = vector.broadcast %parallel_loop3A_475 : i32 to vector<16xi32>
        %parallel_loop3A_477 = arith.addi %parallel_loop3A_186, %parallel_loop3A_476 : vector<16xi32>
        %parallel_loop3A_478 = tpu.vector_load_idx %arg18[%parallel_loop3A_477] : memref<288xi32, #tpu.memory_space<vmem>>[vector<16xi32>], vector<16xi32>,
        %parallel_loop3A_479 = arith.constant 10 : i32
        %parallel_loop3A_480 = vector.broadcast %parallel_loop3A_479 : i32 to vector<16xi32>
        %parallel_loop3A_481 = arith.addi %parallel_loop3A_186, %parallel_loop3A_480 : vector<16xi32>
        %parallel_loop3A_482 = tpu.vector_load_idx %arg18[%parallel_loop3A_481] : memref<288xi32, #tpu.memory_space<vmem>>[vector<16xi32>], vector<16xi32>,
        %parallel_loop3A_483 = arith.constant 11 : i32
        %parallel_loop3A_484 = vector.broadcast %parallel_loop3A_483 : i32 to vector<16xi32>
        %parallel_loop3A_485 = arith.addi %parallel_loop3A_186, %parallel_loop3A_484 : vector<16xi32>
        %parallel_loop3A_486 = tpu.vector_load_idx %arg18[%parallel_loop3A_485] : memref<288xi32, #tpu.memory_space<vmem>>[vector<16xi32>], vector<16xi32>,
        %parallel_loop3A_487 = arith.constant 12 : i32
        %parallel_loop3A_488 = vector.broadcast %parallel_loop3A_487 : i32 to vector<16xi32>
        %parallel_loop3A_489 = arith.addi %parallel_loop3A_186, %parallel_loop3A_488 : vector<16xi32>
        %parallel_loop3A_490 = tpu.vector_load_idx %arg18[%parallel_loop3A_489] : memref<288xi32, #tpu.memory_space<vmem>>[vector<16xi32>], vector<16xi32>,
        %parallel_loop3A_491 = arith.constant 13 : i32
        %parallel_loop3A_492 = vector.broadcast %parallel_loop3A_491 : i32 to vector<16xi32>
        %parallel_loop3A_493 = arith.addi %parallel_loop3A_186, %parallel_loop3A_492 : vector<16xi32>
        %parallel_loop3A_494 = tpu.vector_load_idx %arg18[%parallel_loop3A_493] : memref<288xi32, #tpu.memory_space<vmem>>[vector<16xi32>], vector<16xi32>,
        %parallel_loop3A_495 = arith.constant 14 : i32
        %parallel_loop3A_496 = vector.broadcast %parallel_loop3A_495 : i32 to vector<16xi32>
        %parallel_loop3A_497 = arith.addi %parallel_loop3A_186, %parallel_loop3A_496 : vector<16xi32>
        %parallel_loop3A_498 = tpu.vector_load_idx %arg18[%parallel_loop3A_497] : memref<288xi32, #tpu.memory_space<vmem>>[vector<16xi32>], vector<16xi32>,
        %parallel_loop3A_499 = arith.constant 15 : i32
        %parallel_loop3A_500 = vector.broadcast %parallel_loop3A_499 : i32 to vector<16xi32>
        %parallel_loop3A_501 = arith.addi %parallel_loop3A_186, %parallel_loop3A_500 : vector<16xi32>
        %parallel_loop3A_502 = tpu.vector_load_idx %arg18[%parallel_loop3A_501] : memref<288xi32, #tpu.memory_space<vmem>>[vector<16xi32>], vector<16xi32>,
        %parallel_loop3A_503 = arith.constant 16 : i32
        %parallel_loop3A_504 = vector.broadcast %parallel_loop3A_503 : i32 to vector<16xi32>
        %parallel_loop3A_505 = arith.shli %parallel_loop3A_442, %parallel_loop3A_504 : vector<16xi32>
        %parallel_loop3A_506 = vector.bitcast %parallel_loop3A_505 : vector<16xi32> to vector<16xf32>
        %parallel_loop3A_507 = vector.broadcast %scan3A_36 : i32 to vector<16xi32>
        %parallel_loop3A_508 = arith.andi %parallel_loop3A_442, %parallel_loop3A_507 : vector<16xi32>
        %parallel_loop3A_509 = vector.bitcast %parallel_loop3A_508 : vector<16xi32> to vector<16xf32>
        %parallel_loop3A_510 = arith.constant 16 : i32
        %parallel_loop3A_511 = vector.broadcast %parallel_loop3A_510 : i32 to vector<16xi32>
        %parallel_loop3A_512 = arith.shli %parallel_loop3A_474, %parallel_loop3A_511 : vector<16xi32>
        %parallel_loop3A_513 = vector.bitcast %parallel_loop3A_512 : vector<16xi32> to vector<16xf32>
        %parallel_loop3A_514 = vector.broadcast %scan3A_36 : i32 to vector<16xi32>
        %parallel_loop3A_515 = arith.andi %parallel_loop3A_474, %parallel_loop3A_514 : vector<16xi32>
        %parallel_loop3A_516 = vector.bitcast %parallel_loop3A_515 : vector<16xi32> to vector<16xf32>
        %parallel_loop3A_517 = arith.mulf %parallel_loop3A_117, %parallel_loop3A_513 : vector<16xf32>
        %parallel_loop3A_518 = arith.addf %parallel_loop3A_506, %parallel_loop3A_517 : vector<16xf32>
        %parallel_loop3A_519 = arith.mulf %parallel_loop3A_117, %parallel_loop3A_516 : vector<16xf32>
        %parallel_loop3A_520 = arith.addf %parallel_loop3A_509, %parallel_loop3A_519 : vector<16xf32>
        %parallel_loop3A_521 = tpu.pack_subelements %parallel_loop3A_518, %parallel_loop3A_520 {pack_format = #tpu.pack_format<interleaved>, positions = array<i32: 0, 1>} : vector<16xf32>, vector<16xf32> -> vector<32xbf16>
        %parallel_loop3A_522 = vector.bitcast %parallel_loop3A_521 : vector<32xbf16> to vector<16xi32>
        %parallel_loop3A_523 = arith.constant 16 : i32
        %parallel_loop3A_524 = vector.broadcast %parallel_loop3A_523 : i32 to vector<16xi32>
        %parallel_loop3A_525 = arith.shli %parallel_loop3A_446, %parallel_loop3A_524 : vector<16xi32>
        %parallel_loop3A_526 = vector.bitcast %parallel_loop3A_525 : vector<16xi32> to vector<16xf32>
        %parallel_loop3A_527 = vector.broadcast %scan3A_36 : i32 to vector<16xi32>
        %parallel_loop3A_528 = arith.andi %parallel_loop3A_446, %parallel_loop3A_527 : vector<16xi32>
        %parallel_loop3A_529 = vector.bitcast %parallel_loop3A_528 : vector<16xi32> to vector<16xf32>
        %parallel_loop3A_530 = arith.constant 16 : i32
        %parallel_loop3A_531 = vector.broadcast %parallel_loop3A_530 : i32 to vector<16xi32>
        %parallel_loop3A_532 = arith.shli %parallel_loop3A_478, %parallel_loop3A_531 : vector<16xi32>
        %parallel_loop3A_533 = vector.bitcast %parallel_loop3A_532 : vector<16xi32> to vector<16xf32>
        %parallel_loop3A_534 = vector.broadcast %scan3A_36 : i32 to vector<16xi32>
        %parallel_loop3A_535 = arith.andi %parallel_loop3A_478, %parallel_loop3A_534 : vector<16xi32>
        %parallel_loop3A_536 = vector.bitcast %parallel_loop3A_535 : vector<16xi32> to vector<16xf32>
        %parallel_loop3A_537 = arith.mulf %parallel_loop3A_117, %parallel_loop3A_533 : vector<16xf32>
        %parallel_loop3A_538 = arith.addf %parallel_loop3A_526, %parallel_loop3A_537 : vector<16xf32>
        %parallel_loop3A_539 = arith.mulf %parallel_loop3A_117, %parallel_loop3A_536 : vector<16xf32>
        %parallel_loop3A_540 = arith.addf %parallel_loop3A_529, %parallel_loop3A_539 : vector<16xf32>
        %parallel_loop3A_541 = tpu.pack_subelements %parallel_loop3A_538, %parallel_loop3A_540 {pack_format = #tpu.pack_format<interleaved>, positions = array<i32: 0, 1>} : vector<16xf32>, vector<16xf32> -> vector<32xbf16>
        %parallel_loop3A_542 = vector.bitcast %parallel_loop3A_541 : vector<32xbf16> to vector<16xi32>
        %parallel_loop3A_543 = arith.constant 16 : i32
        %parallel_loop3A_544 = vector.broadcast %parallel_loop3A_543 : i32 to vector<16xi32>
        %parallel_loop3A_545 = arith.shli %parallel_loop3A_450, %parallel_loop3A_544 : vector<16xi32>
        %parallel_loop3A_546 = vector.bitcast %parallel_loop3A_545 : vector<16xi32> to vector<16xf32>
        %parallel_loop3A_547 = vector.broadcast %scan3A_36 : i32 to vector<16xi32>
        %parallel_loop3A_548 = arith.andi %parallel_loop3A_450, %parallel_loop3A_547 : vector<16xi32>
        %parallel_loop3A_549 = vector.bitcast %parallel_loop3A_548 : vector<16xi32> to vector<16xf32>
        %parallel_loop3A_550 = arith.constant 16 : i32
        %parallel_loop3A_551 = vector.broadcast %parallel_loop3A_550 : i32 to vector<16xi32>
        %parallel_loop3A_552 = arith.shli %parallel_loop3A_482, %parallel_loop3A_551 : vector<16xi32>
        %parallel_loop3A_553 = vector.bitcast %parallel_loop3A_552 : vector<16xi32> to vector<16xf32>
        %parallel_loop3A_554 = vector.broadcast %scan3A_36 : i32 to vector<16xi32>
        %parallel_loop3A_555 = arith.andi %parallel_loop3A_482, %parallel_loop3A_554 : vector<16xi32>
        %parallel_loop3A_556 = vector.bitcast %parallel_loop3A_555 : vector<16xi32> to vector<16xf32>
        %parallel_loop3A_557 = arith.mulf %parallel_loop3A_117, %parallel_loop3A_553 : vector<16xf32>
        %parallel_loop3A_558 = arith.addf %parallel_loop3A_546, %parallel_loop3A_557 : vector<16xf32>
        %parallel_loop3A_559 = arith.mulf %parallel_loop3A_117, %parallel_loop3A_556 : vector<16xf32>
        %parallel_loop3A_560 = arith.addf %parallel_loop3A_549, %parallel_loop3A_559 : vector<16xf32>
        %parallel_loop3A_561 = tpu.pack_subelements %parallel_loop3A_558, %parallel_loop3A_560 {pack_format = #tpu.pack_format<interleaved>, positions = array<i32: 0, 1>} : vector<16xf32>, vector<16xf32> -> vector<32xbf16>
        %parallel_loop3A_562 = vector.bitcast %parallel_loop3A_561 : vector<32xbf16> to vector<16xi32>
        %parallel_loop3A_563 = arith.constant 16 : i32
        %parallel_loop3A_564 = vector.broadcast %parallel_loop3A_563 : i32 to vector<16xi32>
        %parallel_loop3A_565 = arith.shli %parallel_loop3A_454, %parallel_loop3A_564 : vector<16xi32>
        %parallel_loop3A_566 = vector.bitcast %parallel_loop3A_565 : vector<16xi32> to vector<16xf32>
        %parallel_loop3A_567 = vector.broadcast %scan3A_36 : i32 to vector<16xi32>
        %parallel_loop3A_568 = arith.andi %parallel_loop3A_454, %parallel_loop3A_567 : vector<16xi32>
        %parallel_loop3A_569 = vector.bitcast %parallel_loop3A_568 : vector<16xi32> to vector<16xf32>
        %parallel_loop3A_570 = arith.constant 16 : i32
        %parallel_loop3A_571 = vector.broadcast %parallel_loop3A_570 : i32 to vector<16xi32>
        %parallel_loop3A_572 = arith.shli %parallel_loop3A_486, %parallel_loop3A_571 : vector<16xi32>
        %parallel_loop3A_573 = vector.bitcast %parallel_loop3A_572 : vector<16xi32> to vector<16xf32>
        %parallel_loop3A_574 = vector.broadcast %scan3A_36 : i32 to vector<16xi32>
        %parallel_loop3A_575 = arith.andi %parallel_loop3A_486, %parallel_loop3A_574 : vector<16xi32>
        %parallel_loop3A_576 = vector.bitcast %parallel_loop3A_575 : vector<16xi32> to vector<16xf32>
        %parallel_loop3A_577 = arith.mulf %parallel_loop3A_117, %parallel_loop3A_573 : vector<16xf32>
        %parallel_loop3A_578 = arith.addf %parallel_loop3A_566, %parallel_loop3A_577 : vector<16xf32>
        %parallel_loop3A_579 = arith.mulf %parallel_loop3A_117, %parallel_loop3A_576 : vector<16xf32>
        %parallel_loop3A_580 = arith.addf %parallel_loop3A_569, %parallel_loop3A_579 : vector<16xf32>
        %parallel_loop3A_581 = tpu.pack_subelements %parallel_loop3A_578, %parallel_loop3A_580 {pack_format = #tpu.pack_format<interleaved>, positions = array<i32: 0, 1>} : vector<16xf32>, vector<16xf32> -> vector<32xbf16>
        %parallel_loop3A_582 = vector.bitcast %parallel_loop3A_581 : vector<32xbf16> to vector<16xi32>
        %parallel_loop3A_583 = arith.constant 16 : i32
        %parallel_loop3A_584 = vector.broadcast %parallel_loop3A_583 : i32 to vector<16xi32>
        %parallel_loop3A_585 = arith.shli %parallel_loop3A_458, %parallel_loop3A_584 : vector<16xi32>
        %parallel_loop3A_586 = vector.bitcast %parallel_loop3A_585 : vector<16xi32> to vector<16xf32>
        %parallel_loop3A_587 = vector.broadcast %scan3A_36 : i32 to vector<16xi32>
        %parallel_loop3A_588 = arith.andi %parallel_loop3A_458, %parallel_loop3A_587 : vector<16xi32>
        %parallel_loop3A_589 = vector.bitcast %parallel_loop3A_588 : vector<16xi32> to vector<16xf32>
        %parallel_loop3A_590 = arith.constant 16 : i32
        %parallel_loop3A_591 = vector.broadcast %parallel_loop3A_590 : i32 to vector<16xi32>
        %parallel_loop3A_592 = arith.shli %parallel_loop3A_490, %parallel_loop3A_591 : vector<16xi32>
        %parallel_loop3A_593 = vector.bitcast %parallel_loop3A_592 : vector<16xi32> to vector<16xf32>
        %parallel_loop3A_594 = vector.broadcast %scan3A_36 : i32 to vector<16xi32>
        %parallel_loop3A_595 = arith.andi %parallel_loop3A_490, %parallel_loop3A_594 : vector<16xi32>
        %parallel_loop3A_596 = vector.bitcast %parallel_loop3A_595 : vector<16xi32> to vector<16xf32>
        %parallel_loop3A_597 = arith.mulf %parallel_loop3A_117, %parallel_loop3A_593 : vector<16xf32>
        %parallel_loop3A_598 = arith.addf %parallel_loop3A_586, %parallel_loop3A_597 : vector<16xf32>
        %parallel_loop3A_599 = arith.mulf %parallel_loop3A_117, %parallel_loop3A_596 : vector<16xf32>
        %parallel_loop3A_600 = arith.addf %parallel_loop3A_589, %parallel_loop3A_599 : vector<16xf32>
        %parallel_loop3A_601 = tpu.pack_subelements %parallel_loop3A_598, %parallel_loop3A_600 {pack_format = #tpu.pack_format<interleaved>, positions = array<i32: 0, 1>} : vector<16xf32>, vector<16xf32> -> vector<32xbf16>
        %parallel_loop3A_602 = vector.bitcast %parallel_loop3A_601 : vector<32xbf16> to vector<16xi32>
        %parallel_loop3A_603 = arith.constant 16 : i32
        %parallel_loop3A_604 = vector.broadcast %parallel_loop3A_603 : i32 to vector<16xi32>
        %parallel_loop3A_605 = arith.shli %parallel_loop3A_462, %parallel_loop3A_604 : vector<16xi32>
        %parallel_loop3A_606 = vector.bitcast %parallel_loop3A_605 : vector<16xi32> to vector<16xf32>
        %parallel_loop3A_607 = vector.broadcast %scan3A_36 : i32 to vector<16xi32>
        %parallel_loop3A_608 = arith.andi %parallel_loop3A_462, %parallel_loop3A_607 : vector<16xi32>
        %parallel_loop3A_609 = vector.bitcast %parallel_loop3A_608 : vector<16xi32> to vector<16xf32>
        %parallel_loop3A_610 = arith.constant 16 : i32
        %parallel_loop3A_611 = vector.broadcast %parallel_loop3A_610 : i32 to vector<16xi32>
        %parallel_loop3A_612 = arith.shli %parallel_loop3A_494, %parallel_loop3A_611 : vector<16xi32>
        %parallel_loop3A_613 = vector.bitcast %parallel_loop3A_612 : vector<16xi32> to vector<16xf32>
        %parallel_loop3A_614 = vector.broadcast %scan3A_36 : i32 to vector<16xi32>
        %parallel_loop3A_615 = arith.andi %parallel_loop3A_494, %parallel_loop3A_614 : vector<16xi32>
        %parallel_loop3A_616 = vector.bitcast %parallel_loop3A_615 : vector<16xi32> to vector<16xf32>
        %parallel_loop3A_617 = arith.mulf %parallel_loop3A_117, %parallel_loop3A_613 : vector<16xf32>
        %parallel_loop3A_618 = arith.addf %parallel_loop3A_606, %parallel_loop3A_617 : vector<16xf32>
        %parallel_loop3A_619 = arith.mulf %parallel_loop3A_117, %parallel_loop3A_616 : vector<16xf32>
        %parallel_loop3A_620 = arith.addf %parallel_loop3A_609, %parallel_loop3A_619 : vector<16xf32>
        %parallel_loop3A_621 = tpu.pack_subelements %parallel_loop3A_618, %parallel_loop3A_620 {pack_format = #tpu.pack_format<interleaved>, positions = array<i32: 0, 1>} : vector<16xf32>, vector<16xf32> -> vector<32xbf16>
        %parallel_loop3A_622 = vector.bitcast %parallel_loop3A_621 : vector<32xbf16> to vector<16xi32>
        %parallel_loop3A_623 = arith.constant 16 : i32
        %parallel_loop3A_624 = vector.broadcast %parallel_loop3A_623 : i32 to vector<16xi32>
        %parallel_loop3A_625 = arith.shli %parallel_loop3A_466, %parallel_loop3A_624 : vector<16xi32>
        %parallel_loop3A_626 = vector.bitcast %parallel_loop3A_625 : vector<16xi32> to vector<16xf32>
        %parallel_loop3A_627 = vector.broadcast %scan3A_36 : i32 to vector<16xi32>
        %parallel_loop3A_628 = arith.andi %parallel_loop3A_466, %parallel_loop3A_627 : vector<16xi32>
        %parallel_loop3A_629 = vector.bitcast %parallel_loop3A_628 : vector<16xi32> to vector<16xf32>
        %parallel_loop3A_630 = arith.constant 16 : i32
        %parallel_loop3A_631 = vector.broadcast %parallel_loop3A_630 : i32 to vector<16xi32>
        %parallel_loop3A_632 = arith.shli %parallel_loop3A_498, %parallel_loop3A_631 : vector<16xi32>
        %parallel_loop3A_633 = vector.bitcast %parallel_loop3A_632 : vector<16xi32> to vector<16xf32>
        %parallel_loop3A_634 = vector.broadcast %scan3A_36 : i32 to vector<16xi32>
        %parallel_loop3A_635 = arith.andi %parallel_loop3A_498, %parallel_loop3A_634 : vector<16xi32>
        %parallel_loop3A_636 = vector.bitcast %parallel_loop3A_635 : vector<16xi32> to vector<16xf32>
        %parallel_loop3A_637 = arith.mulf %parallel_loop3A_117, %parallel_loop3A_633 : vector<16xf32>
        %parallel_loop3A_638 = arith.addf %parallel_loop3A_626, %parallel_loop3A_637 : vector<16xf32>
        %parallel_loop3A_639 = arith.mulf %parallel_loop3A_117, %parallel_loop3A_636 : vector<16xf32>
        %parallel_loop3A_640 = arith.addf %parallel_loop3A_629, %parallel_loop3A_639 : vector<16xf32>
        %parallel_loop3A_641 = tpu.pack_subelements %parallel_loop3A_638, %parallel_loop3A_640 {pack_format = #tpu.pack_format<interleaved>, positions = array<i32: 0, 1>} : vector<16xf32>, vector<16xf32> -> vector<32xbf16>
        %parallel_loop3A_642 = vector.bitcast %parallel_loop3A_641 : vector<32xbf16> to vector<16xi32>
        %parallel_loop3A_643 = arith.constant 16 : i32
        %parallel_loop3A_644 = vector.broadcast %parallel_loop3A_643 : i32 to vector<16xi32>
        %parallel_loop3A_645 = arith.shli %parallel_loop3A_470, %parallel_loop3A_644 : vector<16xi32>
        %parallel_loop3A_646 = vector.bitcast %parallel_loop3A_645 : vector<16xi32> to vector<16xf32>
        %parallel_loop3A_647 = vector.broadcast %scan3A_36 : i32 to vector<16xi32>
        %parallel_loop3A_648 = arith.andi %parallel_loop3A_470, %parallel_loop3A_647 : vector<16xi32>
        %parallel_loop3A_649 = vector.bitcast %parallel_loop3A_648 : vector<16xi32> to vector<16xf32>
        %parallel_loop3A_650 = arith.constant 16 : i32
        %parallel_loop3A_651 = vector.broadcast %parallel_loop3A_650 : i32 to vector<16xi32>
        %parallel_loop3A_652 = arith.shli %parallel_loop3A_502, %parallel_loop3A_651 : vector<16xi32>
        %parallel_loop3A_653 = vector.bitcast %parallel_loop3A_652 : vector<16xi32> to vector<16xf32>
        %parallel_loop3A_654 = vector.broadcast %scan3A_36 : i32 to vector<16xi32>
        %parallel_loop3A_655 = arith.andi %parallel_loop3A_502, %parallel_loop3A_654 : vector<16xi32>
        %parallel_loop3A_656 = vector.bitcast %parallel_loop3A_655 : vector<16xi32> to vector<16xf32>
        %parallel_loop3A_657 = arith.mulf %parallel_loop3A_117, %parallel_loop3A_653 : vector<16xf32>
        %parallel_loop3A_658 = arith.addf %parallel_loop3A_646, %parallel_loop3A_657 : vector<16xf32>
        %parallel_loop3A_659 = arith.mulf %parallel_loop3A_117, %parallel_loop3A_656 : vector<16xf32>
        %parallel_loop3A_660 = arith.addf %parallel_loop3A_649, %parallel_loop3A_659 : vector<16xf32>
        %parallel_loop3A_661 = tpu.pack_subelements %parallel_loop3A_658, %parallel_loop3A_660 {pack_format = #tpu.pack_format<interleaved>, positions = array<i32: 0, 1>} : vector<16xf32>, vector<16xf32> -> vector<32xbf16>
        %parallel_loop3A_662 = vector.bitcast %parallel_loop3A_661 : vector<32xbf16> to vector<16xi32>
        %parallel_loop3A_663 = arith.constant 8 : i32
        %parallel_loop3A_664 = vector.broadcast %parallel_loop3A_663 : i32 to vector<16xi32>
        %parallel_loop3A_665 = arith.addi %parallel_loop3A_190, %parallel_loop3A_664 : vector<16xi32>
        tpu.vector_store_idx %arg16[%parallel_loop3A_665], %parallel_loop3A_522 : memref<40960xi32, #tpu.memory_space<vmem>>[vector<16xi32>], vector<16xi32>,
        %parallel_loop3A_666 = arith.constant 9 : i32
        %parallel_loop3A_667 = vector.broadcast %parallel_loop3A_666 : i32 to vector<16xi32>
        %parallel_loop3A_668 = arith.addi %parallel_loop3A_190, %parallel_loop3A_667 : vector<16xi32>
        tpu.vector_store_idx %arg16[%parallel_loop3A_668], %parallel_loop3A_542 : memref<40960xi32, #tpu.memory_space<vmem>>[vector<16xi32>], vector<16xi32>,
        %parallel_loop3A_669 = arith.constant 10 : i32
        %parallel_loop3A_670 = vector.broadcast %parallel_loop3A_669 : i32 to vector<16xi32>
        %parallel_loop3A_671 = arith.addi %parallel_loop3A_190, %parallel_loop3A_670 : vector<16xi32>
        tpu.vector_store_idx %arg16[%parallel_loop3A_671], %parallel_loop3A_562 : memref<40960xi32, #tpu.memory_space<vmem>>[vector<16xi32>], vector<16xi32>,
        %parallel_loop3A_672 = arith.constant 11 : i32
        %parallel_loop3A_673 = vector.broadcast %parallel_loop3A_672 : i32 to vector<16xi32>
        %parallel_loop3A_674 = arith.addi %parallel_loop3A_190, %parallel_loop3A_673 : vector<16xi32>
        tpu.vector_store_idx %arg16[%parallel_loop3A_674], %parallel_loop3A_582 : memref<40960xi32, #tpu.memory_space<vmem>>[vector<16xi32>], vector<16xi32>,
        %parallel_loop3A_675 = arith.constant 12 : i32
        %parallel_loop3A_676 = vector.broadcast %parallel_loop3A_675 : i32 to vector<16xi32>
        %parallel_loop3A_677 = arith.addi %parallel_loop3A_190, %parallel_loop3A_676 : vector<16xi32>
        tpu.vector_store_idx %arg16[%parallel_loop3A_677], %parallel_loop3A_602 : memref<40960xi32, #tpu.memory_space<vmem>>[vector<16xi32>], vector<16xi32>,
        %parallel_loop3A_678 = arith.constant 13 : i32
        %parallel_loop3A_679 = vector.broadcast %parallel_loop3A_678 : i32 to vector<16xi32>
        %parallel_loop3A_680 = arith.addi %parallel_loop3A_190, %parallel_loop3A_679 : vector<16xi32>
        tpu.vector_store_idx %arg16[%parallel_loop3A_680], %parallel_loop3A_622 : memref<40960xi32, #tpu.memory_space<vmem>>[vector<16xi32>], vector<16xi32>,
        %parallel_loop3A_681 = arith.constant 14 : i32
        %parallel_loop3A_682 = vector.broadcast %parallel_loop3A_681 : i32 to vector<16xi32>
        %parallel_loop3A_683 = arith.addi %parallel_loop3A_190, %parallel_loop3A_682 : vector<16xi32>
        tpu.vector_store_idx %arg16[%parallel_loop3A_683], %parallel_loop3A_642 : memref<40960xi32, #tpu.memory_space<vmem>>[vector<16xi32>], vector<16xi32>,
        %parallel_loop3A_684 = arith.constant 15 : i32
        %parallel_loop3A_685 = vector.broadcast %parallel_loop3A_684 : i32 to vector<16xi32>
        %parallel_loop3A_686 = arith.addi %parallel_loop3A_190, %parallel_loop3A_685 : vector<16xi32>
        tpu.vector_store_idx %arg16[%parallel_loop3A_686], %parallel_loop3A_662 : memref<40960xi32, #tpu.memory_space<vmem>>[vector<16xi32>], vector<16xi32>,
        %parallel_loop3A_687 = arith.constant 16 : i32
        %parallel_loop3A_688 = vector.broadcast %parallel_loop3A_687 : i32 to vector<16xi32>
        %parallel_loop3A_689 = arith.addi %parallel_loop3A_183, %parallel_loop3A_688 : vector<16xi32>
        %parallel_loop3A_690 = tpu.vector_load_idx %arg17[%parallel_loop3A_689] : memref<11520xi32, #tpu.memory_space<vmem>>[vector<16xi32>], vector<16xi32>,
        %parallel_loop3A_691 = arith.constant 17 : i32
        %parallel_loop3A_692 = vector.broadcast %parallel_loop3A_691 : i32 to vector<16xi32>
        %parallel_loop3A_693 = arith.addi %parallel_loop3A_183, %parallel_loop3A_692 : vector<16xi32>
        %parallel_loop3A_694 = tpu.vector_load_idx %arg17[%parallel_loop3A_693] : memref<11520xi32, #tpu.memory_space<vmem>>[vector<16xi32>], vector<16xi32>,
        %parallel_loop3A_695 = arith.constant 18 : i32
        %parallel_loop3A_696 = vector.broadcast %parallel_loop3A_695 : i32 to vector<16xi32>
        %parallel_loop3A_697 = arith.addi %parallel_loop3A_183, %parallel_loop3A_696 : vector<16xi32>
        %parallel_loop3A_698 = tpu.vector_load_idx %arg17[%parallel_loop3A_697] : memref<11520xi32, #tpu.memory_space<vmem>>[vector<16xi32>], vector<16xi32>,
        %parallel_loop3A_699 = arith.constant 19 : i32
        %parallel_loop3A_700 = vector.broadcast %parallel_loop3A_699 : i32 to vector<16xi32>
        %parallel_loop3A_701 = arith.addi %parallel_loop3A_183, %parallel_loop3A_700 : vector<16xi32>
        %parallel_loop3A_702 = tpu.vector_load_idx %arg17[%parallel_loop3A_701] : memref<11520xi32, #tpu.memory_space<vmem>>[vector<16xi32>], vector<16xi32>,
        %parallel_loop3A_703 = arith.constant 20 : i32
        %parallel_loop3A_704 = vector.broadcast %parallel_loop3A_703 : i32 to vector<16xi32>
        %parallel_loop3A_705 = arith.addi %parallel_loop3A_183, %parallel_loop3A_704 : vector<16xi32>
        %parallel_loop3A_706 = tpu.vector_load_idx %arg17[%parallel_loop3A_705] : memref<11520xi32, #tpu.memory_space<vmem>>[vector<16xi32>], vector<16xi32>,
        %parallel_loop3A_707 = arith.constant 21 : i32
        %parallel_loop3A_708 = vector.broadcast %parallel_loop3A_707 : i32 to vector<16xi32>
        %parallel_loop3A_709 = arith.addi %parallel_loop3A_183, %parallel_loop3A_708 : vector<16xi32>
        %parallel_loop3A_710 = tpu.vector_load_idx %arg17[%parallel_loop3A_709] : memref<11520xi32, #tpu.memory_space<vmem>>[vector<16xi32>], vector<16xi32>,
        %parallel_loop3A_711 = arith.constant 22 : i32
        %parallel_loop3A_712 = vector.broadcast %parallel_loop3A_711 : i32 to vector<16xi32>
        %parallel_loop3A_713 = arith.addi %parallel_loop3A_183, %parallel_loop3A_712 : vector<16xi32>
        %parallel_loop3A_714 = tpu.vector_load_idx %arg17[%parallel_loop3A_713] : memref<11520xi32, #tpu.memory_space<vmem>>[vector<16xi32>], vector<16xi32>,
        %parallel_loop3A_715 = arith.constant 23 : i32
        %parallel_loop3A_716 = vector.broadcast %parallel_loop3A_715 : i32 to vector<16xi32>
        %parallel_loop3A_717 = arith.addi %parallel_loop3A_183, %parallel_loop3A_716 : vector<16xi32>
        %parallel_loop3A_718 = tpu.vector_load_idx %arg17[%parallel_loop3A_717] : memref<11520xi32, #tpu.memory_space<vmem>>[vector<16xi32>], vector<16xi32>,
        %parallel_loop3A_719 = arith.constant 16 : i32
        %parallel_loop3A_720 = vector.broadcast %parallel_loop3A_719 : i32 to vector<16xi32>
        %parallel_loop3A_721 = arith.addi %parallel_loop3A_186, %parallel_loop3A_720 : vector<16xi32>
        %parallel_loop3A_722 = tpu.vector_load_idx %arg18[%parallel_loop3A_721] : memref<288xi32, #tpu.memory_space<vmem>>[vector<16xi32>], vector<16xi32>,
        %parallel_loop3A_723 = arith.constant 17 : i32
        %parallel_loop3A_724 = vector.broadcast %parallel_loop3A_723 : i32 to vector<16xi32>
        %parallel_loop3A_725 = arith.addi %parallel_loop3A_186, %parallel_loop3A_724 : vector<16xi32>
        %parallel_loop3A_726 = tpu.vector_load_idx %arg18[%parallel_loop3A_725] : memref<288xi32, #tpu.memory_space<vmem>>[vector<16xi32>], vector<16xi32>,
        %parallel_loop3A_727 = arith.constant 18 : i32
        %parallel_loop3A_728 = vector.broadcast %parallel_loop3A_727 : i32 to vector<16xi32>
        %parallel_loop3A_729 = arith.addi %parallel_loop3A_186, %parallel_loop3A_728 : vector<16xi32>
        %parallel_loop3A_730 = tpu.vector_load_idx %arg18[%parallel_loop3A_729] : memref<288xi32, #tpu.memory_space<vmem>>[vector<16xi32>], vector<16xi32>,
        %parallel_loop3A_731 = arith.constant 19 : i32
        %parallel_loop3A_732 = vector.broadcast %parallel_loop3A_731 : i32 to vector<16xi32>
        %parallel_loop3A_733 = arith.addi %parallel_loop3A_186, %parallel_loop3A_732 : vector<16xi32>
        %parallel_loop3A_734 = tpu.vector_load_idx %arg18[%parallel_loop3A_733] : memref<288xi32, #tpu.memory_space<vmem>>[vector<16xi32>], vector<16xi32>,
        %parallel_loop3A_735 = arith.constant 20 : i32
        %parallel_loop3A_736 = vector.broadcast %parallel_loop3A_735 : i32 to vector<16xi32>
        %parallel_loop3A_737 = arith.addi %parallel_loop3A_186, %parallel_loop3A_736 : vector<16xi32>
        %parallel_loop3A_738 = tpu.vector_load_idx %arg18[%parallel_loop3A_737] : memref<288xi32, #tpu.memory_space<vmem>>[vector<16xi32>], vector<16xi32>,
        %parallel_loop3A_739 = arith.constant 21 : i32
        %parallel_loop3A_740 = vector.broadcast %parallel_loop3A_739 : i32 to vector<16xi32>
        %parallel_loop3A_741 = arith.addi %parallel_loop3A_186, %parallel_loop3A_740 : vector<16xi32>
        %parallel_loop3A_742 = tpu.vector_load_idx %arg18[%parallel_loop3A_741] : memref<288xi32, #tpu.memory_space<vmem>>[vector<16xi32>], vector<16xi32>,
        %parallel_loop3A_743 = arith.constant 22 : i32
        %parallel_loop3A_744 = vector.broadcast %parallel_loop3A_743 : i32 to vector<16xi32>
        %parallel_loop3A_745 = arith.addi %parallel_loop3A_186, %parallel_loop3A_744 : vector<16xi32>
        %parallel_loop3A_746 = tpu.vector_load_idx %arg18[%parallel_loop3A_745] : memref<288xi32, #tpu.memory_space<vmem>>[vector<16xi32>], vector<16xi32>,
        %parallel_loop3A_747 = arith.constant 23 : i32
        %parallel_loop3A_748 = vector.broadcast %parallel_loop3A_747 : i32 to vector<16xi32>
        %parallel_loop3A_749 = arith.addi %parallel_loop3A_186, %parallel_loop3A_748 : vector<16xi32>
        %parallel_loop3A_750 = tpu.vector_load_idx %arg18[%parallel_loop3A_749] : memref<288xi32, #tpu.memory_space<vmem>>[vector<16xi32>], vector<16xi32>,
        %parallel_loop3A_751 = arith.constant 16 : i32
        %parallel_loop3A_752 = vector.broadcast %parallel_loop3A_751 : i32 to vector<16xi32>
        %parallel_loop3A_753 = arith.shli %parallel_loop3A_690, %parallel_loop3A_752 : vector<16xi32>
        %parallel_loop3A_754 = vector.bitcast %parallel_loop3A_753 : vector<16xi32> to vector<16xf32>
        %parallel_loop3A_755 = vector.broadcast %scan3A_36 : i32 to vector<16xi32>
        %parallel_loop3A_756 = arith.andi %parallel_loop3A_690, %parallel_loop3A_755 : vector<16xi32>
        %parallel_loop3A_757 = vector.bitcast %parallel_loop3A_756 : vector<16xi32> to vector<16xf32>
        %parallel_loop3A_758 = arith.constant 16 : i32
        %parallel_loop3A_759 = vector.broadcast %parallel_loop3A_758 : i32 to vector<16xi32>
        %parallel_loop3A_760 = arith.shli %parallel_loop3A_722, %parallel_loop3A_759 : vector<16xi32>
        %parallel_loop3A_761 = vector.bitcast %parallel_loop3A_760 : vector<16xi32> to vector<16xf32>
        %parallel_loop3A_762 = vector.broadcast %scan3A_36 : i32 to vector<16xi32>
        %parallel_loop3A_763 = arith.andi %parallel_loop3A_722, %parallel_loop3A_762 : vector<16xi32>
        %parallel_loop3A_764 = vector.bitcast %parallel_loop3A_763 : vector<16xi32> to vector<16xf32>
        %parallel_loop3A_765 = arith.mulf %parallel_loop3A_117, %parallel_loop3A_761 : vector<16xf32>
        %parallel_loop3A_766 = arith.addf %parallel_loop3A_754, %parallel_loop3A_765 : vector<16xf32>
        %parallel_loop3A_767 = arith.mulf %parallel_loop3A_117, %parallel_loop3A_764 : vector<16xf32>
        %parallel_loop3A_768 = arith.addf %parallel_loop3A_757, %parallel_loop3A_767 : vector<16xf32>
        %parallel_loop3A_769 = tpu.pack_subelements %parallel_loop3A_766, %parallel_loop3A_768 {pack_format = #tpu.pack_format<interleaved>, positions = array<i32: 0, 1>} : vector<16xf32>, vector<16xf32> -> vector<32xbf16>
        %parallel_loop3A_770 = vector.bitcast %parallel_loop3A_769 : vector<32xbf16> to vector<16xi32>
        %parallel_loop3A_771 = arith.constant 16 : i32
        %parallel_loop3A_772 = vector.broadcast %parallel_loop3A_771 : i32 to vector<16xi32>
        %parallel_loop3A_773 = arith.shli %parallel_loop3A_694, %parallel_loop3A_772 : vector<16xi32>
        %parallel_loop3A_774 = vector.bitcast %parallel_loop3A_773 : vector<16xi32> to vector<16xf32>
        %parallel_loop3A_775 = vector.broadcast %scan3A_36 : i32 to vector<16xi32>
        %parallel_loop3A_776 = arith.andi %parallel_loop3A_694, %parallel_loop3A_775 : vector<16xi32>
        %parallel_loop3A_777 = vector.bitcast %parallel_loop3A_776 : vector<16xi32> to vector<16xf32>
        %parallel_loop3A_778 = arith.constant 16 : i32
        %parallel_loop3A_779 = vector.broadcast %parallel_loop3A_778 : i32 to vector<16xi32>
        %parallel_loop3A_780 = arith.shli %parallel_loop3A_726, %parallel_loop3A_779 : vector<16xi32>
        %parallel_loop3A_781 = vector.bitcast %parallel_loop3A_780 : vector<16xi32> to vector<16xf32>
        %parallel_loop3A_782 = vector.broadcast %scan3A_36 : i32 to vector<16xi32>
        %parallel_loop3A_783 = arith.andi %parallel_loop3A_726, %parallel_loop3A_782 : vector<16xi32>
        %parallel_loop3A_784 = vector.bitcast %parallel_loop3A_783 : vector<16xi32> to vector<16xf32>
        %parallel_loop3A_785 = arith.mulf %parallel_loop3A_117, %parallel_loop3A_781 : vector<16xf32>
        %parallel_loop3A_786 = arith.addf %parallel_loop3A_774, %parallel_loop3A_785 : vector<16xf32>
        %parallel_loop3A_787 = arith.mulf %parallel_loop3A_117, %parallel_loop3A_784 : vector<16xf32>
        %parallel_loop3A_788 = arith.addf %parallel_loop3A_777, %parallel_loop3A_787 : vector<16xf32>
        %parallel_loop3A_789 = tpu.pack_subelements %parallel_loop3A_786, %parallel_loop3A_788 {pack_format = #tpu.pack_format<interleaved>, positions = array<i32: 0, 1>} : vector<16xf32>, vector<16xf32> -> vector<32xbf16>
        %parallel_loop3A_790 = vector.bitcast %parallel_loop3A_789 : vector<32xbf16> to vector<16xi32>
        %parallel_loop3A_791 = arith.constant 16 : i32
        %parallel_loop3A_792 = vector.broadcast %parallel_loop3A_791 : i32 to vector<16xi32>
        %parallel_loop3A_793 = arith.shli %parallel_loop3A_698, %parallel_loop3A_792 : vector<16xi32>
        %parallel_loop3A_794 = vector.bitcast %parallel_loop3A_793 : vector<16xi32> to vector<16xf32>
        %parallel_loop3A_795 = vector.broadcast %scan3A_36 : i32 to vector<16xi32>
        %parallel_loop3A_796 = arith.andi %parallel_loop3A_698, %parallel_loop3A_795 : vector<16xi32>
        %parallel_loop3A_797 = vector.bitcast %parallel_loop3A_796 : vector<16xi32> to vector<16xf32>
        %parallel_loop3A_798 = arith.constant 16 : i32
        %parallel_loop3A_799 = vector.broadcast %parallel_loop3A_798 : i32 to vector<16xi32>
        %parallel_loop3A_800 = arith.shli %parallel_loop3A_730, %parallel_loop3A_799 : vector<16xi32>
        %parallel_loop3A_801 = vector.bitcast %parallel_loop3A_800 : vector<16xi32> to vector<16xf32>
        %parallel_loop3A_802 = vector.broadcast %scan3A_36 : i32 to vector<16xi32>
        %parallel_loop3A_803 = arith.andi %parallel_loop3A_730, %parallel_loop3A_802 : vector<16xi32>
        %parallel_loop3A_804 = vector.bitcast %parallel_loop3A_803 : vector<16xi32> to vector<16xf32>
        %parallel_loop3A_805 = arith.mulf %parallel_loop3A_117, %parallel_loop3A_801 : vector<16xf32>
        %parallel_loop3A_806 = arith.addf %parallel_loop3A_794, %parallel_loop3A_805 : vector<16xf32>
        %parallel_loop3A_807 = arith.mulf %parallel_loop3A_117, %parallel_loop3A_804 : vector<16xf32>
        %parallel_loop3A_808 = arith.addf %parallel_loop3A_797, %parallel_loop3A_807 : vector<16xf32>
        %parallel_loop3A_809 = tpu.pack_subelements %parallel_loop3A_806, %parallel_loop3A_808 {pack_format = #tpu.pack_format<interleaved>, positions = array<i32: 0, 1>} : vector<16xf32>, vector<16xf32> -> vector<32xbf16>
        %parallel_loop3A_810 = vector.bitcast %parallel_loop3A_809 : vector<32xbf16> to vector<16xi32>
        %parallel_loop3A_811 = arith.constant 16 : i32
        %parallel_loop3A_812 = vector.broadcast %parallel_loop3A_811 : i32 to vector<16xi32>
        %parallel_loop3A_813 = arith.shli %parallel_loop3A_702, %parallel_loop3A_812 : vector<16xi32>
        %parallel_loop3A_814 = vector.bitcast %parallel_loop3A_813 : vector<16xi32> to vector<16xf32>
        %parallel_loop3A_815 = vector.broadcast %scan3A_36 : i32 to vector<16xi32>
        %parallel_loop3A_816 = arith.andi %parallel_loop3A_702, %parallel_loop3A_815 : vector<16xi32>
        %parallel_loop3A_817 = vector.bitcast %parallel_loop3A_816 : vector<16xi32> to vector<16xf32>
        %parallel_loop3A_818 = arith.constant 16 : i32
        %parallel_loop3A_819 = vector.broadcast %parallel_loop3A_818 : i32 to vector<16xi32>
        %parallel_loop3A_820 = arith.shli %parallel_loop3A_734, %parallel_loop3A_819 : vector<16xi32>
        %parallel_loop3A_821 = vector.bitcast %parallel_loop3A_820 : vector<16xi32> to vector<16xf32>
        %parallel_loop3A_822 = vector.broadcast %scan3A_36 : i32 to vector<16xi32>
        %parallel_loop3A_823 = arith.andi %parallel_loop3A_734, %parallel_loop3A_822 : vector<16xi32>
        %parallel_loop3A_824 = vector.bitcast %parallel_loop3A_823 : vector<16xi32> to vector<16xf32>
        %parallel_loop3A_825 = arith.mulf %parallel_loop3A_117, %parallel_loop3A_821 : vector<16xf32>
        %parallel_loop3A_826 = arith.addf %parallel_loop3A_814, %parallel_loop3A_825 : vector<16xf32>
        %parallel_loop3A_827 = arith.mulf %parallel_loop3A_117, %parallel_loop3A_824 : vector<16xf32>
        %parallel_loop3A_828 = arith.addf %parallel_loop3A_817, %parallel_loop3A_827 : vector<16xf32>
        %parallel_loop3A_829 = tpu.pack_subelements %parallel_loop3A_826, %parallel_loop3A_828 {pack_format = #tpu.pack_format<interleaved>, positions = array<i32: 0, 1>} : vector<16xf32>, vector<16xf32> -> vector<32xbf16>
        %parallel_loop3A_830 = vector.bitcast %parallel_loop3A_829 : vector<32xbf16> to vector<16xi32>
        %parallel_loop3A_831 = arith.constant 16 : i32
        %parallel_loop3A_832 = vector.broadcast %parallel_loop3A_831 : i32 to vector<16xi32>
        %parallel_loop3A_833 = arith.shli %parallel_loop3A_706, %parallel_loop3A_832 : vector<16xi32>
        %parallel_loop3A_834 = vector.bitcast %parallel_loop3A_833 : vector<16xi32> to vector<16xf32>
        %parallel_loop3A_835 = vector.broadcast %scan3A_36 : i32 to vector<16xi32>
        %parallel_loop3A_836 = arith.andi %parallel_loop3A_706, %parallel_loop3A_835 : vector<16xi32>
        %parallel_loop3A_837 = vector.bitcast %parallel_loop3A_836 : vector<16xi32> to vector<16xf32>
        %parallel_loop3A_838 = arith.constant 16 : i32
        %parallel_loop3A_839 = vector.broadcast %parallel_loop3A_838 : i32 to vector<16xi32>
        %parallel_loop3A_840 = arith.shli %parallel_loop3A_738, %parallel_loop3A_839 : vector<16xi32>
        %parallel_loop3A_841 = vector.bitcast %parallel_loop3A_840 : vector<16xi32> to vector<16xf32>
        %parallel_loop3A_842 = vector.broadcast %scan3A_36 : i32 to vector<16xi32>
        %parallel_loop3A_843 = arith.andi %parallel_loop3A_738, %parallel_loop3A_842 : vector<16xi32>
        %parallel_loop3A_844 = vector.bitcast %parallel_loop3A_843 : vector<16xi32> to vector<16xf32>
        %parallel_loop3A_845 = arith.mulf %parallel_loop3A_117, %parallel_loop3A_841 : vector<16xf32>
        %parallel_loop3A_846 = arith.addf %parallel_loop3A_834, %parallel_loop3A_845 : vector<16xf32>
        %parallel_loop3A_847 = arith.mulf %parallel_loop3A_117, %parallel_loop3A_844 : vector<16xf32>
        %parallel_loop3A_848 = arith.addf %parallel_loop3A_837, %parallel_loop3A_847 : vector<16xf32>
        %parallel_loop3A_849 = tpu.pack_subelements %parallel_loop3A_846, %parallel_loop3A_848 {pack_format = #tpu.pack_format<interleaved>, positions = array<i32: 0, 1>} : vector<16xf32>, vector<16xf32> -> vector<32xbf16>
        %parallel_loop3A_850 = vector.bitcast %parallel_loop3A_849 : vector<32xbf16> to vector<16xi32>
        %parallel_loop3A_851 = arith.constant 16 : i32
        %parallel_loop3A_852 = vector.broadcast %parallel_loop3A_851 : i32 to vector<16xi32>
        %parallel_loop3A_853 = arith.shli %parallel_loop3A_710, %parallel_loop3A_852 : vector<16xi32>
        %parallel_loop3A_854 = vector.bitcast %parallel_loop3A_853 : vector<16xi32> to vector<16xf32>
        %parallel_loop3A_855 = vector.broadcast %scan3A_36 : i32 to vector<16xi32>
        %parallel_loop3A_856 = arith.andi %parallel_loop3A_710, %parallel_loop3A_855 : vector<16xi32>
        %parallel_loop3A_857 = vector.bitcast %parallel_loop3A_856 : vector<16xi32> to vector<16xf32>
        %parallel_loop3A_858 = arith.constant 16 : i32
        %parallel_loop3A_859 = vector.broadcast %parallel_loop3A_858 : i32 to vector<16xi32>
        %parallel_loop3A_860 = arith.shli %parallel_loop3A_742, %parallel_loop3A_859 : vector<16xi32>
        %parallel_loop3A_861 = vector.bitcast %parallel_loop3A_860 : vector<16xi32> to vector<16xf32>
        %parallel_loop3A_862 = vector.broadcast %scan3A_36 : i32 to vector<16xi32>
        %parallel_loop3A_863 = arith.andi %parallel_loop3A_742, %parallel_loop3A_862 : vector<16xi32>
        %parallel_loop3A_864 = vector.bitcast %parallel_loop3A_863 : vector<16xi32> to vector<16xf32>
        %parallel_loop3A_865 = arith.mulf %parallel_loop3A_117, %parallel_loop3A_861 : vector<16xf32>
        %parallel_loop3A_866 = arith.addf %parallel_loop3A_854, %parallel_loop3A_865 : vector<16xf32>
        %parallel_loop3A_867 = arith.mulf %parallel_loop3A_117, %parallel_loop3A_864 : vector<16xf32>
        %parallel_loop3A_868 = arith.addf %parallel_loop3A_857, %parallel_loop3A_867 : vector<16xf32>
        %parallel_loop3A_869 = tpu.pack_subelements %parallel_loop3A_866, %parallel_loop3A_868 {pack_format = #tpu.pack_format<interleaved>, positions = array<i32: 0, 1>} : vector<16xf32>, vector<16xf32> -> vector<32xbf16>
        %parallel_loop3A_870 = vector.bitcast %parallel_loop3A_869 : vector<32xbf16> to vector<16xi32>
        %parallel_loop3A_871 = arith.constant 16 : i32
        %parallel_loop3A_872 = vector.broadcast %parallel_loop3A_871 : i32 to vector<16xi32>
        %parallel_loop3A_873 = arith.shli %parallel_loop3A_714, %parallel_loop3A_872 : vector<16xi32>
        %parallel_loop3A_874 = vector.bitcast %parallel_loop3A_873 : vector<16xi32> to vector<16xf32>
        %parallel_loop3A_875 = vector.broadcast %scan3A_36 : i32 to vector<16xi32>
        %parallel_loop3A_876 = arith.andi %parallel_loop3A_714, %parallel_loop3A_875 : vector<16xi32>
        %parallel_loop3A_877 = vector.bitcast %parallel_loop3A_876 : vector<16xi32> to vector<16xf32>
        %parallel_loop3A_878 = arith.constant 16 : i32
        %parallel_loop3A_879 = vector.broadcast %parallel_loop3A_878 : i32 to vector<16xi32>
        %parallel_loop3A_880 = arith.shli %parallel_loop3A_746, %parallel_loop3A_879 : vector<16xi32>
        %parallel_loop3A_881 = vector.bitcast %parallel_loop3A_880 : vector<16xi32> to vector<16xf32>
        %parallel_loop3A_882 = vector.broadcast %scan3A_36 : i32 to vector<16xi32>
        %parallel_loop3A_883 = arith.andi %parallel_loop3A_746, %parallel_loop3A_882 : vector<16xi32>
        %parallel_loop3A_884 = vector.bitcast %parallel_loop3A_883 : vector<16xi32> to vector<16xf32>
        %parallel_loop3A_885 = arith.mulf %parallel_loop3A_117, %parallel_loop3A_881 : vector<16xf32>
        %parallel_loop3A_886 = arith.addf %parallel_loop3A_874, %parallel_loop3A_885 : vector<16xf32>
        %parallel_loop3A_887 = arith.mulf %parallel_loop3A_117, %parallel_loop3A_884 : vector<16xf32>
        %parallel_loop3A_888 = arith.addf %parallel_loop3A_877, %parallel_loop3A_887 : vector<16xf32>
        %parallel_loop3A_889 = tpu.pack_subelements %parallel_loop3A_886, %parallel_loop3A_888 {pack_format = #tpu.pack_format<interleaved>, positions = array<i32: 0, 1>} : vector<16xf32>, vector<16xf32> -> vector<32xbf16>
        %parallel_loop3A_890 = vector.bitcast %parallel_loop3A_889 : vector<32xbf16> to vector<16xi32>
        %parallel_loop3A_891 = arith.constant 16 : i32
        %parallel_loop3A_892 = vector.broadcast %parallel_loop3A_891 : i32 to vector<16xi32>
        %parallel_loop3A_893 = arith.shli %parallel_loop3A_718, %parallel_loop3A_892 : vector<16xi32>
        %parallel_loop3A_894 = vector.bitcast %parallel_loop3A_893 : vector<16xi32> to vector<16xf32>
        %parallel_loop3A_895 = vector.broadcast %scan3A_36 : i32 to vector<16xi32>
        %parallel_loop3A_896 = arith.andi %parallel_loop3A_718, %parallel_loop3A_895 : vector<16xi32>
        %parallel_loop3A_897 = vector.bitcast %parallel_loop3A_896 : vector<16xi32> to vector<16xf32>
        %parallel_loop3A_898 = arith.constant 16 : i32
        %parallel_loop3A_899 = vector.broadcast %parallel_loop3A_898 : i32 to vector<16xi32>
        %parallel_loop3A_900 = arith.shli %parallel_loop3A_750, %parallel_loop3A_899 : vector<16xi32>
        %parallel_loop3A_901 = vector.bitcast %parallel_loop3A_900 : vector<16xi32> to vector<16xf32>
        %parallel_loop3A_902 = vector.broadcast %scan3A_36 : i32 to vector<16xi32>
        %parallel_loop3A_903 = arith.andi %parallel_loop3A_750, %parallel_loop3A_902 : vector<16xi32>
        %parallel_loop3A_904 = vector.bitcast %parallel_loop3A_903 : vector<16xi32> to vector<16xf32>
        %parallel_loop3A_905 = arith.mulf %parallel_loop3A_117, %parallel_loop3A_901 : vector<16xf32>
        %parallel_loop3A_906 = arith.addf %parallel_loop3A_894, %parallel_loop3A_905 : vector<16xf32>
        %parallel_loop3A_907 = arith.mulf %parallel_loop3A_117, %parallel_loop3A_904 : vector<16xf32>
        %parallel_loop3A_908 = arith.addf %parallel_loop3A_897, %parallel_loop3A_907 : vector<16xf32>
        %parallel_loop3A_909 = tpu.pack_subelements %parallel_loop3A_906, %parallel_loop3A_908 {pack_format = #tpu.pack_format<interleaved>, positions = array<i32: 0, 1>} : vector<16xf32>, vector<16xf32> -> vector<32xbf16>
        %parallel_loop3A_910 = vector.bitcast %parallel_loop3A_909 : vector<32xbf16> to vector<16xi32>
        %parallel_loop3A_911 = arith.constant 16 : i32
        %parallel_loop3A_912 = vector.broadcast %parallel_loop3A_911 : i32 to vector<16xi32>
        %parallel_loop3A_913 = arith.addi %parallel_loop3A_190, %parallel_loop3A_912 : vector<16xi32>
        tpu.vector_store_idx %arg16[%parallel_loop3A_913], %parallel_loop3A_770 : memref<40960xi32, #tpu.memory_space<vmem>>[vector<16xi32>], vector<16xi32>,
        %parallel_loop3A_914 = arith.constant 17 : i32
        %parallel_loop3A_915 = vector.broadcast %parallel_loop3A_914 : i32 to vector<16xi32>
        %parallel_loop3A_916 = arith.addi %parallel_loop3A_190, %parallel_loop3A_915 : vector<16xi32>
        tpu.vector_store_idx %arg16[%parallel_loop3A_916], %parallel_loop3A_790 : memref<40960xi32, #tpu.memory_space<vmem>>[vector<16xi32>], vector<16xi32>,
        %parallel_loop3A_917 = arith.constant 18 : i32
        %parallel_loop3A_918 = vector.broadcast %parallel_loop3A_917 : i32 to vector<16xi32>
        %parallel_loop3A_919 = arith.addi %parallel_loop3A_190, %parallel_loop3A_918 : vector<16xi32>
        tpu.vector_store_idx %arg16[%parallel_loop3A_919], %parallel_loop3A_810 : memref<40960xi32, #tpu.memory_space<vmem>>[vector<16xi32>], vector<16xi32>,
        %parallel_loop3A_920 = arith.constant 19 : i32
        %parallel_loop3A_921 = vector.broadcast %parallel_loop3A_920 : i32 to vector<16xi32>
        %parallel_loop3A_922 = arith.addi %parallel_loop3A_190, %parallel_loop3A_921 : vector<16xi32>
        tpu.vector_store_idx %arg16[%parallel_loop3A_922], %parallel_loop3A_830 : memref<40960xi32, #tpu.memory_space<vmem>>[vector<16xi32>], vector<16xi32>,
        %parallel_loop3A_923 = arith.constant 20 : i32
        %parallel_loop3A_924 = vector.broadcast %parallel_loop3A_923 : i32 to vector<16xi32>
        %parallel_loop3A_925 = arith.addi %parallel_loop3A_190, %parallel_loop3A_924 : vector<16xi32>
        tpu.vector_store_idx %arg16[%parallel_loop3A_925], %parallel_loop3A_850 : memref<40960xi32, #tpu.memory_space<vmem>>[vector<16xi32>], vector<16xi32>,
        %parallel_loop3A_926 = arith.constant 21 : i32
        %parallel_loop3A_927 = vector.broadcast %parallel_loop3A_926 : i32 to vector<16xi32>
        %parallel_loop3A_928 = arith.addi %parallel_loop3A_190, %parallel_loop3A_927 : vector<16xi32>
        tpu.vector_store_idx %arg16[%parallel_loop3A_928], %parallel_loop3A_870 : memref<40960xi32, #tpu.memory_space<vmem>>[vector<16xi32>], vector<16xi32>,
        %parallel_loop3A_929 = arith.constant 22 : i32
        %parallel_loop3A_930 = vector.broadcast %parallel_loop3A_929 : i32 to vector<16xi32>
        %parallel_loop3A_931 = arith.addi %parallel_loop3A_190, %parallel_loop3A_930 : vector<16xi32>
        tpu.vector_store_idx %arg16[%parallel_loop3A_931], %parallel_loop3A_890 : memref<40960xi32, #tpu.memory_space<vmem>>[vector<16xi32>], vector<16xi32>,
        %parallel_loop3A_932 = arith.constant 23 : i32
        %parallel_loop3A_933 = vector.broadcast %parallel_loop3A_932 : i32 to vector<16xi32>
        %parallel_loop3A_934 = arith.addi %parallel_loop3A_190, %parallel_loop3A_933 : vector<16xi32>
        tpu.vector_store_idx %arg16[%parallel_loop3A_934], %parallel_loop3A_910 : memref<40960xi32, #tpu.memory_space<vmem>>[vector<16xi32>], vector<16xi32>,
        %parallel_loop3A_935 = arith.constant 24 : i32
        %parallel_loop3A_936 = vector.broadcast %parallel_loop3A_935 : i32 to vector<16xi32>
        %parallel_loop3A_937 = arith.addi %parallel_loop3A_183, %parallel_loop3A_936 : vector<16xi32>
        %parallel_loop3A_938 = tpu.vector_load_idx %arg17[%parallel_loop3A_937] : memref<11520xi32, #tpu.memory_space<vmem>>[vector<16xi32>], vector<16xi32>,
        %parallel_loop3A_939 = arith.constant 25 : i32
        %parallel_loop3A_940 = vector.broadcast %parallel_loop3A_939 : i32 to vector<16xi32>
        %parallel_loop3A_941 = arith.addi %parallel_loop3A_183, %parallel_loop3A_940 : vector<16xi32>
        %parallel_loop3A_942 = tpu.vector_load_idx %arg17[%parallel_loop3A_941] : memref<11520xi32, #tpu.memory_space<vmem>>[vector<16xi32>], vector<16xi32>,
        %parallel_loop3A_943 = arith.constant 26 : i32
        %parallel_loop3A_944 = vector.broadcast %parallel_loop3A_943 : i32 to vector<16xi32>
        %parallel_loop3A_945 = arith.addi %parallel_loop3A_183, %parallel_loop3A_944 : vector<16xi32>
        %parallel_loop3A_946 = tpu.vector_load_idx %arg17[%parallel_loop3A_945] : memref<11520xi32, #tpu.memory_space<vmem>>[vector<16xi32>], vector<16xi32>,
        %parallel_loop3A_947 = arith.constant 27 : i32
        %parallel_loop3A_948 = vector.broadcast %parallel_loop3A_947 : i32 to vector<16xi32>
        %parallel_loop3A_949 = arith.addi %parallel_loop3A_183, %parallel_loop3A_948 : vector<16xi32>
        %parallel_loop3A_950 = tpu.vector_load_idx %arg17[%parallel_loop3A_949] : memref<11520xi32, #tpu.memory_space<vmem>>[vector<16xi32>], vector<16xi32>,
        %parallel_loop3A_951 = arith.constant 28 : i32
        %parallel_loop3A_952 = vector.broadcast %parallel_loop3A_951 : i32 to vector<16xi32>
        %parallel_loop3A_953 = arith.addi %parallel_loop3A_183, %parallel_loop3A_952 : vector<16xi32>
        %parallel_loop3A_954 = tpu.vector_load_idx %arg17[%parallel_loop3A_953] : memref<11520xi32, #tpu.memory_space<vmem>>[vector<16xi32>], vector<16xi32>,
        %parallel_loop3A_955 = arith.constant 29 : i32
        %parallel_loop3A_956 = vector.broadcast %parallel_loop3A_955 : i32 to vector<16xi32>
        %parallel_loop3A_957 = arith.addi %parallel_loop3A_183, %parallel_loop3A_956 : vector<16xi32>
        %parallel_loop3A_958 = tpu.vector_load_idx %arg17[%parallel_loop3A_957] : memref<11520xi32, #tpu.memory_space<vmem>>[vector<16xi32>], vector<16xi32>,
        %parallel_loop3A_959 = arith.constant 30 : i32
        %parallel_loop3A_960 = vector.broadcast %parallel_loop3A_959 : i32 to vector<16xi32>
        %parallel_loop3A_961 = arith.addi %parallel_loop3A_183, %parallel_loop3A_960 : vector<16xi32>
        %parallel_loop3A_962 = tpu.vector_load_idx %arg17[%parallel_loop3A_961] : memref<11520xi32, #tpu.memory_space<vmem>>[vector<16xi32>], vector<16xi32>,
        %parallel_loop3A_963 = arith.constant 31 : i32
        %parallel_loop3A_964 = vector.broadcast %parallel_loop3A_963 : i32 to vector<16xi32>
        %parallel_loop3A_965 = arith.addi %parallel_loop3A_183, %parallel_loop3A_964 : vector<16xi32>
        %parallel_loop3A_966 = tpu.vector_load_idx %arg17[%parallel_loop3A_965] : memref<11520xi32, #tpu.memory_space<vmem>>[vector<16xi32>], vector<16xi32>,
        %parallel_loop3A_967 = arith.constant 24 : i32
        %parallel_loop3A_968 = vector.broadcast %parallel_loop3A_967 : i32 to vector<16xi32>
        %parallel_loop3A_969 = arith.addi %parallel_loop3A_186, %parallel_loop3A_968 : vector<16xi32>
        %parallel_loop3A_970 = tpu.vector_load_idx %arg18[%parallel_loop3A_969] : memref<288xi32, #tpu.memory_space<vmem>>[vector<16xi32>], vector<16xi32>,
        %parallel_loop3A_971 = arith.constant 25 : i32
        %parallel_loop3A_972 = vector.broadcast %parallel_loop3A_971 : i32 to vector<16xi32>
        %parallel_loop3A_973 = arith.addi %parallel_loop3A_186, %parallel_loop3A_972 : vector<16xi32>
        %parallel_loop3A_974 = tpu.vector_load_idx %arg18[%parallel_loop3A_973] : memref<288xi32, #tpu.memory_space<vmem>>[vector<16xi32>], vector<16xi32>,
        %parallel_loop3A_975 = arith.constant 26 : i32
        %parallel_loop3A_976 = vector.broadcast %parallel_loop3A_975 : i32 to vector<16xi32>
        %parallel_loop3A_977 = arith.addi %parallel_loop3A_186, %parallel_loop3A_976 : vector<16xi32>
        %parallel_loop3A_978 = tpu.vector_load_idx %arg18[%parallel_loop3A_977] : memref<288xi32, #tpu.memory_space<vmem>>[vector<16xi32>], vector<16xi32>,
        %parallel_loop3A_979 = arith.constant 27 : i32
        %parallel_loop3A_980 = vector.broadcast %parallel_loop3A_979 : i32 to vector<16xi32>
        %parallel_loop3A_981 = arith.addi %parallel_loop3A_186, %parallel_loop3A_980 : vector<16xi32>
        %parallel_loop3A_982 = tpu.vector_load_idx %arg18[%parallel_loop3A_981] : memref<288xi32, #tpu.memory_space<vmem>>[vector<16xi32>], vector<16xi32>,
        %parallel_loop3A_983 = arith.constant 28 : i32
        %parallel_loop3A_984 = vector.broadcast %parallel_loop3A_983 : i32 to vector<16xi32>
        %parallel_loop3A_985 = arith.addi %parallel_loop3A_186, %parallel_loop3A_984 : vector<16xi32>
        %parallel_loop3A_986 = tpu.vector_load_idx %arg18[%parallel_loop3A_985] : memref<288xi32, #tpu.memory_space<vmem>>[vector<16xi32>], vector<16xi32>,
        %parallel_loop3A_987 = arith.constant 29 : i32
        %parallel_loop3A_988 = vector.broadcast %parallel_loop3A_987 : i32 to vector<16xi32>
        %parallel_loop3A_989 = arith.addi %parallel_loop3A_186, %parallel_loop3A_988 : vector<16xi32>
        %parallel_loop3A_990 = tpu.vector_load_idx %arg18[%parallel_loop3A_989] : memref<288xi32, #tpu.memory_space<vmem>>[vector<16xi32>], vector<16xi32>,
        %parallel_loop3A_991 = arith.constant 30 : i32
        %parallel_loop3A_992 = vector.broadcast %parallel_loop3A_991 : i32 to vector<16xi32>
        %parallel_loop3A_993 = arith.addi %parallel_loop3A_186, %parallel_loop3A_992 : vector<16xi32>
        %parallel_loop3A_994 = tpu.vector_load_idx %arg18[%parallel_loop3A_993] : memref<288xi32, #tpu.memory_space<vmem>>[vector<16xi32>], vector<16xi32>,
        %parallel_loop3A_995 = arith.constant 31 : i32
        %parallel_loop3A_996 = vector.broadcast %parallel_loop3A_995 : i32 to vector<16xi32>
        %parallel_loop3A_997 = arith.addi %parallel_loop3A_186, %parallel_loop3A_996 : vector<16xi32>
        %parallel_loop3A_998 = tpu.vector_load_idx %arg18[%parallel_loop3A_997] : memref<288xi32, #tpu.memory_space<vmem>>[vector<16xi32>], vector<16xi32>,
        %parallel_loop3A_999 = arith.constant 16 : i32
        %parallel_loop3A_1000 = vector.broadcast %parallel_loop3A_999 : i32 to vector<16xi32>
        %parallel_loop3A_1001 = arith.shli %parallel_loop3A_938, %parallel_loop3A_1000 : vector<16xi32>
        %parallel_loop3A_1002 = vector.bitcast %parallel_loop3A_1001 : vector<16xi32> to vector<16xf32>
        %parallel_loop3A_1003 = vector.broadcast %scan3A_36 : i32 to vector<16xi32>
        %parallel_loop3A_1004 = arith.andi %parallel_loop3A_938, %parallel_loop3A_1003 : vector<16xi32>
        %parallel_loop3A_1005 = vector.bitcast %parallel_loop3A_1004 : vector<16xi32> to vector<16xf32>
        %parallel_loop3A_1006 = arith.constant 16 : i32
        %parallel_loop3A_1007 = vector.broadcast %parallel_loop3A_1006 : i32 to vector<16xi32>
        %parallel_loop3A_1008 = arith.shli %parallel_loop3A_970, %parallel_loop3A_1007 : vector<16xi32>
        %parallel_loop3A_1009 = vector.bitcast %parallel_loop3A_1008 : vector<16xi32> to vector<16xf32>
        %parallel_loop3A_1010 = vector.broadcast %scan3A_36 : i32 to vector<16xi32>
        %parallel_loop3A_1011 = arith.andi %parallel_loop3A_970, %parallel_loop3A_1010 : vector<16xi32>
        %parallel_loop3A_1012 = vector.bitcast %parallel_loop3A_1011 : vector<16xi32> to vector<16xf32>
        %parallel_loop3A_1013 = arith.mulf %parallel_loop3A_117, %parallel_loop3A_1009 : vector<16xf32>
        %parallel_loop3A_1014 = arith.addf %parallel_loop3A_1002, %parallel_loop3A_1013 : vector<16xf32>
        %parallel_loop3A_1015 = arith.mulf %parallel_loop3A_117, %parallel_loop3A_1012 : vector<16xf32>
        %parallel_loop3A_1016 = arith.addf %parallel_loop3A_1005, %parallel_loop3A_1015 : vector<16xf32>
        %parallel_loop3A_1017 = tpu.pack_subelements %parallel_loop3A_1014, %parallel_loop3A_1016 {pack_format = #tpu.pack_format<interleaved>, positions = array<i32: 0, 1>} : vector<16xf32>, vector<16xf32> -> vector<32xbf16>
        %parallel_loop3A_1018 = vector.bitcast %parallel_loop3A_1017 : vector<32xbf16> to vector<16xi32>
        %parallel_loop3A_1019 = arith.constant 16 : i32
        %parallel_loop3A_1020 = vector.broadcast %parallel_loop3A_1019 : i32 to vector<16xi32>
        %parallel_loop3A_1021 = arith.shli %parallel_loop3A_942, %parallel_loop3A_1020 : vector<16xi32>
        %parallel_loop3A_1022 = vector.bitcast %parallel_loop3A_1021 : vector<16xi32> to vector<16xf32>
        %parallel_loop3A_1023 = vector.broadcast %scan3A_36 : i32 to vector<16xi32>
        %parallel_loop3A_1024 = arith.andi %parallel_loop3A_942, %parallel_loop3A_1023 : vector<16xi32>
        %parallel_loop3A_1025 = vector.bitcast %parallel_loop3A_1024 : vector<16xi32> to vector<16xf32>
        %parallel_loop3A_1026 = arith.constant 16 : i32
        %parallel_loop3A_1027 = vector.broadcast %parallel_loop3A_1026 : i32 to vector<16xi32>
        %parallel_loop3A_1028 = arith.shli %parallel_loop3A_974, %parallel_loop3A_1027 : vector<16xi32>
        %parallel_loop3A_1029 = vector.bitcast %parallel_loop3A_1028 : vector<16xi32> to vector<16xf32>
        %parallel_loop3A_1030 = vector.broadcast %scan3A_36 : i32 to vector<16xi32>
        %parallel_loop3A_1031 = arith.andi %parallel_loop3A_974, %parallel_loop3A_1030 : vector<16xi32>
        %parallel_loop3A_1032 = vector.bitcast %parallel_loop3A_1031 : vector<16xi32> to vector<16xf32>
        %parallel_loop3A_1033 = arith.mulf %parallel_loop3A_117, %parallel_loop3A_1029 : vector<16xf32>
        %parallel_loop3A_1034 = arith.addf %parallel_loop3A_1022, %parallel_loop3A_1033 : vector<16xf32>
        %parallel_loop3A_1035 = arith.mulf %parallel_loop3A_117, %parallel_loop3A_1032 : vector<16xf32>
        %parallel_loop3A_1036 = arith.addf %parallel_loop3A_1025, %parallel_loop3A_1035 : vector<16xf32>
        %parallel_loop3A_1037 = tpu.pack_subelements %parallel_loop3A_1034, %parallel_loop3A_1036 {pack_format = #tpu.pack_format<interleaved>, positions = array<i32: 0, 1>} : vector<16xf32>, vector<16xf32> -> vector<32xbf16>
        %parallel_loop3A_1038 = vector.bitcast %parallel_loop3A_1037 : vector<32xbf16> to vector<16xi32>
        %parallel_loop3A_1039 = arith.constant 16 : i32
        %parallel_loop3A_1040 = vector.broadcast %parallel_loop3A_1039 : i32 to vector<16xi32>
        %parallel_loop3A_1041 = arith.shli %parallel_loop3A_946, %parallel_loop3A_1040 : vector<16xi32>
        %parallel_loop3A_1042 = vector.bitcast %parallel_loop3A_1041 : vector<16xi32> to vector<16xf32>
        %parallel_loop3A_1043 = vector.broadcast %scan3A_36 : i32 to vector<16xi32>
        %parallel_loop3A_1044 = arith.andi %parallel_loop3A_946, %parallel_loop3A_1043 : vector<16xi32>
        %parallel_loop3A_1045 = vector.bitcast %parallel_loop3A_1044 : vector<16xi32> to vector<16xf32>
        %parallel_loop3A_1046 = arith.constant 16 : i32
        %parallel_loop3A_1047 = vector.broadcast %parallel_loop3A_1046 : i32 to vector<16xi32>
        %parallel_loop3A_1048 = arith.shli %parallel_loop3A_978, %parallel_loop3A_1047 : vector<16xi32>
        %parallel_loop3A_1049 = vector.bitcast %parallel_loop3A_1048 : vector<16xi32> to vector<16xf32>
        %parallel_loop3A_1050 = vector.broadcast %scan3A_36 : i32 to vector<16xi32>
        %parallel_loop3A_1051 = arith.andi %parallel_loop3A_978, %parallel_loop3A_1050 : vector<16xi32>
        %parallel_loop3A_1052 = vector.bitcast %parallel_loop3A_1051 : vector<16xi32> to vector<16xf32>
        %parallel_loop3A_1053 = arith.mulf %parallel_loop3A_117, %parallel_loop3A_1049 : vector<16xf32>
        %parallel_loop3A_1054 = arith.addf %parallel_loop3A_1042, %parallel_loop3A_1053 : vector<16xf32>
        %parallel_loop3A_1055 = arith.mulf %parallel_loop3A_117, %parallel_loop3A_1052 : vector<16xf32>
        %parallel_loop3A_1056 = arith.addf %parallel_loop3A_1045, %parallel_loop3A_1055 : vector<16xf32>
        %parallel_loop3A_1057 = tpu.pack_subelements %parallel_loop3A_1054, %parallel_loop3A_1056 {pack_format = #tpu.pack_format<interleaved>, positions = array<i32: 0, 1>} : vector<16xf32>, vector<16xf32> -> vector<32xbf16>
        %parallel_loop3A_1058 = vector.bitcast %parallel_loop3A_1057 : vector<32xbf16> to vector<16xi32>
        %parallel_loop3A_1059 = arith.constant 16 : i32
        %parallel_loop3A_1060 = vector.broadcast %parallel_loop3A_1059 : i32 to vector<16xi32>
        %parallel_loop3A_1061 = arith.shli %parallel_loop3A_950, %parallel_loop3A_1060 : vector<16xi32>
        %parallel_loop3A_1062 = vector.bitcast %parallel_loop3A_1061 : vector<16xi32> to vector<16xf32>
        %parallel_loop3A_1063 = vector.broadcast %scan3A_36 : i32 to vector<16xi32>
        %parallel_loop3A_1064 = arith.andi %parallel_loop3A_950, %parallel_loop3A_1063 : vector<16xi32>
        %parallel_loop3A_1065 = vector.bitcast %parallel_loop3A_1064 : vector<16xi32> to vector<16xf32>
        %parallel_loop3A_1066 = arith.constant 16 : i32
        %parallel_loop3A_1067 = vector.broadcast %parallel_loop3A_1066 : i32 to vector<16xi32>
        %parallel_loop3A_1068 = arith.shli %parallel_loop3A_982, %parallel_loop3A_1067 : vector<16xi32>
        %parallel_loop3A_1069 = vector.bitcast %parallel_loop3A_1068 : vector<16xi32> to vector<16xf32>
        %parallel_loop3A_1070 = vector.broadcast %scan3A_36 : i32 to vector<16xi32>
        %parallel_loop3A_1071 = arith.andi %parallel_loop3A_982, %parallel_loop3A_1070 : vector<16xi32>
        %parallel_loop3A_1072 = vector.bitcast %parallel_loop3A_1071 : vector<16xi32> to vector<16xf32>
        %parallel_loop3A_1073 = arith.mulf %parallel_loop3A_117, %parallel_loop3A_1069 : vector<16xf32>
        %parallel_loop3A_1074 = arith.addf %parallel_loop3A_1062, %parallel_loop3A_1073 : vector<16xf32>
        %parallel_loop3A_1075 = arith.mulf %parallel_loop3A_117, %parallel_loop3A_1072 : vector<16xf32>
        %parallel_loop3A_1076 = arith.addf %parallel_loop3A_1065, %parallel_loop3A_1075 : vector<16xf32>
        %parallel_loop3A_1077 = tpu.pack_subelements %parallel_loop3A_1074, %parallel_loop3A_1076 {pack_format = #tpu.pack_format<interleaved>, positions = array<i32: 0, 1>} : vector<16xf32>, vector<16xf32> -> vector<32xbf16>
        %parallel_loop3A_1078 = vector.bitcast %parallel_loop3A_1077 : vector<32xbf16> to vector<16xi32>
        %parallel_loop3A_1079 = arith.constant 16 : i32
        %parallel_loop3A_1080 = vector.broadcast %parallel_loop3A_1079 : i32 to vector<16xi32>
        %parallel_loop3A_1081 = arith.shli %parallel_loop3A_954, %parallel_loop3A_1080 : vector<16xi32>
        %parallel_loop3A_1082 = vector.bitcast %parallel_loop3A_1081 : vector<16xi32> to vector<16xf32>
        %parallel_loop3A_1083 = vector.broadcast %scan3A_36 : i32 to vector<16xi32>
        %parallel_loop3A_1084 = arith.andi %parallel_loop3A_954, %parallel_loop3A_1083 : vector<16xi32>
        %parallel_loop3A_1085 = vector.bitcast %parallel_loop3A_1084 : vector<16xi32> to vector<16xf32>
        %parallel_loop3A_1086 = arith.constant 16 : i32
        %parallel_loop3A_1087 = vector.broadcast %parallel_loop3A_1086 : i32 to vector<16xi32>
        %parallel_loop3A_1088 = arith.shli %parallel_loop3A_986, %parallel_loop3A_1087 : vector<16xi32>
        %parallel_loop3A_1089 = vector.bitcast %parallel_loop3A_1088 : vector<16xi32> to vector<16xf32>
        %parallel_loop3A_1090 = vector.broadcast %scan3A_36 : i32 to vector<16xi32>
        %parallel_loop3A_1091 = arith.andi %parallel_loop3A_986, %parallel_loop3A_1090 : vector<16xi32>
        %parallel_loop3A_1092 = vector.bitcast %parallel_loop3A_1091 : vector<16xi32> to vector<16xf32>
        %parallel_loop3A_1093 = arith.mulf %parallel_loop3A_117, %parallel_loop3A_1089 : vector<16xf32>
        %parallel_loop3A_1094 = arith.addf %parallel_loop3A_1082, %parallel_loop3A_1093 : vector<16xf32>
        %parallel_loop3A_1095 = arith.mulf %parallel_loop3A_117, %parallel_loop3A_1092 : vector<16xf32>
        %parallel_loop3A_1096 = arith.addf %parallel_loop3A_1085, %parallel_loop3A_1095 : vector<16xf32>
        %parallel_loop3A_1097 = tpu.pack_subelements %parallel_loop3A_1094, %parallel_loop3A_1096 {pack_format = #tpu.pack_format<interleaved>, positions = array<i32: 0, 1>} : vector<16xf32>, vector<16xf32> -> vector<32xbf16>
        %parallel_loop3A_1098 = vector.bitcast %parallel_loop3A_1097 : vector<32xbf16> to vector<16xi32>
        %parallel_loop3A_1099 = arith.constant 16 : i32
        %parallel_loop3A_1100 = vector.broadcast %parallel_loop3A_1099 : i32 to vector<16xi32>
        %parallel_loop3A_1101 = arith.shli %parallel_loop3A_958, %parallel_loop3A_1100 : vector<16xi32>
        %parallel_loop3A_1102 = vector.bitcast %parallel_loop3A_1101 : vector<16xi32> to vector<16xf32>
        %parallel_loop3A_1103 = vector.broadcast %scan3A_36 : i32 to vector<16xi32>
        %parallel_loop3A_1104 = arith.andi %parallel_loop3A_958, %parallel_loop3A_1103 : vector<16xi32>
        %parallel_loop3A_1105 = vector.bitcast %parallel_loop3A_1104 : vector<16xi32> to vector<16xf32>
        %parallel_loop3A_1106 = arith.constant 16 : i32
        %parallel_loop3A_1107 = vector.broadcast %parallel_loop3A_1106 : i32 to vector<16xi32>
        %parallel_loop3A_1108 = arith.shli %parallel_loop3A_990, %parallel_loop3A_1107 : vector<16xi32>
        %parallel_loop3A_1109 = vector.bitcast %parallel_loop3A_1108 : vector<16xi32> to vector<16xf32>
        %parallel_loop3A_1110 = vector.broadcast %scan3A_36 : i32 to vector<16xi32>
        %parallel_loop3A_1111 = arith.andi %parallel_loop3A_990, %parallel_loop3A_1110 : vector<16xi32>
        %parallel_loop3A_1112 = vector.bitcast %parallel_loop3A_1111 : vector<16xi32> to vector<16xf32>
        %parallel_loop3A_1113 = arith.mulf %parallel_loop3A_117, %parallel_loop3A_1109 : vector<16xf32>
        %parallel_loop3A_1114 = arith.addf %parallel_loop3A_1102, %parallel_loop3A_1113 : vector<16xf32>
        %parallel_loop3A_1115 = arith.mulf %parallel_loop3A_117, %parallel_loop3A_1112 : vector<16xf32>
        %parallel_loop3A_1116 = arith.addf %parallel_loop3A_1105, %parallel_loop3A_1115 : vector<16xf32>
        %parallel_loop3A_1117 = tpu.pack_subelements %parallel_loop3A_1114, %parallel_loop3A_1116 {pack_format = #tpu.pack_format<interleaved>, positions = array<i32: 0, 1>} : vector<16xf32>, vector<16xf32> -> vector<32xbf16>
        %parallel_loop3A_1118 = vector.bitcast %parallel_loop3A_1117 : vector<32xbf16> to vector<16xi32>
        %parallel_loop3A_1119 = arith.constant 16 : i32
        %parallel_loop3A_1120 = vector.broadcast %parallel_loop3A_1119 : i32 to vector<16xi32>
        %parallel_loop3A_1121 = arith.shli %parallel_loop3A_962, %parallel_loop3A_1120 : vector<16xi32>
        %parallel_loop3A_1122 = vector.bitcast %parallel_loop3A_1121 : vector<16xi32> to vector<16xf32>
        %parallel_loop3A_1123 = vector.broadcast %scan3A_36 : i32 to vector<16xi32>
        %parallel_loop3A_1124 = arith.andi %parallel_loop3A_962, %parallel_loop3A_1123 : vector<16xi32>
        %parallel_loop3A_1125 = vector.bitcast %parallel_loop3A_1124 : vector<16xi32> to vector<16xf32>
        %parallel_loop3A_1126 = arith.constant 16 : i32
        %parallel_loop3A_1127 = vector.broadcast %parallel_loop3A_1126 : i32 to vector<16xi32>
        %parallel_loop3A_1128 = arith.shli %parallel_loop3A_994, %parallel_loop3A_1127 : vector<16xi32>
        %parallel_loop3A_1129 = vector.bitcast %parallel_loop3A_1128 : vector<16xi32> to vector<16xf32>
        %parallel_loop3A_1130 = vector.broadcast %scan3A_36 : i32 to vector<16xi32>
        %parallel_loop3A_1131 = arith.andi %parallel_loop3A_994, %parallel_loop3A_1130 : vector<16xi32>
        %parallel_loop3A_1132 = vector.bitcast %parallel_loop3A_1131 : vector<16xi32> to vector<16xf32>
        %parallel_loop3A_1133 = arith.mulf %parallel_loop3A_117, %parallel_loop3A_1129 : vector<16xf32>
        %parallel_loop3A_1134 = arith.addf %parallel_loop3A_1122, %parallel_loop3A_1133 : vector<16xf32>
        %parallel_loop3A_1135 = arith.mulf %parallel_loop3A_117, %parallel_loop3A_1132 : vector<16xf32>
        %parallel_loop3A_1136 = arith.addf %parallel_loop3A_1125, %parallel_loop3A_1135 : vector<16xf32>
        %parallel_loop3A_1137 = tpu.pack_subelements %parallel_loop3A_1134, %parallel_loop3A_1136 {pack_format = #tpu.pack_format<interleaved>, positions = array<i32: 0, 1>} : vector<16xf32>, vector<16xf32> -> vector<32xbf16>
        %parallel_loop3A_1138 = vector.bitcast %parallel_loop3A_1137 : vector<32xbf16> to vector<16xi32>
        %parallel_loop3A_1139 = arith.constant 16 : i32
        %parallel_loop3A_1140 = vector.broadcast %parallel_loop3A_1139 : i32 to vector<16xi32>
        %parallel_loop3A_1141 = arith.shli %parallel_loop3A_966, %parallel_loop3A_1140 : vector<16xi32>
        %parallel_loop3A_1142 = vector.bitcast %parallel_loop3A_1141 : vector<16xi32> to vector<16xf32>
        %parallel_loop3A_1143 = vector.broadcast %scan3A_36 : i32 to vector<16xi32>
        %parallel_loop3A_1144 = arith.andi %parallel_loop3A_966, %parallel_loop3A_1143 : vector<16xi32>
        %parallel_loop3A_1145 = vector.bitcast %parallel_loop3A_1144 : vector<16xi32> to vector<16xf32>
        %parallel_loop3A_1146 = arith.constant 16 : i32
        %parallel_loop3A_1147 = vector.broadcast %parallel_loop3A_1146 : i32 to vector<16xi32>
        %parallel_loop3A_1148 = arith.shli %parallel_loop3A_998, %parallel_loop3A_1147 : vector<16xi32>
        %parallel_loop3A_1149 = vector.bitcast %parallel_loop3A_1148 : vector<16xi32> to vector<16xf32>
        %parallel_loop3A_1150 = vector.broadcast %scan3A_36 : i32 to vector<16xi32>
        %parallel_loop3A_1151 = arith.andi %parallel_loop3A_998, %parallel_loop3A_1150 : vector<16xi32>
        %parallel_loop3A_1152 = vector.bitcast %parallel_loop3A_1151 : vector<16xi32> to vector<16xf32>
        %parallel_loop3A_1153 = arith.mulf %parallel_loop3A_117, %parallel_loop3A_1149 : vector<16xf32>
        %parallel_loop3A_1154 = arith.addf %parallel_loop3A_1142, %parallel_loop3A_1153 : vector<16xf32>
        %parallel_loop3A_1155 = arith.mulf %parallel_loop3A_117, %parallel_loop3A_1152 : vector<16xf32>
        %parallel_loop3A_1156 = arith.addf %parallel_loop3A_1145, %parallel_loop3A_1155 : vector<16xf32>
        %parallel_loop3A_1157 = tpu.pack_subelements %parallel_loop3A_1154, %parallel_loop3A_1156 {pack_format = #tpu.pack_format<interleaved>, positions = array<i32: 0, 1>} : vector<16xf32>, vector<16xf32> -> vector<32xbf16>
        %parallel_loop3A_1158 = vector.bitcast %parallel_loop3A_1157 : vector<32xbf16> to vector<16xi32>
        %parallel_loop3A_1159 = arith.constant 24 : i32
        %parallel_loop3A_1160 = vector.broadcast %parallel_loop3A_1159 : i32 to vector<16xi32>
        %parallel_loop3A_1161 = arith.addi %parallel_loop3A_190, %parallel_loop3A_1160 : vector<16xi32>
        tpu.vector_store_idx %arg16[%parallel_loop3A_1161], %parallel_loop3A_1018 : memref<40960xi32, #tpu.memory_space<vmem>>[vector<16xi32>], vector<16xi32>,
        %parallel_loop3A_1162 = arith.constant 25 : i32
        %parallel_loop3A_1163 = vector.broadcast %parallel_loop3A_1162 : i32 to vector<16xi32>
        %parallel_loop3A_1164 = arith.addi %parallel_loop3A_190, %parallel_loop3A_1163 : vector<16xi32>
        tpu.vector_store_idx %arg16[%parallel_loop3A_1164], %parallel_loop3A_1038 : memref<40960xi32, #tpu.memory_space<vmem>>[vector<16xi32>], vector<16xi32>,
        %parallel_loop3A_1165 = arith.constant 26 : i32
        %parallel_loop3A_1166 = vector.broadcast %parallel_loop3A_1165 : i32 to vector<16xi32>
        %parallel_loop3A_1167 = arith.addi %parallel_loop3A_190, %parallel_loop3A_1166 : vector<16xi32>
        tpu.vector_store_idx %arg16[%parallel_loop3A_1167], %parallel_loop3A_1058 : memref<40960xi32, #tpu.memory_space<vmem>>[vector<16xi32>], vector<16xi32>,
        %parallel_loop3A_1168 = arith.constant 27 : i32
        %parallel_loop3A_1169 = vector.broadcast %parallel_loop3A_1168 : i32 to vector<16xi32>
        %parallel_loop3A_1170 = arith.addi %parallel_loop3A_190, %parallel_loop3A_1169 : vector<16xi32>
        tpu.vector_store_idx %arg16[%parallel_loop3A_1170], %parallel_loop3A_1078 : memref<40960xi32, #tpu.memory_space<vmem>>[vector<16xi32>], vector<16xi32>,
        %parallel_loop3A_1171 = arith.constant 28 : i32
        %parallel_loop3A_1172 = vector.broadcast %parallel_loop3A_1171 : i32 to vector<16xi32>
        %parallel_loop3A_1173 = arith.addi %parallel_loop3A_190, %parallel_loop3A_1172 : vector<16xi32>
        tpu.vector_store_idx %arg16[%parallel_loop3A_1173], %parallel_loop3A_1098 : memref<40960xi32, #tpu.memory_space<vmem>>[vector<16xi32>], vector<16xi32>,
        %parallel_loop3A_1174 = arith.constant 29 : i32
        %parallel_loop3A_1175 = vector.broadcast %parallel_loop3A_1174 : i32 to vector<16xi32>
        %parallel_loop3A_1176 = arith.addi %parallel_loop3A_190, %parallel_loop3A_1175 : vector<16xi32>
        tpu.vector_store_idx %arg16[%parallel_loop3A_1176], %parallel_loop3A_1118 : memref<40960xi32, #tpu.memory_space<vmem>>[vector<16xi32>], vector<16xi32>,
        %parallel_loop3A_1177 = arith.constant 30 : i32
        %parallel_loop3A_1178 = vector.broadcast %parallel_loop3A_1177 : i32 to vector<16xi32>
        %parallel_loop3A_1179 = arith.addi %parallel_loop3A_190, %parallel_loop3A_1178 : vector<16xi32>
        tpu.vector_store_idx %arg16[%parallel_loop3A_1179], %parallel_loop3A_1138 : memref<40960xi32, #tpu.memory_space<vmem>>[vector<16xi32>], vector<16xi32>,
        %parallel_loop3A_1180 = arith.constant 31 : i32
        %parallel_loop3A_1181 = vector.broadcast %parallel_loop3A_1180 : i32 to vector<16xi32>
        %parallel_loop3A_1182 = arith.addi %parallel_loop3A_190, %parallel_loop3A_1181 : vector<16xi32>
        tpu.vector_store_idx %arg16[%parallel_loop3A_1182], %parallel_loop3A_1158 : memref<40960xi32, #tpu.memory_space<vmem>>[vector<16xi32>], vector<16xi32>,
      } {sc.loop_unroll_factor = 2 : i64, sc.parallel_access}
      %mul3A_98 = arith.constant 32 : i32
      %mul3A_99 = arith.muli %add3A_83, %mul3A_98 : i32
      %dma_start3A_100 = tpu.memref_slice %arg8[%mul3A_99] : memref<26214400xi32, #tpu.memory_space<hbm>> -> memref<40960xi32, #tpu.memory_space<hbm>>
      %dma_start3A_101 = tpu.memref_slice %arg8[%mul3A_99] : memref<26214400xi32, #tpu.memory_space<hbm>> -> memref<40960xi32, #tpu.memory_space<hbm>>
      tpu.enqueue_dma source(%arg16 : memref<40960xi32, #tpu.memory_space<vmem>>) target(%dma_start3A_101 : memref<40960xi32, #tpu.memory_space<hbm>>) target_semaphore(%arg23 : memref<!tpu.dma_semaphore, #tpu.memory_space<semaphore_mem>>)
      %add3A_102 = arith.constant 2 : i32
      %add3A_103 = arith.addi %add3A_80, %add3A_102 : i32
      %lt3A_104 = arith.constant 20 : i32
      %lt3A_105 = arith.cmpi slt, %add3A_103, %lt3A_104 : i32
      %convert_element_type3A_106 = arith.extui %lt3A_105 : i1 to i32
      %cond3A_107 = arith.constant 0 : i32
      %cond3A_108 = arith.cmpi ne, %convert_element_type3A_106, %cond3A_107 : i32
      scf.if %cond3A_108 {
        %add3A_109 = arith.constant 2 : i32
        %add3A_110 = arith.addi %add3A_80, %add3A_109 : i32
        %mul3A_111 = arith.constant 1280 : i32
        %mul3A_112 = arith.muli %add3A_110, %mul3A_111 : i32
        %add3A_113 = arith.addi %mul3A_2, %mul3A_112 : i32
        %dma_start3A_114 = tpu.memref_slice %arg2[%add3A_113] : memref<819200xi32, #tpu.memory_space<hbm>> -> memref<1280xi32, #tpu.memory_space<hbm>>
        %dma_start3A_115 = tpu.memref_slice %arg2[%add3A_113] : memref<819200xi32, #tpu.memory_space<hbm>> -> memref<1280xi32, #tpu.memory_space<hbm>>
        tpu.enqueue_dma source(%dma_start3A_115 : memref<1280xi32, #tpu.memory_space<hbm>>) target(%arg10 : memref<1280xi32, #tpu.memory_space<vmem>>) target_semaphore(%arg21 : memref<!tpu.dma_semaphore, #tpu.memory_space<semaphore_mem>>)
        %dma_start3A_116 = tpu.memref_slice %arg3[%add3A_113] : memref<819200xi32, #tpu.memory_space<hbm>> -> memref<1280xi32, #tpu.memory_space<hbm>>
        %dma_start3A_117 = tpu.memref_slice %arg3[%add3A_113] : memref<819200xi32, #tpu.memory_space<hbm>> -> memref<1280xi32, #tpu.memory_space<hbm>>
        tpu.enqueue_dma source(%dma_start3A_117 : memref<1280xi32, #tpu.memory_space<hbm>>) target(%arg12 : memref<1280xi32, #tpu.memory_space<vmem>>) target_semaphore(%arg21 : memref<!tpu.dma_semaphore, #tpu.memory_space<semaphore_mem>>)
        %dma_start3A_118 = tpu.memref_slice %arg4[%add3A_113] : memref<819200xf32, #tpu.memory_space<hbm>> -> memref<1280xf32, #tpu.memory_space<hbm>>
        %dma_start3A_119 = tpu.memref_slice %arg4[%add3A_113] : memref<819200xf32, #tpu.memory_space<hbm>> -> memref<1280xf32, #tpu.memory_space<hbm>>
        tpu.enqueue_dma source(%dma_start3A_119 : memref<1280xf32, #tpu.memory_space<hbm>>) target(%arg14 : memref<1280xf32, #tpu.memory_space<vmem>>) target_semaphore(%arg21 : memref<!tpu.dma_semaphore, #tpu.memory_space<semaphore_mem>>)
      } else {
      }
    }
    %scan3A_41 = arith.constant 10 : i32
    %mul3A_42 = arith.constant 32 : i32
    %mul3A_43 = arith.muli %mul3A_2, %mul3A_42 : i32
    %dma_wait3A = tpu.memref_slice %arg8[%mul3A_43] : memref<26214400xi32, #tpu.memory_space<hbm>> -> memref<40960xi32, #tpu.memory_space<hbm>>
    %dma_wait3A_44 = tpu.memref_slice %arg8[%mul3A_43] : memref<26214400xi32, #tpu.memory_space<hbm>> -> memref<40960xi32, #tpu.memory_space<hbm>>
    tpu.wait_dma2 semaphore(%arg22 : memref<!tpu.dma_semaphore, #tpu.memory_space<semaphore_mem>>) src(%arg15 : memref<40960xi32, #tpu.memory_space<vmem>>) dst(%dma_wait3A_44 : memref<40960xi32, #tpu.memory_space<hbm>>)
    %mul3A_45 = arith.constant 32 : i32
    %mul3A_46 = arith.muli %mul3A_2, %mul3A_45 : i32
    %dma_wait3A_47 = tpu.memref_slice %arg8[%mul3A_46] : memref<26214400xi32, #tpu.memory_space<hbm>> -> memref<40960xi32, #tpu.memory_space<hbm>>
    %dma_wait3A_48 = tpu.memref_slice %arg8[%mul3A_46] : memref<26214400xi32, #tpu.memory_space<hbm>> -> memref<40960xi32, #tpu.memory_space<hbm>>
    tpu.wait_dma2 semaphore(%arg23 : memref<!tpu.dma_semaphore, #tpu.memory_space<semaphore_mem>>) src(%arg16 : memref<40960xi32, #tpu.memory_space<vmem>>) dst(%dma_wait3A_48 : memref<40960xi32, #tpu.memory_space<hbm>>)
    return
  }
}

</mosaic_0001>

<sc_bundles>
// kernel: kernel.3.cloned.1.call-start
scs
__scs_entry_jumppad:
0x0: {  	(pc) =	sbr.rel $0x88, $3  }
0x1: {  	(tag) =	ssettag $0x0;
	lr =	simm.s32 $0x1  }
0x2: {  	[smem:$0x3F96] =	sst lr;
	_ =	strace $0xD0000000  }
0x3: {  	_ = 	snop  }
0x4: {  	_ = 	snop  }
0x5: {  	_ = 	snop  }
0x6: {  	_ = 	snop  }
0x7: {  	_ = 	snop  }
__scs_overlays_trampoline_lowered:
0x8: {  	[smem:$0x3FA5] =	sst s0  }
0x9: {  	[smem:$0x3FA6] =	sst s1  }
0xa: {  	[smem:$0x3FA7] =	sst s2  }
0xb: {  	[smem:$0x3FA8] =	sst s3  }
0xc: {  	[smem:$0x3FA9] =	sst s4  }
0xd: {  	[smem:$0x3FAA] =	sst s5  }
0xe: {  	[smem:$0x3FAB] =	sst s6  }
0xf: {  	[smem:$0x3FAC] =	sst s7  }
0x10: {  	[smem:$0x3FAD] =	sst s8  }
0x11: {  	[smem:$0x3FAE] =	sst s9;
	s0 =	simm.s32 @!p0 $0x0  }
0x12: {  	s1 =	sld [smem:$0x3F94];
	s0 =	simm.s32 @p0 $0x1  }
0x13: {  	[smem:$0x3FAF] =	sst s0;
	s0 =	simm.s32 @!p1 $0x0  }
0x14: {  	s2 =	sld [smem:$0x3F93];
	s0 =	simm.s32 @p1 $0x1  }
0x15: {  	[smem:$0x3FB0] =	sst s0;
	s0 =	simm.s32 @!p2 $0x0  }
0x16: {  	s3 =	sld [smem:$0x3FDB];
	s0 =	simm.s32 @p2 $0x1  }
0x17: {  	s4 =	simm.s32 $0x1BF5;
	[smem:$0x3FB2] =	sst s0  }
0x18: {  	s0 =	sld [smem:$0x3F95];
	_ =	swait.ge [sflag:s4], $0x0  }
0x19: {  	s7 =	sld [smem:$0x3F96]  }
0x1a: {  	s8 =	sadd.s32 $0xFFFFE003, lr  }
0x1b: {  	s9 =	sadd.s32 $0xFFFFFEF7, lr;
	s5 =	simm.s32 $0xFFFFFFFF;
	p2 =	slt.u32 s8, $0xFFFFF086  }
0x1c: {  	p1 =	slt.u32 s9, $0xF7A;
	s5 =	simm.s32 @!p2 $0x0  }
0x1d: {  	s5 =	simm.s32 @p1 $0x1;
	p0 =	seq.s32 s7, s2  }
0x1e: {  	s7 =	smul.u32 @!p0 $0xF7A, s2;
	p2 =	seq.s32 @!p0 s5, $0x0  }
0x1f: {  	s9 =	smul.u32 $0xF7A, s1;
	s8 =	simm.s32 @!p0 $0x1BF5;
	p2 =	por !p2, p0  }
0x20: {  	[sflag:s8] =	ssyncset.s32 @!p0 $0xFFFFF086;
	s6 =	sadd.s32 @!p0 s3, s7;
	s7 =	simm.s32 @!p0 $0x108  }
0x21: {  	s3 =	sadd.s32 s3, s9;
	s6 =	sadd.s32 @!p0 $0x88, s6;
	s7 =	simm.s32 @p2 $0x1082  }
0x22: {  	[simem:s7], [sflag:s8] =	dma.local @!p0 [hbm:s6], $0xF7A  }
0x23: {  	s9 =	sor.u32 $0xD0000000, s2;
	s6 =	simm.s32 $0x108;
	_ =	swait.ge @!p0 [sflag:s8], $0x0  }
0x24: {  	s3 =	sadd.s32 $0x88, s3;
	s6 =	simm.s32 @!p1 $0x1082;
	[sflag:s4] =	ssyncset.s32 $0xFFFFF086  }
0x25: {  	[simem:s6], [sflag:s4] =	dma.local [hbm:s3], $0xF7A  }
0x26: {  	[smem:$0x3F96] =	sst s1;
	(tag) =	ssettag s2;
	_ =	strace s9  }
0x27: {  	s1 =	sld [smem:$0x3FA6]  }
0x28: {  	s2 =	sld [smem:$0x3FA7]  }
0x29: {  	s4 =	sld [smem:$0x3FA9]  }
0x2a: {  	p0 =	seq.s32 s5, $0x0;
	s5 =	sld [smem:$0x3FAA]  }
0x2b: {  	s6 =	sld [smem:$0x3FAB]  }
0x2c: {  	s7 =	sld [smem:$0x3FAC]  }
0x2d: {  	s3 =	simm.s32 $0x108;
	s8 =	sld [smem:$0x3FAD]  }
0x2e: {  	s3 =	simm.s32 @!p0 $0x1082;
	s9 =	sld [smem:$0x3FAE]  }
0x2f: {  	lr =	sadd.s32 s0, s3;
	s0 =	sld [smem:$0x3FA5]  }
0x30: {  	s3 =	sld [smem:$0x3FA8]  }
0x31: {  	[smem:$0x3FB1] =	sst s10  }
0x32: {  	s10 =	sld [smem:$0x3FAF];
	_ =	sdelay $0x3  }
0x33: {  	p0 =	seq.s32 s10, $0x1;
	s10 =	sld [smem:$0x3FB1];
	_ =	sdelay $0x3  }
0x34: {  	[smem:$0x3FB1] =	sst s10  }
0x35: {  	s10 =	sld [smem:$0x3FB0];
	_ =	sdelay $0x3  }
0x36: {  	p1 =	seq.s32 s10, $0x1;
	s10 =	sld [smem:$0x3FB1];
	_ =	sdelay $0x3  }
0x37: {  	[smem:$0x3FB1] =	sst s10  }
0x38: {  	s10 =	sld [smem:$0x3FB2]  }
0x39: {  	_ = 	snop;
	(pc) =	sbr.ind lr, $3  }
0x3a: {  	_ = 	snop  }
0x3b: {  	_ = 	snop  }
0x3c: {  	p2 =	seq.s32 s10, $0x1;
	s10 =	sld [smem:$0x3FB1]  }
0x3d: {  	_ =	shalt  }
0x3e: {  	_ =	shalt  }
0x3f: {  	_ =	shalt  }
0x40: {  	_ =	shalt  }
0x41: {  	_ =	shalt  }
0x42: {  	_ =	shalt  }
0x43: {  	_ =	shalt  }
0x44: {  	_ =	shalt  }
0x45: {  	_ =	shalt  }
0x46: {  	_ =	shalt  }
0x47: {  	_ =	shalt  }
0x48: {  	_ =	shalt  }
0x49: {  	_ =	shalt  }
0x4a: {  	_ =	shalt  }
0x4b: {  	_ =	shalt  }
0x4c: {  	_ =	shalt  }
0x4d: {  	_ =	shalt  }
0x4e: {  	_ =	shalt  }
0x4f: {  	_ =	shalt  }
0x50: {  	_ =	shalt  }
0x51: {  	_ =	shalt  }
0x52: {  	_ =	shalt  }
0x53: {  	_ =	shalt  }
0x54: {  	_ =	shalt  }
0x55: {  	_ =	shalt  }
0x56: {  	_ =	shalt  }
0x57: {  	_ =	shalt  }
0x58: {  	_ =	shalt  }
0x59: {  	_ =	shalt  }
0x5a: {  	_ =	shalt  }
0x5b: {  	_ =	shalt  }
0x5c: {  	_ =	shalt  }
0x5d: {  	_ =	shalt  }
0x5e: {  	_ =	shalt  }
0x5f: {  	_ =	shalt  }
0x60: {  	_ =	shalt  }
0x61: {  	_ =	shalt  }
0x62: {  	_ =	shalt  }
0x63: {  	_ =	shalt  }
0x64: {  	_ =	shalt  }
0x65: {  	_ =	shalt  }
0x66: {  	_ =	shalt  }
0x67: {  	_ =	shalt  }
0x68: {  	_ =	shalt  }
0x69: {  	_ =	shalt  }
0x6a: {  	_ =	shalt  }
0x6b: {  	_ =	shalt  }
0x6c: {  	_ =	shalt  }
0x6d: {  	_ =	shalt  }
0x6e: {  	_ =	shalt  }
0x6f: {  	_ =	shalt  }
0x70: {  	_ =	shalt  }
0x71: {  	_ =	shalt  }
0x72: {  	_ =	shalt  }
0x73: {  	_ =	shalt  }
0x74: {  	_ =	shalt  }
0x75: {  	_ =	shalt  }
0x76: {  	_ =	shalt  }
0x77: {  	_ =	shalt  }
0x78: {  	_ =	shalt  }
0x79: {  	_ =	shalt  }
0x7a: {  	_ =	shalt  }
0x7b: {  	_ =	shalt  }
0x7c: {  	_ =	shalt  }
0x7d: {  	_ =	shalt  }
0x7e: {  	_ =	shalt  }
0x7f: {  	_ =	shalt  }
0x80: {  	_ =	shalt  }
0x81: {  	_ =	shalt  }
0x82: {  	_ =	shalt  }
0x83: {  	_ =	shalt  }
0x84: {  	_ =	shalt  }
0x85: {  	_ =	shalt  }
0x86: {  	_ =	shalt  }
0x87: {  	_ =	shalt  }
.Lfunc_end0:
.L_simem_size_0:
called_computation.2_lowered:
.L_overlay_start_0:
0x88: {  	s2 =	sld [smem:$0x3FD9]  }
0x89: {  	s3 =	sld [smem:$0x3FFE];
	_ =	sdelay $0x1  }
0x8a: {  	s1 =	srdreg.scid  }
0x8b: {  	s0 =	sand.u32 $0x1, s1  }
0x8c: {  	s17 =	sshll.u32 s0, $0xA;
	s2 =	sadd.s32 s3, s2  }
0x8d: {  	s2 =	sadd.s32 s2, s17  }
0x8e: {  	[smem:$0x3FBD] =	sst s2  }
0x8f: {  	_ = 	snop  }
0x90: {  	s2 =	sld [smem:$0x3FD0];
	(tm) =	ssettm $0x1  }
0x91: {  	s18 =	sld [smem:$0x3FFB];
	_ =	sdelay $0x3  }
0x92: {  	_ =	strace s18  }
0x93: {  	s3 =	sld [smem:$0x3FFC];
	_ =	sdelay $0x3  }
0x94: {  	_ =	strace s3  }
0x95: {  	s3 =	sld [smem:$0x3FFD];
	_ =	sdelay $0x3  }
0x96: {  	_ =	strace s3  }
0x97: {  	_ =	strace $0x8FFFFFFF  }
0x98: {  	s19 =	sld [smem:$0x3FDB];
	_ =	sdelay $0x1  }
0x99: {  	s4 =	simm.s32 $_scs_section_size  }
0x9a: {  	s5 =	simm.s32 $_size__tile_overlayer_lowered;
	s6 =	simm.s32 $_tile_overlayer_lowered  }
0x9b: {  	s22 =	simm.s32 $0x1BFF;
	s21 =	sshll.u32 s6, $0x1;
	s3 =	sadd.s32 s4, s19  }
0x9c: {  	s7 =	simm.s32 $0x0;
	s20 =	sshll.u32 s5, $0x1;
	s5 =	sadd.s32 s21, s3  }
0x9d: {  	[timem:s7], [sflag:s22] =	dma.local [hbm:s5], s20  }
0x9e: {  	_ =	swait.ge [sflag:s22], s20  }
0x9f: {  	s4 =	ssub.s32 $0x0, s20;
	[sflag:s22] =	ssyncset.done $0x0  }
0xa0: {  	[sflag:s22] =	ssyncadd.s32 s4;
	_ =	sdelay $0x1  }
0xa1: {  	s23 =	simm.s32 $0x1B8B  }
0xa2: {  	_ =	swait.ge [sflag:s23], $0x1  }
0xa3: {  	[sflag:s23] =	ssyncset.done $0x0  }
0xa4: {  	s25 =	simm.s32 $0x1B8E;
	s24 =	sld [smem:$0x3FFE];
	[sflag:s23] =	ssyncadd.s32 $0xFFFFFFFF  }
0xa5: {  	s26 =	simm.s32 $execute0_lowered;
	[smem:$0x3FD2] =	sst s25  }
0xa6: {  	s5 =	sshll.u32 s26, $0x1;
	_ =	strace $0x80000046;
	[dreg:$0x1] =	wrdreg $0xFFFFFFFF  }
0xa7: {  	s28 =	simm.s32 $_size_execute0_lowered;
	s3 =	sadd.s32 s3, s5;
	[dreg:$0x0] =	wrdreg $0x0  }
0xa8: {  	s5 =	sshll.u32 s28, $0x1;
	[dreg:$0x2] =	wrdreg s3  }
0xa9: {  	[dreg:$0x3] =	wrdreg s5  }
0xaa: {  	[dreg:$0x4] =	wrdreg $0xC0  }
0xab: {  	_ =	task [dreg:s7], $0x5FFFF  }
0xac: {  	[dreg:$0x1] =	wrdreg $0xFFFFFFFF  }
0xad: {  	[dreg:$0x0] =	wrdreg $0x60  }
0xae: {  	[dreg:$0x2] =	wrdreg s24  }
0xaf: {  	[dreg:$0x3] =	wrdreg s2  }
0xb0: {  	[dreg:$0x4] =	wrdreg $0x9  }
0xb1: {  	_ =	task.clear_ibuf [dreg:s7], $0x5FFFF;
	_ =	strace $0x90000046  }
0xb2: {  	s29 =	simm.s32 $0x9;
	_ =	strace $0x80000048  }
0xb3: {  	_ =	swait.ge [sflag:s29], $0x1  }
0xb4: {  	[sflag:s29] =	ssyncadd.s32 $0xFFFFFFFF  }
0xb5: {  	_ =	strace $0x90000048  }
0xb6: {  	_ =	sfence  }
0xb7: {  	s30 =	sld [smem:$0x0];
	_ =	sdelay $0x2  }
0xb8: {  	s31 =	sshll.u32 s1, $0xD;
	s1 =	sshrl.u32 s1, $0x2  }
0xb9: {  	s3 =	sand.u32 $0x4000, s31;
	s1 =	sadd.s32 s1, s30  }
0xba: {  	s0 =	sor.u32 s3, s0;
	s1 =	sshll.u32 s1, $0x11  }
0xbb: {  	s0 =	sor.u32 s1, s0  }
0xbc: {  	s0 =	sadd.s32 $0x8F2B, s0  }
0xbd: {  	[sflag:s0] =	ssyncadd.remote.s32 $0x1  }
0xbe: {  	_ =	sfence.sel $0xFFFF  }
0xbf: {  	[dreg:$0x0] =	wrdreg $0xFFFFFFFF;
	(pc) =	sbr.abs _section_cstart, $3  }
0xc0: {  	[dreg:$0x1] =	wrdreg $0xFFFFFFFF  }
0xc1: {  	_ =	task.clear_ibuf [dreg:s7], $0x2FFFF;
	_ =	strace $0x9FFFFFFF  }
0xc2: {  	(tm) =	ssettm $0x7FFFFFFF  }
0xc3: {  	_ =	shalt  }
tec
execute0_lowered:
.L_overlay_start_1:
0x0: {  	(tag) =	ssettag $0x1  }
0x1: {  	v0 =	vlaneseq.u32  }
0x2: {  	s3 =	rddreg [dreg:$0x0];
	s4 =	simm.s32 $0x0;
	v1 =	vand.u32 $0x3, v0;
	v0 =	vmul.u32 $0x20, v0  }
0x3: {  	[smem:$0x7FF] =	sst s4  }
0x4: {  	s2 =	rddreg [dreg:$0x1];
	_ =	strace $0x80000047;
	v5 =	vor.u32 $0x2, v0;
	[tilespmem:$0x1FFC0] =	vst v0  }
0x5: {  	v6 =	vor.u32 $0x3, v0;
	[tilespmem:$0x1FE00] =	vst v5  }
0x6: {  	v7 =	vor.u32 $0x4, v0;
	[tilespmem:$0x1FE10] =	vst v6  }
0x7: {  	v8 =	vor.u32 $0x5, v0;
	[tilespmem:$0x1FE20] =	vst v7  }
0x8: {  	v9 =	vor.u32 $0x6, v0;
	[tilespmem:$0x1FE30] =	vst v8  }
0x9: {  	v10 =	vor.u32 $0x7, v0;
	[tilespmem:$0x1FE40] =	vst v9  }
0xa: {  	v11 =	vor.u32 $0x8, v0;
	[tilespmem:$0x1FE50] =	vst v10  }
0xb: {  	v12 =	vor.u32 $0x9, v0;
	[tilespmem:$0x1FE60] =	vst v11  }
0xc: {  	v13 =	vor.u32 $0xA, v0;
	[tilespmem:$0x1FE70] =	vst v12  }
0xd: {  	v14 =	vor.u32 $0xB, v0;
	[tilespmem:$0x1FE80] =	vst v13  }
0xe: {  	v15 =	vor.u32 $0xC, v0;
	[tilespmem:$0x1FE90] =	vst v14  }
0xf: {  	v16 =	vor.u32 $0xD, v0;
	[tilespmem:$0x1FEA0] =	vst v15  }
0x10: {  	v17 =	vor.u32 $0xE, v0;
	[tilespmem:$0x1FEB0] =	vst v16  }
0x11: {  	v40 =	vor.u32 $0xF, v0;
	[tilespmem:$0x1FEC0] =	vst v17  }
0x12: {  	v42 =	vor.u32 $0x10, v0;
	[tilespmem:$0x1FED0] =	vst v40  }
0x13: {  	v33 =	vor.u32 $0x11, v0;
	[tilespmem:$0x1FEE0] =	vst v42  }
0x14: {  	v41 =	vor.u32 $0x12, v0;
	[tilespmem:$0x1FEF0] =	vst v33  }
0x15: {  	s0 =	srdreg.scid;
	v39 =	vor.u32 $0x13, v0;
	[tilespmem:$0x1FF00] =	vst v41  }
0x16: {  	s1 =	stileid.u32;
	s28 =	simm.s32 $0x15E00;
	s29 =	simm.s32 $0x5;
	v38 =	vor.u32 $0x14, v0;
	[tilespmem:$0x1FF10] =	vst v39  }
0x17: {  	s30 =	simm.s32 $0x18B00;
	s9 =	simm.s32 $0x0;
	s0 =	sand.u32 $0x1, s0;
	v63 =	vor.u32 $0x1A, v0;
	[tilespmem:$0x1FF20] =	vst v38  }
0x18: {  	s1 =	sshll.u32 s1, $0x1;
	s5 =	sadd.s32 $0xA00, s3;
	s6 =	sadd.s32 $0x32A00, s3;
	v18 =	vor.u32 $0x15, v0;
	[tilespmem:$0x1FF30] =	vst v63  }
0x19: {  	s7 =	sadd.s32 $0x19A00, s3;
	s18 =	sadd.s32 $0x400, s3;
	s1 =	sor.u32 s0, s1;
	v19 =	vor.u32 $0x16, v0;
	[tilespmem:$0x1FF40] =	vst v18  }
0x1a: {  	s19 =	sadd.s32 $0x200, s3;
	s0 =	ssub.s32 $0x2, s0;
	s8 =	smul.u32 $0x6400, s1;
	v20 =	vor.u32 $0x17, v0;
	[tilespmem:$0x1FF50] =	vst v19  }
0x1b: {  	s3 =	simm.s32 $0x1E00;
	[dreg:$0x3] =	wrdreg s18;
	s20 =	sshrl.u32 s0, $0x1;
	v32 =	vor.u32 $0x1D, v0;
	[tilespmem:$0x1FF60] =	vst v20  }
0x1c: {  	[dreg:$0x4] =	wrdreg s19;
	v23 =	vor.u32 $0x1C, v0;
	s0 =	ssub.s32 s0, s20;
	[tilespmem:$0x1FF70] =	vst v32;
	s21 =	sshrl.u32 s8, $0x3  }
0x1d: {  	v21 =	vor.u32 $0x18, v0;
	[tilespmem:$0x1FF80] =	vst v23;
	s11 =	sadd.s32 $0x500, s8;
	s18 =	sadd.s32 $0xA00, s8;
	s0 =	smax.u32 s0, $0x1  }
0x1e: {  	v24 =	vor.u32 $0x1B, v0;
	[tilespmem:$0x1FF90] =	vst v21;
	s19 =	sadd.s32 $0x5F00, s8;
	s22 =	sadd.s32 s5, s21;
	[dreg:$0xb] =	wrdreg s0  }
0x1f: {  	v22 =	vor.u32 $0x19, v0;
	[tilespmem:$0x1FFA0] =	vst v24;
	s20 =	sadd.s32 $0xF00, s8;
	s23 =	sadd.s32 s6, s21;
	[dreg:$0x5] =	wrdreg s22  }
0x20: {  	v3 =	vor.u32 $0x1, v0;
	[tilespmem:$0x1FFB0] =	vst v22;
	s24 =	sshrl.u32 s11, $0x3;
	s1 =	sadd.s32 s7, s21;
	[dreg:$0x6] =	wrdreg s23  }
.Ltmp0:
0x21: {  	v34 =	vmul.u32 $0x20, v1;
	v28 =	vor.u32 $0x1F, v0;
	[tilespmem:$0x1FFD0] =	vst v3;
	s0 =	simm.s32 $0x1;
	[dreg:$0x7] =	wrdreg s1;
	(pc) =	sbr.rel .LBB2_1-.Ltmp0, $4  }
0x22: {  	v57 =	vor.u32 $0x1E, v0;
	[tilespmem:$0x1FFE0] =	vst v28;
	s25 =	sadd.s32 s5, s24;
	s26 =	sadd.s32 s6, s24;
	s31 =	sadd.s32 s7, s24  }
0x23: {  	v2 =	vor.u32 $0xFFFFFF80, v34;
	[tilespmem:$0x1FFF0] =	vst v57;
	s24 =	simm.s32 $0x500;
	s22 =	simm.s32 $0x2;
	[dreg:$0x8] =	wrdreg s25  }
0x24: {  	v4 =	vor.u32 $0xFFFFFD80, v34;
	[tilespmem:$0x1FDE0] =	vst v2;
	s23 =	simm.s32 $0xBE00;
	s1 =	simm.s32 $0x4;
	[dreg:$0x9] =	wrdreg s26  }
0x25: {  	v1 =	vimm.s32 $0x0;
	[tilespmem:$0x1FDF0] =	vst v4;
	[dreg:$0xa] =	wrdreg s31;
	s25 =	simm.s32 $0xF00;
	s26 =	simm.s32 $0x1900  }
.LBB2_10:
0x26: {  	s10 =	simm.s32 $0x3  }
0x27: {  	_ =	swait.ge [sflag:s10], $0xA000  }
0x28: {  	[sflag:s10] =	ssyncset.done $0x0  }
0x29: {  	[sflag:s10] =	ssyncadd.s32 $0xFFFF6000  }
0x2a: {  	_ =	swait.ge [sflag:s1], $0xA000  }
0x2b: {  	s9 =	sadd.s32 $0x1, s9;
	s31 =	rddreg [dreg:$0xb]  }
0x2c: {  	p0 =	sne.s32 s9, s31  }
.Ltmp1:
0x2d: {  	_ = 	snop;
	(pc) =	sbr.rel @!p0 .LBB2_11-.Ltmp1, $4  }
0x2e: {  	_ = 	snop  }
0x2f: {  	v0 =	vld [tilespmem:$0x1FFC0]  }
0x30: {  	[sflag:s1] =	ssyncset.done $0x0;
	v3 =	vld [tilespmem:$0x1FFD0]  }
0x31: {  	v63 =	vld [tilespmem:$0x1FF30];
	[sflag:s1] =	ssyncadd.s32 $0xFFFF6000  }
.LBB2_1:
0x32: {  	s10 =	rddreg [dreg:$0x5]  }
0x33: {  	[tilespmem:s4], [sflag:$0x1] =	stream.linear.gather [hbm4b:s10+s4], $0x500, $0x38;
	[tilespmem:$0x18D00] =	vst v63  }
0x34: {  	s17 =	rddreg [dreg:$0x6];
	s12 =	simm.s32 $0xA00  }
0x35: {  	[tilespmem:s12], [sflag:$0x1] =	stream.linear.gather [hbm4b:s17+s4], $0x500, $0x38;
	[tilespmem:$0x18D00] =	vst v63  }
0x36: {  	s21 =	rddreg [dreg:$0x7];
	s31 =	simm.s32 $0x1400  }
0x37: {  	[tilespmem:s31], [sflag:$0x1] =	stream.linear.gather [hbm4b:s21+s4], $0x500, $0x38;
	[tilespmem:$0x18D00] =	vst v63  }
0x38: {  	s13 =	rddreg [dreg:$0x8]  }
0x39: {  	[tilespmem:s24], [sflag:$0x2] =	stream.linear.gather [hbm4b:s13+s4], $0x500, $0x38;
	[tilespmem:$0x18D00] =	vst v63  }
0x3a: {  	s14 =	rddreg [dreg:$0x9]  }
0x3b: {  	[tilespmem:s25], [sflag:$0x2] =	stream.linear.gather [hbm4b:s14+s4], $0x500, $0x38;
	[tilespmem:$0x18D00] =	vst v63  }
0x3c: {  	s15 =	rddreg [dreg:$0xa]  }
0x3d: {  	[tilespmem:s26], [sflag:$0x2] =	stream.linear.gather [hbm4b:s15+s4], $0x500, $0x38;
	[tilespmem:$0x18D00] =	vst v63  }
0x3e: {  	s16 =	rddreg [dreg:$0x3]  }
0x3f: {  	[tilespmem:s28], [sflag:$0x5] =	stream.linear.gather [hbm4b:s16+s4], $0x2D00, $0x38;
	[tilespmem:$0x18D00] =	vst v63  }
0x40: {  	_ =	swait.ge [sflag:s29], $0x2D00  }
0x41: {  	[sflag:s29] =	ssyncset.done $0x0  }
0x42: {  	s17 =	rddreg [dreg:$0x4];
	[sflag:s29] =	ssyncadd.s32 $0xFFFFD300  }
0x43: {  	[tilespmem:s30], [sflag:$0x5] =	stream.linear.gather [hbm4b:s17+s4], $0x180, $0x38;
	[tilespmem:$0x18D00] =	vst v63  }
0x44: {  	_ =	swait.ge [sflag:s29], $0x180  }
0x45: {  	[sflag:s29] =	ssyncset.done $0x0  }
0x46: {  	[sflag:s29] =	ssyncadd.s32 $0xFFFFFE80  }
0x47: {  	s31 =	simm.s32 $0x18C80;
	s21 =	rddreg [dreg:$0x0]  }
0x48: {  	[tilespmem:s31], [sflag:$0x5] =	stream.linear.gather [hbm4b:s21+s4], $0x80, $0x38;
	[tilespmem:$0x18D00] =	vst v63  }
0x49: {  	_ =	swait.ge [sflag:s29], $0x80  }
0x4a: {  	[sflag:s29] =	ssyncset.done $0x0  }
0x4b: {  	[sflag:s29] =	ssyncadd.s32 $0xFFFFFF80  }
0x4c: {  	v34 =	vld [tilespmem:$0x18C80]  }
0x4d: {  	v9 =	vld [tilespmem:$0x18C90]  }
0x4e: {  	v4 =	vld [tilespmem:$0x18CF0]  }
0x4f: {  	v10 =	vld [tilespmem:$0x18CA0]  }
0x50: {  	v7 =	vld [tilespmem:$0x18CB0]  }
0x51: {  	v8 =	vld [tilespmem:$0x18CC0]  }
0x52: {  	v5 =	vld [tilespmem:$0x18CD0]  }
0x53: {  	s10 =	simm.s32 $0x0;
	v6 =	vld [tilespmem:$0x18CE0];
	[tilespmem:$0x1FDD0] =	vst v4  }
.LBB2_2:
0x54: {  	p0 =	seq.s32 s10, $0x0  }
0x55: {  	s12 =	simm.s32 @!p0 $0x3  }
0x56: {  	_ =	swait.ge @!p0 [sflag:s12], $0xA000  }
0x57: {  	[sflag:s12] =	ssyncset.done @!p0 $0x0  }
0x58: {  	[sflag:s12] =	ssyncadd.s32 @!p0 $0xFFFF6000  }
0x59: {  	_ =	swait.ge [sflag:s0], $0x500  }
0x5a: {  	[sflag:s0] =	ssyncset.done $0x0  }
0x5b: {  	[sflag:s0] =	ssyncadd.s32 $0xFFFFFB00  }
0x5c: {  	_ =	swait.ge [sflag:s0], $0x500  }
0x5d: {  	[sflag:s0] =	ssyncset.done $0x0  }
0x5e: {  	s14 =	simm.s32 $0xFFFFFFFE;
	[sflag:s0] =	ssyncadd.s32 $0xFFFFFB00  }
0x5f: {  	s15 =	simm.s32 $0x200;
	s12 =	smul.u32 $0xA00, s10;
	_ =	swait.ge [sflag:s0], $0x500  }
0x60: {  	s16 =	simm.s32 $0x10;
	s17 =	simm.s32 $0xA10;
	[sflag:s0] =	ssyncset.done $0x0  }
0x61: {  	s21 =	simm.s32 $0x1410;
	s13 =	sadd.s32 s8, s12;
	[sflag:s0] =	ssyncadd.s32 $0xFFFFFB00  }
.LBB2_3:
0x62: {  	v43 =	vld [tilespmem:s21+$0xFFFFFFF0];
	_ =	sdelay $0x4  }
0x63: {  	vm0 =	vgt.f32 v43, v34;
	vm1 =	vgt.f32 v43, v9;
	vm14 =	vgt.f32 v43, v10  }
0x64: {  	v46 =	vld [tilespmem:s16+$0xFFFFFFF0];
	vm15 =	vgt.f32 v43, v7;
	v44 =	vsel vm0, $0x1, v1;
	v45 =	vsel vm1, $0x1, v1  }
0x65: {  	v47 =	vld [tilespmem:s17+$0xFFFFFFF0];
	vm4 =	vgt.f32 v43, v8;
	v30 =	vsel vm14, $0x1, v1;
	v44 =	vadd.s32 v45, v44  }
0x66: {  	vm5 =	vgt.f32 v43, v5;
	v31 =	vsel vm15, $0x1, v1;
	v44 =	vadd.s32 v30, v44  }
0x67: {  	vm6 =	vgt.f32 v43, v6;
	v32 =	vsel vm4, $0x1, v1;
	v44 =	vadd.s32 v31, v44  }
0x68: {  	vm7 =	vgt.f32 v43, v4;
	v33 =	vsel vm5, $0x1, v1;
	v44 =	vadd.s32 v32, v44  }
0x69: {  	v37 =	vmul.u32 $0x480, v46;
	v35 =	vsel vm6, $0x1, v1;
	v44 =	vadd.s32 v33, v44  }
0x6a: {  	v38 =	vmul.u32 $0x120, v47;
	v36 =	vsel vm7, $0x1, v1;
	v44 =	vadd.s32 v35, v44  }
0x6b: {  	v44 =	vadd.s32 v36, v44  }
0x6c: {  	v45 =	vadd.s32 v37, v38;
	v44 =	vshll.u32 v44, $0x5  }
0x6d: {  	v45 =	vadd.s32 v44, v45  }
0x6e: {  	v39 =	vor.u32 $0x1, v44  }
0x6f: {  	v52 =	vor.u32 $0x2, v44  }
0x70: {  	v11 =	vld [tilespmem:$0x1FDF0];
	v55 =	vor.u32 $0x3, v44  }
0x71: {  	v59 =	vor.u32 $0x4, v44;
	v48 =	vld.idx.msk [tilespmem:v44+s30+$0x0], $0xffff  }
0x72: {  	v60 =	vor.u32 $0x5, v44;
	v51 =	vld.idx.msk [tilespmem:v45+s28+$0x0], $0xffff  }
0x73: {  	s31 =	sadd.s32 $0xFFFFFE00, s15;
	v40 =	vor.u32 $0x1, v45;
	v46 =	vld.idx.msk [tilespmem:v39+s30+$0x0], $0xffff  }
0x74: {  	v50 =	vor.u32 s31, v0;
	v49 =	vor.u32 $0x2, v45;
	v52 =	vld.idx.msk [tilespmem:v52+s30+$0x0], $0xffff  }
0x75: {  	v50 =	vand.u32 v11, v50;
	v62 =	vor.u32 $0x6, v44;
	v53 =	vor.u32 $0x3, v45;
	v55 =	vld.idx.msk [tilespmem:v55+s30+$0x0], $0xffff  }
0x76: {  	v13 =	vor.u32 $0x7, v44;
	v54 =	vor.u32 $0x4, v45;
	v56 =	vor.u32 $0x5, v45;
	v14 =	vld.idx.msk [tilespmem:v59+s30+$0x0], $0xffff  }
0x77: {  	v57 =	vor.u32 $0x6, v45;
	v58 =	vor.u32 $0x7, v45;
	v60 =	vld.idx.msk [tilespmem:v60+s30+$0x0], $0xffff;
	v61 =	vshll.u32 v48, $0x10  }
0x78: {  	v47 =	vld.idx.msk [tilespmem:v40+s28+$0x0], $0xffff;
	v48 =	vand.u32 $0xFFFF0000, v48;
	v61 =	vmul.f32 v61, v43;
	v41 =	vshll.u32 v51, $0x10  }
0x79: {  	v49 =	vld.idx.msk [tilespmem:v49+s28+$0x0], $0xffff;
	v51 =	vand.u32 $0xFFFF0000, v51;
	v48 =	vmul.f32 v48, v43;
	v42 =	vshll.u32 v46, $0x10  }
0x7a: {  	v53 =	vld.idx.msk [tilespmem:v53+s28+$0x0], $0xffff;
	v46 =	vand.u32 $0xFFFF0000, v46;
	v28 =	vshll.u32 v52, $0x10;
	v52 =	vand.u32 $0xFFFF0000, v52  }
0x7b: {  	v29 =	vshll.u32 v55, $0x10;
	v55 =	vand.u32 $0xFFFF0000, v55;
	v35 =	vshll.u32 v14, $0x10  }
0x7c: {  	v54 =	vld.idx.msk [tilespmem:v54+s28+$0x0], $0xffff;
	v36 =	vshll.u32 v60, $0x10;
	v60 =	vand.u32 $0xFFFF0000, v60;
	v12 =	vmul.f32 v42, v43  }
0x7d: {  	v46 =	vmul.f32 v46, v43;
	v2 =	vshll.u32 v47, $0x10;
	v47 =	vand.u32 $0xFFFF0000, v47  }
0x7e: {  	v56 =	vld.idx.msk [tilespmem:v56+s28+$0x0], $0xffff;
	v15 =	vshll.u32 v49, $0x10;
	v49 =	vand.u32 $0xFFFF0000, v49;
	v59 =	vmul.f32 v28, v43  }
0x7f: {  	v52 =	vmul.f32 v52, v43;
	v30 =	vshll.u32 v53, $0x10;
	v55 =	vmul.f32 v55, v43  }
0x80: {  	v57 =	vld.idx.msk [tilespmem:v57+s28+$0x0], $0xffff;
	v31 =	vand.u32 $0xFFFF0000, v53;
	v61 =	vadd.f32 v41, v61;
	v48 =	vadd.f32 v51, v48  }
0x81: {  	v62 =	vld.idx.msk [tilespmem:v62+s30+$0x0], $0xffff;
	v33 =	vshll.u32 v54, $0x10;
	v54 =	vand.u32 $0xFFFF0000, v54;
	v37 =	vmul.f32 v36, v43  }
0x82: {  	v60 =	vmul.f32 v60, v43;
	v48 =	vpack.i.f32.bf16 v48, v61;
	v61 =	vmul.f32 v29, v43  }
0x83: {  	v38 =	vshll.u32 v56, $0x10;
	v36 =	vld [tilespmem:$0x1FE30];
	v51 =	vadd.f32 v15, v59;
	v49 =	vadd.f32 v49, v52  }
0x84: {  	v56 =	vand.u32 $0xFFFF0000, v56;
	v41 =	vld.idx.msk [tilespmem:v13+s30+$0x0], $0xffff;
	v52 =	vadd.f32 v31, v55;
	v32 =	vadd.f32 v30, v61  }
0x85: {  	v42 =	vor.u32 s31, v3;
	v28 =	vshll.u32 v57, $0x10;
	v57 =	vand.u32 $0xFFFF0000, v57;
	v31 =	vld [tilespmem:$0x1FE00]  }
0x86: {  	v13 =	vand.u32 $0xFFFF0000, v62;
	v49 =	vpack.i.f32.bf16 v49, v51;
	v51 =	vpack.i.f32.bf16 v52, v32;
	v32 =	vld [tilespmem:$0x1FE10]  }
0x87: {  	v2 =	vadd.f32 v2, v12;
	v46 =	vadd.f32 v47, v46;
	v59 =	vmul.f32 v35, v43;
	v35 =	vld [tilespmem:$0x1FE20]  }
0x88: {  	v58 =	vld.idx.msk [tilespmem:v58+s28+$0x0], $0xffff;
	v47 =	vand.u32 $0xFFFF0000, v14;
	v39 =	vadd.f32 v38, v37;
	v40 =	vadd.f32 v56, v60  }
0x89: {  	v12 =	vshll.u32 v62, $0x10;
	v37 =	vld [tilespmem:$0x1FE40];
	v47 =	vmul.f32 v47, v43;
	v55 =	vadd.f32 v33, v59  }
0x8a: {  	v2 =	vpack.i.f32.bf16 v46, v2;
	v46 =	vpack.i.f32.bf16 v40, v39;
	v40 =	vld [tilespmem:$0x1FE50];
	v14 =	vor.u32 s31, v31  }
0x8b: {  	v59 =	vor.u32 $0x8, v44;
	v47 =	vadd.f32 v54, v47;
	v15 =	vor.u32 s31, v32  }
0x8c: {  	[tilespmem:v50+s3+$0x0] =	vst.idx.msk $0xffff, v48;
	v54 =	vmul.f32 v12, v43;
	v30 =	vor.u32 s31, v36;
	v29 =	vor.u32 s31, v35  }
0x8d: {  	[tilespmem:v42+s3+$0x0] =	vst.idx.msk $0xffff, v2;
	v42 =	vand.u32 $0xFFFF0000, v58;
	v33 =	vshll.u32 v41, $0x10;
	v47 =	vpack.i.f32.bf16 v47, v55  }
0x8e: {  	v55 =	vmul.f32 v13, v43;
	v52 =	vand.u32 $0xFFFF0000, v41;
	v2 =	vor.u32 s31, v37  }
0x8f: {  	v50 =	vmul.f32 v33, v43;
	v52 =	vmul.f32 v52, v43;
	v39 =	vor.u32 s31, v40;
	[tilespmem:v14+s3+$0x0] =	vst.idx.msk $0xffff, v49  }
0x90: {  	v54 =	vadd.f32 v28, v54;
	v41 =	vshll.u32 v58, $0x10;
	v55 =	vadd.f32 v57, v55;
	[tilespmem:v15+s3+$0x0] =	vst.idx.msk $0xffff, v51  }
0x91: {  	v61 =	vor.u32 $0x8, v45;
	v50 =	vadd.f32 v41, v50;
	v52 =	vadd.f32 v42, v52;
	[tilespmem:v29+s3+$0x0] =	vst.idx.msk $0xffff, v47  }
0x92: {  	v25 =	vmov v63;
	v63 =	vor.u32 $0x9, v45;
	v60 =	vpack.i.f32.bf16 v55, v54;
	[tilespmem:v30+s3+$0x0] =	vst.idx.msk $0xffff, v46  }
0x93: {  	v12 =	vor.u32 $0xA, v45;
	v62 =	vpack.i.f32.bf16 v52, v50;
	[tilespmem:v2+s3+$0x0] =	vst.idx.msk $0xffff, v60  }
0x94: {  	v13 =	vor.u32 $0xA, v44;
	[tilespmem:v39+s3+$0x0] =	vst.idx.msk $0xffff, v62  }
0x95: {  	v28 =	vor.u32 $0xB, v44;
	v48 =	vld.idx.msk [tilespmem:v59+s30+$0x0], $0xffff  }
0x96: {  	v2 =	vor.u32 $0x9, v44;
	v46 =	vld.idx.msk [tilespmem:v61+s28+$0x0], $0xffff  }
0x97: {  	v14 =	vor.u32 $0xB, v45;
	v47 =	vld.idx.msk [tilespmem:v63+s28+$0x0], $0xffff  }
0x98: {  	v30 =	vor.u32 $0xD, v44;
	v49 =	vld.idx.msk [tilespmem:v12+s28+$0x0], $0xffff  }
0x99: {  	v50 =	vld.idx.msk [tilespmem:v13+s30+$0x0], $0xffff  }
0x9a: {  	v56 =	vor.u32 $0xF, v45;
	v54 =	vor.u32 $0xD, v45;
	v53 =	vld.idx.msk [tilespmem:v28+s30+$0x0], $0xffff  }
0x9b: {  	v55 =	vor.u32 $0xE, v45;
	v15 =	vor.u32 $0xC, v45;
	v29 =	vor.u32 $0xC, v44;
	v2 =	vld.idx.msk [tilespmem:v2+s30+$0x0], $0xffff  }
0x9c: {  	v60 =	vor.u32 $0xE, v44;
	v51 =	vld.idx.msk [tilespmem:v14+s28+$0x0], $0xffff;
	v61 =	vor.u32 $0xF, v44;
	v33 =	vshll.u32 v48, $0x10  }
0x9d: {  	v58 =	vld.idx.msk [tilespmem:v30+s30+$0x0], $0xffff;
	v48 =	vand.u32 $0xFFFF0000, v48;
	v38 =	vshll.u32 v46, $0x10;
	v46 =	vand.u32 $0xFFFF0000, v46  }
0x9e: {  	v42 =	vshll.u32 v47, $0x10;
	v47 =	vand.u32 $0xFFFF0000, v47;
	v13 =	vshll.u32 v49, $0x10  }
0x9f: {  	v54 =	vld.idx.msk [tilespmem:v54+s28+$0x0], $0xffff;
	v49 =	vand.u32 $0xFFFF0000, v49;
	v14 =	vshll.u32 v50, $0x10;
	v50 =	vand.u32 $0xFFFF0000, v50  }
0xa0: {  	v52 =	vld.idx.msk [tilespmem:v15+s28+$0x0], $0xffff;
	v15 =	vshll.u32 v53, $0x10;
	v53 =	vand.u32 $0xFFFF0000, v53;
	v39 =	vshll.u32 v2, $0x10  }
0xa1: {  	v28 =	vshll.u32 v51, $0x10;
	v48 =	vmul.f32 v48, v43;
	v41 =	vmul.f32 v39, v43  }
0xa2: {  	v12 =	vld.idx.msk [tilespmem:v29+s30+$0x0], $0xffff;
	v59 =	vmul.f32 v33, v43;
	v62 =	vmul.f32 v15, v43;
	v39 =	vshll.u32 v58, $0x10  }
0xa3: {  	v46 =	vadd.f32 v46, v48;
	v48 =	vadd.f32 v42, v41;
	v41 =	vmul.f32 v39, v43  }
0xa4: {  	v29 =	vand.u32 $0xFFFF0000, v51;
	v59 =	vadd.f32 v38, v59;
	v42 =	vshll.u32 v54, $0x10  }
0xa5: {  	v50 =	vmul.f32 v50, v43;
	v30 =	vadd.f32 v28, v62;
	v62 =	vadd.f32 v42, v41;
	v42 =	vld [tilespmem:$0x1FE60]  }
0xa6: {  	v17 =	vld [tilespmem:$0x1FEB0];
	v2 =	vand.u32 $0xFFFF0000, v2;
	v46 =	vpack.i.f32.bf16 v46, v59;
	v59 =	vmul.f32 v14, v43  }
0xa7: {  	v60 =	vld.idx.msk [tilespmem:v60+s30+$0x0], $0xffff;
	v53 =	vmul.f32 v53, v43;
	v38 =	vshll.u32 v12, $0x10;
	v2 =	vmul.f32 v2, v43  }
0xa8: {  	v55 =	vld.idx.msk [tilespmem:v55+s28+$0x0], $0xffff;
	v49 =	vadd.f32 v49, v50;
	v57 =	vadd.f32 v13, v59;
	v59 =	vmul.f32 v38, v43  }
0xa9: {  	v56 =	vld.idx.msk [tilespmem:v56+s28+$0x0], $0xffff;
	v33 =	vshll.u32 v52, $0x10;
	v50 =	vadd.f32 v29, v53;
	v2 =	vadd.f32 v47, v2  }
0xaa: {  	v47 =	vand.u32 $0xFFFF0000, v12;
	v53 =	vadd.f32 v33, v59;
	v33 =	vld [tilespmem:$0x1FE70];
	v12 =	vor.u32 s31, v42  }
0xab: {  	v52 =	vand.u32 $0xFFFF0000, v52;
	v41 =	vld [tilespmem:$0x1FE80]  }
0xac: {  	v15 =	vshll.u32 v60, $0x10;
	v28 =	vand.u32 $0xFFFF0000, v60;
	v58 =	vand.u32 $0xFFFF0000, v58;
	v39 =	vld [tilespmem:$0x1FE90]  }
0xad: {  	v58 =	vmul.f32 v58, v43;
	v50 =	vpack.i.f32.bf16 v50, v30;
	v30 =	vshll.u32 v55, $0x10;
	v38 =	vld [tilespmem:$0x1FEA0]  }
0xae: {  	v55 =	vand.u32 $0xFFFF0000, v55;
	v54 =	vand.u32 $0xFFFF0000, v54;
	v47 =	vmul.f32 v47, v43;
	v13 =	vld.idx.msk [tilespmem:v61+s30+$0x0], $0xffff  }
0xaf: {  	v63 =	vadd.f32 v54, v58;
	v58 =	vor.u32 $0x10, v44;
	v14 =	vor.u32 s31, v33;
	[tilespmem:v12+s3+$0x0] =	vst.idx.msk $0xffff, v46;
	v12 =	vld [tilespmem:$0x1FEC0]  }
0xb0: {  	v26 =	vld [tilespmem:$0x1FED0];
	v2 =	vpack.i.f32.bf16 v2, v48;
	v47 =	vadd.f32 v52, v47;
	v29 =	vor.u32 s31, v41  }
0xb1: {  	v49 =	vpack.i.f32.bf16 v49, v57;
	v57 =	vmul.f32 v28, v43;
	v59 =	vor.u32 s31, v39  }
0xb2: {  	v48 =	vpack.i.f32.bf16 v63, v62;
	v62 =	vor.u32 s31, v17;
	v61 =	vor.u32 s31, v38  }
0xb3: {  	v47 =	vpack.i.f32.bf16 v47, v53;
	v53 =	vmul.f32 v15, v43;
	v55 =	vadd.f32 v55, v57  }
0xb4: {  	v63 =	vshll.u32 v13, $0x10;
	v54 =	vand.u32 $0xFFFF0000, v13;
	[tilespmem:v14+s3+$0x0] =	vst.idx.msk $0xffff, v2;
	v2 =	vor.u32 s31, v12  }
0xb5: {  	v51 =	vmul.f32 v63, v43;
	v28 =	vmul.f32 v54, v43;
	[tilespmem:v29+s3+$0x0] =	vst.idx.msk $0xffff, v49;
	v29 =	vor.u32 s31, v26  }
0xb6: {  	v53 =	vadd.f32 v30, v53;
	v30 =	vshll.u32 v56, $0x10;
	v56 =	vand.u32 $0xFFFF0000, v56;
	[tilespmem:v59+s3+$0x0] =	vst.idx.msk $0xffff, v50  }
0xb7: {  	v60 =	vor.u32 $0x10, v45;
	v51 =	vadd.f32 v30, v51;
	v52 =	vadd.f32 v56, v28;
	[tilespmem:v61+s3+$0x0] =	vst.idx.msk $0xffff, v47  }
0xb8: {  	v59 =	vpack.i.f32.bf16 v55, v53;
	[tilespmem:v62+s3+$0x0] =	vst.idx.msk $0xffff, v48;
	v62 =	vor.u32 $0x11, v45  }
0xb9: {  	v13 =	vor.u32 $0x12, v44;
	v61 =	vpack.i.f32.bf16 v52, v51;
	[tilespmem:v2+s3+$0x0] =	vst.idx.msk $0xffff, v59  }
0xba: {  	v51 =	vor.u32 $0x13, v45;
	[tilespmem:v29+s3+$0x0] =	vst.idx.msk $0xffff, v61  }
0xbb: {  	v2 =	vor.u32 $0x11, v44;
	v48 =	vld.idx.msk [tilespmem:v58+s30+$0x0], $0xffff  }
0xbc: {  	v14 =	vor.u32 $0x13, v44;
	v46 =	vld.idx.msk [tilespmem:v60+s28+$0x0], $0xffff  }
0xbd: {  	v15 =	vor.u32 $0x14, v44;
	v47 =	vld.idx.msk [tilespmem:v62+s28+$0x0], $0xffff  }
0xbe: {  	v63 =	vor.u32 $0x12, v45;
	v54 =	vor.u32 $0x15, v45;
	v56 =	vor.u32 $0x17, v45;
	v50 =	vld.idx.msk [tilespmem:v13+s30+$0x0], $0xffff  }
0xbf: {  	v55 =	vor.u32 $0x16, v45;
	v52 =	vor.u32 $0x14, v45;
	v58 =	vor.u32 $0x15, v44;
	v51 =	vld.idx.msk [tilespmem:v51+s28+$0x0], $0xffff  }
0xc0: {  	v61 =	vor.u32 $0x17, v44;
	v60 =	vor.u32 $0x16, v44;
	v2 =	vld.idx.msk [tilespmem:v2+s30+$0x0], $0xffff;
	v28 =	vshll.u32 v48, $0x10  }
0xc1: {  	v53 =	vld.idx.msk [tilespmem:v14+s30+$0x0], $0xffff;
	v48 =	vand.u32 $0xFFFF0000, v48;
	v29 =	vshll.u32 v46, $0x10;
	v46 =	vand.u32 $0xFFFF0000, v46  }
0xc2: {  	v27 =	vld [tilespmem:$0x1FEE0];
	v14 =	vshll.u32 v47, $0x10;
	v47 =	vand.u32 $0xFFFF0000, v47;
	v59 =	vmul.f32 v28, v43  }
0xc3: {  	v49 =	vld.idx.msk [tilespmem:v63+s28+$0x0], $0xffff;
	v48 =	vmul.f32 v48, v43;
	v28 =	vshll.u32 v50, $0x10;
	v50 =	vand.u32 $0xFFFF0000, v50  }
0xc4: {  	v58 =	vld.idx.msk [tilespmem:v58+s30+$0x0], $0xffff;
	v63 =	vand.u32 $0xFFFF0000, v51;
	v50 =	vmul.f32 v50, v43;
	v59 =	vadd.f32 v29, v59  }
0xc5: {  	v30 =	vshll.u32 v2, $0x10;
	v2 =	vand.u32 $0xFFFF0000, v2;
	v46 =	vadd.f32 v46, v48  }
0xc6: {  	v52 =	vld.idx.msk [tilespmem:v52+s28+$0x0], $0xffff;
	v29 =	vshll.u32 v53, $0x10;
	v53 =	vand.u32 $0xFFFF0000, v53;
	v2 =	vmul.f32 v2, v43  }
0xc7: {  	v54 =	vld.idx.msk [tilespmem:v54+s28+$0x0], $0xffff;
	v13 =	vmul.f32 v30, v43;
	v62 =	vmul.f32 v29, v43;
	v30 =	vshll.u32 v51, $0x10  }
0xc8: {  	v53 =	vmul.f32 v53, v43;
	v51 =	vor.u32 s31, v27;
	v2 =	vadd.f32 v47, v2;
	v47 =	vld.idx.msk [tilespmem:v15+s30+$0x0], $0xffff  }
0xc9: {  	v46 =	vpack.i.f32.bf16 v46, v59;
	v59 =	vmul.f32 v28, v43;
	v28 =	vshll.u32 v58, $0x10  }
0xca: {  	v58 =	vand.u32 $0xFFFF0000, v58;
	v48 =	vadd.f32 v14, v13;
	v15 =	vshll.u32 v49, $0x10  }
0xcb: {  	v16 =	vld [tilespmem:$0x1FF10];
	v49 =	vand.u32 $0xFFFF0000, v49;
	v13 =	vadd.f32 v30, v62;
	v14 =	vshll.u32 v52, $0x10  }
0xcc: {  	v60 =	vld.idx.msk [tilespmem:v60+s30+$0x0], $0xffff;
	v52 =	vand.u32 $0xFFFF0000, v52;
	v29 =	vmul.f32 v28, v43;
	v30 =	vshll.u32 v54, $0x10  }
0xcd: {  	v11 =	vld [tilespmem:$0x1FF60];
	v57 =	vadd.f32 v15, v59;
	v15 =	vshll.u32 v47, $0x10;
	v47 =	vand.u32 $0xFFFF0000, v47  }
0xce: {  	v55 =	vld.idx.msk [tilespmem:v55+s28+$0x0], $0xffff;
	v49 =	vadd.f32 v49, v50;
	v59 =	vmul.f32 v15, v43;
	v47 =	vmul.f32 v47, v43  }
0xcf: {  	v58 =	vmul.f32 v58, v43;
	v50 =	vadd.f32 v63, v53;
	v62 =	vadd.f32 v30, v29;
	v29 =	vld [tilespmem:$0x1FEF0]  }
0xd0: {  	v54 =	vand.u32 $0xFFFF0000, v54;
	v30 =	vld [tilespmem:$0x1FF00];
	v53 =	vadd.f32 v14, v59;
	v47 =	vadd.f32 v52, v47  }
0xd1: {  	v28 =	vld [tilespmem:$0x1FF20];
	v63 =	vadd.f32 v54, v58;
	v50 =	vpack.i.f32.bf16 v50, v13;
	v13 =	vshll.u32 v60, $0x10  }
0xd2: {  	v54 =	vld.idx.msk [tilespmem:v61+s30+$0x0], $0xffff;
	v14 =	vand.u32 $0xFFFF0000, v60;
	v47 =	vpack.i.f32.bf16 v47, v53;
	v53 =	vmul.f32 v13, v43  }
0xd3: {  	v49 =	vpack.i.f32.bf16 v49, v57;
	v15 =	vshll.u32 v55, $0x10;
	v57 =	vmul.f32 v14, v43;
	v14 =	vld [tilespmem:$0x1FF40]  }
0xd4: {  	v52 =	vor.u32 s31, v29;
	v53 =	vadd.f32 v15, v53;
	v15 =	vld [tilespmem:$0x1FF50]  }
0xd5: {  	v58 =	vor.u32 s31, v30  }
0xd6: {  	v56 =	vld.idx.msk [tilespmem:v56+s28+$0x0], $0xffff;
	v59 =	vor.u32 s31, v16  }
0xd7: {  	v2 =	vpack.i.f32.bf16 v2, v48;
	v48 =	vpack.i.f32.bf16 v63, v62;
	v61 =	vor.u32 s31, v28  }
0xd8: {  	[tilespmem:v51+s3+$0x0] =	vst.idx.msk $0xffff, v46;
	v63 =	vor.u32 s31, v11;
	v55 =	vand.u32 $0xFFFF0000, v55;
	v46 =	vor.u32 s31, v14  }
0xd9: {  	v60 =	vshll.u32 v54, $0x10;
	v54 =	vand.u32 $0xFFFF0000, v54;
	[tilespmem:v52+s3+$0x0] =	vst.idx.msk $0xffff, v2;
	v2 =	vor.u32 s31, v15  }
0xda: {  	v51 =	vmul.f32 v60, v43;
	v62 =	vmul.f32 v54, v43;
	v60 =	vor.u32 $0x18, v44;
	[tilespmem:v58+s3+$0x0] =	vst.idx.msk $0xffff, v49  }
0xdb: {  	v13 =	vshll.u32 v56, $0x10;
	v56 =	vand.u32 $0xFFFF0000, v56;
	v55 =	vadd.f32 v55, v57;
	[tilespmem:v59+s3+$0x0] =	vst.idx.msk $0xffff, v50  }
0xdc: {  	v51 =	vadd.f32 v13, v51;
	v52 =	vadd.f32 v56, v62;
	[tilespmem:v61+s3+$0x0] =	vst.idx.msk $0xffff, v47  }
0xdd: {  	v53 =	vpack.i.f32.bf16 v55, v53;
	v58 =	vld [tilespmem:s16+$0x0];
	v61 =	vor.u32 $0x18, v45;
	[tilespmem:v46+s3+$0x0] =	vst.idx.msk $0xffff, v48  }
0xde: {  	v62 =	vpack.i.f32.bf16 v52, v51;
	v46 =	vld [tilespmem:s21+$0x0];
	[tilespmem:v2+s3+$0x0] =	vst.idx.msk $0xffff, v53  }
0xdf: {  	[tilespmem:v63+s3+$0x0] =	vst.idx.msk $0xffff, v62  }
0xe0: {  	v2 =	vld.idx.msk [tilespmem:v60+s30+$0x0], $0xffff;
	_ =	sdelay $0x1  }
0xe1: {  	v49 =	vor.u32 $0x1A, v45;
	v51 =	vor.u32 $0x1A, v44;
	v48 =	vor.u32 $0x19, v45;
	v47 =	vld.idx.msk [tilespmem:v61+s28+$0x0], $0xffff  }
0xe2: {  	v58 =	vmul.u32 $0x480, v58;
	v63 =	vor.u32 $0x19, v44;
	vm8 =	vgt.f32 v46, v34  }
0xe3: {  	vm9 =	vgt.f32 v46, v9;
	vm10 =	vgt.f32 v46, v10;
	vm11 =	vgt.f32 v46, v7  }
0xe4: {  	vm12 =	vgt.f32 v46, v8;
	v13 =	vshll.u32 v2, $0x10;
	v2 =	vand.u32 $0xFFFF0000, v2  }
0xe5: {  	vm13 =	vgt.f32 v46, v5;
	v61 =	vsel vm8, $0x1, v1;
	v2 =	vmul.f32 v2, v43  }
0xe6: {  	v59 =	vld [tilespmem:s17+$0x0];
	v62 =	vsel vm9, $0x1, v1;
	v60 =	vshll.u32 v47, $0x10;
	v47 =	vand.u32 $0xFFFF0000, v47  }
0xe7: {  	v50 =	vld.idx.msk [tilespmem:v63+s30+$0x0], $0xffff;
	v63 =	vsel vm10, $0x1, v1;
	v2 =	vadd.f32 v47, v2;
	v47 =	vadd.s32 v62, v61  }
0xe8: {  	v56 =	vmul.f32 v13, v43;
	v13 =	vsel vm11, $0x1, v1;
	v47 =	vadd.s32 v63, v47  }
0xe9: {  	vm14 =	vgt.f32 v46, v6;
	v61 =	vsel vm12, $0x1, v1;
	v47 =	vadd.s32 v13, v47  }
0xea: {  	v56 =	vadd.f32 v60, v56;
	v60 =	vld.idx.msk [tilespmem:v48+s28+$0x0], $0xffff;
	v62 =	vsel vm13, $0x1, v1;
	v47 =	vadd.s32 v61, v47  }
0xeb: {  	vm15 =	vgt.f32 v46, v4;
	v63 =	vsel vm14, $0x1, v1;
	v47 =	vadd.s32 v62, v47  }
0xec: {  	v59 =	vmul.u32 $0x120, v59;
	v51 =	vld.idx.msk [tilespmem:v51+s30+$0x0], $0xffff;
	v47 =	vadd.s32 v63, v47;
	v63 =	vsel vm15, $0x1, v1  }
0xed: {  	v13 =	vshll.u32 v50, $0x10;
	v47 =	vadd.s32 v63, v47  }
0xee: {  	v49 =	vld.idx.msk [tilespmem:v49+s28+$0x0], $0xffff;
	v57 =	vmul.f32 v13, v43;
	v62 =	vadd.s32 v58, v59;
	v48 =	vshll.u32 v47, $0x5  }
0xef: {  	v13 =	vand.u32 $0xFFFF0000, v50;
	v61 =	vshll.u32 v60, $0x10;
	v47 =	vadd.s32 v48, v62  }
0xf0: {  	v60 =	vand.u32 $0xFFFF0000, v60;
	v58 =	vadd.f32 v61, v57;
	v59 =	vor.u32 $0x1, v48  }
0xf1: {  	v63 =	vmul.f32 v13, v43;
	v13 =	vshll.u32 v51, $0x10;
	v51 =	vand.u32 $0xFFFF0000, v51  }
0xf2: {  	v50 =	vmul.f32 v13, v43;
	v51 =	vmul.f32 v51, v43;
	v4 =	vor.u32 $0x2, v48  }
0xf3: {  	v13 =	vshll.u32 v49, $0x10;
	v49 =	vand.u32 $0xFFFF0000, v49;
	v61 =	vor.u32 $0x1, v47;
	v62 =	vld.idx.msk [tilespmem:v48+s30+$0x0], $0xffff  }
0xf4: {  	v21 =	vmovc v8;
	v22 =	vmovc v9;
	v60 =	vadd.f32 v60, v63;
	v8 =	vor.u32 $0x4, v48;
	v9 =	vor.u32 $0x5, v48;
	v3 =	vld.idx.msk [tilespmem:v47+s28+$0x0], $0xffff  }
0xf5: {  	v24 =	vmovc v34;
	v49 =	vadd.f32 v49, v51;
	v51 =	vpack.i.f32.bf16 v2, v56;
	v34 =	vor.u32 $0x2, v47;
	v2 =	vld.idx.msk [tilespmem:v59+s30+$0x0], $0xffff  }
0xf6: {  	v13 =	vadd.f32 v13, v50;
	v50 =	vpack.i.f32.bf16 v60, v58;
	v60 =	vor.u32 $0x3, v48  }
0xf7: {  	v18 =	vmovc v5;
	v56 =	vor.u32 $0x3, v47;
	v5 =	vor.u32 $0x5, v47;
	v58 =	vor.u32 $0x4, v47;
	v4 =	vld.idx.msk [tilespmem:v4+s30+$0x0], $0xffff  }
0xf8: {  	v49 =	vpack.i.f32.bf16 v49, v13;
	v59 =	vld.idx.msk [tilespmem:v61+s28+$0x0], $0xffff;
	v13 =	vshll.u32 v62, $0x10;
	v62 =	vand.u32 $0xFFFF0000, v62  }
0xf9: {  	v20 =	vmovc v7;
	v61 =	vmul.f32 v13, v46;
	v62 =	vmul.f32 v62, v46;
	v7 =	vshll.u32 v3, $0x10  }
0xfa: {  	v34 =	vld.idx.msk [tilespmem:v34+s28+$0x0], $0xffff;
	v3 =	vand.u32 $0xFFFF0000, v3;
	v13 =	vshll.u32 v2, $0x10;
	v2 =	vand.u32 $0xFFFF0000, v2  }
0xfb: {  	v60 =	vld.idx.msk [tilespmem:v60+s30+$0x0], $0xffff;
	v2 =	vmul.f32 v2, v46;
	v7 =	vadd.f32 v7, v61;
	v3 =	vadd.f32 v3, v62  }
0xfc: {  	v61 =	vmul.f32 v13, v46;
	v13 =	vshll.u32 v4, $0x10;
	v4 =	vand.u32 $0xFFFF0000, v4  }
0xfd: {  	v56 =	vld.idx.msk [tilespmem:v56+s28+$0x0], $0xffff;
	v4 =	vmul.f32 v4, v46;
	v3 =	vpack.i.f32.bf16 v3, v7;
	v7 =	vshll.u32 v59, $0x10  }
0xfe: {  	v8 =	vld.idx.msk [tilespmem:v8+s30+$0x0], $0xffff;
	v59 =	vand.u32 $0xFFFF0000, v59;
	v7 =	vadd.f32 v7, v61;
	v61 =	vmul.f32 v13, v46  }
0xff: {  	v9 =	vld.idx.msk [tilespmem:v9+s30+$0x0], $0xffff;
	v2 =	vadd.f32 v59, v2;
	v13 =	vshll.u32 v34, $0x10;
	v34 =	vand.u32 $0xFFFF0000, v34  }
0x100: {  	v58 =	vld.idx.msk [tilespmem:v58+s28+$0x0], $0xffff;
	v59 =	vadd.f32 v13, v61;
	v13 =	vshll.u32 v60, $0x10;
	v60 =	vand.u32 $0xFFFF0000, v60  }
0x101: {  	v4 =	vadd.f32 v34, v4;
	v34 =	vmul.f32 v13, v46;
	v60 =	vmul.f32 v60, v46  }
0x102: {  	v2 =	vpack.i.f32.bf16 v2, v7;
	v7 =	vshll.u32 v56, $0x10;
	v56 =	vand.u32 $0xFFFF0000, v56  }
0x103: {  	v7 =	vadd.f32 v7, v34;
	v34 =	vadd.f32 v56, v60;
	v60 =	vshll.u32 v8, $0x10  }
0x104: {  	v23 =	vmovc v10;
	v10 =	vor.u32 $0x6, v48;
	v5 =	vld.idx.msk [tilespmem:v5+s28+$0x0], $0xffff;
	v4 =	vpack.i.f32.bf16 v4, v59;
	v59 =	vmul.f32 v60, v46  }
0x105: {  	v13 =	vshll.u32 v9, $0x10;
	v56 =	vshll.u32 v58, $0x10  }
0x106: {  	v8 =	vand.u32 $0xFFFF0000, v8;
	v56 =	vadd.f32 v56, v59;
	v59 =	vmul.f32 v13, v46;
	v13 =	vld [tilespmem:$0x1FFC0]  }
0x107: {  	v8 =	vmul.f32 v8, v46  }
0x108: {  	v19 =	vmovc v6;
	v0 =	vor.u32 $0x1C, v44;
	v6 =	vor.u32 $0x6, v47;
	v58 =	vand.u32 $0xFFFF0000, v58  }
0x109: {  	v54 =	vor.u32 $0x1D, v45;
	v10 =	vld.idx.msk [tilespmem:v10+s30+$0x0], $0xffff;
	v8 =	vadd.f32 v58, v8;
	v58 =	vshll.u32 v5, $0x10  }
0x10a: {  	v55 =	vor.u32 $0x1B, v45;
	v63 =	vor.u32 $0x1B, v44;
	v58 =	vadd.f32 v58, v59;
	v59 =	vld [tilespmem:$0x1FDE0]  }
0x10b: {  	v61 =	vor.u32 $0x7, v48;
	v9 =	vand.u32 $0xFFFF0000, v9;
	v60 =	vor.u32 s15, v13;
	v13 =	vld [tilespmem:$0x1FFD0]  }
0x10c: {  	v52 =	vor.u32 $0x1C, v45;
	v53 =	vor.u32 $0x1E, v45;
	v9 =	vmul.f32 v9, v46  }
0x10d: {  	v45 =	vor.u32 $0x1F, v45;
	v6 =	vld.idx.msk [tilespmem:v6+s28+$0x0], $0xffff;
	v62 =	vor.u32 $0x7, v47;
	v5 =	vand.u32 $0xFFFF0000, v5  }
0x10e: {  	v57 =	vor.u32 $0x1D, v44;
	v7 =	vpack.i.f32.bf16 v34, v7;
	v5 =	vadd.f32 v5, v9  }
0x10f: {  	v9 =	vld.idx.msk [tilespmem:v63+s30+$0x0], $0xffff;
	v63 =	vshll.u32 v10, $0x10;
	v10 =	vand.u32 $0xFFFF0000, v10;
	v34 =	vand.u32 v59, v60  }
0x110: {  	v8 =	vpack.i.f32.bf16 v8, v56;
	v56 =	vld.idx.msk [tilespmem:v61+s30+$0x0], $0xffff;
	v10 =	vmul.f32 v10, v46;
	v59 =	vor.u32 s15, v13  }
0x111: {  	v5 =	vpack.i.f32.bf16 v5, v58;
	v58 =	vmul.f32 v63, v46;
	v60 =	vor.u32 s15, v31  }
0x112: {  	v61 =	vld.idx.msk [tilespmem:v62+s28+$0x0], $0xffff;
	v63 =	vor.u32 s15, v32;
	v31 =	vshll.u32 v6, $0x10;
	v6 =	vand.u32 $0xFFFF0000, v6  }
0x113: {  	v58 =	vadd.f32 v31, v58;
	v6 =	vadd.f32 v6, v10;
	v13 =	vor.u32 s15, v35  }
0x114: {  	v55 =	vld.idx.msk [tilespmem:v55+s28+$0x0], $0xffff;
	v10 =	vshll.u32 v9, $0x10;
	v9 =	vand.u32 $0xFFFF0000, v9;
	[tilespmem:v34+s3+$0x0] =	vst.idx.msk $0xffff, v3;
	v3 =	vor.u32 s15, v36  }
0x115: {  	v31 =	vld.idx.msk [tilespmem:v52+s28+$0x0], $0xffff;
	v36 =	vshll.u32 v56, $0x10;
	v56 =	vand.u32 $0xFFFF0000, v56;
	[tilespmem:v59+s3+$0x0] =	vst.idx.msk $0xffff, v2;
	v2 =	vor.u32 s15, v37  }
0x116: {  	v52 =	vmul.f32 v36, v46;
	v56 =	vmul.f32 v56, v46;
	[tilespmem:v60+s3+$0x0] =	vst.idx.msk $0xffff, v4;
	v4 =	vor.u32 s15, v40  }
0x117: {  	v0 =	vld.idx.msk [tilespmem:v0+s30+$0x0], $0xffff;
	v9 =	vmul.f32 v9, v43;
	v37 =	vshll.u32 v61, $0x10;
	v40 =	vand.u32 $0xFFFF0000, v61;
	[tilespmem:v63+s3+$0x0] =	vst.idx.msk $0xffff, v7  }
0x118: {  	v32 =	vor.u32 $0xC, v48;
	v52 =	vadd.f32 v37, v52;
	v56 =	vadd.f32 v40, v56;
	[tilespmem:v13+s3+$0x0] =	vst.idx.msk $0xffff, v8  }
0x119: {  	v6 =	vpack.i.f32.bf16 v6, v58;
	v34 =	vor.u32 $0xE, v47;
	v7 =	vor.u32 $0x8, v48;
	[tilespmem:v3+s3+$0x0] =	vst.idx.msk $0xffff, v5  }
0x11a: {  	v8 =	vmul.f32 v10, v43;
	v3 =	vor.u32 $0x8, v47;
	v10 =	vpack.i.f32.bf16 v56, v52;
	[tilespmem:v2+s3+$0x0] =	vst.idx.msk $0xffff, v6  }
0x11b: {  	v2 =	vshll.u32 v55, $0x10;
	v6 =	vand.u32 $0xFFFF0000, v55;
	[tilespmem:v4+s3+$0x0] =	vst.idx.msk $0xffff, v10;
	v4 =	vor.u32 $0x9, v48  }
0x11c: {  	v2 =	vadd.f32 v2, v8;
	v6 =	vadd.f32 v6, v9;
	v8 =	vshll.u32 v0, $0x10  }
0x11d: {  	v0 =	vand.u32 $0xFFFF0000, v0;
	v9 =	vor.u32 $0x9, v47;
	v10 =	vshll.u32 v31, $0x10  }
0x11e: {  	v7 =	vld.idx.msk [tilespmem:v7+s30+$0x0], $0xffff;
	v52 =	vpack.i.f32.bf16 v6, v2;
	v2 =	vand.u32 $0xFFFF0000, v31;
	v31 =	vor.u32 $0xB, v48  }
0x11f: {  	v36 =	vor.u32 $0xD, v48;
	v0 =	vmul.f32 v0, v43;
	v61 =	vld.idx.msk [tilespmem:v32+s30+$0x0], $0xffff;
	v6 =	vor.u32 $0xC, v47  }
0x120: {  	v60 =	vor.u32 $0xF, v47;
	v13 =	vor.u32 $0xA, v48;
	v8 =	vmul.f32 v8, v43;
	v3 =	vld.idx.msk [tilespmem:v3+s28+$0x0], $0xffff  }
0x121: {  	v40 =	vor.u32 $0xE, v48;
	v56 =	vadd.f32 v2, v0;
	v0 =	vor.u32 $0xA, v47;
	v4 =	vld.idx.msk [tilespmem:v4+s30+$0x0], $0xffff  }
0x122: {  	v5 =	vor.u32 $0x1E, v44;
	v55 =	vadd.f32 v10, v8;
	v2 =	vor.u32 $0xB, v47;
	v9 =	vld.idx.msk [tilespmem:v9+s28+$0x0], $0xffff  }
0x123: {  	v8 =	vor.u32 $0xD, v47;
	v10 =	vshll.u32 v7, $0x10;
	v7 =	vand.u32 $0xFFFF0000, v7;
	v59 =	vld.idx.msk [tilespmem:v31+s30+$0x0], $0xffff  }
0x124: {  	v10 =	vmul.f32 v10, v46;
	v7 =	vmul.f32 v7, v46;
	v6 =	vld.idx.msk [tilespmem:v6+s28+$0x0], $0xffff;
	v31 =	vshll.u32 v61, $0x10  }
0x125: {  	v58 =	vld.idx.msk [tilespmem:v13+s30+$0x0], $0xffff;
	v61 =	vand.u32 $0xFFFF0000, v61;
	v35 =	vshll.u32 v3, $0x10;
	v3 =	vand.u32 $0xFFFF0000, v3  }
0x126: {  	v0 =	vld.idx.msk [tilespmem:v0+s28+$0x0], $0xffff;
	v61 =	vmul.f32 v61, v46;
	v10 =	vadd.f32 v35, v10;
	v3 =	vadd.f32 v3, v7  }
0x127: {  	v37 =	vshll.u32 v4, $0x10;
	v4 =	vand.u32 $0xFFFF0000, v4;
	v7 =	vshll.u32 v9, $0x10  }
0x128: {  	v2 =	vld.idx.msk [tilespmem:v2+s28+$0x0], $0xffff;
	v9 =	vand.u32 $0xFFFF0000, v9;
	v62 =	vmul.f32 v37, v46;
	v4 =	vmul.f32 v4, v46  }
0x129: {  	v3 =	vpack.i.f32.bf16 v3, v10;
	v13 =	vand.u32 $0xFFFF0000, v59;
	v35 =	vshll.u32 v6, $0x10  }
0x12a: {  	v6 =	vand.u32 $0xFFFF0000, v6;
	v7 =	vadd.f32 v7, v62;
	v4 =	vadd.f32 v9, v4  }
0x12b: {  	v8 =	vld.idx.msk [tilespmem:v8+s28+$0x0], $0xffff;
	v9 =	vshll.u32 v58, $0x10;
	v58 =	vand.u32 $0xFFFF0000, v58;
	v10 =	vshll.u32 v0, $0x10  }
0x12c: {  	v0 =	vand.u32 $0xFFFF0000, v0;
	v9 =	vmul.f32 v9, v46;
	v58 =	vmul.f32 v58, v46  }
0x12d: {  	v37 =	vld.idx.msk [tilespmem:v40+s30+$0x0], $0xffff;
	v32 =	vshll.u32 v2, $0x10;
	v2 =	vand.u32 $0xFFFF0000, v2;
	v6 =	vadd.f32 v6, v61  }
0x12e: {  	v4 =	vpack.i.f32.bf16 v4, v7;
	v7 =	vadd.f32 v10, v9;
	v9 =	vld.idx.msk [tilespmem:v36+s30+$0x0], $0xffff;
	v0 =	vadd.f32 v0, v58  }
0x12f: {  	v10 =	vshll.u32 v59, $0x10;
	v58 =	vmul.f32 v13, v46;
	v59 =	vmul.f32 v31, v46  }
0x130: {  	v36 =	vor.u32 $0xF, v48;
	v13 =	vshll.u32 v8, $0x10;
	v10 =	vmul.f32 v10, v46  }
0x131: {  	v8 =	vand.u32 $0xFFFF0000, v8;
	v31 =	vor.u32 s15, v33;
	v2 =	vadd.f32 v2, v58  }
0x132: {  	v58 =	vadd.f32 v35, v59;
	v59 =	vand.u32 $0xFFFF0000, v37;
	v10 =	vadd.f32 v32, v10  }
0x133: {  	v60 =	vld.idx.msk [tilespmem:v60+s28+$0x0], $0xffff;
	v59 =	vmul.f32 v59, v46;
	v40 =	vshll.u32 v9, $0x10;
	v9 =	vand.u32 $0xFFFF0000, v9  }
0x134: {  	v34 =	vld.idx.msk [tilespmem:v34+s28+$0x0], $0xffff;
	v0 =	vpack.i.f32.bf16 v0, v7;
	v62 =	vmul.f32 v40, v46;
	v9 =	vmul.f32 v9, v46  }
0x135: {  	v6 =	vpack.i.f32.bf16 v6, v58;
	v2 =	vpack.i.f32.bf16 v2, v10;
	v10 =	vld.idx.msk [tilespmem:v36+s30+$0x0], $0xffff;
	v36 =	vor.u32 s15, v41  }
0x136: {  	v7 =	vadd.f32 v13, v62;
	v8 =	vadd.f32 v8, v9;
	v9 =	vor.u32 s15, v42  }
0x137: {  	v41 =	vor.u32 s15, v38;
	v38 =	vor.u32 $0x12, v48;
	v40 =	vor.u32 s15, v39  }
0x138: {  	v39 =	vor.u32 $0x13, v48;
	v13 =	vand.u32 $0xFFFF0000, v60;
	v7 =	vpack.i.f32.bf16 v8, v7  }
0x139: {  	v8 =	vshll.u32 v37, $0x10;
	v37 =	vshll.u32 v34, $0x10;
	v34 =	vand.u32 $0xFFFF0000, v34  }
0x13a: {  	v42 =	vor.u32 $0x15, v48;
	v8 =	vmul.f32 v8, v46;
	v34 =	vadd.f32 v34, v59  }
0x13b: {  	v57 =	vld.idx.msk [tilespmem:v57+s30+$0x0], $0xffff;
	v59 =	vshll.u32 v10, $0x10;
	v10 =	vand.u32 $0xFFFF0000, v10;
	[tilespmem:v9+s3+$0x0] =	vst.idx.msk $0xffff, v3;
	v3 =	vor.u32 s15, v17  }
0x13c: {  	v10 =	vmul.f32 v10, v46;
	v8 =	vadd.f32 v37, v8;
	[tilespmem:v31+s3+$0x0] =	vst.idx.msk $0xffff, v4;
	v4 =	vor.u32 s15, v12  }
0x13d: {  	v9 =	vld.idx.msk [tilespmem:v54+s28+$0x0], $0xffff;
	v54 =	vmul.f32 v59, v46;
	v59 =	vor.u32 $0x17, v47;
	[tilespmem:v36+s3+$0x0] =	vst.idx.msk $0xffff, v0;
	v0 =	vor.u32 s15, v26  }
0x13e: {  	v5 =	vld.idx.msk [tilespmem:v5+s30+$0x0], $0xffff;
	v12 =	vshll.u32 v60, $0x10;
	v60 =	vor.u32 $0x1F, v44;
	[tilespmem:v40+s3+$0x0] =	vst.idx.msk $0xffff, v2;
	v2 =	vor.u32 $0x10, v48  }
0x13f: {  	v10 =	vadd.f32 v13, v10;
	v13 =	vor.u32 $0x16, v48;
	v31 =	vadd.f32 v12, v54;
	[tilespmem:v41+s3+$0x0] =	vst.idx.msk $0xffff, v6  }
0x140: {  	v36 =	vshll.u32 v57, $0x10;
	v8 =	vpack.i.f32.bf16 v34, v8;
	v40 =	vor.u32 $0x14, v48;
	v6 =	vld.idx.msk [tilespmem:v53+s28+$0x0], $0xffff;
	[tilespmem:v3+s3+$0x0] =	vst.idx.msk $0xffff, v7  }
0x141: {  	v37 =	vmul.f32 v36, v43;
	v10 =	vpack.i.f32.bf16 v10, v31;
	v3 =	vor.u32 $0x10, v47;
	[tilespmem:v4+s3+$0x0] =	vst.idx.msk $0xffff, v8  }
0x142: {  	v7 =	vshll.u32 v9, $0x10;
	v4 =	vand.u32 $0xFFFF0000, v9;
	v9 =	vor.u32 $0x11, v47;
	[tilespmem:v0+s3+$0x0] =	vst.idx.msk $0xffff, v10  }
0x143: {  	v8 =	vand.u32 $0xFFFF0000, v57;
	v44 =	vadd.f32 v7, v37;
	v0 =	vor.u32 $0x11, v48;
	v2 =	vld.idx.msk [tilespmem:v2+s30+$0x0], $0xffff  }
0x144: {  	v7 =	vmul.f32 v8, v43;
	v8 =	vshll.u32 v5, $0x10;
	v5 =	vand.u32 $0xFFFF0000, v5;
	v58 =	vld.idx.msk [tilespmem:v39+s30+$0x0], $0xffff  }
0x145: {  	v8 =	vmul.f32 v8, v43;
	v5 =	vmul.f32 v5, v43;
	v61 =	vld.idx.msk [tilespmem:v40+s30+$0x0], $0xffff;
	v10 =	vshll.u32 v6, $0x10  }
0x146: {  	v53 =	vadd.f32 v4, v7;
	v4 =	vand.u32 $0xFFFF0000, v6;
	v6 =	vor.u32 $0x14, v47;
	v3 =	vld.idx.msk [tilespmem:v3+s28+$0x0], $0xffff  }
0x147: {  	v37 =	vor.u32 $0x17, v48;
	v7 =	vor.u32 $0x15, v47;
	v54 =	vadd.f32 v10, v8;
	v9 =	vld.idx.msk [tilespmem:v9+s28+$0x0], $0xffff  }
0x148: {  	v57 =	vadd.f32 v4, v5;
	v4 =	vor.u32 $0x12, v47;
	v5 =	vor.u32 $0x13, v47;
	v0 =	vld.idx.msk [tilespmem:v0+s30+$0x0], $0xffff  }
0x149: {  	v10 =	vor.u32 $0x16, v47;
	v8 =	vshll.u32 v2, $0x10;
	v2 =	vand.u32 $0xFFFF0000, v2  }
0x14a: {  	v31 =	vand.u32 $0xFFFF0000, v58;
	v33 =	vshll.u32 v61, $0x10;
	v8 =	vmul.f32 v8, v46  }
0x14b: {  	v61 =	vand.u32 $0xFFFF0000, v61;
	v2 =	vmul.f32 v2, v46;
	v6 =	vld.idx.msk [tilespmem:v6+s28+$0x0], $0xffff;
	v41 =	vshll.u32 v3, $0x10  }
0x14c: {  	v34 =	vld.idx.msk [tilespmem:v38+s30+$0x0], $0xffff;
	v61 =	vmul.f32 v61, v46;
	v3 =	vand.u32 $0xFFFF0000, v3;
	v8 =	vadd.f32 v41, v8  }
0x14d: {  	v7 =	vld.idx.msk [tilespmem:v7+s28+$0x0], $0xffff;
	v2 =	vadd.f32 v3, v2;
	v3 =	vshll.u32 v9, $0x10;
	v12 =	vshll.u32 v0, $0x10  }
0x14e: {  	v4 =	vld.idx.msk [tilespmem:v4+s28+$0x0], $0xffff;
	v9 =	vand.u32 $0xFFFF0000, v9;
	v0 =	vand.u32 $0xFFFF0000, v0;
	v62 =	vmul.f32 v12, v46  }
0x14f: {  	v0 =	vmul.f32 v0, v46;
	v2 =	vpack.i.f32.bf16 v2, v8;
	v12 =	vor.u32 s15, v30  }
0x150: {  	v30 =	vor.u32 s15, v28;
	v36 =	vshll.u32 v6, $0x10;
	v6 =	vand.u32 $0xFFFF0000, v6  }
0x151: {  	v5 =	vld.idx.msk [tilespmem:v5+s28+$0x0], $0xffff;
	v3 =	vadd.f32 v3, v62;
	v0 =	vadd.f32 v9, v0;
	v9 =	vshll.u32 v34, $0x10  }
0x152: {  	v40 =	vshll.u32 v7, $0x10;
	v34 =	vand.u32 $0xFFFF0000, v34;
	v9 =	vmul.f32 v9, v46  }
0x153: {  	v10 =	vld.idx.msk [tilespmem:v10+s28+$0x0], $0xffff;
	v8 =	vshll.u32 v4, $0x10;
	v34 =	vmul.f32 v34, v46;
	v0 =	vpack.i.f32.bf16 v0, v3  }
0x154: {  	v3 =	vand.u32 $0xFFFF0000, v4;
	v4 =	vadd.f32 v8, v9;
	v8 =	vld.idx.msk [tilespmem:v42+s30+$0x0], $0xffff;
	v9 =	vshll.u32 v58, $0x10  }
0x155: {  	v3 =	vadd.f32 v3, v34;
	v34 =	vmul.f32 v31, v46;
	v9 =	vmul.f32 v9, v46  }
0x156: {  	v35 =	vshll.u32 v5, $0x10;
	v5 =	vand.u32 $0xFFFF0000, v5;
	v6 =	vadd.f32 v6, v61  }
0x157: {  	v38 =	vld.idx.msk [tilespmem:v13+s30+$0x0], $0xffff;
	v7 =	vand.u32 $0xFFFF0000, v7;
	v5 =	vadd.f32 v5, v34;
	v9 =	vadd.f32 v35, v9  }
0x158: {  	v13 =	vshll.u32 v10, $0x10;
	v10 =	vand.u32 $0xFFFF0000, v10;
	v58 =	vmul.f32 v33, v46  }
0x159: {  	v41 =	vld.idx.msk [tilespmem:v37+s30+$0x0], $0xffff;
	v39 =	vshll.u32 v8, $0x10;
	v8 =	vand.u32 $0xFFFF0000, v8;
	v5 =	vpack.i.f32.bf16 v5, v9  }
0x15a: {  	v9 =	vor.u32 s15, v27;
	v62 =	vmul.f32 v39, v46;
	v8 =	vmul.f32 v8, v46  }
0x15b: {  	v42 =	vor.u32 s15, v29;
	v34 =	vadd.f32 v36, v58;
	v3 =	vpack.i.f32.bf16 v3, v4  }
0x15c: {  	v59 =	vld.idx.msk [tilespmem:v59+s28+$0x0], $0xffff;
	v58 =	vand.u32 $0xFFFF0000, v38;
	v4 =	vadd.f32 v40, v62;
	v7 =	vadd.f32 v7, v8  }
0x15d: {  	v29 =	vor.u32 s15, v16;
	v31 =	vor.u32 s15, v15;
	v58 =	vmul.f32 v58, v46  }
0x15e: {  	v6 =	vpack.i.f32.bf16 v6, v34;
	v34 =	vand.u32 $0xFFFF0000, v41;
	v4 =	vpack.i.f32.bf16 v7, v4  }
0x15f: {  	v7 =	vshll.u32 v38, $0x10;
	[tilespmem:v9+s3+$0x0] =	vst.idx.msk $0xffff, v2;
	v9 =	vadd.f32 v10, v58;
	v10 =	vor.u32 s15, v14  }
0x160: {  	v34 =	vmul.f32 v34, v46;
	v7 =	vmul.f32 v7, v46;
	[tilespmem:v42+s3+$0x0] =	vst.idx.msk $0xffff, v0;
	v0 =	vshll.u32 v41, $0x10  }
0x161: {  	v35 =	vshll.u32 v59, $0x10;
	v8 =	vld.idx.msk [tilespmem:v60+s30+$0x0], $0xffff;
	v0 =	vmul.f32 v0, v46;
	[tilespmem:v12+s3+$0x0] =	vst.idx.msk $0xffff, v3;
	v3 =	vor.u32 s15, v11  }
0x162: {  	v45 =	vld.idx.msk [tilespmem:v45+s28+$0x0], $0xffff;
	v59 =	vand.u32 $0xFFFF0000, v59;
	v7 =	vadd.f32 v13, v7;
	[tilespmem:v29+s3+$0x0] =	vst.idx.msk $0xffff, v5;
	v5 =	vor.u32 $0x18, v48  }
0x163: {  	v37 =	vor.u32 $0x1B, v48;
	v15 =	vld [tilespmem:$0x1FFA0];
	v34 =	vadd.f32 v59, v34;
	v0 =	vadd.f32 v35, v0;
	[tilespmem:v30+s3+$0x0] =	vst.idx.msk $0xffff, v6  }
0x164: {  	v28 =	vor.u32 $0x1D, v47;
	v14 =	vld [tilespmem:$0x1FF80];
	v38 =	vor.u32 $0x1B, v47;
	v6 =	vpack.i.f32.bf16 v9, v7;
	[tilespmem:v10+s3+$0x0] =	vst.idx.msk $0xffff, v4  }
0x165: {  	v36 =	vor.u32 $0x1A, v47;
	v41 =	vor.u32 $0x1C, v48;
	v11 =	vld [tilespmem:$0x1FF90];
	v0 =	vpack.i.f32.bf16 v34, v0;
	[tilespmem:v31+s3+$0x0] =	vst.idx.msk $0xffff, v6  }
0x166: {  	v40 =	vor.u32 $0x1C, v47;
	v12 =	vld [tilespmem:$0x1FFB0];
	v2 =	vshll.u32 v8, $0x10;
	v8 =	vand.u32 $0xFFFF0000, v8;
	[tilespmem:v3+s3+$0x0] =	vst.idx.msk $0xffff, v0  }
0x167: {  	v2 =	vmul.f32 v2, v43;
	v4 =	vor.u32 $0x18, v47;
	v7 =	vmul.f32 v8, v43;
	v5 =	vld.idx.msk [tilespmem:v5+s30+$0x0], $0xffff  }
0x168: {  	v8 =	vand.u32 $0xFFFF0000, v45;
	v9 =	vor.u32 $0x1A, v48;
	v10 =	vpack.i.f32.bf16 v57, v54;
	v54 =	vld.idx.msk [tilespmem:v37+s30+$0x0], $0xffff  }
0x169: {  	v0 =	vor.u32 $0x19, v48;
	v3 =	vadd.f32 v8, v7;
	v7 =	vpack.i.f32.bf16 v56, v55;
	v55 =	vld.idx.msk [tilespmem:v38+s28+$0x0], $0xffff  }
0x16a: {  	v62 =	vor.u32 $0x1E, v48;
	v29 =	vor.u32 $0x1D, v48;
	v6 =	vshll.u32 v45, $0x10;
	v58 =	vld.idx.msk [tilespmem:v41+s30+$0x0], $0xffff  }
0x16b: {  	v43 =	vor.u32 s31, v25;
	v2 =	vadd.f32 v6, v2;
	v6 =	vor.u32 $0x19, v47;
	v57 =	vld.idx.msk [tilespmem:v40+s28+$0x0], $0xffff  }
0x16c: {  	v45 =	vor.u32 s31, v15;
	v8 =	vpack.i.f32.bf16 v53, v44;
	v34 =	vor.u32 s31, v12;
	v4 =	vld.idx.msk [tilespmem:v4+s28+$0x0], $0xffff  }
0x16d: {  	v53 =	vor.u32 s31, v14;
	v48 =	vor.u32 $0x1F, v48;
	v2 =	vpack.i.f32.bf16 v3, v2;
	v9 =	vld.idx.msk [tilespmem:v9+s30+$0x0], $0xffff  }
0x16e: {  	v3 =	vor.u32 s31, v11;
	v0 =	vld.idx.msk [tilespmem:v0+s30+$0x0], $0xffff;
	v39 =	vshll.u32 v5, $0x10;
	v5 =	vand.u32 $0xFFFF0000, v5  }
0x16f: {  	v44 =	vld.idx.msk [tilespmem:v36+s28+$0x0], $0xffff;
	v36 =	vshll.u32 v54, $0x10;
	v37 =	vshll.u32 v55, $0x10;
	v54 =	vand.u32 $0xFFFF0000, v54  }
0x170: {  	v6 =	vld.idx.msk [tilespmem:v6+s28+$0x0], $0xffff;
	v38 =	vshll.u32 v58, $0x10;
	v40 =	vand.u32 $0xFFFF0000, v58;
	v56 =	vmul.f32 v39, v46  }
0x171: {  	v42 =	vshll.u32 v57, $0x10;
	v5 =	vmul.f32 v5, v46;
	v61 =	vmul.f32 v36, v46  }
0x172: {  	v13 =	vshll.u32 v4, $0x10;
	v4 =	vand.u32 $0xFFFF0000, v4;
	v33 =	vshll.u32 v9, $0x10  }
0x173: {  	v9 =	vand.u32 $0xFFFF0000, v9;
	v56 =	vadd.f32 v13, v56;
	v30 =	vshll.u32 v0, $0x10  }
0x174: {  	v4 =	vadd.f32 v4, v5;
	v0 =	vand.u32 $0xFFFF0000, v0;
	v31 =	vmul.f32 v30, v46  }
0x175: {  	v59 =	vld.idx.msk [tilespmem:v29+s30+$0x0], $0xffff;
	v9 =	vmul.f32 v9, v46;
	v32 =	vshll.u32 v6, $0x10;
	v0 =	vmul.f32 v0, v46  }
0x176: {  	v6 =	vand.u32 $0xFFFF0000, v6;
	v4 =	vpack.i.f32.bf16 v4, v56;
	v56 =	vadd.f32 v32, v31;
	v32 =	vld [tilespmem:$0x1FF70]  }
0x177: {  	v13 =	vld [tilespmem:$0x1FFF0];
	v0 =	vadd.f32 v6, v0;
	v6 =	vshll.u32 v44, $0x10;
	v44 =	vand.u32 $0xFFFF0000, v44  }
0x178: {  	v54 =	vmul.f32 v54, v46;
	v9 =	vadd.f32 v44, v9;
	v44 =	vadd.f32 v37, v61;
	v37 =	vld [tilespmem:$0x1FFE0]  }
0x179: {  	v58 =	vor.u32 s15, v12;
	[tilespmem:v3+s3+$0x0] =	vst.idx.msk $0xffff, v51;
	v3 =	vld.idx.msk [tilespmem:v28+s28+$0x0], $0xffff;
	v39 =	vand.u32 $0xFFFF0000, v55;
	v35 =	vmul.f32 v33, v46  }
0x17a: {  	v41 =	vmul.f32 v38, v46;
	v55 =	vmul.f32 v40, v46;
	[tilespmem:v34+s3+$0x0] =	vst.idx.msk $0xffff, v50;
	v5 =	vor.u32 $0x1E, v47  }
0x17b: {  	v51 =	vadd.f32 v39, v54;
	[tilespmem:v43+s3+$0x0] =	vst.idx.msk $0xffff, v49;
	v6 =	vadd.f32 v6, v35;
	v60 =	vor.u32 s31, v32  }
0x17c: {  	v34 =	vadd.f32 v42, v41;
	v39 =	vld.idx.msk [tilespmem:v62+s30+$0x0], $0xffff;
	[tilespmem:v45+s3+$0x0] =	vst.idx.msk $0xffff, v52;
	v52 =	vor.u32 $0x1F, v47;
	v38 =	vor.u32 s31, v13  }
0x17d: {  	v61 =	vand.u32 $0xFFFF0000, v57;
	v6 =	vpack.i.f32.bf16 v9, v6;
	v9 =	vor.u32 s31, v37  }
0x17e: {  	[tilespmem:v53+s3+$0x0] =	vst.idx.msk $0xffff, v7;
	v7 =	vshll.u32 v3, $0x10;
	v3 =	vand.u32 $0xFFFF0000, v3;
	v36 =	vadd.f32 v61, v55  }
0x17f: {  	v5 =	vld.idx.msk [tilespmem:v5+s28+$0x0], $0xffff;
	v0 =	vpack.i.f32.bf16 v0, v56;
	v55 =	vshll.u32 v59, $0x10;
	v56 =	vor.u32 s15, v11  }
0x180: {  	v62 =	vor.u32 s15, v13;
	v43 =	vmul.f32 v55, v46;
	[tilespmem:v60+s3+$0x0] =	vst.idx.msk $0xffff, v8;
	v8 =	vand.u32 $0xFFFF0000, v59  }
0x181: {  	v61 =	vand.u32 $0xFFFF0000, v39;
	v59 =	vor.u32 s15, v25;
	[tilespmem:v38+s3+$0x0] =	vst.idx.msk $0xffff, v10;
	v10 =	vld.idx.msk [tilespmem:v48+s30+$0x0], $0xffff;
	v8 =	vmul.f32 v8, v46  }
0x182: {  	[tilespmem:v9+s3+$0x0] =	vst.idx.msk $0xffff, v2;
	v2 =	vadd.f32 v7, v43;
	v7 =	vshll.u32 v39, $0x10;
	v9 =	vor.u32 s15, v15  }
0x183: {  	v60 =	vld.idx.msk [tilespmem:v52+s28+$0x0], $0xffff;
	v3 =	vadd.f32 v3, v8;
	v7 =	vmul.f32 v7, v46;
	v8 =	vor.u32 s15, v14  }
0x184: {  	v44 =	vpack.i.f32.bf16 v51, v44;
	v34 =	vpack.i.f32.bf16 v36, v34;
	[tilespmem:v56+s3+$0x0] =	vst.idx.msk $0xffff, v4;
	v4 =	vshll.u32 v5, $0x10  }
0x185: {  	v5 =	vand.u32 $0xFFFF0000, v5;
	[tilespmem:v58+s3+$0x0] =	vst.idx.msk $0xffff, v0;
	v0 =	vadd.f32 v4, v7;
	v4 =	vmul.f32 v61, v46  }
0x186: {  	v7 =	vor.u32 s15, v32;
	[tilespmem:v59+s3+$0x0] =	vst.idx.msk $0xffff, v6;
	v6 =	vshll.u32 v10, $0x10;
	v10 =	vand.u32 $0xFFFF0000, v10  }
0x187: {  	s14 =	sadd.s32 $0x2, s14;
	[tilespmem:v9+s3+$0x0] =	vst.idx.msk $0xffff, v44;
	v6 =	vmul.f32 v6, v46;
	v9 =	vmul.f32 v10, v46;
	v10 =	vor.u32 s15, v37  }
0x188: {  	p0 =	slt.u32 s14, $0x4E;
	v4 =	vadd.f32 v5, v4;
	v5 =	vshll.u32 v60, $0x10;
	[tilespmem:v8+s3+$0x0] =	vst.idx.msk $0xffff, v34;
	v8 =	vand.u32 $0xFFFF0000, v60  }
.Ltmp2:
0x189: {  	v2 =	vpack.i.f32.bf16 v3, v2;
	v3 =	vadd.f32 v5, v6;
	v5 =	vadd.f32 v8, v9;
	(pc) =	sbr.rel @p0 .LBB2_3-.Ltmp2, $4  }
0x18a: {  	_ = 	snop  }
0x18b: {  	v0 =	vpack.i.f32.bf16 v4, v0;
	v4 =	vld [tilespmem:$0x1FDD0];
	[tilespmem:v7+s3+$0x0] =	vst.idx.msk $0xffff, v2  }
0x18c: {  	s16 =	sadd.s32 $0x20, s16;
	v63 =	vmovc v25;
	v34 =	vmov v24;
	v7 =	vmov v20;
	[tilespmem:v62+s3+$0x0] =	vst.idx.msk $0xffff, v0;
	v0 =	vpack.i.f32.bf16 v5, v3;
	v3 =	vld [tilespmem:$0x1FFD0]  }
0x18d: {  	s17 =	sadd.s32 $0x20, s17;
	s21 =	sadd.s32 $0x20, s21;
	s15 =	sadd.s32 $0x400, s15;
	v6 =	vmovc v19;
	v9 =	vmovc v22;
	v8 =	vmov v21;
	[tilespmem:v10+s3+$0x0] =	vst.idx.msk $0xffff, v0;
	v10 =	vmov v23;
	v0 =	vld [tilespmem:$0x1FFC0];
	v5 =	vmov v18  }
0x18e: {  	s13 =	sshll.u32 s13, $0x2  }
0x18f: {  	p0 =	seq.s32 s10, $0x9;
	s13 =	sadd.s32 s2, s13  }
0x190: {  	[hbm4b:s13+s4] =	stream.linear.scatter [tilespmem:s3], [sflag:$0x3], $0xA000, $0x38;
	[tilespmem:$0x18D00] =	vst v63  }
0x191: {  	s13 =	sadd.s32 @!p0 s12, s18  }
0x192: {  	p1 =	seq.s32 @!p0 s10, $0x0;
	s13 =	sshrl.u32 @!p0 s13, $0x3  }
0x193: {  	s15 =	simm.s32 @!p0 $0x0;
	p1 =	por p0, !p1;
	s14 =	sadd.s32 @!p0 s5, s13  }
0x194: {  	[tilespmem:s15], [sflag:$0x1] =	stream.linear.gather @!p0 [hbm4b:s14+s15], $0x500, $0x38;
	[tilespmem:$0x18D00] =	vst v63  }
.Ltmp3:
0x195: {  	s16 =	simm.s32 @!p0 $0xA00;
	s14 =	sadd.s32 @!p0 s6, s13;
	(pc) =	sbr.rel @!p1 .LBB2_6-.Ltmp3, $4  }
0x196: {  	[tilespmem:s16], [sflag:$0x1] =	stream.linear.gather @!p0 [hbm4b:s14+s15], $0x500, $0x38;
	[tilespmem:$0x18D00] =	vst v63  }
0x197: {  	s13 =	sadd.s32 @!p0 s7, s13;
	s14 =	simm.s32 @!p0 $0x1400  }
0x198: {  	[tilespmem:s14], [sflag:$0x1] =	stream.linear.gather @!p0 [hbm4b:s13+s15], $0x500, $0x38;
	[tilespmem:$0x18D00] =	vst v63  }
0x199: {  	s13 =	sadd.s32 @!p0 s12, s11  }
0x19a: {  	_ =	swait.ge [sflag:s1], $0xA000  }
0x19b: {  	[sflag:s1] =	ssyncset.done $0x0  }
0x19c: {  	s13 =	smov.u32 @p0 s19;
	[sflag:s1] =	ssyncadd.s32 $0xFFFF6000  }
.LBB2_6:
0x19d: {  	_ =	swait.ge [sflag:s22], $0x500  }
0x19e: {  	[sflag:s22] =	ssyncset.done $0x0  }
0x19f: {  	[sflag:s22] =	ssyncadd.s32 $0xFFFFFB00  }
0x1a0: {  	_ =	swait.ge [sflag:s22], $0x500  }
0x1a1: {  	[sflag:s22] =	ssyncset.done $0x0  }
0x1a2: {  	[sflag:s22] =	ssyncadd.s32 $0xFFFFFB00  }
0x1a3: {  	s14 =	simm.s32 $0xFFFFFFFE;
	_ =	swait.ge [sflag:s22], $0x500  }
0x1a4: {  	s15 =	simm.s32 $0x200;
	s16 =	simm.s32 $0x510;
	[sflag:s22] =	ssyncset.done $0x0  }
0x1a5: {  	s17 =	simm.s32 $0xF10;
	s21 =	simm.s32 $0x1910;
	[sflag:s22] =	ssyncadd.s32 $0xFFFFFB00  }
.LBB2_7:
0x1a6: {  	v43 =	vld [tilespmem:s21+$0xFFFFFFF0];
	_ =	sdelay $0x4  }
0x1a7: {  	vm0 =	vgt.f32 v43, v34;
	vm1 =	vgt.f32 v43, v9  }
0x1a8: {  	v56 =	vld [tilespmem:$0x1FDD0];
	vm14 =	vgt.f32 v43, v10;
	v0 =	vsel vm0, $0x1, v1;
	v2 =	vsel vm1, $0x1, v1  }
0x1a9: {  	vm15 =	vgt.f32 v43, v7;
	v0 =	vadd.s32 v2, v0;
	v2 =	vsel vm14, $0x1, v1  }
0x1aa: {  	v3 =	vld [tilespmem:s16+$0xFFFFFFF0];
	vm4 =	vgt.f32 v43, v8;
	v0 =	vadd.s32 v2, v0;
	v2 =	vsel vm15, $0x1, v1  }
0x1ab: {  	v4 =	vld [tilespmem:s17+$0xFFFFFFF0];
	vm5 =	vgt.f32 v43, v5;
	v0 =	vadd.s32 v2, v0;
	v2 =	vsel vm4, $0x1, v1  }
0x1ac: {  	vm6 =	vgt.f32 v43, v6;
	v0 =	vadd.s32 v2, v0;
	v2 =	vsel vm5, $0x1, v1  }
0x1ad: {  	vm7 =	vgt.f32 v43, v56;
	v0 =	vadd.s32 v2, v0;
	v2 =	vsel vm6, $0x1, v1  }
0x1ae: {  	v0 =	vadd.s32 v2, v0;
	v2 =	vsel vm7, $0x1, v1  }
0x1af: {  	v0 =	vadd.s32 v2, v0  }
0x1b0: {  	v2 =	vmul.u32 $0x480, v3;
	v3 =	vmul.u32 $0x120, v4;
	v44 =	vshll.u32 v0, $0x5  }
0x1b1: {  	v7 =	vor.u32 $0x2, v44  }
0x1b2: {  	v25 =	vld [tilespmem:$0x1FFC0];
	v0 =	vadd.s32 v2, v3;
	v10 =	vor.u32 $0x3, v44  }
0x1b3: {  	v45 =	vadd.s32 v44, v0  }
0x1b4: {  	v0 =	vor.u32 $0x1, v44  }
0x1b5: {  	v3 =	vld.idx.msk [tilespmem:v44+s30+$0x0], $0xffff  }
0x1b6: {  	s31 =	sadd.s32 $0xFFFFFE00, s15;
	v2 =	vor.u32 $0x1, v45;
	v7 =	vld.idx.msk [tilespmem:v7+s30+$0x0], $0xffff  }
0x1b7: {  	v5 =	vor.u32 s31, v25;
	v4 =	vor.u32 $0x2, v45;
	v10 =	vld.idx.msk [tilespmem:v10+s30+$0x0], $0xffff  }
0x1b8: {  	v48 =	vor.u32 $0x4, v44;
	v49 =	vor.u32 $0x5, v44;
	v51 =	vor.u32 $0x6, v44;
	v6 =	vld.idx.msk [tilespmem:v45+s28+$0x0], $0xffff  }
0x1b9: {  	v31 =	vor.u32 $0x7, v44;
	v8 =	vor.u32 $0x3, v45;
	v9 =	vor.u32 $0x4, v45;
	v0 =	vld.idx.msk [tilespmem:v0+s30+$0x0], $0xffff  }
0x1ba: {  	v29 =	vor.u32 $0x5, v45;
	v46 =	vor.u32 $0x6, v45;
	v50 =	vshll.u32 v3, $0x10  }
0x1bb: {  	v47 =	vor.u32 $0x7, v45;
	v2 =	vld.idx.msk [tilespmem:v2+s28+$0x0], $0xffff;
	v3 =	vand.u32 $0xFFFF0000, v3;
	v50 =	vmul.f32 v50, v43  }
0x1bc: {  	v4 =	vld.idx.msk [tilespmem:v4+s28+$0x0], $0xffff;
	v3 =	vmul.f32 v3, v43;
	v33 =	vshll.u32 v7, $0x10;
	v7 =	vand.u32 $0xFFFF0000, v7  }
0x1bd: {  	v35 =	vshll.u32 v10, $0x10;
	v10 =	vand.u32 $0xFFFF0000, v10;
	v52 =	vshll.u32 v6, $0x10  }
0x1be: {  	v8 =	vld.idx.msk [tilespmem:v8+s28+$0x0], $0xffff;
	v6 =	vand.u32 $0xFFFF0000, v6;
	v30 =	vshll.u32 v0, $0x10;
	v0 =	vand.u32 $0xFFFF0000, v0  }
0x1bf: {  	v49 =	vld.idx.msk [tilespmem:v49+s30+$0x0], $0xffff;
	v7 =	vmul.f32 v7, v43;
	v3 =	vadd.f32 v6, v3;
	v0 =	vmul.f32 v0, v43  }
0x1c0: {  	v26 =	vld [tilespmem:$0x1FFD0];
	v6 =	vmul.f32 v30, v43;
	v53 =	vshll.u32 v2, $0x10;
	v2 =	vand.u32 $0xFFFF0000, v2  }
0x1c1: {  	v10 =	vmul.f32 v10, v43;
	v32 =	vshll.u32 v4, $0x10;
	v0 =	vadd.f32 v2, v0;
	v2 =	vld.idx.msk [tilespmem:v48+s30+$0x0], $0xffff  }
0x1c2: {  	v28 =	vld [tilespmem:$0x1FE00];
	v4 =	vand.u32 $0xFFFF0000, v4;
	v6 =	vadd.f32 v53, v6;
	v53 =	vmul.f32 v35, v43  }
0x1c3: {  	v9 =	vld.idx.msk [tilespmem:v9+s28+$0x0], $0xffff;
	v36 =	vshll.u32 v8, $0x10;
	v4 =	vadd.f32 v4, v7;
	v7 =	vand.u32 $0xFFFF0000, v8  }
0x1c4: {  	v34 =	vld.idx.msk [tilespmem:v29+s28+$0x0], $0xffff;
	v38 =	vshll.u32 v49, $0x10;
	v7 =	vadd.f32 v7, v10;
	v8 =	vadd.f32 v36, v53  }
0x1c5: {  	v15 =	vld [tilespmem:$0x1FE10];
	v49 =	vand.u32 $0xFFFF0000, v49;
	v39 =	vmul.f32 v38, v43;
	v50 =	vadd.f32 v52, v50  }
0x1c6: {  	v7 =	vpack.i.f32.bf16 v7, v8;
	v8 =	vld [tilespmem:$0x1FDF0];
	v37 =	vshll.u32 v2, $0x10;
	v2 =	vand.u32 $0xFFFF0000, v2  }
0x1c7: {  	v27 =	vld [tilespmem:$0x1FE20];
	v49 =	vmul.f32 v49, v43;
	v3 =	vpack.i.f32.bf16 v3, v50;
	v2 =	vmul.f32 v2, v43  }
0x1c8: {  	v51 =	vld.idx.msk [tilespmem:v51+s30+$0x0], $0xffff;
	v50 =	vmul.f32 v33, v43;
	v10 =	vshll.u32 v9, $0x10;
	v9 =	vand.u32 $0xFFFF0000, v9  }
0x1c9: {  	v46 =	vld.idx.msk [tilespmem:v46+s28+$0x0], $0xffff;
	v2 =	vadd.f32 v9, v2;
	v9 =	vshll.u32 v34, $0x10;
	v34 =	vand.u32 $0xFFFF0000, v34  }
0x1ca: {  	v14 =	vld [tilespmem:$0x1FE30];
	v0 =	vpack.i.f32.bf16 v0, v6;
	v6 =	vadd.f32 v9, v39;
	v9 =	vadd.f32 v34, v49  }
0x1cb: {  	v16 =	vld [tilespmem:$0x1FE40];
	v48 =	vadd.f32 v32, v50;
	v50 =	vmul.f32 v37, v43;
	v5 =	vand.u32 v8, v5  }
0x1cc: {  	v41 =	vor.u32 s31, v28;
	v8 =	vld.idx.msk [tilespmem:v31+s30+$0x0], $0xffff;
	v6 =	vpack.i.f32.bf16 v9, v6;
	v9 =	vor.u32 s31, v26  }
0x1cd: {  	v42 =	vor.u32 s31, v15;
	v55 =	vor.u32 s31, v27;
	v47 =	vld.idx.msk [tilespmem:v47+s28+$0x0], $0xffff;
	v10 =	vadd.f32 v10, v50  }
0x1ce: {  	v29 =	vld [tilespmem:$0x1FE50];
	v40 =	vand.u32 $0xFFFF0000, v51;
	v54 =	vshll.u32 v46, $0x10;
	v46 =	vand.u32 $0xFFFF0000, v46  }
0x1cf: {  	v34 =	vmul.f32 v40, v43;
	v2 =	vpack.i.f32.bf16 v2, v10;
	v10 =	vshll.u32 v51, $0x10  }
0x1d0: {  	v4 =	vpack.i.f32.bf16 v4, v48;
	v10 =	vmul.f32 v10, v43;
	[tilespmem:v5+s23+$0x0] =	vst.idx.msk $0xffff, v3;
	v3 =	vor.u32 s31, v14  }
0x1d1: {  	v34 =	vadd.f32 v46, v34;
	v5 =	vshll.u32 v8, $0x10;
	[tilespmem:v9+s23+$0x0] =	vst.idx.msk $0xffff, v0;
	v0 =	vor.u32 s31, v16  }
0x1d2: {  	v10 =	vadd.f32 v54, v10;
	v8 =	vand.u32 $0xFFFF0000, v8;
	v5 =	vmul.f32 v5, v43;
	[tilespmem:v41+s23+$0x0] =	vst.idx.msk $0xffff, v4  }
0x1d3: {  	v8 =	vmul.f32 v8, v43;
	v9 =	vshll.u32 v47, $0x10;
	v4 =	vor.u32 s31, v29;
	[tilespmem:v42+s23+$0x0] =	vst.idx.msk $0xffff, v7  }
0x1d4: {  	v57 =	vand.u32 $0xFFFF0000, v47;
	v5 =	vadd.f32 v9, v5;
	v7 =	vor.u32 $0x8, v44;
	[tilespmem:v55+s23+$0x0] =	vst.idx.msk $0xffff, v2  }
0x1d5: {  	v8 =	vadd.f32 v57, v8;
	v9 =	vor.u32 $0xB, v44;
	v2 =	vpack.i.f32.bf16 v34, v10;
	[tilespmem:v3+s23+$0x0] =	vst.idx.msk $0xffff, v6  }
0x1d6: {  	[tilespmem:v0+s23+$0x0] =	vst.idx.msk $0xffff, v2;
	v0 =	vor.u32 $0x9, v44  }
0x1d7: {  	v61 =	vor.u32 $0xD, v44;
	v5 =	vpack.i.f32.bf16 v8, v5  }
0x1d8: {  	v2 =	vor.u32 $0x9, v45;
	[tilespmem:v4+s23+$0x0] =	vst.idx.msk $0xffff, v5  }
0x1d9: {  	v4 =	vld.idx.msk [tilespmem:v7+s30+$0x0], $0xffff  }
0x1da: {  	v3 =	vor.u32 $0x8, v45;
	v9 =	vld.idx.msk [tilespmem:v9+s30+$0x0], $0xffff  }
0x1db: {  	v6 =	vor.u32 $0xA, v44;
	v0 =	vld.idx.msk [tilespmem:v0+s30+$0x0], $0xffff  }
0x1dc: {  	v60 =	vor.u32 $0xC, v44;
	v63 =	vor.u32 $0xE, v44;
	v48 =	vld.idx.msk [tilespmem:v61+s30+$0x0], $0xffff  }
0x1dd: {  	v58 =	vor.u32 $0xE, v45;
	v30 =	vor.u32 $0xF, v44;
	v5 =	vor.u32 $0xA, v45;
	v2 =	vld.idx.msk [tilespmem:v2+s28+$0x0], $0xffff  }
0x1de: {  	v8 =	vor.u32 $0xC, v45;
	v10 =	vor.u32 $0xD, v45;
	v7 =	vor.u32 $0xB, v45  }
0x1df: {  	v3 =	vld.idx.msk [tilespmem:v3+s28+$0x0], $0xffff;
	v62 =	vshll.u32 v4, $0x10;
	v4 =	vand.u32 $0xFFFF0000, v4;
	v35 =	vshll.u32 v9, $0x10  }
0x1e0: {  	v6 =	vld.idx.msk [tilespmem:v6+s30+$0x0], $0xffff;
	v9 =	vand.u32 $0xFFFF0000, v9;
	v13 =	vshll.u32 v0, $0x10;
	v0 =	vand.u32 $0xFFFF0000, v0  }
0x1e1: {  	v38 =	vshll.u32 v48, $0x10;
	v48 =	vand.u32 $0xFFFF0000, v48;
	v0 =	vmul.f32 v0, v43  }
0x1e2: {  	v5 =	vld.idx.msk [tilespmem:v5+s28+$0x0], $0xffff;
	v49 =	vmul.f32 v62, v43;
	v31 =	vshll.u32 v2, $0x10;
	v2 =	vand.u32 $0xFFFF0000, v2  }
0x1e3: {  	v4 =	vmul.f32 v4, v43;
	v9 =	vmul.f32 v9, v43;
	v0 =	vadd.f32 v2, v0;
	v2 =	vld.idx.msk [tilespmem:v60+s30+$0x0], $0xffff  }
0x1e4: {  	v7 =	vld.idx.msk [tilespmem:v7+s28+$0x0], $0xffff;
	v39 =	vmul.f32 v38, v43;
	v48 =	vmul.f32 v48, v43;
	v12 =	vshll.u32 v3, $0x10  }
0x1e5: {  	v8 =	vld.idx.msk [tilespmem:v8+s28+$0x0], $0xffff;
	v3 =	vand.u32 $0xFFFF0000, v3;
	v33 =	vshll.u32 v6, $0x10;
	v6 =	vand.u32 $0xFFFF0000, v6  }
0x1e6: {  	v10 =	vld.idx.msk [tilespmem:v10+s28+$0x0], $0xffff;
	v49 =	vadd.f32 v12, v49;
	v3 =	vadd.f32 v3, v4;
	v6 =	vmul.f32 v6, v43  }
0x1e7: {  	v4 =	vmul.f32 v13, v43;
	v32 =	vshll.u32 v5, $0x10;
	v5 =	vand.u32 $0xFFFF0000, v5  }
0x1e8: {  	v5 =	vadd.f32 v5, v6;
	v37 =	vshll.u32 v2, $0x10;
	v2 =	vand.u32 $0xFFFF0000, v2  }
0x1e9: {  	v11 =	vld [tilespmem:$0x1FE60];
	v6 =	vand.u32 $0xFFFF0000, v7;
	v4 =	vadd.f32 v31, v4;
	v2 =	vmul.f32 v2, v43  }
0x1ea: {  	v50 =	vld.idx.msk [tilespmem:v63+s30+$0x0], $0xffff;
	v6 =	vadd.f32 v6, v9;
	v9 =	vshll.u32 v8, $0x10;
	v8 =	vand.u32 $0xFFFF0000, v8  }
0x1eb: {  	v34 =	vld.idx.msk [tilespmem:v58+s28+$0x0], $0xffff;
	v2 =	vadd.f32 v8, v2;
	v8 =	vshll.u32 v10, $0x10;
	v10 =	vand.u32 $0xFFFF0000, v10  }
0x1ec: {  	v0 =	vpack.i.f32.bf16 v0, v4;
	v4 =	vadd.f32 v8, v39;
	v8 =	vadd.f32 v10, v48;
	v10 =	vld.idx.msk [tilespmem:v30+s30+$0x0], $0xffff  }
0x1ed: {  	v52 =	vmul.f32 v35, v43;
	v3 =	vpack.i.f32.bf16 v3, v49;
	v49 =	vmul.f32 v33, v43;
	v30 =	vld [tilespmem:$0x1FE70]  }
0x1ee: {  	v59 =	vor.u32 $0xF, v45;
	v36 =	vshll.u32 v7, $0x10;
	v31 =	vld [tilespmem:$0x1FE80]  }
0x1ef: {  	v7 =	vadd.f32 v36, v52;
	v47 =	vadd.f32 v32, v49;
	v32 =	vld [tilespmem:$0x1FE90];
	v49 =	vmul.f32 v37, v43  }
0x1f0: {  	v40 =	vand.u32 $0xFFFF0000, v50;
	v33 =	vld [tilespmem:$0x1FEA0]  }
0x1f1: {  	v35 =	vld [tilespmem:$0x1FEB0];
	v6 =	vpack.i.f32.bf16 v6, v7;
	v7 =	vor.u32 s31, v11;
	v9 =	vadd.f32 v9, v49  }
0x1f2: {  	v36 =	vld [tilespmem:$0x1FEC0];
	v5 =	vpack.i.f32.bf16 v5, v47;
	v4 =	vpack.i.f32.bf16 v8, v4;
	v8 =	vor.u32 s31, v30  }
0x1f3: {  	v41 =	vor.u32 s31, v31;
	v37 =	vld [tilespmem:$0x1FED0];
	v2 =	vpack.i.f32.bf16 v2, v9;
	v9 =	vshll.u32 v50, $0x10  }
0x1f4: {  	v46 =	vld.idx.msk [tilespmem:v59+s28+$0x0], $0xffff;
	v47 =	vmul.f32 v40, v43;
	v42 =	vor.u32 s31, v32;
	v9 =	vmul.f32 v9, v43  }
0x1f5: {  	v54 =	vshll.u32 v34, $0x10;
	v34 =	vand.u32 $0xFFFF0000, v34;
	v55 =	vor.u32 s31, v33  }
0x1f6: {  	v34 =	vadd.f32 v34, v47;
	[tilespmem:v7+s23+$0x0] =	vst.idx.msk $0xffff, v3;
	v3 =	vor.u32 s31, v35;
	v9 =	vadd.f32 v54, v9  }
0x1f7: {  	v7 =	vshll.u32 v10, $0x10;
	v10 =	vand.u32 $0xFFFF0000, v10;
	[tilespmem:v8+s23+$0x0] =	vst.idx.msk $0xffff, v0;
	v0 =	vor.u32 s31, v36  }
0x1f8: {  	v7 =	vmul.f32 v7, v43;
	v8 =	vmul.f32 v10, v43;
	[tilespmem:v41+s23+$0x0] =	vst.idx.msk $0xffff, v5;
	v5 =	vor.u32 s31, v37  }
0x1f9: {  	v10 =	vshll.u32 v46, $0x10;
	v46 =	vand.u32 $0xFFFF0000, v46;
	[tilespmem:v42+s23+$0x0] =	vst.idx.msk $0xffff, v6;
	v6 =	vor.u32 $0x10, v44  }
0x1fa: {  	v58 =	vor.u32 $0x15, v44;
	v7 =	vadd.f32 v10, v7;
	v8 =	vadd.f32 v46, v8;
	[tilespmem:v55+s23+$0x0] =	vst.idx.msk $0xffff, v2  }
0x1fb: {  	v2 =	vpack.i.f32.bf16 v34, v9;
	v9 =	vor.u32 $0x13, v44;
	[tilespmem:v3+s23+$0x0] =	vst.idx.msk $0xffff, v4  }
0x1fc: {  	v3 =	vor.u32 $0x10, v45;
	v4 =	vpack.i.f32.bf16 v8, v7;
	[tilespmem:v0+s23+$0x0] =	vst.idx.msk $0xffff, v2  }
0x1fd: {  	v0 =	vor.u32 $0x11, v44;
	[tilespmem:v5+s23+$0x0] =	vst.idx.msk $0xffff, v4  }
0x1fe: {  	v7 =	vor.u32 $0x13, v45;
	v4 =	vld.idx.msk [tilespmem:v6+s30+$0x0], $0xffff  }
0x1ff: {  	v2 =	vor.u32 $0x11, v45;
	v48 =	vld.idx.msk [tilespmem:v58+s30+$0x0], $0xffff  }
0x200: {  	v57 =	vor.u32 $0x14, v44;
	v63 =	vor.u32 $0x17, v44;
	v9 =	vld.idx.msk [tilespmem:v9+s30+$0x0], $0xffff  }
0x201: {  	v60 =	vor.u32 $0x16, v44;
	v10 =	vor.u32 $0x15, v45;
	v6 =	vor.u32 $0x12, v44;
	v3 =	vld.idx.msk [tilespmem:v3+s28+$0x0], $0xffff  }
0x202: {  	v46 =	vor.u32 $0x17, v45;
	v34 =	vor.u32 $0x16, v45;
	v8 =	vor.u32 $0x14, v45;
	v0 =	vld.idx.msk [tilespmem:v0+s30+$0x0], $0xffff  }
0x203: {  	v5 =	vor.u32 $0x12, v45;
	v7 =	vld.idx.msk [tilespmem:v7+s28+$0x0], $0xffff;
	v59 =	vshll.u32 v4, $0x10;
	v4 =	vand.u32 $0xFFFF0000, v4  }
0x204: {  	v2 =	vld.idx.msk [tilespmem:v2+s28+$0x0], $0xffff;
	v42 =	vshll.u32 v48, $0x10;
	v48 =	vand.u32 $0xFFFF0000, v48;
	v49 =	vmul.f32 v59, v43  }
0x205: {  	v4 =	vmul.f32 v4, v43;
	v39 =	vshll.u32 v9, $0x10;
	v9 =	vand.u32 $0xFFFF0000, v9  }
0x206: {  	v6 =	vld.idx.msk [tilespmem:v6+s30+$0x0], $0xffff;
	v55 =	vmul.f32 v42, v43;
	v48 =	vmul.f32 v48, v43;
	v61 =	vshll.u32 v3, $0x10  }
0x207: {  	v3 =	vand.u32 $0xFFFF0000, v3;
	v62 =	vshll.u32 v0, $0x10;
	v0 =	vand.u32 $0xFFFF0000, v0  }
0x208: {  	v5 =	vld.idx.msk [tilespmem:v5+s28+$0x0], $0xffff;
	v52 =	vmul.f32 v39, v43;
	v40 =	vshll.u32 v7, $0x10;
	v0 =	vmul.f32 v0, v43  }
0x209: {  	v50 =	vld.idx.msk [tilespmem:v60+s30+$0x0], $0xffff;
	v49 =	vadd.f32 v61, v49;
	v12 =	vshll.u32 v2, $0x10;
	v2 =	vand.u32 $0xFFFF0000, v2  }
0x20a: {  	v9 =	vmul.f32 v9, v43;
	v3 =	vadd.f32 v3, v4;
	v0 =	vadd.f32 v2, v0;
	v2 =	vld.idx.msk [tilespmem:v57+s30+$0x0], $0xffff  }
0x20b: {  	v17 =	vld [tilespmem:$0x1FF50];
	v4 =	vmul.f32 v62, v43;
	v38 =	vshll.u32 v6, $0x10;
	v6 =	vand.u32 $0xFFFF0000, v6  }
0x20c: {  	v8 =	vld.idx.msk [tilespmem:v8+s28+$0x0], $0xffff;
	v3 =	vpack.i.f32.bf16 v3, v49;
	v49 =	vmul.f32 v38, v43;
	v6 =	vmul.f32 v6, v43  }
0x20d: {  	v10 =	vld.idx.msk [tilespmem:v10+s28+$0x0], $0xffff;
	v13 =	vshll.u32 v5, $0x10;
	v5 =	vand.u32 $0xFFFF0000, v5;
	v4 =	vadd.f32 v12, v4  }
0x20e: {  	v34 =	vld.idx.msk [tilespmem:v34+s28+$0x0], $0xffff;
	v57 =	vand.u32 $0xFFFF0000, v50;
	v47 =	vadd.f32 v13, v49;
	v5 =	vadd.f32 v5, v6  }
0x20f: {  	v38 =	vld [tilespmem:$0x1FEE0];
	v6 =	vand.u32 $0xFFFF0000, v7;
	v41 =	vshll.u32 v2, $0x10;
	v2 =	vand.u32 $0xFFFF0000, v2  }
0x210: {  	v39 =	vld [tilespmem:$0x1FEF0];
	v7 =	vadd.f32 v40, v52;
	v6 =	vadd.f32 v6, v9;
	v2 =	vmul.f32 v2, v43  }
0x211: {  	v40 =	vld [tilespmem:$0x1FF00];
	v9 =	vshll.u32 v8, $0x10;
	v8 =	vand.u32 $0xFFFF0000, v8;
	v49 =	vmul.f32 v41, v43  }
0x212: {  	v41 =	vld [tilespmem:$0x1FF10];
	v2 =	vadd.f32 v8, v2;
	v8 =	vshll.u32 v10, $0x10;
	v10 =	vand.u32 $0xFFFF0000, v10  }
0x213: {  	v42 =	vld [tilespmem:$0x1FF20];
	v0 =	vpack.i.f32.bf16 v0, v4;
	v4 =	vadd.f32 v8, v55;
	v8 =	vadd.f32 v10, v48  }
0x214: {  	v12 =	vld [tilespmem:$0x1FF40];
	v6 =	vpack.i.f32.bf16 v6, v7;
	v7 =	vor.u32 s31, v38;
	v9 =	vadd.f32 v9, v49  }
0x215: {  	v5 =	vpack.i.f32.bf16 v5, v47;
	v10 =	vld.idx.msk [tilespmem:v63+s30+$0x0], $0xffff;
	v4 =	vpack.i.f32.bf16 v8, v4;
	v8 =	vor.u32 s31, v39  }
0x216: {  	v13 =	vld [tilespmem:$0x1FF60];
	v58 =	vor.u32 s31, v40;
	v2 =	vpack.i.f32.bf16 v2, v9;
	v9 =	vshll.u32 v50, $0x10  }
0x217: {  	v46 =	vld.idx.msk [tilespmem:v46+s28+$0x0], $0xffff;
	v47 =	vmul.f32 v57, v43;
	v9 =	vmul.f32 v9, v43;
	v59 =	vor.u32 s31, v41  }
0x218: {  	v60 =	vshll.u32 v34, $0x10;
	v34 =	vand.u32 $0xFFFF0000, v34;
	v61 =	vor.u32 s31, v42  }
0x219: {  	v34 =	vadd.f32 v34, v47;
	[tilespmem:v7+s23+$0x0] =	vst.idx.msk $0xffff, v3;
	v3 =	vor.u32 s31, v12;
	v9 =	vadd.f32 v60, v9  }
0x21a: {  	v7 =	vshll.u32 v10, $0x10;
	v10 =	vand.u32 $0xFFFF0000, v10;
	[tilespmem:v8+s23+$0x0] =	vst.idx.msk $0xffff, v0;
	v0 =	vor.u32 s31, v17  }
0x21b: {  	v7 =	vmul.f32 v7, v43;
	v8 =	vmul.f32 v10, v43;
	[tilespmem:v58+s23+$0x0] =	vst.idx.msk $0xffff, v5;
	v5 =	vor.u32 s31, v13  }
0x21c: {  	v10 =	vshll.u32 v46, $0x10;
	v46 =	vand.u32 $0xFFFF0000, v46;
	[tilespmem:v59+s23+$0x0] =	vst.idx.msk $0xffff, v6;
	v6 =	vor.u32 $0x18, v44  }
0x21d: {  	v7 =	vadd.f32 v10, v7;
	v8 =	vadd.f32 v46, v8;
	[tilespmem:v61+s23+$0x0] =	vst.idx.msk $0xffff, v2  }
0x21e: {  	v9 =	vpack.i.f32.bf16 v34, v9;
	v2 =	vor.u32 $0x18, v45;
	[tilespmem:v3+s23+$0x0] =	vst.idx.msk $0xffff, v4  }
0x21f: {  	v3 =	vpack.i.f32.bf16 v8, v7;
	[tilespmem:v0+s23+$0x0] =	vst.idx.msk $0xffff, v9  }
0x220: {  	v46 =	vld [tilespmem:s21+$0x0];
	[tilespmem:v5+s23+$0x0] =	vst.idx.msk $0xffff, v3  }
0x221: {  	v0 =	vld.idx.msk [tilespmem:v6+s30+$0x0], $0xffff;
	_ =	sdelay $0x1  }
0x222: {  	v53 =	vor.u32 $0x1E, v45;
	v54 =	vor.u32 $0x1D, v45;
	v52 =	vor.u32 $0x1C, v45;
	v2 =	vld.idx.msk [tilespmem:v2+s28+$0x0], $0xffff  }
0x223: {  	v57 =	vor.u32 $0x1D, v44;
	v55 =	vor.u32 $0x1B, v45;
	v4 =	vor.u32 $0x1A, v45  }
0x224: {  	v3 =	vor.u32 $0x19, v45;
	v5 =	vor.u32 $0x19, v44;
	v45 =	vor.u32 $0x1F, v45  }
0x225: {  	v6 =	vor.u32 $0x1A, v44;
	vm8 =	vgt.f32 v46, v24;
	v7 =	vshll.u32 v0, $0x10  }
0x226: {  	vm9 =	vgt.f32 v46, v22;
	v0 =	vand.u32 $0xFFFF0000, v0;
	v7 =	vmul.f32 v7, v43  }
0x227: {  	vm10 =	vgt.f32 v46, v23;
	v8 =	vshll.u32 v2, $0x10;
	v0 =	vmul.f32 v0, v43  }
0x228: {  	vm11 =	vgt.f32 v46, v20;
	v2 =	vand.u32 $0xFFFF0000, v2;
	v7 =	vadd.f32 v8, v7  }
0x229: {  	v10 =	vld [tilespmem:s17+$0x0];
	v8 =	vsel vm8, $0x1, v1;
	v0 =	vadd.f32 v2, v0;
	v2 =	vsel vm9, $0x1, v1  }
0x22a: {  	vm12 =	vgt.f32 v46, v21;
	v5 =	vld.idx.msk [tilespmem:v5+s30+$0x0], $0xffff;
	v2 =	vadd.s32 v2, v8;
	v8 =	vsel vm10, $0x1, v1  }
0x22b: {  	v9 =	vld [tilespmem:s16+$0x0];
	vm13 =	vgt.f32 v46, v18;
	v2 =	vadd.s32 v8, v2;
	v8 =	vsel vm11, $0x1, v1  }
0x22c: {  	vm14 =	vgt.f32 v46, v19;
	v3 =	vld.idx.msk [tilespmem:v3+s28+$0x0], $0xffff;
	v2 =	vadd.s32 v8, v2;
	v8 =	vsel vm12, $0x1, v1  }
0x22d: {  	vm15 =	vgt.f32 v46, v56;
	v2 =	vadd.s32 v8, v2;
	v8 =	vsel vm13, $0x1, v1  }
0x22e: {  	v56 =	vor.u32 $0x1B, v44;
	v2 =	vadd.s32 v8, v2;
	v8 =	vsel vm14, $0x1, v1  }
0x22f: {  	v62 =	vshll.u32 v5, $0x10;
	v2 =	vadd.s32 v8, v2;
	v8 =	vsel vm15, $0x1, v1  }
0x230: {  	v6 =	vld.idx.msk [tilespmem:v6+s30+$0x0], $0xffff;
	v2 =	vadd.s32 v8, v2;
	v8 =	vmul.u32 $0x480, v9;
	v9 =	vmul.u32 $0x120, v10  }
0x231: {  	v34 =	vmul.f32 v62, v43;
	v10 =	vshll.u32 v3, $0x10;
	v48 =	vshll.u32 v2, $0x5  }
0x232: {  	v4 =	vld.idx.msk [tilespmem:v4+s28+$0x0], $0xffff;
	v2 =	vand.u32 $0xFFFF0000, v3;
	v3 =	vand.u32 $0xFFFF0000, v5;
	v5 =	vadd.s32 v8, v9  }
0x233: {  	v51 =	vpack.i.f32.bf16 v0, v7;
	v8 =	vadd.f32 v10, v34;
	v47 =	vadd.s32 v48, v5  }
0x234: {  	v3 =	vmul.f32 v3, v43;
	v9 =	vor.u32 $0x1, v48;
	v58 =	vor.u32 $0x2, v48  }
0x235: {  	v61 =	vor.u32 $0x4, v48;
	v5 =	vshll.u32 v6, $0x10;
	v6 =	vand.u32 $0xFFFF0000, v6  }
0x236: {  	v2 =	vadd.f32 v2, v3;
	v3 =	vmul.f32 v5, v43;
	v10 =	vor.u32 $0x1, v47;
	v63 =	vld.idx.msk [tilespmem:v48+s30+$0x0], $0xffff  }
0x237: {  	v62 =	vor.u32 $0x5, v48;
	v5 =	vmul.f32 v6, v43;
	v6 =	vshll.u32 v4, $0x10  }
0x238: {  	v4 =	vand.u32 $0xFFFF0000, v4;
	v34 =	vor.u32 $0x5, v47;
	v3 =	vadd.f32 v6, v3;
	v6 =	vld.idx.msk [tilespmem:v47+s28+$0x0], $0xffff  }
0x239: {  	v4 =	vadd.f32 v4, v5;
	v50 =	vpack.i.f32.bf16 v2, v8;
	v2 =	vor.u32 $0x2, v47;
	v0 =	vld.idx.msk [tilespmem:v9+s30+$0x0], $0xffff  }
0x23a: {  	v59 =	vor.u32 $0x6, v47;
	v5 =	vor.u32 $0x1C, v44;
	v8 =	vor.u32 $0x3, v48  }
0x23b: {  	v49 =	vpack.i.f32.bf16 v4, v3;
	v7 =	vld.idx.msk [tilespmem:v10+s28+$0x0], $0xffff;
	v9 =	vshll.u32 v63, $0x10;
	v10 =	vand.u32 $0xFFFF0000, v63  }
0x23c: {  	v58 =	vld.idx.msk [tilespmem:v58+s30+$0x0], $0xffff;
	v3 =	vor.u32 $0x3, v47;
	v9 =	vmul.f32 v9, v46;
	v10 =	vmul.f32 v10, v46  }
0x23d: {  	v4 =	vor.u32 $0x4, v47;
	v60 =	vshll.u32 v6, $0x10;
	v6 =	vand.u32 $0xFFFF0000, v6  }
0x23e: {  	v2 =	vld.idx.msk [tilespmem:v2+s28+$0x0], $0xffff;
	v9 =	vadd.f32 v60, v9;
	v6 =	vadd.f32 v6, v10;
	v10 =	vshll.u32 v0, $0x10  }
0x23f: {  	v63 =	vor.u32 $0x6, v48;
	v0 =	vand.u32 $0xFFFF0000, v0;
	v10 =	vmul.f32 v10, v46  }
0x240: {  	v8 =	vld.idx.msk [tilespmem:v8+s30+$0x0], $0xffff;
	v0 =	vmul.f32 v0, v46;
	v6 =	vpack.i.f32.bf16 v6, v9;
	v9 =	vshll.u32 v7, $0x10  }
0x241: {  	v3 =	vld.idx.msk [tilespmem:v3+s28+$0x0], $0xffff;
	v7 =	vand.u32 $0xFFFF0000, v7;
	v9 =	vadd.f32 v9, v10;
	v10 =	vshll.u32 v58, $0x10  }
0x242: {  	v58 =	vand.u32 $0xFFFF0000, v58;
	v0 =	vadd.f32 v7, v0;
	v10 =	vmul.f32 v10, v46  }
0x243: {  	v61 =	vld.idx.msk [tilespmem:v61+s30+$0x0], $0xffff;
	v60 =	vor.u32 $0x7, v47;
	v7 =	vshll.u32 v2, $0x10;
	v58 =	vmul.f32 v58, v46  }
0x244: {  	v4 =	vld.idx.msk [tilespmem:v4+s28+$0x0], $0xffff;
	v2 =	vand.u32 $0xFFFF0000, v2;
	v0 =	vpack.i.f32.bf16 v0, v9;
	v7 =	vadd.f32 v7, v10  }
0x245: {  	v2 =	vadd.f32 v2, v58;
	v10 =	vshll.u32 v8, $0x10;
	v58 =	vld.idx.msk [tilespmem:v62+s30+$0x0], $0xffff;
	v8 =	vand.u32 $0xFFFF0000, v8  }
0x246: {  	v9 =	vshll.u32 v3, $0x10;
	v10 =	vmul.f32 v10, v46;
	v8 =	vmul.f32 v8, v46  }
0x247: {  	v3 =	vand.u32 $0xFFFF0000, v3;
	v62 =	vor.u32 $0x7, v48;
	v2 =	vpack.i.f32.bf16 v2, v7  }
0x248: {  	v34 =	vld.idx.msk [tilespmem:v34+s28+$0x0], $0xffff;
	v7 =	vadd.f32 v9, v10;
	v3 =	vadd.f32 v3, v8;
	v9 =	vshll.u32 v61, $0x10  }
0x249: {  	v8 =	vshll.u32 v4, $0x10;
	v10 =	vand.u32 $0xFFFF0000, v61;
	v9 =	vmul.f32 v9, v46  }
0x24a: {  	v4 =	vand.u32 $0xFFFF0000, v4;
	v61 =	vld.idx.msk [tilespmem:v63+s30+$0x0], $0xffff;
	v10 =	vmul.f32 v10, v46;
	v63 =	vshll.u32 v58, $0x10  }
0x24b: {  	v58 =	vand.u32 $0xFFFF0000, v58;
	v3 =	vpack.i.f32.bf16 v3, v7;
	v7 =	vld [tilespmem:$0x1FDE0];
	v8 =	vadd.f32 v8, v9  }
0x24c: {  	v9 =	vmul.f32 v63, v46;
	v58 =	vmul.f32 v58, v46;
	v4 =	vadd.f32 v4, v10  }
0x24d: {  	v59 =	vld.idx.msk [tilespmem:v59+s28+$0x0], $0xffff;
	v10 =	vshll.u32 v34, $0x10;
	v34 =	vand.u32 $0xFFFF0000, v34;
	v63 =	vor.u32 s15, v25  }
0x24e: {  	v9 =	vadd.f32 v10, v9;
	v10 =	vadd.f32 v34, v58;
	v34 =	vld.idx.msk [tilespmem:v56+s30+$0x0], $0xffff;
	v4 =	vpack.i.f32.bf16 v4, v8  }
0x24f: {  	v8 =	vld.idx.msk [tilespmem:v62+s30+$0x0], $0xffff;
	v56 =	vor.u32 s15, v26;
	v58 =	vand.u32 $0xFFFF0000, v61;
	v62 =	vor.u32 s15, v27  }
0x250: {  	v7 =	vand.u32 v7, v63;
	v9 =	vpack.i.f32.bf16 v10, v9;
	v10 =	vshll.u32 v61, $0x10  }
0x251: {  	v58 =	vmul.f32 v58, v46;
	v61 =	vor.u32 s15, v28;
	v10 =	vmul.f32 v10, v46  }
0x252: {  	v28 =	vshll.u32 v59, $0x10;
	v63 =	vor.u32 s15, v15;
	v59 =	vand.u32 $0xFFFF0000, v59  }
0x253: {  	v60 =	vld.idx.msk [tilespmem:v60+s28+$0x0], $0xffff;
	v58 =	vadd.f32 v59, v58;
	v10 =	vadd.f32 v28, v10;
	v15 =	vshll.u32 v34, $0x10  }
0x254: {  	v28 =	vshll.u32 v8, $0x10;
	v8 =	vand.u32 $0xFFFF0000, v8;
	v34 =	vand.u32 $0xFFFF0000, v34  }
0x255: {  	v8 =	vmul.f32 v8, v46;
	v34 =	vmul.f32 v34, v43;
	[tilespmem:v7+s23+$0x0] =	vst.idx.msk $0xffff, v6;
	v6 =	vor.u32 s15, v14  }
0x256: {  	v59 =	vor.u32 $0xB, v48;
	v7 =	vld.idx.msk [tilespmem:v52+s28+$0x0], $0xffff;
	v52 =	vmul.f32 v28, v46;
	[tilespmem:v56+s23+$0x0] =	vst.idx.msk $0xffff, v0;
	v0 =	vor.u32 s15, v16  }
0x257: {  	v55 =	vld.idx.msk [tilespmem:v55+s28+$0x0], $0xffff;
	v10 =	vpack.i.f32.bf16 v58, v10;
	v14 =	vor.u32 $0xA, v48;
	[tilespmem:v61+s23+$0x0] =	vst.idx.msk $0xffff, v2;
	v2 =	vor.u32 s15, v29  }
0x258: {  	v5 =	vld.idx.msk [tilespmem:v5+s30+$0x0], $0xffff;
	v29 =	vshll.u32 v60, $0x10;
	v60 =	vand.u32 $0xFFFF0000, v60;
	[tilespmem:v63+s23+$0x0] =	vst.idx.msk $0xffff, v3;
	v3 =	vor.u32 $0x8, v48  }
0x259: {  	v52 =	vadd.f32 v29, v52;
	v8 =	vadd.f32 v60, v8;
	v60 =	vor.u32 $0xF, v47;
	[tilespmem:v62+s23+$0x0] =	vst.idx.msk $0xffff, v4  }
0x25a: {  	v29 =	vor.u32 $0xD, v48;
	v4 =	vmul.f32 v15, v43;
	[tilespmem:v6+s23+$0x0] =	vst.idx.msk $0xffff, v9;
	v6 =	vor.u32 $0x8, v47  }
0x25b: {  	v15 =	vor.u32 $0xC, v48;
	v9 =	vor.u32 $0x1E, v44;
	v8 =	vpack.i.f32.bf16 v8, v52;
	[tilespmem:v0+s23+$0x0] =	vst.idx.msk $0xffff, v10  }
0x25c: {  	v57 =	vld.idx.msk [tilespmem:v57+s30+$0x0], $0xffff;
	v0 =	vshll.u32 v55, $0x10;
	v10 =	vand.u32 $0xFFFF0000, v55;
	[tilespmem:v2+s23+$0x0] =	vst.idx.msk $0xffff, v8;
	v2 =	vor.u32 $0x9, v48  }
0x25d: {  	v63 =	vshll.u32 v7, $0x10;
	v0 =	vadd.f32 v0, v4;
	v4 =	vadd.f32 v10, v34;
	v3 =	vld.idx.msk [tilespmem:v3+s30+$0x0], $0xffff  }
0x25e: {  	v8 =	vshll.u32 v5, $0x10;
	v5 =	vand.u32 $0xFFFF0000, v5;
	v10 =	vor.u32 $0x9, v47;
	v59 =	vld.idx.msk [tilespmem:v59+s30+$0x0], $0xffff  }
0x25f: {  	v34 =	vor.u32 $0xE, v47;
	v8 =	vmul.f32 v8, v43;
	v5 =	vmul.f32 v5, v43;
	v6 =	vld.idx.msk [tilespmem:v6+s28+$0x0], $0xffff  }
0x260: {  	v52 =	vpack.i.f32.bf16 v4, v0;
	v0 =	vand.u32 $0xFFFF0000, v7;
	v4 =	vor.u32 $0xB, v47;
	v61 =	vld.idx.msk [tilespmem:v15+s30+$0x0], $0xffff  }
0x261: {  	v55 =	vadd.f32 v63, v8;
	v56 =	vadd.f32 v0, v5;
	v0 =	vor.u32 $0xA, v47;
	v2 =	vld.idx.msk [tilespmem:v2+s30+$0x0], $0xffff  }
0x262: {  	v5 =	vor.u32 $0xC, v47;
	v8 =	vshll.u32 v3, $0x10;
	v3 =	vand.u32 $0xFFFF0000, v3  }
0x263: {  	v7 =	vor.u32 $0xD, v47;
	v10 =	vld.idx.msk [tilespmem:v10+s28+$0x0], $0xffff;
	v8 =	vmul.f32 v8, v46;
	v3 =	vmul.f32 v3, v46  }
0x264: {  	v63 =	vshll.u32 v57, $0x10;
	v28 =	vshll.u32 v6, $0x10;
	v6 =	vand.u32 $0xFFFF0000, v6  }
0x265: {  	v58 =	vld.idx.msk [tilespmem:v14+s30+$0x0], $0xffff;
	v15 =	vand.u32 $0xFFFF0000, v59;
	v8 =	vadd.f32 v28, v8;
	v3 =	vadd.f32 v6, v3  }
0x266: {  	v0 =	vld.idx.msk [tilespmem:v0+s28+$0x0], $0xffff;
	v28 =	vshll.u32 v61, $0x10;
	v14 =	vshll.u32 v2, $0x10;
	v2 =	vand.u32 $0xFFFF0000, v2  }
0x267: {  	v5 =	vld.idx.msk [tilespmem:v5+s28+$0x0], $0xffff;
	v61 =	vand.u32 $0xFFFF0000, v61;
	v62 =	vmul.f32 v14, v46;
	v2 =	vmul.f32 v2, v46  }
0x268: {  	v6 =	vshll.u32 v10, $0x10;
	v10 =	vand.u32 $0xFFFF0000, v10;
	v61 =	vmul.f32 v61, v46  }
0x269: {  	v3 =	vpack.i.f32.bf16 v3, v8;
	v6 =	vadd.f32 v6, v62;
	v2 =	vadd.f32 v10, v2  }
0x26a: {  	v4 =	vld.idx.msk [tilespmem:v4+s28+$0x0], $0xffff;
	v10 =	vshll.u32 v58, $0x10;
	v62 =	vor.u32 $0xE, v48;
	v58 =	vand.u32 $0xFFFF0000, v58  }
0x26b: {  	v8 =	vshll.u32 v0, $0x10;
	v0 =	vand.u32 $0xFFFF0000, v0;
	v10 =	vmul.f32 v10, v46  }
0x26c: {  	v7 =	vld.idx.msk [tilespmem:v7+s28+$0x0], $0xffff;
	v14 =	vshll.u32 v5, $0x10;
	v5 =	vand.u32 $0xFFFF0000, v5;
	v58 =	vmul.f32 v58, v46  }
0x26d: {  	v5 =	vadd.f32 v5, v61;
	v2 =	vpack.i.f32.bf16 v2, v6;
	v6 =	vadd.f32 v8, v10;
	v8 =	vld.idx.msk [tilespmem:v29+s30+$0x0], $0xffff  }
0x26e: {  	v0 =	vadd.f32 v0, v58;
	v10 =	vshll.u32 v59, $0x10;
	v58 =	vmul.f32 v15, v46  }
0x26f: {  	v29 =	vshll.u32 v4, $0x10;
	v4 =	vand.u32 $0xFFFF0000, v4;
	v59 =	vmul.f32 v28, v46;
	v28 =	vld.idx.msk [tilespmem:v62+s30+$0x0], $0xffff  }
0x270: {  	v15 =	vor.u32 $0xF, v48;
	v10 =	vmul.f32 v10, v46;
	v4 =	vadd.f32 v4, v58  }
0x271: {  	v58 =	vadd.f32 v14, v59;
	v14 =	vshll.u32 v7, $0x10;
	v7 =	vand.u32 $0xFFFF0000, v7  }
0x272: {  	v10 =	vadd.f32 v29, v10;
	v29 =	vshll.u32 v8, $0x10;
	v8 =	vand.u32 $0xFFFF0000, v8  }
0x273: {  	v34 =	vld.idx.msk [tilespmem:v34+s28+$0x0], $0xffff;
	v0 =	vpack.i.f32.bf16 v0, v6;
	v62 =	vmul.f32 v29, v46;
	v8 =	vmul.f32 v8, v46  }
0x274: {  	v5 =	vpack.i.f32.bf16 v5, v58;
	v4 =	vpack.i.f32.bf16 v4, v10;
	v59 =	vand.u32 $0xFFFF0000, v28  }
0x275: {  	v6 =	vadd.f32 v14, v62;
	v7 =	vadd.f32 v7, v8;
	v8 =	vor.u32 s15, v11  }
0x276: {  	v10 =	vld.idx.msk [tilespmem:v15+s30+$0x0], $0xffff;
	v15 =	vor.u32 s15, v30;
	v30 =	vor.u32 s15, v32;
	v59 =	vmul.f32 v59, v46  }
0x277: {  	v6 =	vpack.i.f32.bf16 v7, v6;
	v7 =	vshll.u32 v28, $0x10;
	v28 =	vor.u32 s15, v31  }
0x278: {  	v60 =	vld.idx.msk [tilespmem:v60+s28+$0x0], $0xffff;
	v29 =	vshll.u32 v34, $0x10;
	v34 =	vand.u32 $0xFFFF0000, v34;
	v7 =	vmul.f32 v7, v46  }
0x279: {  	v14 =	vmul.f32 v63, v43;
	v31 =	vor.u32 s15, v33;
	v34 =	vadd.f32 v34, v59  }
0x27a: {  	v59 =	vor.u32 $0x17, v47;
	v7 =	vadd.f32 v29, v7;
	[tilespmem:v8+s23+$0x0] =	vst.idx.msk $0xffff, v3;
	v3 =	vor.u32 s15, v35  }
0x27b: {  	v8 =	vld.idx.msk [tilespmem:v54+s28+$0x0], $0xffff;
	v35 =	vshll.u32 v10, $0x10;
	v10 =	vand.u32 $0xFFFF0000, v10;
	[tilespmem:v15+s23+$0x0] =	vst.idx.msk $0xffff, v2;
	v2 =	vor.u32 s15, v36  }
0x27c: {  	v54 =	vmul.f32 v35, v46;
	v10 =	vmul.f32 v10, v46;
	[tilespmem:v28+s23+$0x0] =	vst.idx.msk $0xffff, v0;
	v0 =	vor.u32 s15, v37  }
0x27d: {  	v9 =	vld.idx.msk [tilespmem:v9+s30+$0x0], $0xffff;
	v36 =	vshll.u32 v60, $0x10;
	v37 =	vand.u32 $0xFFFF0000, v60;
	[tilespmem:v30+s23+$0x0] =	vst.idx.msk $0xffff, v4;
	v4 =	vor.u32 $0x10, v48  }
0x27e: {  	v28 =	vor.u32 $0x13, v48;
	v61 =	vadd.f32 v36, v54;
	v10 =	vadd.f32 v37, v10;
	[tilespmem:v31+s23+$0x0] =	vst.idx.msk $0xffff, v5  }
0x27f: {  	v29 =	vor.u32 $0x14, v48;
	v15 =	vor.u32 $0x12, v48;
	v7 =	vpack.i.f32.bf16 v34, v7;
	v5 =	vld.idx.msk [tilespmem:v53+s28+$0x0], $0xffff;
	[tilespmem:v3+s23+$0x0] =	vst.idx.msk $0xffff, v6  }
0x280: {  	v60 =	vor.u32 $0x1F, v44;
	v3 =	vor.u32 $0x10, v47;
	v10 =	vpack.i.f32.bf16 v10, v61;
	[tilespmem:v2+s23+$0x0] =	vst.idx.msk $0xffff, v7  }
0x281: {  	v6 =	vshll.u32 v8, $0x10;
	v2 =	vand.u32 $0xFFFF0000, v8;
	v7 =	vand.u32 $0xFFFF0000, v57;
	[tilespmem:v0+s23+$0x0] =	vst.idx.msk $0xffff, v10  }
0x282: {  	v44 =	vadd.f32 v6, v14;
	v8 =	vand.u32 $0xFFFF0000, v9;
	v0 =	vor.u32 $0x11, v48;
	v4 =	vld.idx.msk [tilespmem:v4+s30+$0x0], $0xffff  }
0x283: {  	v6 =	vmul.f32 v7, v43;
	v7 =	vshll.u32 v9, $0x10;
	v9 =	vor.u32 $0x11, v47;
	v58 =	vld.idx.msk [tilespmem:v28+s30+$0x0], $0xffff  }
0x284: {  	v8 =	vmul.f32 v8, v43;
	v7 =	vmul.f32 v7, v43;
	v61 =	vld.idx.msk [tilespmem:v29+s30+$0x0], $0xffff;
	v10 =	vshll.u32 v5, $0x10  }
0x285: {  	v59 =	vld.idx.msk [tilespmem:v59+s28+$0x0], $0xffff;
	v53 =	vadd.f32 v2, v6;
	v2 =	vand.u32 $0xFFFF0000, v5;
	v5 =	vor.u32 $0x13, v47  }
0x286: {  	v37 =	vor.u32 $0x16, v48;
	v31 =	vor.u32 $0x15, v48;
	v6 =	vor.u32 $0x14, v47;
	v3 =	vld.idx.msk [tilespmem:v3+s28+$0x0], $0xffff  }
0x287: {  	v34 =	vld.idx.msk [tilespmem:v15+s30+$0x0], $0xffff;
	v54 =	vadd.f32 v10, v7;
	v57 =	vadd.f32 v2, v8;
	v2 =	vor.u32 $0x12, v47  }
0x288: {  	v7 =	vor.u32 $0x15, v47;
	v10 =	vor.u32 $0x16, v47;
	v0 =	vld.idx.msk [tilespmem:v0+s30+$0x0], $0xffff;
	v8 =	vshll.u32 v4, $0x10  }
0x289: {  	v9 =	vld.idx.msk [tilespmem:v9+s28+$0x0], $0xffff;
	v4 =	vand.u32 $0xFFFF0000, v4;
	v14 =	vand.u32 $0xFFFF0000, v58;
	v15 =	vshll.u32 v61, $0x10  }
0x28a: {  	v61 =	vand.u32 $0xFFFF0000, v61;
	v35 =	vshll.u32 v59, $0x10;
	v8 =	vmul.f32 v8, v46;
	v5 =	vld.idx.msk [tilespmem:v5+s28+$0x0], $0xffff  }
0x28b: {  	v59 =	vand.u32 $0xFFFF0000, v59;
	v4 =	vmul.f32 v4, v46;
	v6 =	vld.idx.msk [tilespmem:v6+s28+$0x0], $0xffff;
	v30 =	vshll.u32 v3, $0x10  }
0x28c: {  	v61 =	vmul.f32 v61, v46;
	v3 =	vand.u32 $0xFFFF0000, v3;
	v8 =	vadd.f32 v30, v8  }
0x28d: {  	v3 =	vadd.f32 v3, v4;
	v30 =	vor.u32 $0x17, v48;
	v36 =	vshll.u32 v0, $0x10  }
0x28e: {  	v2 =	vld.idx.msk [tilespmem:v2+s28+$0x0], $0xffff;
	v0 =	vand.u32 $0xFFFF0000, v0;
	v4 =	vshll.u32 v9, $0x10;
	v9 =	vand.u32 $0xFFFF0000, v9  }
0x28f: {  	v62 =	vmul.f32 v36, v46;
	v0 =	vmul.f32 v0, v46;
	v3 =	vpack.i.f32.bf16 v3, v8  }
0x290: {  	v28 =	vshll.u32 v5, $0x10;
	v5 =	vand.u32 $0xFFFF0000, v5;
	v29 =	vshll.u32 v6, $0x10  }
0x291: {  	v7 =	vld.idx.msk [tilespmem:v7+s28+$0x0], $0xffff;
	v6 =	vand.u32 $0xFFFF0000, v6;
	v0 =	vadd.f32 v9, v0;
	v9 =	vshll.u32 v34, $0x10  }
0x292: {  	v4 =	vadd.f32 v4, v62;
	v34 =	vand.u32 $0xFFFF0000, v34;
	v9 =	vmul.f32 v9, v46  }
0x293: {  	v8 =	vshll.u32 v2, $0x10;
	v2 =	vand.u32 $0xFFFF0000, v2;
	v34 =	vmul.f32 v34, v46  }
0x294: {  	v0 =	vpack.i.f32.bf16 v0, v4;
	v4 =	vadd.f32 v8, v9;
	v8 =	vld.idx.msk [tilespmem:v31+s30+$0x0], $0xffff;
	v9 =	vshll.u32 v58, $0x10  }
0x295: {  	v10 =	vld.idx.msk [tilespmem:v10+s28+$0x0], $0xffff;
	v2 =	vadd.f32 v2, v34;
	v34 =	vmul.f32 v14, v46;
	v9 =	vmul.f32 v9, v46  }
0x296: {  	v6 =	vadd.f32 v6, v61;
	v58 =	vmul.f32 v15, v46;
	v31 =	vld.idx.msk [tilespmem:v37+s30+$0x0], $0xffff;
	v37 =	vshll.u32 v7, $0x10  }
0x297: {  	v7 =	vand.u32 $0xFFFF0000, v7;
	v5 =	vadd.f32 v5, v34;
	v9 =	vadd.f32 v28, v9  }
0x298: {  	v14 =	vor.u32 s15, v39;
	v15 =	vor.u32 s15, v40;
	v34 =	vadd.f32 v29, v58  }
0x299: {  	v36 =	vshll.u32 v8, $0x10;
	v8 =	vand.u32 $0xFFFF0000, v8;
	v5 =	vpack.i.f32.bf16 v5, v9  }
0x29a: {  	v9 =	vor.u32 s15, v38;
	v38 =	vld.idx.msk [tilespmem:v30+s30+$0x0], $0xffff;
	v62 =	vmul.f32 v36, v46;
	v8 =	vmul.f32 v8, v46  }
0x29b: {  	v2 =	vpack.i.f32.bf16 v2, v4;
	v29 =	vor.u32 s15, v41;
	v28 =	vshll.u32 v10, $0x10  }
0x29c: {  	v58 =	vand.u32 $0xFFFF0000, v31;
	v4 =	vadd.f32 v37, v62;
	v7 =	vadd.f32 v7, v8  }
0x29d: {  	v10 =	vand.u32 $0xFFFF0000, v10;
	v6 =	vpack.i.f32.bf16 v6, v34;
	v58 =	vmul.f32 v58, v46  }
0x29e: {  	v30 =	vor.u32 s15, v42;
	v4 =	vpack.i.f32.bf16 v7, v4;
	v7 =	vshll.u32 v31, $0x10  }
0x29f: {  	v45 =	vld.idx.msk [tilespmem:v45+s28+$0x0], $0xffff;
	[tilespmem:v9+s23+$0x0] =	vst.idx.msk $0xffff, v3;
	v9 =	vadd.f32 v10, v58;
	v10 =	vor.u32 s15, v12;
	v34 =	vand.u32 $0xFFFF0000, v38  }
0x2a0: {  	v8 =	vld.idx.msk [tilespmem:v60+s30+$0x0], $0xffff;
	v31 =	vor.u32 s15, v17;
	v7 =	vmul.f32 v7, v46;
	[tilespmem:v14+s23+$0x0] =	vst.idx.msk $0xffff, v0;
	v0 =	vshll.u32 v38, $0x10  }
0x2a1: {  	v16 =	vld [tilespmem:$0x1FFB0];
	v34 =	vmul.f32 v34, v46;
	v0 =	vmul.f32 v0, v46;
	[tilespmem:v15+s23+$0x0] =	vst.idx.msk $0xffff, v2;
	v2 =	vor.u32 s15, v13  }
0x2a2: {  	v11 =	vld [tilespmem:$0x1FF30];
	v40 =	vor.u32 $0x1C, v47;
	v7 =	vadd.f32 v28, v7;
	[tilespmem:v29+s23+$0x0] =	vst.idx.msk $0xffff, v5;
	v5 =	vor.u32 $0x18, v48  }
0x2a3: {  	v63 =	vld [tilespmem:$0x1FFF0];
	v37 =	vor.u32 $0x1B, v48;
	v34 =	vadd.f32 v59, v34;
	v0 =	vadd.f32 v35, v0;
	[tilespmem:v30+s23+$0x0] =	vst.idx.msk $0xffff, v6  }
0x2a4: {  	v41 =	vor.u32 $0x1C, v48;
	v14 =	vld [tilespmem:$0x1FF90];
	v38 =	vor.u32 $0x1B, v47;
	v6 =	vpack.i.f32.bf16 v9, v7;
	[tilespmem:v10+s23+$0x0] =	vst.idx.msk $0xffff, v4  }
0x2a5: {  	v36 =	vor.u32 $0x1A, v47;
	v15 =	vld [tilespmem:$0x1FFA0];
	v3 =	vshll.u32 v8, $0x10;
	v0 =	vpack.i.f32.bf16 v34, v0;
	[tilespmem:v31+s23+$0x0] =	vst.idx.msk $0xffff, v6  }
0x2a6: {  	v62 =	vor.u32 $0x1E, v48;
	v13 =	vld [tilespmem:$0x1FF80];
	v8 =	vand.u32 $0xFFFF0000, v8;
	v3 =	vmul.f32 v3, v43;
	[tilespmem:v2+s23+$0x0] =	vst.idx.msk $0xffff, v0  }
0x2a7: {  	v4 =	vor.u32 $0x18, v47;
	v7 =	vmul.f32 v8, v43;
	v8 =	vand.u32 $0xFFFF0000, v45;
	v5 =	vld.idx.msk [tilespmem:v5+s30+$0x0], $0xffff  }
0x2a8: {  	v9 =	vor.u32 $0x1A, v48;
	v10 =	vpack.i.f32.bf16 v57, v54;
	v6 =	vshll.u32 v45, $0x10;
	v54 =	vld.idx.msk [tilespmem:v37+s30+$0x0], $0xffff  }
0x2a9: {  	v2 =	vadd.f32 v6, v3;
	v3 =	vadd.f32 v8, v7;
	v7 =	vpack.i.f32.bf16 v56, v55;
	v55 =	vld.idx.msk [tilespmem:v38+s28+$0x0], $0xffff  }
0x2aa: {  	v28 =	vor.u32 $0x1D, v47;
	v29 =	vor.u32 $0x1D, v48;
	v0 =	vor.u32 $0x19, v48;
	v58 =	vld.idx.msk [tilespmem:v41+s30+$0x0], $0xffff  }
0x2ab: {  	v43 =	vor.u32 s31, v11;
	v34 =	vor.u32 s31, v16;
	v6 =	vor.u32 $0x19, v47;
	v57 =	vld.idx.msk [tilespmem:v40+s28+$0x0], $0xffff  }
0x2ac: {  	v8 =	vpack.i.f32.bf16 v53, v44;
	v45 =	vor.u32 s31, v15;
	v53 =	vor.u32 s31, v13;
	v44 =	vld.idx.msk [tilespmem:v36+s28+$0x0], $0xffff  }
0x2ad: {  	v48 =	vor.u32 $0x1F, v48;
	v2 =	vpack.i.f32.bf16 v3, v2;
	v3 =	vor.u32 s31, v14;
	v4 =	vld.idx.msk [tilespmem:v4+s28+$0x0], $0xffff  }
0x2ae: {  	v9 =	vld.idx.msk [tilespmem:v9+s30+$0x0], $0xffff;
	v39 =	vshll.u32 v5, $0x10;
	v5 =	vand.u32 $0xFFFF0000, v5;
	v36 =	vshll.u32 v54, $0x10  }
0x2af: {  	v0 =	vld.idx.msk [tilespmem:v0+s30+$0x0], $0xffff;
	v37 =	vshll.u32 v55, $0x10;
	v54 =	vand.u32 $0xFFFF0000, v54;
	v38 =	vshll.u32 v58, $0x10  }
0x2b0: {  	v40 =	vand.u32 $0xFFFF0000, v58;
	v42 =	vshll.u32 v57, $0x10;
	v56 =	vmul.f32 v39, v46  }
0x2b1: {  	v6 =	vld.idx.msk [tilespmem:v6+s28+$0x0], $0xffff;
	v58 =	vor.u32 s15, v14;
	v5 =	vmul.f32 v5, v46;
	v61 =	vmul.f32 v36, v46  }
0x2b2: {  	v54 =	vmul.f32 v54, v46;
	v39 =	vand.u32 $0xFFFF0000, v55;
	v41 =	vmul.f32 v38, v46  }
0x2b3: {  	v55 =	vmul.f32 v40, v46;
	v38 =	vor.u32 s31, v63;
	v12 =	vshll.u32 v4, $0x10  }
0x2b4: {  	v33 =	vshll.u32 v9, $0x10;
	v30 =	vshll.u32 v0, $0x10;
	v0 =	vand.u32 $0xFFFF0000, v0  }
0x2b5: {  	v9 =	vand.u32 $0xFFFF0000, v9;
	v56 =	vadd.f32 v12, v56;
	v12 =	vld [tilespmem:$0x1FF70];
	v0 =	vmul.f32 v0, v46  }
0x2b6: {  	v9 =	vmul.f32 v9, v46;
	v32 =	vshll.u32 v6, $0x10;
	v6 =	vand.u32 $0xFFFF0000, v6  }
0x2b7: {  	v59 =	vld.idx.msk [tilespmem:v29+s30+$0x0], $0xffff;
	v0 =	vadd.f32 v6, v0;
	v6 =	vshll.u32 v44, $0x10;
	v44 =	vand.u32 $0xFFFF0000, v44  }
0x2b8: {  	v4 =	vand.u32 $0xFFFF0000, v4;
	v9 =	vadd.f32 v44, v9;
	v44 =	vadd.f32 v37, v61;
	v37 =	vld [tilespmem:$0x1FFE0]  }
0x2b9: {  	[tilespmem:v3+s23+$0x0] =	vst.idx.msk $0xffff, v51;
	v4 =	vadd.f32 v4, v5;
	v5 =	vor.u32 $0x1E, v47;
	v35 =	vmul.f32 v33, v46  }
0x2ba: {  	v3 =	vld.idx.msk [tilespmem:v28+s28+$0x0], $0xffff;
	v51 =	vadd.f32 v39, v54;
	v31 =	vmul.f32 v30, v46;
	v60 =	vor.u32 s31, v12  }
0x2bb: {  	v63 =	vor.u32 s15, v63;
	[tilespmem:v34+s23+$0x0] =	vst.idx.msk $0xffff, v50;
	v34 =	vadd.f32 v42, v41;
	v6 =	vadd.f32 v6, v35  }
0x2bc: {  	[tilespmem:v43+s23+$0x0] =	vst.idx.msk $0xffff, v49;
	v39 =	vld.idx.msk [tilespmem:v62+s30+$0x0], $0xffff;
	v4 =	vpack.i.f32.bf16 v4, v56;
	v56 =	vadd.f32 v32, v31  }
0x2bd: {  	[tilespmem:v45+s23+$0x0] =	vst.idx.msk $0xffff, v52;
	v61 =	vand.u32 $0xFFFF0000, v57;
	v6 =	vpack.i.f32.bf16 v9, v6;
	v9 =	vor.u32 s31, v37  }
0x2be: {  	[tilespmem:v53+s23+$0x0] =	vst.idx.msk $0xffff, v7;
	v36 =	vadd.f32 v61, v55;
	v0 =	vpack.i.f32.bf16 v0, v56;
	v55 =	vor.u32 $0x1F, v47  }
0x2bf: {  	v5 =	vld.idx.msk [tilespmem:v5+s28+$0x0], $0xffff;
	v56 =	vshll.u32 v59, $0x10;
	[tilespmem:v60+s23+$0x0] =	vst.idx.msk $0xffff, v8;
	v8 =	vand.u32 $0xFFFF0000, v59;
	v59 =	vor.u32 s15, v16  }
0x2c0: {  	v7 =	vshll.u32 v3, $0x10;
	v60 =	vor.u32 s15, v11;
	[tilespmem:v38+s23+$0x0] =	vst.idx.msk $0xffff, v10;
	v10 =	vld.idx.msk [tilespmem:v48+s30+$0x0], $0xffff;
	v8 =	vmul.f32 v8, v46  }
0x2c1: {  	v3 =	vand.u32 $0xFFFF0000, v3;
	v62 =	vand.u32 $0xFFFF0000, v39;
	v43 =	vmul.f32 v56, v46  }
0x2c2: {  	v44 =	vpack.i.f32.bf16 v51, v44;
	v3 =	vadd.f32 v3, v8;
	[tilespmem:v9+s23+$0x0] =	vst.idx.msk $0xffff, v2;
	v9 =	vor.u32 s15, v15  }
0x2c3: {  	v61 =	vld.idx.msk [tilespmem:v55+s28+$0x0], $0xffff;
	[tilespmem:v58+s23+$0x0] =	vst.idx.msk $0xffff, v4;
	v8 =	vor.u32 s15, v13;
	v2 =	vadd.f32 v7, v43;
	v7 =	vshll.u32 v39, $0x10  }
0x2c4: {  	v34 =	vpack.i.f32.bf16 v36, v34;
	v4 =	vshll.u32 v5, $0x10;
	[tilespmem:v59+s23+$0x0] =	vst.idx.msk $0xffff, v0;
	v7 =	vmul.f32 v7, v46  }
0x2c5: {  	v5 =	vand.u32 $0xFFFF0000, v5;
	[tilespmem:v60+s23+$0x0] =	vst.idx.msk $0xffff, v6;
	v6 =	vshll.u32 v10, $0x10;
	v10 =	vand.u32 $0xFFFF0000, v10  }
0x2c6: {  	v0 =	vadd.f32 v4, v7;
	v4 =	vmul.f32 v62, v46;
	v7 =	vor.u32 s15, v12  }
0x2c7: {  	s14 =	sadd.s32 $0x2, s14;
	v6 =	vmul.f32 v6, v46;
	[tilespmem:v9+s23+$0x0] =	vst.idx.msk $0xffff, v44;
	v9 =	vmul.f32 v10, v46;
	v10 =	vor.u32 s15, v37  }
0x2c8: {  	p1 =	slt.u32 s14, $0x4E;
	v4 =	vadd.f32 v5, v4;
	v5 =	vshll.u32 v61, $0x10;
	[tilespmem:v8+s23+$0x0] =	vst.idx.msk $0xffff, v34;
	v8 =	vand.u32 $0xFFFF0000, v61  }
.Ltmp4:
0x2c9: {  	v2 =	vpack.i.f32.bf16 v3, v2;
	v3 =	vadd.f32 v5, v6;
	v5 =	vadd.f32 v8, v9;
	(pc) =	sbr.rel @p1 .LBB2_7-.Ltmp4, $4  }
0x2ca: {  	_ = 	snop  }
0x2cb: {  	v0 =	vpack.i.f32.bf16 v4, v0;
	[tilespmem:v7+s23+$0x0] =	vst.idx.msk $0xffff, v2  }
0x2cc: {  	s17 =	sadd.s32 $0x20, s17;
	v34 =	vmov v24;
	v6 =	vmov v19;
	[tilespmem:v63+s23+$0x0] =	vst.idx.msk $0xffff, v0;
	v0 =	vpack.i.f32.bf16 v5, v3  }
0x2cd: {  	s21 =	sadd.s32 $0x20, s21;
	s16 =	sadd.s32 $0x20, s16;
	s15 =	sadd.s32 $0x400, s15;
	v7 =	vmovc v20;
	v9 =	vmovc v22;
	v8 =	vmov v21;
	[tilespmem:v10+s23+$0x0] =	vst.idx.msk $0xffff, v0;
	v10 =	vmov v23;
	v5 =	vmov v18  }
.Ltmp5:
0x2ce: {  	(pc) =	sbr.rel @p0 .LBB2_10-.Ltmp5, $4  }
0x2cf: {  	s13 =	sshll.u32 s13, $0x2  }
0x2d0: {  	s13 =	sand.u32 $0x1FFFFC00, s13  }
0x2d1: {  	s13 =	sadd.s32 s2, s13  }
0x2d2: {  	[hbm4b:s13+s4] =	stream.linear.scatter [tilespmem:s23], [sflag:$0x4], $0xA000, $0x38;
	[tilespmem:$0x18D00] =	vst v63  }
0x2d3: {  	s12 =	sadd.s32 s12, s20  }
0x2d4: {  	s12 =	sshrl.u32 s12, $0x3  }
0x2d5: {  	s13 =	sadd.s32 s5, s12  }
0x2d6: {  	[tilespmem:s24], [sflag:$0x2] =	stream.linear.gather [hbm4b:s13+s4], $0x500, $0x38;
	[tilespmem:$0x18D00] =	vst v63  }
.Ltmp6:
0x2d7: {  	_ = 	snop;
	(pc) =	sbr.rel .LBB2_2-.Ltmp6, $4  }
0x2d8: {  	v0 =	vld [tilespmem:$0x1FFC0];
	s31 =	sadd.s32 s6, s12  }
0x2d9: {  	v3 =	vld [tilespmem:$0x1FFD0];
	[tilespmem:s25], [sflag:$0x2] =	stream.linear.gather [hbm4b:s31+s4], $0x500, $0x38  }
0x2da: {  	s10 =	sadd.s32 $0x1, s10;
	v63 =	vld [tilespmem:$0x1FF30];
	s12 =	sadd.s32 s7, s12  }
0x2db: {  	v4 =	vld [tilespmem:$0x1FDD0];
	[tilespmem:s26], [sflag:$0x2] =	stream.linear.gather [hbm4b:s12+s4], $0x500, $0x38  }
.LBB2_11:
0x2dc: {  	_ =	sfence.sel $0x180000  }
0x2dd: {  	[bflag:$0x0] =	sbarrier.arrive $0xFFFF  }
0x2de: {  	_ =	strace $0x90000047  }
0x2df: {  	s0 =	stileid.u32;
	[bflag:$0x2] =	sbarrier.arrive $0xFFFF  }
0x2e0: {  	p0 =	sne.s32 s0, $0x0;
	s0 =	rddreg [dreg:$0x2]  }
0x2e1: {  	s0 =	sadd.s32 @!p0 $0x100000, s0  }
0x2e2: {  	[sflag:s0] =	ssyncadd.tile.s32 @!p0 $0x1;
	_ =	shalt  }
.Lfunc_end2:
_tile_overlayer_lowered:
.L_overlay_start_2:
0x2e3: {  	(tag) =	ssettag $0x2  }
0x2e4: {  	s0 =	rddreg [dreg:$0x0];
	s2 =	stileid.u32  }
0x2e5: {  	s1 =	rddreg [dreg:$0x1];
	p0 =	sne.s32 s2, $0x0  }
0x2e6: {  	s3 =	rddreg [dreg:$0x2];
	[bflag:$0x3] =	sbarrier.arrive $0xFFFF;
	s2 =	simm.s32 @!p0 $0x1C05  }
0x2e7: {  	[timem:s3], [sflag:s2] =	dma.local @!p0 [hbm:s0], s1  }
0x2e8: {  	s0 =	simm.s32 @!p0 $0x5  }
0x2e9: {  	_ =	swait.ge @!p0 [sflag:s0], s1  }
0x2ea: {  	s1 =	ssub.s32 @!p0 $0x0, s1;
	[sflag:s0] =	ssyncset.done @!p0 $0x0  }
0x2eb: {  	[sflag:s0] =	ssyncadd.s32 @!p0 s1  }
0x2ec: {  	[bflag:$0x3] =	sbarrier.arrive $0xFFFF  }
0x2ed: {  	_ =	shalt  }

// kernel: sparse-core-data-format-call.1.cloned.1.call-start
scs
called_computation.1_lowered:
.L_overlay_start_0:
0x0: {  	s2 =	sld [smem:$0x3FD9]  }
0x1: {  	s3 =	sld [smem:$0x3FFE];
	_ =	sdelay $0x1  }
0x2: {  	s1 =	srdreg.scid  }
0x3: {  	s0 =	sand.u32 $0x1, s1  }
0x4: {  	s18 =	sshll.u32 s0, $0xA;
	s2 =	sadd.s32 s3, s2  }
0x5: {  	s2 =	sadd.s32 s2, s18  }
0x6: {  	[smem:$0x3FBD] =	sst s2  }
0x7: {  	_ = 	snop  }
0x8: {  	(tm) =	ssettm $0x1  }
0x9: {  	s19 =	sld [smem:$0x3FFB];
	_ =	sdelay $0x3  }
0xa: {  	_ =	strace s19  }
0xb: {  	s2 =	sld [smem:$0x3FFC];
	_ =	sdelay $0x3  }
0xc: {  	_ =	strace s2  }
0xd: {  	s2 =	sld [smem:$0x3FFD];
	_ =	sdelay $0x3  }
0xe: {  	_ =	strace s2  }
0xf: {  	_ =	strace $0x8FFFFFFF  }
0x10: {  	s20 =	sld [smem:$0x3FDB];
	_ =	sdelay $0x1  }
0x11: {  	s21 =	simm.s32 $_scs_section_size  }
0x12: {  	s4 =	simm.s32 $_size__tile_overlayer_lowered;
	s5 =	simm.s32 $_tile_overlayer_lowered  }
0x13: {  	s6 =	simm.s32 $0x1BFF;
	s22 =	sshll.u32 s5, $0x1;
	s3 =	sadd.s32 s21, s20  }
0x14: {  	s23 =	simm.s32 $0x0;
	s4 =	sshll.u32 s4, $0x1;
	s5 =	sadd.s32 s22, s3  }
0x15: {  	[timem:s23], [sflag:s6] =	dma.local [hbm:s5], s4  }
0x16: {  	_ =	swait.ge [sflag:s6], s4  }
0x17: {  	s4 =	ssub.s32 $0x0, s4;
	[sflag:s6] =	ssyncset.done $0x0  }
0x18: {  	[sflag:s6] =	ssyncadd.s32 s4;
	_ =	sdelay $0x1  }
0x19: {  	s24 =	simm.s32 $0x1B8B  }
0x1a: {  	_ =	swait.ge [sflag:s24], $0x1  }
0x1b: {  	[sflag:s24] =	ssyncset.done $0x0  }
0x1c: {  	[sflag:s24] =	ssyncadd.s32 $0xFFFFFFFF  }
0x1d: {  	s4 =	sld [smem:$0x0]  }
0x1e: {  	s5 =	sand.u32 $0xFFFFFFFE, s1  }
0x1f: {  	p0 =	sne.s32 s1, s5  }
0x20: {  	s5 =	sshll.u32 @p0 s5, $0xE  }
0x21: {  	s5 =	sadd.s32 @p0 $0x11B8D, s5;
	s6 =	sshll.u32 @p0 s4, $0x11  }
0x22: {  	s5 =	sor.u32 @p0 s6, s5  }
0x23: {  	[sflag:s5] =	ssyncadd.remote.s32 @p0 $0x1;
	_ =	sdelay $0x1  }
0x24: {  	s5 =	simm.s32 @p0 $0x1B8D  }
0x25: {  	_ =	swait.eq @p0 [sflag:s5], $0x1  }
0x26: {  	[sflag:s5] =	ssyncadd.s32 @p0 $0xFFFFFFFF  }
0x27: {  	s6 =	sshll.u32 @!p0 s1, $0xE  }
0x28: {  	s6 =	sor.u32 @!p0 $0x4000, s6;
	s5 =	simm.s32 @!p0 $0x1B8D  }
0x29: {  	s4 =	sshll.u32 @!p0 s4, $0x11;
	s6 =	sadd.s32 @!p0 $0x11B8D, s6;
	_ =	swait.eq @!p0 [sflag:s5], $0x1  }
0x2a: {  	s4 =	sor.u32 @!p0 s4, s6;
	[sflag:s5] =	ssyncadd.s32 @!p0 $0xFFFFFFFF  }
0x2b: {  	s26 =	simm.s32 $0x1B8E;
	s25 =	sld [smem:$0x3FFE];
	[sflag:s4] =	ssyncadd.remote.s32 @!p0 $0x1  }
0x2c: {  	s27 =	simm.s32 $execute0_lowered;
	[smem:$0x3FD2] =	sst s26  }
0x2d: {  	s5 =	sshll.u32 s27, $0x1;
	_ =	strace $0x8000004C;
	[dreg:$0x1] =	wrdreg $0xFFFFFFFF  }
0x2e: {  	s28 =	simm.s32 $_size_execute0_lowered;
	s3 =	sadd.s32 s3, s5;
	[dreg:$0x0] =	wrdreg $0x0  }
0x2f: {  	s5 =	sshll.u32 s28, $0x1;
	[dreg:$0x2] =	wrdreg s3  }
0x30: {  	[dreg:$0x3] =	wrdreg s5  }
0x31: {  	[dreg:$0x4] =	wrdreg $0xC0  }
0x32: {  	_ =	task [dreg:s23], $0x5FFFF  }
0x33: {  	[dreg:$0x1] =	wrdreg $0xFFFFFFFF  }
0x34: {  	[dreg:$0x0] =	wrdreg $0x60  }
0x35: {  	[dreg:$0x2] =	wrdreg s25  }
0x36: {  	[dreg:$0x3] =	wrdreg $0xA  }
0x37: {  	_ =	task.clear_ibuf [dreg:s23], $0x4FFFF;
	_ =	strace $0x9000004C  }
0x38: {  	s29 =	simm.s32 $0xA;
	_ =	strace $0x8000004E  }
0x39: {  	_ =	swait.ge [sflag:s29], $0x1  }
0x3a: {  	[sflag:s29] =	ssyncadd.s32 $0xFFFFFFFF  }
0x3b: {  	_ =	strace $0x9000004E  }
0x3c: {  	_ =	sfence  }
0x3d: {  	s30 =	sld [smem:$0x0];
	_ =	sdelay $0x2  }
0x3e: {  	s31 =	sshll.u32 s1, $0xD;
	s1 =	sshrl.u32 s1, $0x2  }
0x3f: {  	s4 =	sand.u32 $0x4000, s31;
	s1 =	sadd.s32 s1, s30  }
0x40: {  	s0 =	sor.u32 s4, s0;
	s1 =	sshll.u32 s1, $0x11  }
0x41: {  	s0 =	sor.u32 s1, s0  }
0x42: {  	s0 =	sadd.s32 $0x8F2B, s0  }
0x43: {  	[sflag:s0] =	ssyncadd.remote.s32 $0x1  }
0x44: {  	_ =	sfence.sel $0xFFFF  }
0x45: {  	[dreg:$0x0] =	wrdreg $0xFFFFFFFF;
	(pc) =	sbr.abs _section_cstart, $3  }
0x46: {  	[dreg:$0x1] =	wrdreg $0xFFFFFFFF  }
0x47: {  	_ =	task.clear_ibuf [dreg:s23], $0x2FFFF;
	_ =	strace $0x9FFFFFFF  }
0x48: {  	(tm) =	ssettm $0x7FFFFFFF  }
0x49: {  	_ =	shalt  }
tec
execute0_lowered:
.L_overlay_start_1:
0x0: {  	(tag) =	ssettag $0x1  }
0x1: {  	s0 =	srdreg.scid  }
0x2: {  	s1 =	sshll.u32 s0, $0x4  }
0x3: {  	s0 =	stileid.u32;
	s1 =	sand.u32 $0x10, s1  }
0x4: {  	s1 =	sor.u32 s0, s1  }
0x5: {  	s4 =	simm.s32 $0x1;
	s2 =	sshll.u32 s1, $0x7  }
0x6: {  	s7 =	simm.s32 $0x2;
	s12 =	simm.s32 $0x0;
	s1 =	ssub.s32 $0x4000, s2  }
0x7: {  	s8 =	simm.s32 $0x20000;
	s13 =	simm.s32 $0x0;
	s3 =	sand.u32 $0xF80, s1  }
0x8: {  	s9 =	simm.s32 $0x0;
	s5 =	sshrl.u32 s1, $0xC;
	p0 =	sne.s32 s3, $0x0  }
.Ltmp0:
0x9: {  	s1 =	rddreg [dreg:$0x1];
	s4 =	simm.s32 @!p0 $0x0;
	(pc) =	sbr.rel .LBB1_1-.Ltmp0, $4  }
0xa: {  	s11 =	simm.s32 $0x0;
	s3 =	rddreg [dreg:$0x0];
	s5 =	sadd.s32 s4, s5  }
0xb: {  	_ =	strace $0x8000004D;
	s4 =	simm.s32 $0x1;
	s5 =	smul.u32 $0x32, s5  }
0xc: {  	s10 =	smov.u32 s2;
	s6 =	sadd.s32 $0x1440000, s3;
	[sflag:s4] =	ssyncpa.u1 $0x0  }
0xd: {  	p0 =	por $0x0, $0x0;
	[sflag:s7] =	ssyncpa.u1 $0x0;
	s7 =	sor.u32 $0x1, s5  }
.LBB1_4:
0xe: {  	s16 =	sshll.u32 s13, $0x3;
	s17 =	sand.u32 $0x78, s13  }
0xf: {  	s30 =	sand.u32 $0xF800, s13;
	s12 =	sshll.u32 s12, $0x10;
	s16 =	sand.u32 $0x3C00, s16  }
0x10: {  	s31 =	sand.u32 $0x7, s13;
	s16 =	sor.u32 s17, s16;
	s17 =	sadd.s32 s3, s30  }
0x11: {  	s13 =	sshll.u32 s31, $0x12;
	s16 =	sshrl.u32 s16, $0x3;
	s12 =	sadd.s32 s12, s17  }
0x12: {  	[tilespmem:s15+$0x0 ss:$0x81] =	vst.msk $0xffff, v0;
	s13 =	sor.u32 $0x400, s13;
	s12 =	sadd.s32 s16, s12  }
0x13: {  	[hbm4b:s12+s13] =	stream.strided.scatter [tilespmem:s14], [sflag:$0x2], $0x1000, s8, s13, $0x20;
	[tilespmem:$0x4040] =	vst v63  }
.LBB1_5:
0x14: {  	s14 =	sadd.s32 $0x1, s9  }
0x15: {  	s12 =	sadd.s32 $0x1000, s10;
	s16 =	smov.u32 s10;
	p2 =	sgt.s32 s14, $0x31  }
0x16: {  	s16 =	smov.u32 @p2 s12  }
0x17: {  	s14 =	simm.s32 @p2 $0x0;
	p2 =	sgt.s32 s16, $0x3FFF  }
0x18: {  	s16 =	smov.u32 @p2 s2;
	p2 =	sne.s32 s11, s7  }
.Ltmp1:
0x19: {  	p1 =	slt.u32 s11, $0x2;
	(pc) =	sbr.rel @!p2 .LBB1_6-.Ltmp1, $4  }
0x1a: {  	s15 =	simm.s32 @!p1 $0x2  }
0x1b: {  	s13 =	smov.u32 s10;
	p0 =	por !p0, !p0;
	_ =	swait.ge @!p1 [sflag:s15], $0x1000  }
0x1c: {  	s12 =	smov.u32 s9;
	[sflag:s15] =	ssyncset.done @!p1 $0x0;
	s9 =	smov.u32 s14  }
0x1d: {  	s11 =	sadd.s32 $0x1, s11;
	[sflag:s15] =	ssyncadd.s32 @!p1 $0xFFFFF000;
	s10 =	smov.u32 s16  }
.LBB1_1:
0x1e: {  	p1 =	sge.u32 s11, s5  }
0x1f: {  	s14 =	sand.u32 @!p1 $0x1FFFFFF, s9  }
0x20: {  	s15 =	smulhi.u32 @!p1 $0x4924925, s14;
	_ =	sdelay $0x1  }
0x21: {  	s15 =	smul.u32 @!p1 $0x38, s15  }
0x22: {  	s16 =	sxor.u32 @!p1 $0xFFFFFFFF, s11;
	s17 =	smul.u32 @!p1 $0x380, s10  }
0x23: {  	s31 =	sadd.s32 $0xFFFFFFFF, s11;
	s16 =	sshll.u32 @!p1 s16, $0xC;
	s14 =	ssub.s32 @!p1 s14, s15  }
0x24: {  	s15 =	sand.u32 @!p1 $0x1000, s16;
	s16 =	sadd.s32 @!p1 s6, s17;
	s14 =	sshll.u32 @!p1 s14, $0x4  }
0x25: {  	s17 =	simm.s32 @!p1 $0x1C00;
	s14 =	sadd.s32 @!p1 s14, s16;
	s16 =	simm.s32 @!p1 $0x20  }
0x26: {  	[tilespmem:s15], [sflag:$0x1] =	stream.strided.gather @!p1 [hbm4b:s14+s16], $0x1000, s17, s16, $0x38;
	[tilespmem:$0x4040] =	vst v63  }
0x27: {  	p1 =	sge.u32 s31, s5  }
.Ltmp2:
0x28: {  	_ = 	snop;
	(pc) =	sbr.rel @p1 .LBB1_5-.Ltmp2, $1  }
0x29: {  	_ =	sdelay $0x3  }
0x2a: {  	s14 =	simm.s32 $0x1  }
0x2b: {  	_ =	swait.ge [sflag:s4], $0x1000;
	s14 =	simm.s32 @!p0 $0x0  }
0x2c: {  	[sflag:s4] =	ssyncset.done $0x0;
	s15 =	sshll.u32 s14, $0xC  }
0x2d: {  	[sflag:s4] =	ssyncadd.s32 $0xFFFFF000;
	s18 =	sor.u32 $0x10, s15  }
0x2e: {  	s14 =	smul.u32 $0x4080, s14;
	v1 =	vld [tilespmem:s18+$0x0]  }
0x2f: {  	s30 =	sand.u32 $0x1, s11;
	v0 =	vld [tilespmem:s18+$0xFFFFFFF0]  }
0x30: {  	s15 =	smul.u32 $0x4080, s30;
	s14 =	sshrl.u32 s14, $0x2  }
0x31: {  	s16 =	sor.u32 $0x2000, s14  }
0x32: {  	s31 =	sshrl.u32 s15, $0x2;
	s15 =	sadd.s32 $0x0, s16  }
0x33: {  	s17 =	simm.s32 $0x4;
	s18 =	sadd.s32 $0x20, s18;
	s14 =	sor.u32 $0x2000, s31;
	[tilespmem:s15+$0x810 ss:$0x81] =	vst.msk $0xffff, v1  }
.LBB1_3:
0x34: {  	v1 =	vld [tilespmem:s18+$0x0];
	p1 =	sne.s32 s17, $0x1FC;
	[tilespmem:s15+$0x0 ss:$0x81] =	vst.msk $0xffff, v0;
	s15 =	smov.u32 s17;
	s17 =	sadd.s32 $0x4, s17  }
.Ltmp3:
0x35: {  	v0 =	vld [tilespmem:s18+$0xFFFFFFF0];
	(pc) =	sbr.rel @p1 .LBB1_3-.Ltmp3, $4  }
0x36: {  	_ = 	snop  }
0x37: {  	s15 =	sshra.s32 s15, $0x2  }
0x38: {  	s15 =	sadd.s32 s15, s16  }
0x39: {  	s18 =	sadd.s32 $0x20, s18;
	[tilespmem:s15+$0x810 ss:$0x81] =	vst.msk $0xffff, v1  }
.Ltmp4:
0x3a: {  	_ = 	snop;
	(pc) =	sbr.rel .LBB1_4-.Ltmp4, $1  }
0x3b: {  	_ =	sdelay $0x3  }
.LBB1_6:
0x3c: {  	_ =	sfence.sel $0x180000  }
0x3d: {  	s2 =	simm.s32 $0x1;
	[bflag:$0x0] =	sbarrier.arrive $0xFFFF  }
0x3e: {  	s31 =	simm.s32 $0x2;
	[sflag:s2] =	ssyncpa.u1 $0x1  }
0x3f: {  	[sflag:s31] =	ssyncpa.u1 $0x1  }
0x40: {  	p0 =	sne.s32 s0, $0x0;
	_ =	strace $0x9000004D  }
0x41: {  	s0 =	sadd.s32 @!p0 $0x100000, s1;
	[bflag:$0x2] =	sbarrier.arrive $0xFFFF  }
0x42: {  	[sflag:s0] =	ssyncadd.tile.s32 @!p0 $0x1;
	_ =	shalt  }
.Lfunc_end1:
_tile_overlayer_lowered:
.L_overlay_start_2:
0x43: {  	(tag) =	ssettag $0x2  }
0x44: {  	s0 =	rddreg [dreg:$0x0];
	s2 =	stileid.u32  }
0x45: {  	s1 =	rddreg [dreg:$0x1];
	p0 =	sne.s32 s2, $0x0  }
0x46: {  	s3 =	rddreg [dreg:$0x2];
	[bflag:$0x3] =	sbarrier.arrive $0xFFFF;
	s2 =	simm.s32 @!p0 $0x1C01  }
0x47: {  	[timem:s3], [sflag:s2] =	dma.local @!p0 [hbm:s0], s1  }
0x48: {  	s0 =	simm.s32 @!p0 $0x1  }
0x49: {  	_ =	swait.ge @!p0 [sflag:s0], s1  }
0x4a: {  	s1 =	ssub.s32 @!p0 $0x0, s1;
	[sflag:s0] =	ssyncset.done @!p0 $0x0  }
0x4b: {  	[sflag:s0] =	ssyncadd.s32 @!p0 s1  }
0x4c: {  	[bflag:$0x3] =	sbarrier.arrive $0xFFFF  }
0x4d: {  	_ =	shalt  }

// kernel: sparse-core-data-format-call.cloned.1.call-start
scs
called_computation_lowered:
.L_overlay_start_0:
0x0: {  	s1 =	sld [smem:$0x3FD9]  }
0x1: {  	s2 =	sld [smem:$0x3FFE];
	_ =	sdelay $0x1  }
0x2: {  	s3 =	srdreg.scid  }
0x3: {  	s0 =	sand.u32 $0x1, s3  }
0x4: {  	s17 =	sshll.u32 s0, $0xA;
	s1 =	sadd.s32 s2, s1  }
0x5: {  	s1 =	sadd.s32 s1, s17  }
0x6: {  	[smem:$0x3FBD] =	sst s1  }
0x7: {  	_ = 	snop  }
0x8: {  	(tm) =	ssettm $0x1  }
0x9: {  	s18 =	sld [smem:$0x3FFB];
	_ =	sdelay $0x3  }
0xa: {  	_ =	strace s18  }
0xb: {  	s1 =	sld [smem:$0x3FFC];
	_ =	sdelay $0x3  }
0xc: {  	_ =	strace s1  }
0xd: {  	s1 =	sld [smem:$0x3FFD];
	_ =	sdelay $0x3  }
0xe: {  	_ =	strace s1  }
0xf: {  	_ =	strace $0x8FFFFFFF  }
0x10: {  	s19 =	sld [smem:$0x3FDB];
	_ =	sdelay $0x1  }
0x11: {  	s20 =	simm.s32 $_scs_section_size  }
0x12: {  	s4 =	simm.s32 $_size__tile_overlayer_lowered;
	s5 =	simm.s32 $_tile_overlayer_lowered  }
0x13: {  	s23 =	simm.s32 $0x1BFF;
	s22 =	sshll.u32 s5, $0x1;
	s1 =	sadd.s32 s20, s19  }
0x14: {  	s6 =	simm.s32 $0x0;
	s21 =	sshll.u32 s4, $0x1;
	s4 =	sadd.s32 s22, s1  }
0x15: {  	[timem:s6], [sflag:s23] =	dma.local [hbm:s4], s21  }
0x16: {  	_ =	swait.ge [sflag:s23], s21  }
0x17: {  	s2 =	ssub.s32 $0x0, s21;
	[sflag:s23] =	ssyncset.done $0x0  }
0x18: {  	[sflag:s23] =	ssyncadd.s32 s2;
	_ =	sdelay $0x1  }
0x19: {  	s24 =	simm.s32 $0x1B8B  }
0x1a: {  	_ =	swait.ge [sflag:s24], $0x1  }
0x1b: {  	[sflag:s24] =	ssyncset.done $0x0  }
0x1c: {  	s26 =	simm.s32 $0x1B8E;
	s25 =	sld [smem:$0x3FFE];
	[sflag:s24] =	ssyncadd.s32 $0xFFFFFFFF  }
0x1d: {  	s27 =	simm.s32 $execute0_lowered;
	[smem:$0x3FD2] =	sst s26  }
0x1e: {  	s4 =	sshll.u32 s27, $0x1;
	_ =	strace $0x80000049;
	[dreg:$0x1] =	wrdreg $0xFFFFFFFF  }
0x1f: {  	s28 =	simm.s32 $_size_execute0_lowered;
	s1 =	sadd.s32 s1, s4;
	[dreg:$0x0] =	wrdreg $0x0  }
0x20: {  	s4 =	sshll.u32 s28, $0x1;
	[dreg:$0x2] =	wrdreg s1  }
0x21: {  	[dreg:$0x3] =	wrdreg s4  }
0x22: {  	[dreg:$0x4] =	wrdreg $0xC0  }
0x23: {  	_ =	task [dreg:s6], $0x5FFFF  }
0x24: {  	[dreg:$0x1] =	wrdreg $0xFFFFFFFF  }
0x25: {  	[dreg:$0x0] =	wrdreg $0x60  }
0x26: {  	[dreg:$0x2] =	wrdreg s25  }
0x27: {  	[dreg:$0x3] =	wrdreg $0x9  }
0x28: {  	_ =	task.clear_ibuf [dreg:s6], $0x4FFFF;
	_ =	strace $0x90000049  }
0x29: {  	s29 =	simm.s32 $0x9;
	_ =	strace $0x8000004B  }
0x2a: {  	_ =	swait.ge [sflag:s29], $0x1  }
0x2b: {  	[sflag:s29] =	ssyncadd.s32 $0xFFFFFFFF  }
0x2c: {  	_ =	strace $0x9000004B  }
0x2d: {  	_ =	sfence  }
0x2e: {  	s30 =	sld [smem:$0x0];
	_ =	sdelay $0x2  }
0x2f: {  	s31 =	sshll.u32 s3, $0xD;
	s3 =	sshrl.u32 s3, $0x2  }
0x30: {  	s2 =	sand.u32 $0x4000, s31;
	s1 =	sadd.s32 s3, s30  }
0x31: {  	s0 =	sor.u32 s2, s0;
	s1 =	sshll.u32 s1, $0x11  }
0x32: {  	s0 =	sor.u32 s1, s0  }
0x33: {  	s0 =	sadd.s32 $0x8F2B, s0  }
0x34: {  	[sflag:s0] =	ssyncadd.remote.s32 $0x1  }
0x35: {  	_ =	sfence.sel $0xFFFF  }
0x36: {  	[dreg:$0x0] =	wrdreg $0xFFFFFFFF;
	(pc) =	sbr.abs _section_cstart, $3  }
0x37: {  	[dreg:$0x1] =	wrdreg $0xFFFFFFFF  }
0x38: {  	_ =	task.clear_ibuf [dreg:s6], $0x2FFFF;
	_ =	strace $0x9FFFFFFF  }
0x39: {  	(tm) =	ssettm $0x7FFFFFFF  }
tec
execute0_lowered:
.L_overlay_start_1:
0x0: {  	(tag) =	ssettag $0x1  }
0x1: {  	s0 =	srdreg.scid  }
0x2: {  	s1 =	sshll.u32 s0, $0x4  }
0x3: {  	s0 =	stileid.u32;
	s1 =	sand.u32 $0x10, s1  }
0x4: {  	s1 =	sor.u32 s0, s1  }
0x5: {  	s6 =	rddreg [dreg:$0x0];
	s7 =	simm.s32 $0x2;
	s2 =	sshll.u32 s1, $0x7  }
0x6: {  	s12 =	simm.s32 $0x0;
	s8 =	simm.s32 $0x20000;
	s1 =	ssub.s32 $0x4000, s2  }
0x7: {  	s13 =	simm.s32 $0x0;
	s9 =	simm.s32 $0x0;
	s3 =	sand.u32 $0xF80, s1  }
0x8: {  	s11 =	simm.s32 $0x0;
	p0 =	sne.s32 s3, $0x0;
	s3 =	simm.s32 $0x1  }
.Ltmp0:
0x9: {  	s4 =	sshrl.u32 s1, $0xC;
	s3 =	simm.s32 @!p0 $0x0;
	(pc) =	sbr.rel .LBB1_1-.Ltmp0, $4  }
0xa: {  	s5 =	sadd.s32 $0x320000, s6;
	s1 =	rddreg [dreg:$0x1];
	s4 =	sadd.s32 s3, s4  }
0xb: {  	_ =	strace $0x8000004A;
	s3 =	simm.s32 $0x1;
	s4 =	smul.u32 $0x32, s4  }
0xc: {  	s6 =	sadd.s32 $0x1120000, s6;
	s10 =	smov.u32 s2;
	[sflag:s3] =	ssyncpa.u1 $0x0  }
0xd: {  	p0 =	por $0x0, $0x0;
	[sflag:s7] =	ssyncpa.u1 $0x0;
	s7 =	sor.u32 $0x1, s4  }
.LBB1_4:
0xe: {  	s16 =	sshll.u32 s13, $0x3;
	s17 =	sand.u32 $0x78, s13  }
0xf: {  	s30 =	sand.u32 $0xF800, s13;
	s12 =	sshll.u32 s12, $0x10;
	s16 =	sand.u32 $0x3C00, s16  }
0x10: {  	s31 =	sand.u32 $0x7, s13;
	s16 =	sor.u32 s17, s16;
	s17 =	sadd.s32 s6, s30  }
0x11: {  	s13 =	sshll.u32 s31, $0x12;
	s16 =	sshrl.u32 s16, $0x3;
	s12 =	sadd.s32 s12, s17  }
0x12: {  	[tilespmem:s15+$0x0 ss:$0x81] =	vst.msk $0xffff, v0;
	s13 =	sor.u32 $0x400, s13;
	s12 =	sadd.s32 s16, s12  }
0x13: {  	[hbm4b:s12+s13] =	stream.strided.scatter [tilespmem:s14], [sflag:$0x2], $0x1000, s8, s13, $0x20;
	[tilespmem:$0x4040] =	vst v63  }
.LBB1_5:
0x14: {  	s14 =	sadd.s32 $0x1, s9  }
0x15: {  	s12 =	sadd.s32 $0x1000, s10;
	s16 =	smov.u32 s10;
	p2 =	sgt.s32 s14, $0x31  }
0x16: {  	s16 =	smov.u32 @p2 s12  }
0x17: {  	s14 =	simm.s32 @p2 $0x0;
	p2 =	sgt.s32 s16, $0x3FFF  }
0x18: {  	s16 =	smov.u32 @p2 s2;
	p2 =	sne.s32 s11, s7  }
.Ltmp1:
0x19: {  	p1 =	slt.u32 s11, $0x2;
	(pc) =	sbr.rel @!p2 .LBB1_6-.Ltmp1, $4  }
0x1a: {  	s15 =	simm.s32 @!p1 $0x2  }
0x1b: {  	s13 =	smov.u32 s10;
	p0 =	por !p0, !p0;
	_ =	swait.ge @!p1 [sflag:s15], $0x1000  }
0x1c: {  	s12 =	smov.u32 s9;
	[sflag:s15] =	ssyncset.done @!p1 $0x0;
	s9 =	smov.u32 s14  }
0x1d: {  	s11 =	sadd.s32 $0x1, s11;
	[sflag:s15] =	ssyncadd.s32 @!p1 $0xFFFFF000;
	s10 =	smov.u32 s16  }
.LBB1_1:
0x1e: {  	p1 =	sge.u32 s11, s4  }
0x1f: {  	s14 =	sand.u32 @!p1 $0x1FFFFFF, s9  }
0x20: {  	s15 =	smulhi.u32 @!p1 $0x4924925, s14;
	_ =	sdelay $0x1  }
0x21: {  	s15 =	smul.u32 @!p1 $0x38, s15  }
0x22: {  	s16 =	sxor.u32 @!p1 $0xFFFFFFFF, s11;
	s17 =	smul.u32 @!p1 $0x380, s10  }
0x23: {  	s31 =	sadd.s32 $0xFFFFFFFF, s11;
	s16 =	sshll.u32 @!p1 s16, $0xC;
	s14 =	ssub.s32 @!p1 s14, s15  }
0x24: {  	s15 =	sand.u32 @!p1 $0x1000, s16;
	s16 =	sadd.s32 @!p1 s5, s17;
	s14 =	sshll.u32 @!p1 s14, $0x4  }
0x25: {  	s17 =	simm.s32 @!p1 $0x1C00;
	s14 =	sadd.s32 @!p1 s14, s16;
	s16 =	simm.s32 @!p1 $0x20  }
0x26: {  	[tilespmem:s15], [sflag:$0x1] =	stream.strided.gather @!p1 [hbm4b:s14+s16], $0x1000, s17, s16, $0x38;
	[tilespmem:$0x4040] =	vst v63  }
0x27: {  	p1 =	sge.u32 s31, s4  }
.Ltmp2:
0x28: {  	_ = 	snop;
	(pc) =	sbr.rel @p1 .LBB1_5-.Ltmp2, $1  }
0x29: {  	_ =	sdelay $0x3  }
0x2a: {  	s14 =	simm.s32 $0x1  }
0x2b: {  	_ =	swait.ge [sflag:s3], $0x1000;
	s14 =	simm.s32 @!p0 $0x0  }
0x2c: {  	[sflag:s3] =	ssyncset.done $0x0;
	s15 =	sshll.u32 s14, $0xC  }
0x2d: {  	[sflag:s3] =	ssyncadd.s32 $0xFFFFF000;
	s18 =	sor.u32 $0x10, s15  }
0x2e: {  	s14 =	smul.u32 $0x4080, s14;
	v1 =	vld [tilespmem:s18+$0x0]  }
0x2f: {  	s30 =	sand.u32 $0x1, s11;
	v0 =	vld [tilespmem:s18+$0xFFFFFFF0]  }
0x30: {  	s15 =	smul.u32 $0x4080, s30;
	s14 =	sshrl.u32 s14, $0x2  }
0x31: {  	s16 =	sor.u32 $0x2000, s14  }
0x32: {  	s31 =	sshrl.u32 s15, $0x2;
	s15 =	sadd.s32 $0x0, s16  }
0x33: {  	s17 =	simm.s32 $0x4;
	s18 =	sadd.s32 $0x20, s18;
	s14 =	sor.u32 $0x2000, s31;
	[tilespmem:s15+$0x810 ss:$0x81] =	vst.msk $0xffff, v1  }
.LBB1_3:
0x34: {  	v1 =	vld [tilespmem:s18+$0x0];
	p1 =	sne.s32 s17, $0x1FC;
	[tilespmem:s15+$0x0 ss:$0x81] =	vst.msk $0xffff, v0;
	s15 =	smov.u32 s17;
	s17 =	sadd.s32 $0x4, s17  }
.Ltmp3:
0x35: {  	v0 =	vld [tilespmem:s18+$0xFFFFFFF0];
	(pc) =	sbr.rel @p1 .LBB1_3-.Ltmp3, $4  }
0x36: {  	_ = 	snop  }
0x37: {  	s15 =	sshra.s32 s15, $0x2  }
0x38: {  	s15 =	sadd.s32 s15, s16  }
0x39: {  	s18 =	sadd.s32 $0x20, s18;
	[tilespmem:s15+$0x810 ss:$0x81] =	vst.msk $0xffff, v1  }
.Ltmp4:
0x3a: {  	_ = 	snop;
	(pc) =	sbr.rel .LBB1_4-.Ltmp4, $1  }
0x3b: {  	_ =	sdelay $0x3  }
.LBB1_6:
0x3c: {  	_ =	sfence.sel $0x180000  }
0x3d: {  	s2 =	simm.s32 $0x1;
	[bflag:$0x0] =	sbarrier.arrive $0xFFFF  }
0x3e: {  	s31 =	simm.s32 $0x2;
	[sflag:s2] =	ssyncpa.u1 $0x1  }
0x3f: {  	[sflag:s31] =	ssyncpa.u1 $0x1  }
0x40: {  	p0 =	sne.s32 s0, $0x0;
	_ =	strace $0x9000004A  }
0x41: {  	s0 =	sadd.s32 @!p0 $0x100000, s1;
	[bflag:$0x2] =	sbarrier.arrive $0xFFFF  }
0x42: {  	[sflag:s0] =	ssyncadd.tile.s32 @!p0 $0x1;
	_ =	shalt  }
.Lfunc_end1:
_tile_overlayer_lowered:
.L_overlay_start_2:
0x43: {  	(tag) =	ssettag $0x2  }
0x44: {  	s0 =	rddreg [dreg:$0x0];
	s2 =	stileid.u32  }
0x45: {  	s1 =	rddreg [dreg:$0x1];
	p0 =	sne.s32 s2, $0x0  }
0x46: {  	s3 =	rddreg [dreg:$0x2];
	[bflag:$0x3] =	sbarrier.arrive $0xFFFF;
	s2 =	simm.s32 @!p0 $0x1C01  }
0x47: {  	[timem:s3], [sflag:s2] =	dma.local @!p0 [hbm:s0], s1  }
0x48: {  	s0 =	simm.s32 @!p0 $0x1  }
0x49: {  	_ =	swait.ge @!p0 [sflag:s0], s1  }
0x4a: {  	s1 =	ssub.s32 @!p0 $0x0, s1;
	[sflag:s0] =	ssyncset.done @!p0 $0x0  }
0x4b: {  	[sflag:s0] =	ssyncadd.s32 @!p0 s1  }
0x4c: {  	[bflag:$0x3] =	sbarrier.arrive $0xFFFF  }
0x4d: {  	_ =	shalt  }

</sc_bundles>
